<compile_context>
chip_gen: v7x
topology: tpu7x:2x2x1
jax: 0.10.2.dev20260603
libtpu: 0.0.44.dev20260713+nightly
codegen_flags: <defaults>
</compile_context>

<pallas_src>
import functools

import jax
import jax.numpy as jnp
from jax import lax
from jax.experimental import pallas as pl
from jax.experimental.pallas import tpu as pltpu
from jax.experimental.pallas import tpu_sc as plsc

_N = 10000
_E = 320000
_NSUB = 40000
_ESUB = 320000
_NGRAPH = 64
_EMB = 128

_BM = 2000


def _mm_relu_body(n_parts, residual, *refs):
    *x_refs, w_ref, b_ref, o_ref = refs
    acc = x_refs[0][...]
    for r in x_refs[1:n_parts]:
        acc = acc + r[...]
    y = jnp.dot(acc, w_ref[...], preferred_element_type=jnp.float32)
    y = jnp.maximum(y + b_ref[...], 0.0)
    if residual:
        y = x_refs[n_parts][...] + y
    o_ref[...] = y


def _mm_relu(parts, w, b, residual=None):
    m = parts[0].shape[0]
    k = parts[0].shape[1]
    n = w.shape[1]
    inputs = list(parts) + ([residual] if residual is not None else [])
    grid = m // _BM
    body = functools.partial(_mm_relu_body, len(parts), residual is not None)
    return pl.pallas_call(
        body,
        grid=(grid,),
        in_specs=[pl.BlockSpec((_BM, k), lambda i: (i, 0)) for _ in inputs]
        + [
            pl.BlockSpec((k, n), lambda i: (0, 0)),
            pl.BlockSpec((n,), lambda i: (0,)),
        ],
        out_specs=pl.BlockSpec((_BM, n), lambda i: (i, 0)),
        out_shape=jax.ShapeDtypeStruct((m, n), jnp.float32),
    )(*inputs, w, b)


def _mean_residual_body(h_ref, s0_ref, s1_ref, c0_ref, c1_ref, o_ref):
    cnt = jnp.maximum((c0_ref[...] + c1_ref[...])[:, 0:1], 1.0)
    o_ref[...] = h_ref[...] + (s0_ref[...] + s1_ref[...]) / cnt


def _mean_residual(h, s0, s1, c0, c1):
    m, n = h.shape
    grid = m // _BM
    return pl.pallas_call(
        _mean_residual_body,
        grid=(grid,),
        in_specs=[pl.BlockSpec((_BM, n), lambda i: (i, 0)) for _ in range(5)],
        out_specs=pl.BlockSpec((_BM, n), lambda i: (i, 0)),
        out_shape=jax.ShapeDtypeStruct((m, n), jnp.float32),
    )(h, s0, s1, c0, c1)


def _pool_body(h_ref, batch_ref, w_ref, b_ref, o_ref, acc_ref, cnt_ref):
    i = pl.program_id(0)

    @pl.when(i == 0)
    def _():
        acc_ref[...] = jnp.zeros_like(acc_ref)
        cnt_ref[...] = jnp.zeros_like(cnt_ref)

    seg = batch_ref[...].reshape(1, _BM)
    gids = lax.broadcasted_iota(jnp.int32, (_NGRAPH, _BM), 0)
    mask = (gids == seg).astype(jnp.float32)
    acc_ref[...] += jnp.dot(mask, h_ref[...], preferred_element_type=jnp.float32)
    cnt_ref[...] += jnp.sum(mask, axis=1, keepdims=True)

    @pl.when(i == pl.num_programs(0) - 1)
    def _():
        hg = acc_ref[...] / jnp.maximum(cnt_ref[...], 1.0)
        o_ref[...] = jnp.dot(hg, w_ref[...], preferred_element_type=jnp.float32) + b_ref[...]


def _pool_predict(h, batch, w_out, b_out):
    m, n = h.shape
    ntask = w_out.shape[1]
    w_pad = jnp.zeros((n, 128), jnp.float32).at[:, :ntask].set(w_out)
    b_pad = jnp.zeros((128,), jnp.float32).at[:ntask].set(b_out)
    batch3 = batch.reshape(m // _BM, 1, _BM)
    grid = m // _BM
    out = pl.pallas_call(
        _pool_body,
        grid=(grid,),
        in_specs=[
            pl.BlockSpec((_BM, n), lambda i: (i, 0)),
            pl.BlockSpec((1, 1, _BM), lambda i: (i, 0, 0)),
            pl.BlockSpec((n, 128), lambda i: (0, 0)),
            pl.BlockSpec((128,), lambda i: (0,)),
        ],
        out_specs=pl.BlockSpec((_NGRAPH, 128), lambda i: (0, 0)),
        out_shape=jax.ShapeDtypeStruct((_NGRAPH, 128), jnp.float32),
        scratch_shapes=[
            pltpu.VMEM((_NGRAPH, n), jnp.float32),
            pltpu.VMEM((_NGRAPH, 1), jnp.float32),
        ],
    )(h, batch3, w_pad, b_pad)
    return out[:, :ntask]


_SC_NC = 2
_SC_NS = 16
_SC_G = 80
_NB = 25
_GE = 125
_NBE = 20


def _sc_mesh():
    return plsc.VectorSubcoreMesh(core_axis_name="c", subcore_axis_name="s")


def _sc_segsum_edges(h, src, dst, zeros):
    n, emb = h.shape
    e = src.shape[0]
    e_per_w = e // (_SC_NC * _SC_NS)
    n_groups = e_per_w // _GE
    stripe = ((n // _SC_NS + 7) // 8) * 8
    last = n - stripe * (_SC_NS - 1)
    z2 = zeros[: stripe * emb].reshape(stripe, emb)
    nw = _SC_NC * _SC_NS
    src3 = src.reshape(nw, n_groups, _GE)
    dst3 = dst.reshape(nw, n_groups, _GE)

    def body(h_hbm, src_hbm, dst_hbm, z_hbm, out_hbm, acc, idxs, idxd, vals,
             sems, sems_s):
        c = lax.axis_index("c")
        s = lax.axis_index("s")
        wid = c * _SC_NS + s

        @pl.when(s < _SC_NS - 1)
        def _():
            pltpu.sync_copy(z_hbm, acc.at[pl.ds(s * stripe, stripe)])

        @pl.when(s == _SC_NS - 1)
        def _():
            pltpu.sync_copy(z_hbm.at[pl.ds(0, last)],
                            acc.at[pl.ds(s * stripe, last)])

        plsc.subcore_barrier()

        def block(b, carry):
            pltpu.sync_copy(src_hbm.at[wid, pl.ds(b * _NBE, _NBE)], idxs)
            pltpu.sync_copy(dst_hbm.at[wid, pl.ds(b * _NBE, _NBE)], idxd)
            _pipe_gather_scatter(h_hbm, idxs, idxd, _NBE, vals, sems, sems_s,
                                 acc, g=_GE)
            return carry

        lax.fori_loop(0, n_groups // _NBE, block, 0)
        plsc.subcore_barrier()

        @pl.when(s < _SC_NS - 1)
        def _():
            pltpu.sync_copy(acc.at[pl.ds(s * stripe, stripe)],
                            out_hbm.at[c, pl.ds(s * stripe, stripe)])

        @pl.when(s == _SC_NS - 1)
        def _():
            pltpu.sync_copy(acc.at[pl.ds(s * stripe, last)],
                            out_hbm.at[c, pl.ds(s * stripe, last)])

    f = pl.kernel(
        body,
        out_type=jax.ShapeDtypeStruct((_SC_NC, n, emb), jnp.float32),
        mesh=_sc_mesh(),
        compiler_params=pltpu.CompilerParams(use_tc_tiling_on_sc=False),
        scratch_types=[
            pltpu.VMEM_SHARED((n, emb), jnp.float32),
            pltpu.VMEM((_NBE, _GE), jnp.int32),
            pltpu.VMEM((_NBE, _GE), jnp.int32),
            pltpu.VMEM((2 * _GE, emb), jnp.float32),
            pltpu.SemaphoreType.DMA((2,)),
            pltpu.SemaphoreType.DMA((2,)),
        ],
    )
    return f(h, src3, dst3, z2)


def _add_split_body(a_ref, b_ref, o0, o1, o2, o3):
    y = a_ref[...] + b_ref[...]
    for q, o in enumerate((o0, o1, o2, o3)):
        o[...] = y[:, 32 * q:32 * (q + 1)]


def _add_split(a, b):
    m, n = a.shape
    grid = m // _BM
    return pl.pallas_call(
        _add_split_body,
        grid=(grid,),
        in_specs=[pl.BlockSpec((_BM, n), lambda i: (i, 0))] * 2,
        out_specs=[pl.BlockSpec((_BM, 32), lambda i: (i, 0))] * 4,
        out_shape=[jax.ShapeDtypeStruct((m, 32), jnp.float32)] * 4,
    )(a, b)


def _mm_relu_slabs_body(s0, s1, s2, s3, w0, w1, w2, w3, b_ref, o_ref):
    y = b_ref[...]
    for s_ref, w_ref in ((s0, w0), (s1, w1), (s2, w2), (s3, w3)):
        y = y + jnp.dot(s_ref[...], w_ref[...],
                        preferred_element_type=jnp.float32)
    o_ref[...] = jnp.maximum(y, 0.0)


def _mm_relu_slabs(slabs, w, b):
    m = slabs[0].shape[0]
    n = w.shape[1]
    w_slices = [w[32 * q:32 * (q + 1), :] for q in range(4)]
    grid = m // _BM
    return pl.pallas_call(
        _mm_relu_slabs_body,
        grid=(grid,),
        in_specs=[pl.BlockSpec((_BM, 32), lambda i: (i, 0))] * 4
        + [pl.BlockSpec((32, n), lambda i: (0, 0))] * 4
        + [pl.BlockSpec((n,), lambda i: (0,))],
        out_specs=pl.BlockSpec((_BM, n), lambda i: (i, 0)),
        out_shape=jax.ShapeDtypeStruct((m, n), jnp.float32),
    )(*slabs, *w_slices, b)


def _pipe_gather_scatter(table, idxs_v, idxd_v, n_groups, vals2, sems,
                         sems_s, acc, g=None):
    if g is None:
        g = _SC_G

    def gather_start(k, slot):
        pltpu.async_copy(table.at[idxs_v.at[k]],
                         vals2.at[pl.ds(slot * g, g)], sems.at[slot])

    def gather_wait(k, slot):
        pltpu.make_async_copy(table.at[idxs_v.at[k]],
                              vals2.at[pl.ds(slot * g, g)],
                              sems.at[slot]).wait()

    def scatter_start(k, slot):
        pltpu.async_copy(vals2.at[pl.ds(slot * g, g)], acc.at[idxd_v.at[k]],
                         sems_s.at[slot], add=True)

    def scatter_wait(k, slot):
        pltpu.make_async_copy(vals2.at[pl.ds(slot * g, g)],
                              acc.at[idxd_v.at[k]], sems_s.at[slot]).wait()

    gather_start(0, 0)

    def step(k, carry):
        slot = lax.rem(k, 2)
        nslot = 1 - slot

        @pl.when(k >= 1)
        def _():
            scatter_wait(k - 1, nslot)

        @pl.when(k + 1 < n_groups)
        def _():
            gather_start(k + 1, nslot)

        gather_wait(k, slot)
        scatter_start(k, slot)
        return carry

    lax.fori_loop(0, n_groups, step, 0)
    scatter_wait(n_groups - 1, (n_groups - 1) % 2)


def _sc_gather_xs(h, lab, nodeidx, nodelabel):
    n, emb = h.shape
    nsub = nodeidx.shape[0]
    n_groups = nsub // _SC_G
    nw = _SC_NC * _SC_NS
    k_max = (n_groups + nw - 1) // nw
    npad = nw * k_max
    ni2 = jnp.zeros((npad, _SC_G), jnp.int32)
    ni2 = ni2.at[:n_groups].set(nodeidx.reshape(n_groups, _SC_G))
    nl2 = jnp.zeros((npad, _SC_G), jnp.int32)
    nl2 = nl2.at[:n_groups].set(nodelabel.reshape(n_groups, _SC_G))
    g_ = _SC_G

    def body(h_hbm, lab_hbm, ni_hbm, nl_hbm, xh_hbm, xl_hbm,
             idx1, idx2, vals, vals2, semg, semg2, semw, semw2):
        c = lax.axis_index("c")
        s = lax.axis_index("s")
        wid = c * _SC_NS + s
        pltpu.sync_copy(ni_hbm.at[pl.ds(wid * k_max, k_max)], idx1)
        pltpu.sync_copy(nl_hbm.at[pl.ds(wid * k_max, k_max)], idx2)

        def gather_start(k, slot):
            pltpu.async_copy(h_hbm.at[idx1.at[k]],
                             vals.at[pl.ds(slot * g_, g_)], semg.at[slot])
            pltpu.async_copy(lab_hbm.at[idx2.at[k]],
                             vals2.at[pl.ds(slot * g_, g_)], semg2.at[slot])

        def gather_wait(k, slot):
            pltpu.make_async_copy(h_hbm.at[idx1.at[k]],
                                  vals.at[pl.ds(slot * g_, g_)],
                                  semg.at[slot]).wait()
            pltpu.make_async_copy(lab_hbm.at[idx2.at[k]],
                                  vals2.at[pl.ds(slot * g_, g_)],
                                  semg2.at[slot]).wait()

        def write_start(k, slot):
            base = (wid * k_max + k) * g_
            pltpu.async_copy(vals.at[pl.ds(slot * g_, g_)],
                             xh_hbm.at[pl.ds(base, g_)], semw.at[slot])
            pltpu.async_copy(vals2.at[pl.ds(slot * g_, g_)],
                             xl_hbm.at[pl.ds(base, g_)], semw2.at[slot])

        def write_wait(k, slot):
            base = (wid * k_max + k) * g_
            pltpu.make_async_copy(vals.at[pl.ds(slot * g_, g_)],
                                  xh_hbm.at[pl.ds(base, g_)],
                                  semw.at[slot]).wait()
            pltpu.make_async_copy(vals2.at[pl.ds(slot * g_, g_)],
                                  xl_hbm.at[pl.ds(base, g_)],
                                  semw2.at[slot]).wait()

        gather_start(0, 0)

        def step(k, carry):
            slot = lax.rem(k, 2)
            nslot = 1 - slot
            g = wid * k_max + k

            @pl.when((k >= 1) & (g - 1 < n_groups))
            def _():
                write_wait(k - 1, nslot)

            @pl.when((k + 1 < k_max) & (g + 1 < n_groups))
            def _():
                gather_start(k + 1, nslot)

            @pl.when(g < n_groups)
            def _():
                gather_wait(k, slot)
                write_start(k, slot)

            return carry

        lax.fori_loop(0, k_max, step, 0)
        last_g = wid * k_max + k_max - 1

        @pl.when(last_g < n_groups)
        def _():
            write_wait(k_max - 1, (k_max - 1) % 2)

    f = pl.kernel(
        body,
        out_type=(jax.ShapeDtypeStruct((nsub, emb), jnp.float32),
                  jax.ShapeDtypeStruct((nsub, emb), jnp.float32)),
        mesh=_sc_mesh(),
        scratch_types=[
            pltpu.VMEM((k_max, _SC_G), jnp.int32),
            pltpu.VMEM((k_max, _SC_G), jnp.int32),
            pltpu.VMEM((2 * _SC_G, emb), jnp.float32),
            pltpu.VMEM((2 * _SC_G, emb), jnp.float32),
            pltpu.SemaphoreType.DMA((2,)),
            pltpu.SemaphoreType.DMA((2,)),
            pltpu.SemaphoreType.DMA((2,)),
            pltpu.SemaphoreType.DMA((2,)),
        ],
    )
    return f(h, lab, ni2, nl2)


def _sc_segsum_sub(xs_slabs, src, dst, zeros):
    nsub = xs_slabs[0].shape[0]
    e = src.shape[0]
    e_per_s = e // _SC_NS
    n_groups = e_per_s // _GE
    stripe = ((nsub // _SC_NS + 7) // 8) * 8
    last = nsub - stripe * (_SC_NS - 1)
    z2 = zeros[: stripe * 32].reshape(stripe, 32)
    src3 = src.reshape(_SC_NS, n_groups, _GE)
    dst3 = dst.reshape(_SC_NS, n_groups, _GE)

    def body(x0, x1, x2, x3, src_hbm, dst_hbm, z_hbm, a0, a1, a2, a3,
             acc, idxs, idxd, vals, sems, sems_s):
        c = lax.axis_index("c")
        s = lax.axis_index("s")
        xs_t = (x0, x1, x2, x3)
        ag_t = (a0, a1, a2, a3)
        for qi in range(2):
            for cc in range(_SC_NC):
                @pl.when(c == cc)
                def _(qi=qi, cc=cc):
                    xq = xs_t[2 * cc + qi]
                    aq = ag_t[2 * cc + qi]

                    @pl.when(s < _SC_NS - 1)
                    def _():
                        pltpu.sync_copy(z_hbm,
                                        acc.at[pl.ds(s * stripe, stripe)])

                    @pl.when(s == _SC_NS - 1)
                    def _():
                        pltpu.sync_copy(z_hbm.at[pl.ds(0, last)],
                                        acc.at[pl.ds(s * stripe, last)])

                    plsc.subcore_barrier()

                    def block(b, carry, xq=xq):
                        pltpu.sync_copy(src_hbm.at[s, pl.ds(b * _NBE, _NBE)],
                                        idxs)
                        pltpu.sync_copy(dst_hbm.at[s, pl.ds(b * _NBE, _NBE)],
                                        idxd)
                        _pipe_gather_scatter(xq, idxs, idxd, _NBE,
                                             vals, sems, sems_s, acc, g=_GE)
                        return carry

                    lax.fori_loop(0, n_groups // _NBE, block, 0)
                    plsc.subcore_barrier()

                    @pl.when(s < _SC_NS - 1)
                    def _():
                        pltpu.sync_copy(acc.at[pl.ds(s * stripe, stripe)],
                                        aq.at[pl.ds(s * stripe, stripe)])

                    @pl.when(s == _SC_NS - 1)
                    def _():
                        pltpu.sync_copy(acc.at[pl.ds(s * stripe, last)],
                                        aq.at[pl.ds(s * stripe, last)])

                    plsc.subcore_barrier()

    f = pl.kernel(
        body,
        out_type=tuple(jax.ShapeDtypeStruct((nsub, 32), jnp.float32)
                       for _ in range(4)),
        mesh=_sc_mesh(),
        compiler_params=pltpu.CompilerParams(use_tc_tiling_on_sc=False),
        scratch_types=[
            pltpu.VMEM_SHARED((nsub, 32), jnp.float32),
            pltpu.VMEM((_NBE, _GE), jnp.int32),
            pltpu.VMEM((_NBE, _GE), jnp.int32),
            pltpu.VMEM((2 * _GE, 32), jnp.float32),
            pltpu.SemaphoreType.DMA((2,)),
            pltpu.SemaphoreType.DMA((2,)),
        ],
    )
    return f(*xs_slabs, src3, dst3, z2)


def _sc_scatter_mean(h_sub, nodeidx, zeros, n_out):
    nsub, emb = h_sub.shape
    n_groups = nsub // _GE
    nw = _SC_NC * _SC_NS
    k_max = n_groups // nw
    stripe = ((n_out // _SC_NS + 7) // 8) * 8
    last = n_out - stripe * (_SC_NS - 1)
    z_s = zeros[: stripe * emb].reshape(stripe, emb)
    ones = jnp.ones((_GE, emb), jnp.float32)
    ni2 = nodeidx.reshape(n_groups, _GE)

    def body(hs_hbm, ni_hbm, z_hbm, ones_hbm, sum_hbm, cnt_hbm,
             acc, idxd, vals, seml, sems):
        c = lax.axis_index("c")
        s = lax.axis_index("s")
        wid = c * _SC_NS + s
        pltpu.sync_copy(ni_hbm.at[pl.ds(wid * k_max, k_max)], idxd)

        def zero_acc():
            @pl.when(s < _SC_NS - 1)
            def _():
                pltpu.sync_copy(z_hbm, acc.at[pl.ds(s * stripe, stripe)])

            @pl.when(s == _SC_NS - 1)
            def _():
                pltpu.sync_copy(z_hbm.at[pl.ds(0, last)],
                                acc.at[pl.ds(s * stripe, last)])

        def flush_acc(dst_hbm):
            @pl.when(s < _SC_NS - 1)
            def _():
                pltpu.sync_copy(acc.at[pl.ds(s * stripe, stripe)],
                                dst_hbm.at[c, pl.ds(s * stripe, stripe)])

            @pl.when(s == _SC_NS - 1)
            def _():
                pltpu.sync_copy(acc.at[pl.ds(s * stripe, last)],
                                dst_hbm.at[c, pl.ds(s * stripe, last)])

        def load_start(k, slot):
            base = (wid * k_max + k) * _GE
            pltpu.async_copy(hs_hbm.at[pl.ds(base, _GE)],
                             vals.at[pl.ds(slot * _GE, _GE)], seml.at[slot])

        def load_wait(k, slot):
            base = (wid * k_max + k) * _GE
            pltpu.make_async_copy(hs_hbm.at[pl.ds(base, _GE)],
                                  vals.at[pl.ds(slot * _GE, _GE)],
                                  seml.at[slot]).wait()

        def scatter_start(k, slot, vslot):
            pltpu.async_copy(vals.at[pl.ds(vslot * _GE, _GE)],
                             acc.at[idxd.at[k]], sems.at[slot], add=True)

        def scatter_wait(k, slot, vslot):
            pltpu.make_async_copy(vals.at[pl.ds(vslot * _GE, _GE)],
                                  acc.at[idxd.at[k]], sems.at[slot]).wait()

        zero_acc()
        plsc.subcore_barrier()
        load_start(0, 0)

        def step(k, carry):
            slot = lax.rem(k, 2)
            nslot = 1 - slot

            @pl.when(k >= 1)
            def _():
                scatter_wait(k - 1, nslot, nslot)

            @pl.when(k + 1 < k_max)
            def _():
                load_start(k + 1, nslot)

            load_wait(k, slot)
            scatter_start(k, slot, slot)
            return carry

        lax.fori_loop(0, k_max, step, 0)
        scatter_wait(k_max - 1, (k_max - 1) % 2, (k_max - 1) % 2)
        plsc.subcore_barrier()
        flush_acc(sum_hbm)
        plsc.subcore_barrier()

        zero_acc()
        pltpu.sync_copy(ones_hbm, vals.at[pl.ds(0, _GE)])
        plsc.subcore_barrier()

        def cstep(k, carry):
            slot = lax.rem(k, 2)

            @pl.when(k >= 1)
            def _():
                scatter_wait(k - 1, 1 - slot, 0)

            scatter_start(k, slot, 0)
            return carry

        lax.fori_loop(0, k_max, cstep, 0)
        scatter_wait(k_max - 1, (k_max - 1) % 2, 0)
        plsc.subcore_barrier()
        flush_acc(cnt_hbm)

    f = pl.kernel(
        body,
        out_type=(jax.ShapeDtypeStruct((_SC_NC, n_out, emb), jnp.float32),
                  jax.ShapeDtypeStruct((_SC_NC, n_out, emb), jnp.float32)),
        mesh=_sc_mesh(),
        compiler_params=pltpu.CompilerParams(use_tc_tiling_on_sc=False),
        scratch_types=[
            pltpu.VMEM_SHARED((n_out, emb), jnp.float32),
            pltpu.VMEM((k_max, _GE), jnp.int32),
            pltpu.VMEM((2 * _GE, emb), jnp.float32),
            pltpu.SemaphoreType.DMA((2,)),
            pltpu.SemaphoreType.DMA((2,)),
        ],
    )
    return f(h_sub, ni2, z_s, ones)


def kernel(x, edge_index, subg_nodeidx, subg_nodelabel, subg_edge_index, batch,
           W_enc, b_enc, label_emb, W_l, b_l, W_g, b_g, W_out, b_out):
    zeros = jnp.zeros((81920,), jnp.float32)

    h = _mm_relu([x], W_enc, b_enc)

    xh, xl = _sc_gather_xs(h, label_emb, subg_nodeidx, subg_nodelabel)
    xs_slabs = _add_split(xh, xl)

    agg_slabs = _sc_segsum_sub(xs_slabs, subg_edge_index[0],
                               subg_edge_index[1], zeros)

    h_sub = _mm_relu_slabs(agg_slabs, W_l, b_l)

    sums, cnts = _sc_scatter_mean(h_sub, subg_nodeidx, zeros, _N)
    h1 = _mean_residual(h, sums[0], sums[1], cnts[0], cnts[1])

    gp = _sc_segsum_edges(h1, edge_index[0], edge_index[1], zeros)

    h2 = _mm_relu([gp[0], gp[1]], W_g, b_g, residual=h1)

    return _pool_predict(h2, batch, W_out, b_out)

# --- scband reference (transcript-rebuilt; emitter-appended) ---
"""Pipeline reference for scband-nested-gnn-45440753991726 (READ-ONLY COPY).

The authoritative reference and input builder live on the scoring server;
editing this copy changes nothing except your own understanding.
"""

import jax, jax.numpy as jnp
import numpy as np

N = 10000
E = 320000
NSUB = 40000
ESUB = 320000
NGRAPH = 64
EMB = 128
NTASK = 10
NLABEL = 100


def setup_inputs(seed: int = 0) -> dict:
    key = jax.random.key(seed)
    ks = jax.random.split(key, 16)
    inp = {}
    inp["x"] = jax.random.normal(ks[0], (N, EMB), dtype=jnp.float32)
    inp["edge_index"] = jax.random.randint(ks[1], (2, E), 0, N, dtype=jnp.int32)
    inp["subg_nodeidx"] = jax.random.randint(ks[2], (NSUB,), 0, N, dtype=jnp.int32)
    inp["subg_nodelabel"] = jax.random.randint(ks[3], (NSUB,), 0, NLABEL, dtype=jnp.int32)
    inp["subg_edge_index"] = jax.random.randint(ks[4], (2, ESUB), 0, NSUB, dtype=jnp.int32)
    inp["batch"] = jnp.sort(jax.random.randint(ks[5], (N,), 0, NGRAPH, dtype=jnp.int32))
    # learned params
    s = 1.0 / np.sqrt(EMB)
    inp["W_enc"] = jax.random.normal(ks[6], (EMB, EMB), dtype=jnp.float32) * s
    inp["b_enc"] = jnp.zeros((EMB,), jnp.float32)
    inp["label_emb"] = jax.random.normal(ks[7], (NLABEL, EMB), dtype=jnp.float32) * s
    inp["W_l"] = jax.random.normal(ks[8], (EMB, EMB), dtype=jnp.float32) * s
    inp["b_l"] = jnp.zeros((EMB,), jnp.float32)
    inp["W_g"] = jax.random.normal(ks[9], (EMB, EMB), dtype=jnp.float32) * s
    inp["b_g"] = jnp.zeros((EMB,), jnp.float32)
    inp["W_out"] = jax.random.normal(ks[10], (EMB, NTASK), dtype=jnp.float32) * s
    inp["b_out"] = jnp.zeros((NTASK,), jnp.float32)
    return inp


def _segment_mean(data, seg, num_segments):
    sums = jax.ops.segment_sum(data, seg, num_segments=num_segments)
    cnts = jax.ops.segment_sum(jnp.ones((data.shape[0],), jnp.float32), seg, num_segments=num_segments)
    return sums / jnp.maximum(cnts, 1.0)[:, None]


def reference(x, edge_index, subg_nodeidx, subg_nodelabel, subg_edge_index, batch,
              W_enc, b_enc, label_emb, W_l, b_l, W_g, b_g, W_out, b_out):
    # InputEncoder: float x -> MLP (linear + relu, tailact=True)
    h = jax.nn.relu(x @ W_enc + b_enc)
    # label_encoder: SingleEmbedding over subgraph node labels
    lab = jnp.take(label_emb, subg_nodelabel, axis=0)
    # ---- subgforward (lgnn layer 0) ----
    xs = jnp.take(h, subg_nodeidx, axis=0) + lab
    src, dst = subg_edge_index[0], subg_edge_index[1]
    agg = jax.ops.segment_sum(jnp.take(xs, src, axis=0), dst, num_segments=NSUB)
    h_sub = jax.nn.relu(agg @ W_l + b_l)
    # lpool = mean over subg_nodeidx back onto original nodes, residual add
    h = h + _segment_mean(h_sub, subg_nodeidx, N)
    # ---- graphforward (ggnn layer 0) ----
    gsrc, gdst = edge_index[0], edge_index[1]
    gagg = jax.ops.segment_sum(jnp.take(h, gsrc, axis=0), gdst, num_segments=N)
    h_g = jax.nn.relu(gagg @ W_g + b_g)
    h = h + h_g
    # ---- gpool = mean over batch ----
    h_graph = _segment_mean(h, batch, NGRAPH)
    # pred_lin: single-layer MLP, no tail activation
    return h_graph @ W_out + b_out

if __name__ == "__main__":
    import jax
    _d = setup_inputs()
    print(jax.jit(kernel)(*tuple(_d.values())))

</pallas_src>

<mosaic_0001>
#map = affine_map<(d0, d1) -> (0, 0)>
#map1 = affine_map<(d0, d1) -> (0, 0, 0)>
module attributes {stable_mosaic.version = 14 : i64} {
  func.func @body(%arg0: i32, %arg1: i32, %arg2: memref<40000x32xf32, #tpu.memory_space<hbm>>, %arg3: memref<40000x32xf32, #tpu.memory_space<hbm>>, %arg4: memref<40000x32xf32, #tpu.memory_space<hbm>>, %arg5: memref<40000x32xf32, #tpu.memory_space<hbm>>, %arg6: memref<16x160x125xi32, #tpu.memory_space<hbm>>, %arg7: memref<16x160x125xi32, #tpu.memory_space<hbm>>, %arg8: memref<2504x32xf32, #tpu.memory_space<hbm>>, %arg9: memref<40000x32xf32, #tpu.memory_space<hbm>>, %arg10: memref<40000x32xf32, #tpu.memory_space<hbm>>, %arg11: memref<40000x32xf32, #tpu.memory_space<hbm>>, %arg12: memref<40000x32xf32, #tpu.memory_space<hbm>>, %arg13: memref<40000x32xf32, #tpu.memory_space<vmem_shared>>, %arg14: memref<20x125xi32, #tpu.memory_space<vmem>>, %arg15: memref<20x125xi32, #tpu.memory_space<vmem>>, %arg16: memref<250x32xf32, #tpu.memory_space<vmem>>, %arg17: memref<2x!tpu.dma_semaphore, #tpu.memory_space<semaphore_mem>>, %arg18: memref<2x!tpu.dma_semaphore, #tpu.memory_space<semaphore_mem>>) attributes {dimension_semantics = [#tpu.dimension_semantics<core_parallel>, #tpu.dimension_semantics<subcore_parallel>], iteration_bounds = array<i64: 2, 16>, scalar_prefetch = 0 : i64, scratch_operands = 6 : i64, tpu.core_type = #tpu.core_type<sc_vector_subcore>, window_params = [{transform_indices = #map}, {transform_indices = #map}, {transform_indices = #map}, {transform_indices = #map}, {transform_indices = #map1}, {transform_indices = #map1}, {transform_indices = #map}, {transform_indices = #map}, {transform_indices = #map}, {transform_indices = #map}, {transform_indices = #map}]} {
    %eq3A = arith.constant 0 : i32
    %eq3A_0 = arith.cmpi eq, %arg0, %eq3A : i32
    %convert_element_type3A = arith.extui %eq3A_0 : i1 to i32
    %cond3A = arith.constant 0 : i32
    %cond3A_1 = arith.cmpi ne, %convert_element_type3A, %cond3A : i32
    scf.if %cond3A_1 {
      %lt3A = arith.constant 15 : i32
      %lt3A_17 = arith.cmpi slt, %arg1, %lt3A : i32
      %convert_element_type3A_18 = arith.extui %lt3A_17 : i1 to i32
      %cond3A_19 = arith.constant 0 : i32
      %cond3A_20 = arith.cmpi ne, %convert_element_type3A_18, %cond3A_19 : i32
      scf.if %cond3A_20 {
        %mul3A = arith.constant 2504 : i32
        %mul3A_43 = arith.muli %arg1, %mul3A : i32
        "tpu.region"() ({
          %run_scoped3A = tpu.sem_alloc : memref<!tpu.dma_semaphore, #tpu.memory_space<semaphore_mem>>
          %dma_start3A = arith.constant 0 : i32
          %dma_start3A_44 = tpu.memref_slice %arg13[%mul3A_43, %dma_start3A] : memref<40000x32xf32, #tpu.memory_space<vmem_shared>> -> memref<2504x32xf32, #tpu.memory_space<vmem_shared>>
          tpu.enqueue_dma source(%arg8 : memref<2504x32xf32, #tpu.memory_space<hbm>>) target(%dma_start3A_44 : memref<2504x32xf32, #tpu.memory_space<vmem_shared>>) target_semaphore(%run_scoped3A : memref<!tpu.dma_semaphore, #tpu.memory_space<semaphore_mem>>)
          %dma_wait3A = arith.constant 0 : i32
          %dma_wait3A_45 = tpu.memref_slice %arg13[%mul3A_43, %dma_wait3A] : memref<40000x32xf32, #tpu.memory_space<vmem_shared>> -> memref<2504x32xf32, #tpu.memory_space<vmem_shared>>
          tpu.wait_dma2 semaphore(%run_scoped3A : memref<!tpu.dma_semaphore, #tpu.memory_space<semaphore_mem>>) src(%arg8 : memref<2504x32xf32, #tpu.memory_space<hbm>>) dst(%dma_wait3A_45 : memref<2504x32xf32, #tpu.memory_space<vmem_shared>>)
          tpu.yield
        }) : () -> ()
      } else {
      }
      %eq3A_21 = arith.constant 15 : i32
      %eq3A_22 = arith.cmpi eq, %arg1, %eq3A_21 : i32
      %convert_element_type3A_23 = arith.extui %eq3A_22 : i1 to i32
      %cond3A_24 = arith.constant 0 : i32
      %cond3A_25 = arith.cmpi ne, %convert_element_type3A_23, %cond3A_24 : i32
      scf.if %cond3A_25 {
        %mul3A = arith.constant 2504 : i32
        %mul3A_43 = arith.muli %arg1, %mul3A : i32
        "tpu.region"() ({
          %run_scoped3A = tpu.sem_alloc : memref<!tpu.dma_semaphore, #tpu.memory_space<semaphore_mem>>
          %dma_start3A = arith.constant 0 : i32
          %dma_start3A_44 = tpu.memref_slice %arg13[%mul3A_43, %dma_start3A] : memref<40000x32xf32, #tpu.memory_space<vmem_shared>> -> memref<2440x32xf32, #tpu.memory_space<vmem_shared>>
          %dma_start3A_45 = arith.constant 0 : i32
          %dma_start3A_46 = arith.constant 0 : i32
          %dma_start3A_47 = tpu.memref_slice %arg8[%dma_start3A_45, %dma_start3A_46] : memref<2504x32xf32, #tpu.memory_space<hbm>> -> memref<2440x32xf32, #tpu.memory_space<hbm>>
          tpu.enqueue_dma source(%dma_start3A_47 : memref<2440x32xf32, #tpu.memory_space<hbm>>) target(%dma_start3A_44 : memref<2440x32xf32, #tpu.memory_space<vmem_shared>>) target_semaphore(%run_scoped3A : memref<!tpu.dma_semaphore, #tpu.memory_space<semaphore_mem>>)
          %dma_wait3A = arith.constant 0 : i32
          %dma_wait3A_48 = tpu.memref_slice %arg13[%mul3A_43, %dma_wait3A] : memref<40000x32xf32, #tpu.memory_space<vmem_shared>> -> memref<2440x32xf32, #tpu.memory_space<vmem_shared>>
          %dma_wait3A_49 = arith.constant 0 : i32
          %dma_wait3A_50 = arith.constant 0 : i32
          %dma_wait3A_51 = tpu.memref_slice %arg8[%dma_wait3A_49, %dma_wait3A_50] : memref<2504x32xf32, #tpu.memory_space<hbm>> -> memref<2440x32xf32, #tpu.memory_space<hbm>>
          tpu.wait_dma2 semaphore(%run_scoped3A : memref<!tpu.dma_semaphore, #tpu.memory_space<semaphore_mem>>) src(%dma_wait3A_51 : memref<2440x32xf32, #tpu.memory_space<hbm>>) dst(%dma_wait3A_48 : memref<2440x32xf32, #tpu.memory_space<vmem_shared>>)
          tpu.yield
        }) : () -> ()
      } else {
      }
      %barrier3A = arith.constant 0 : index
      tpu.barrier barrier_id(%barrier3A)
      %scan3A = arith.constant 0 : i32
      %scan3A_26 = arith.constant 0 : i32
      %scan3A_27 = arith.constant 8 : i32
      %scan3A_28 = arith.addi %scan3A_26, %scan3A_27 : i32
      %scan3A_29 = arith.constant 1 : i32
      scf.for %scan3A_43 = %scan3A_26 to %scan3A_28 step %scan3A_29  : i32 {
        %mul3A = arith.constant 20 : i32
        %mul3A_44 = arith.muli %scan3A_43, %mul3A : i32
        "tpu.region"() ({
          %run_scoped3A = tpu.sem_alloc : memref<!tpu.dma_semaphore, #tpu.memory_space<semaphore_mem>>
          %dma_start3A_77 = arith.constant 0 : i32
          %dma_start3A_78 = tpu.memref_slice %arg6[%arg1, %mul3A_44, %dma_start3A_77] : memref<16x160x125xi32, #tpu.memory_space<hbm>> -> memref<1x20x125xi32, #tpu.memory_space<hbm>>
          %dma_start3A_79 = tpu.memref_squeeze %dma_start3A_78 : memref<1x20x125xi32, #tpu.memory_space<hbm>> -> memref<20x125xi32, #tpu.memory_space<hbm>>
          %dma_start3A_80 = arith.constant 0 : i32
          %dma_start3A_81 = tpu.memref_slice %arg6[%arg1, %mul3A_44, %dma_start3A_80] : memref<16x160x125xi32, #tpu.memory_space<hbm>> -> memref<1x20x125xi32, #tpu.memory_space<hbm>>
          %dma_start3A_82 = tpu.memref_squeeze %dma_start3A_81 : memref<1x20x125xi32, #tpu.memory_space<hbm>> -> memref<20x125xi32, #tpu.memory_space<hbm>>
          tpu.enqueue_dma source(%dma_start3A_82 : memref<20x125xi32, #tpu.memory_space<hbm>>) target(%arg14 : memref<20x125xi32, #tpu.memory_space<vmem>>) target_semaphore(%run_scoped3A : memref<!tpu.dma_semaphore, #tpu.memory_space<semaphore_mem>>)
          %dma_wait3A_83 = arith.constant 0 : i32
          %dma_wait3A_84 = tpu.memref_slice %arg6[%arg1, %mul3A_44, %dma_wait3A_83] : memref<16x160x125xi32, #tpu.memory_space<hbm>> -> memref<1x20x125xi32, #tpu.memory_space<hbm>>
          %dma_wait3A_85 = tpu.memref_squeeze %dma_wait3A_84 : memref<1x20x125xi32, #tpu.memory_space<hbm>> -> memref<20x125xi32, #tpu.memory_space<hbm>>
          %dma_wait3A_86 = arith.constant 0 : i32
          %dma_wait3A_87 = tpu.memref_slice %arg6[%arg1, %mul3A_44, %dma_wait3A_86] : memref<16x160x125xi32, #tpu.memory_space<hbm>> -> memref<1x20x125xi32, #tpu.memory_space<hbm>>
          %dma_wait3A_88 = tpu.memref_squeeze %dma_wait3A_87 : memref<1x20x125xi32, #tpu.memory_space<hbm>> -> memref<20x125xi32, #tpu.memory_space<hbm>>
          tpu.wait_dma2 semaphore(%run_scoped3A : memref<!tpu.dma_semaphore, #tpu.memory_space<semaphore_mem>>) src(%dma_wait3A_88 : memref<20x125xi32, #tpu.memory_space<hbm>>) dst(%arg14 : memref<20x125xi32, #tpu.memory_space<vmem>>)
          tpu.yield
        }) : () -> ()
        %mul3A_45 = arith.constant 20 : i32
        %mul3A_46 = arith.muli %scan3A_43, %mul3A_45 : i32
        "tpu.region"() ({
          %run_scoped3A = tpu.sem_alloc : memref<!tpu.dma_semaphore, #tpu.memory_space<semaphore_mem>>
          %dma_start3A_77 = arith.constant 0 : i32
          %dma_start3A_78 = tpu.memref_slice %arg7[%arg1, %mul3A_46, %dma_start3A_77] : memref<16x160x125xi32, #tpu.memory_space<hbm>> -> memref<1x20x125xi32, #tpu.memory_space<hbm>>
          %dma_start3A_79 = tpu.memref_squeeze %dma_start3A_78 : memref<1x20x125xi32, #tpu.memory_space<hbm>> -> memref<20x125xi32, #tpu.memory_space<hbm>>
          %dma_start3A_80 = arith.constant 0 : i32
          %dma_start3A_81 = tpu.memref_slice %arg7[%arg1, %mul3A_46, %dma_start3A_80] : memref<16x160x125xi32, #tpu.memory_space<hbm>> -> memref<1x20x125xi32, #tpu.memory_space<hbm>>
          %dma_start3A_82 = tpu.memref_squeeze %dma_start3A_81 : memref<1x20x125xi32, #tpu.memory_space<hbm>> -> memref<20x125xi32, #tpu.memory_space<hbm>>
          tpu.enqueue_dma source(%dma_start3A_82 : memref<20x125xi32, #tpu.memory_space<hbm>>) target(%arg15 : memref<20x125xi32, #tpu.memory_space<vmem>>) target_semaphore(%run_scoped3A : memref<!tpu.dma_semaphore, #tpu.memory_space<semaphore_mem>>)
          %dma_wait3A_83 = arith.constant 0 : i32
          %dma_wait3A_84 = tpu.memref_slice %arg7[%arg1, %mul3A_46, %dma_wait3A_83] : memref<16x160x125xi32, #tpu.memory_space<hbm>> -> memref<1x20x125xi32, #tpu.memory_space<hbm>>
          %dma_wait3A_85 = tpu.memref_squeeze %dma_wait3A_84 : memref<1x20x125xi32, #tpu.memory_space<hbm>> -> memref<20x125xi32, #tpu.memory_space<hbm>>
          %dma_wait3A_86 = arith.constant 0 : i32
          %dma_wait3A_87 = tpu.memref_slice %arg7[%arg1, %mul3A_46, %dma_wait3A_86] : memref<16x160x125xi32, #tpu.memory_space<hbm>> -> memref<1x20x125xi32, #tpu.memory_space<hbm>>
          %dma_wait3A_88 = tpu.memref_squeeze %dma_wait3A_87 : memref<1x20x125xi32, #tpu.memory_space<hbm>> -> memref<20x125xi32, #tpu.memory_space<hbm>>
          tpu.wait_dma2 semaphore(%run_scoped3A : memref<!tpu.dma_semaphore, #tpu.memory_space<semaphore_mem>>) src(%dma_wait3A_88 : memref<20x125xi32, #tpu.memory_space<hbm>>) dst(%arg15 : memref<20x125xi32, #tpu.memory_space<vmem>>)
          tpu.yield
        }) : () -> ()
        %dma_start3A = arith.constant 0 : i32
        %dma_start3A_47 = arith.constant 0 : i32
        %dma_start3A_48 = arith.constant 0 : i32
        %dma_start3A_49 = arith.constant 0 : i32
        %dma_start3A_50 = tpu.memref_slice %arg16[%dma_start3A_48, %dma_start3A_49] : memref<250x32xf32, #tpu.memory_space<vmem>> -> memref<125x32xf32, #tpu.memory_space<vmem>>
        %dma_start3A_51 = arith.constant 0 : i32
        %dma_start3A_52 = tpu.memref_slice %arg14[%dma_start3A, %dma_start3A_51] : memref<20x125xi32, #tpu.memory_space<vmem>> -> memref<1x125xi32, #tpu.memory_space<vmem>>
        %dma_start3A_53 = tpu.memref_squeeze %dma_start3A_52 : memref<1x125xi32, #tpu.memory_space<vmem>> -> memref<125xi32, #tpu.memory_space<vmem>>
        %dma_start3A_54 = arith.constant 0 : i32
        %dma_start3A_55 = arith.constant 0 : i32
        %dma_start3A_56 = tpu.memref_slice %arg2[%dma_start3A_54, %dma_start3A_55] : memref<40000x32xf32, #tpu.memory_space<hbm>> -> memref<40000x32xf32, #tpu.memory_space<hbm>>
        %dma_start3A_57 = tpu.memref_slice %arg17[%dma_start3A_47] : memref<2x!tpu.dma_semaphore, #tpu.memory_space<semaphore_mem>> -> memref<1x!tpu.dma_semaphore, #tpu.memory_space<semaphore_mem>>
        %dma_start3A_58 = tpu.memref_squeeze %dma_start3A_57 : memref<1x!tpu.dma_semaphore, #tpu.memory_space<semaphore_mem>> -> memref<!tpu.dma_semaphore, #tpu.memory_space<semaphore_mem>>
        tpu.enqueue_indirect_dma source(%dma_start3A_56 : memref<40000x32xf32, #tpu.memory_space<hbm>>) target(%dma_start3A_50 : memref<125x32xf32, #tpu.memory_space<vmem>>) offsets(%dma_start3A_53 : memref<125xi32, #tpu.memory_space<vmem>>) semaphore(%dma_start3A_58 : memref<!tpu.dma_semaphore, #tpu.memory_space<semaphore_mem>>)
        %scan3A_59 = arith.constant 0 : i32
        %scan3A_60 = arith.constant 0 : i32
        %scan3A_61 = arith.constant 20 : i32
        %scan3A_62 = arith.addi %scan3A_60, %scan3A_61 : i32
        %scan3A_63 = arith.constant 1 : i32
        scf.for %scan3A_77 = %scan3A_60 to %scan3A_62 step %scan3A_63  : i32 {
          %rem3A = arith.constant 2 : i32
          %rem3A_78 = arith.remsi %scan3A_77, %rem3A : i32
          %sub3A = arith.constant 1 : i32
          %sub3A_79 = arith.subi %sub3A, %rem3A_78 : i32
          %ge3A = arith.constant 1 : i32
          %ge3A_80 = arith.cmpi sge, %scan3A_77, %ge3A : i32
          %convert_element_type3A_81 = arith.extui %ge3A_80 : i1 to i32
          %cond3A_82 = arith.constant 0 : i32
          %cond3A_83 = arith.cmpi ne, %convert_element_type3A_81, %cond3A_82 : i32
          scf.if %cond3A_83 {
            %sub3A_114 = arith.constant 1 : i32
            %sub3A_115 = arith.subi %scan3A_77, %sub3A_114 : i32
            %mul3A_116 = arith.constant 125 : i32
            %mul3A_117 = arith.muli %sub3A_79, %mul3A_116 : i32
            %dma_wait3A_118 = arith.constant 0 : i32
            %dma_wait3A_119 = tpu.memref_slice %arg16[%mul3A_117, %dma_wait3A_118] : memref<250x32xf32, #tpu.memory_space<vmem>> -> memref<125x32xf32, #tpu.memory_space<vmem>>
            %dma_wait3A_120 = arith.constant 0 : i32
            %dma_wait3A_121 = tpu.memref_slice %arg15[%sub3A_115, %dma_wait3A_120] : memref<20x125xi32, #tpu.memory_space<vmem>> -> memref<1x125xi32, #tpu.memory_space<vmem>>
            %dma_wait3A_122 = tpu.memref_squeeze %dma_wait3A_121 : memref<1x125xi32, #tpu.memory_space<vmem>> -> memref<125xi32, #tpu.memory_space<vmem>>
            %dma_wait3A_123 = arith.constant 0 : i32
            %dma_wait3A_124 = arith.constant 0 : i32
            %dma_wait3A_125 = tpu.memref_slice %arg13[%dma_wait3A_123, %dma_wait3A_124] : memref<40000x32xf32, #tpu.memory_space<vmem_shared>> -> memref<40000x32xf32, #tpu.memory_space<vmem_shared>>
            %dma_wait3A_126 = tpu.memref_slice %arg18[%sub3A_79] : memref<2x!tpu.dma_semaphore, #tpu.memory_space<semaphore_mem>> -> memref<1x!tpu.dma_semaphore, #tpu.memory_space<semaphore_mem>>
            %dma_wait3A_127 = tpu.memref_squeeze %dma_wait3A_126 : memref<1x!tpu.dma_semaphore, #tpu.memory_space<semaphore_mem>> -> memref<!tpu.dma_semaphore, #tpu.memory_space<semaphore_mem>>
            tpu.wait_indirect_dma semaphore(%dma_wait3A_127 : memref<!tpu.dma_semaphore, #tpu.memory_space<semaphore_mem>>) src(%dma_wait3A_119 : memref<125x32xf32, #tpu.memory_space<vmem>>) dst(%dma_wait3A_125 : memref<40000x32xf32, #tpu.memory_space<vmem_shared>>)
          } else {
          }
          %add3A = arith.constant 1 : i32
          %add3A_84 = arith.addi %scan3A_77, %add3A : i32
          %lt3A_85 = arith.constant 20 : i32
          %lt3A_86 = arith.cmpi slt, %add3A_84, %lt3A_85 : i32
          %convert_element_type3A_87 = arith.extui %lt3A_86 : i1 to i32
          %cond3A_88 = arith.constant 0 : i32
          %cond3A_89 = arith.cmpi ne, %convert_element_type3A_87, %cond3A_88 : i32
          scf.if %cond3A_89 {
            %add3A_114 = arith.constant 1 : i32
            %add3A_115 = arith.addi %scan3A_77, %add3A_114 : i32
            %mul3A_116 = arith.constant 125 : i32
            %mul3A_117 = arith.muli %sub3A_79, %mul3A_116 : i32
            %dma_start3A_118 = arith.constant 0 : i32
            %dma_start3A_119 = tpu.memref_slice %arg16[%mul3A_117, %dma_start3A_118] : memref<250x32xf32, #tpu.memory_space<vmem>> -> memref<125x32xf32, #tpu.memory_space<vmem>>
            %dma_start3A_120 = arith.constant 0 : i32
            %dma_start3A_121 = tpu.memref_slice %arg14[%add3A_115, %dma_start3A_120] : memref<20x125xi32, #tpu.memory_space<vmem>> -> memref<1x125xi32, #tpu.memory_space<vmem>>
            %dma_start3A_122 = tpu.memref_squeeze %dma_start3A_121 : memref<1x125xi32, #tpu.memory_space<vmem>> -> memref<125xi32, #tpu.memory_space<vmem>>
            %dma_start3A_123 = arith.constant 0 : i32
            %dma_start3A_124 = arith.constant 0 : i32
            %dma_start3A_125 = tpu.memref_slice %arg2[%dma_start3A_123, %dma_start3A_124] : memref<40000x32xf32, #tpu.memory_space<hbm>> -> memref<40000x32xf32, #tpu.memory_space<hbm>>
            %dma_start3A_126 = tpu.memref_slice %arg17[%sub3A_79] : memref<2x!tpu.dma_semaphore, #tpu.memory_space<semaphore_mem>> -> memref<1x!tpu.dma_semaphore, #tpu.memory_space<semaphore_mem>>
            %dma_start3A_127 = tpu.memref_squeeze %dma_start3A_126 : memref<1x!tpu.dma_semaphore, #tpu.memory_space<semaphore_mem>> -> memref<!tpu.dma_semaphore, #tpu.memory_space<semaphore_mem>>
            tpu.enqueue_indirect_dma source(%dma_start3A_125 : memref<40000x32xf32, #tpu.memory_space<hbm>>) target(%dma_start3A_119 : memref<125x32xf32, #tpu.memory_space<vmem>>) offsets(%dma_start3A_122 : memref<125xi32, #tpu.memory_space<vmem>>) semaphore(%dma_start3A_127 : memref<!tpu.dma_semaphore, #tpu.memory_space<semaphore_mem>>)
          } else {
          }
          %mul3A_90 = arith.constant 125 : i32
          %mul3A_91 = arith.muli %rem3A_78, %mul3A_90 : i32
          %dma_wait3A_92 = arith.constant 0 : i32
          %dma_wait3A_93 = tpu.memref_slice %arg16[%mul3A_91, %dma_wait3A_92] : memref<250x32xf32, #tpu.memory_space<vmem>> -> memref<125x32xf32, #tpu.memory_space<vmem>>
          %dma_wait3A_94 = arith.constant 0 : i32
          %dma_wait3A_95 = tpu.memref_slice %arg14[%scan3A_77, %dma_wait3A_94] : memref<20x125xi32, #tpu.memory_space<vmem>> -> memref<1x125xi32, #tpu.memory_space<vmem>>
          %dma_wait3A_96 = tpu.memref_squeeze %dma_wait3A_95 : memref<1x125xi32, #tpu.memory_space<vmem>> -> memref<125xi32, #tpu.memory_space<vmem>>
          %dma_wait3A_97 = arith.constant 0 : i32
          %dma_wait3A_98 = arith.constant 0 : i32
          %dma_wait3A_99 = tpu.memref_slice %arg2[%dma_wait3A_97, %dma_wait3A_98] : memref<40000x32xf32, #tpu.memory_space<hbm>> -> memref<40000x32xf32, #tpu.memory_space<hbm>>
          %dma_wait3A_100 = tpu.memref_slice %arg17[%rem3A_78] : memref<2x!tpu.dma_semaphore, #tpu.memory_space<semaphore_mem>> -> memref<1x!tpu.dma_semaphore, #tpu.memory_space<semaphore_mem>>
          %dma_wait3A_101 = tpu.memref_squeeze %dma_wait3A_100 : memref<1x!tpu.dma_semaphore, #tpu.memory_space<semaphore_mem>> -> memref<!tpu.dma_semaphore, #tpu.memory_space<semaphore_mem>>
          tpu.wait_indirect_dma semaphore(%dma_wait3A_101 : memref<!tpu.dma_semaphore, #tpu.memory_space<semaphore_mem>>) src(%dma_wait3A_99 : memref<40000x32xf32, #tpu.memory_space<hbm>>) dst(%dma_wait3A_93 : memref<125x32xf32, #tpu.memory_space<vmem>>)
          %mul3A_102 = arith.constant 125 : i32
          %mul3A_103 = arith.muli %rem3A_78, %mul3A_102 : i32
          %dma_start3A_104 = arith.constant 0 : i32
          %dma_start3A_105 = tpu.memref_slice %arg16[%mul3A_103, %dma_start3A_104] : memref<250x32xf32, #tpu.memory_space<vmem>> -> memref<125x32xf32, #tpu.memory_space<vmem>>
          %dma_start3A_106 = arith.constant 0 : i32
          %dma_start3A_107 = tpu.memref_slice %arg15[%scan3A_77, %dma_start3A_106] : memref<20x125xi32, #tpu.memory_space<vmem>> -> memref<1x125xi32, #tpu.memory_space<vmem>>
          %dma_start3A_108 = tpu.memref_squeeze %dma_start3A_107 : memref<1x125xi32, #tpu.memory_space<vmem>> -> memref<125xi32, #tpu.memory_space<vmem>>
          %dma_start3A_109 = arith.constant 0 : i32
          %dma_start3A_110 = arith.constant 0 : i32
          %dma_start3A_111 = tpu.memref_slice %arg13[%dma_start3A_109, %dma_start3A_110] : memref<40000x32xf32, #tpu.memory_space<vmem_shared>> -> memref<40000x32xf32, #tpu.memory_space<vmem_shared>>
          %dma_start3A_112 = tpu.memref_slice %arg18[%rem3A_78] : memref<2x!tpu.dma_semaphore, #tpu.memory_space<semaphore_mem>> -> memref<1x!tpu.dma_semaphore, #tpu.memory_space<semaphore_mem>>
          %dma_start3A_113 = tpu.memref_squeeze %dma_start3A_112 : memref<1x!tpu.dma_semaphore, #tpu.memory_space<semaphore_mem>> -> memref<!tpu.dma_semaphore, #tpu.memory_space<semaphore_mem>>
          tpu.enqueue_indirect_dma source(%dma_start3A_105 : memref<125x32xf32, #tpu.memory_space<vmem>>) target(%dma_start3A_111 : memref<40000x32xf32, #tpu.memory_space<vmem_shared>>) offsets(%dma_start3A_108 : memref<125xi32, #tpu.memory_space<vmem>>) semaphore(%dma_start3A_113 : memref<!tpu.dma_semaphore, #tpu.memory_space<semaphore_mem>>) {add = true}
        }
        %scan3A_64 = arith.constant 20 : i32
        %dma_wait3A = arith.constant 19 : i32
        %dma_wait3A_65 = arith.constant 1 : i32
        %dma_wait3A_66 = arith.constant 125 : i32
        %dma_wait3A_67 = arith.constant 0 : i32
        %dma_wait3A_68 = tpu.memref_slice %arg16[%dma_wait3A_66, %dma_wait3A_67] : memref<250x32xf32, #tpu.memory_space<vmem>> -> memref<125x32xf32, #tpu.memory_space<vmem>>
        %dma_wait3A_69 = arith.constant 0 : i32
        %dma_wait3A_70 = tpu.memref_slice %arg15[%dma_wait3A, %dma_wait3A_69] : memref<20x125xi32, #tpu.memory_space<vmem>> -> memref<1x125xi32, #tpu.memory_space<vmem>>
        %dma_wait3A_71 = tpu.memref_squeeze %dma_wait3A_70 : memref<1x125xi32, #tpu.memory_space<vmem>> -> memref<125xi32, #tpu.memory_space<vmem>>
        %dma_wait3A_72 = arith.constant 0 : i32
        %dma_wait3A_73 = arith.constant 0 : i32
        %dma_wait3A_74 = tpu.memref_slice %arg13[%dma_wait3A_72, %dma_wait3A_73] : memref<40000x32xf32, #tpu.memory_space<vmem_shared>> -> memref<40000x32xf32, #tpu.memory_space<vmem_shared>>
        %dma_wait3A_75 = tpu.memref_slice %arg18[%dma_wait3A_65] : memref<2x!tpu.dma_semaphore, #tpu.memory_space<semaphore_mem>> -> memref<1x!tpu.dma_semaphore, #tpu.memory_space<semaphore_mem>>
        %dma_wait3A_76 = tpu.memref_squeeze %dma_wait3A_75 : memref<1x!tpu.dma_semaphore, #tpu.memory_space<semaphore_mem>> -> memref<!tpu.dma_semaphore, #tpu.memory_space<semaphore_mem>>
        tpu.wait_indirect_dma semaphore(%dma_wait3A_76 : memref<!tpu.dma_semaphore, #tpu.memory_space<semaphore_mem>>) src(%dma_wait3A_68 : memref<125x32xf32, #tpu.memory_space<vmem>>) dst(%dma_wait3A_74 : memref<40000x32xf32, #tpu.memory_space<vmem_shared>>)
      }
      %scan3A_30 = arith.constant 8 : i32
      %barrier3A_31 = arith.constant 0 : index
      tpu.barrier barrier_id(%barrier3A_31)
      %lt3A_32 = arith.constant 15 : i32
      %lt3A_33 = arith.cmpi slt, %arg1, %lt3A_32 : i32
      %convert_element_type3A_34 = arith.extui %lt3A_33 : i1 to i32
      %cond3A_35 = arith.constant 0 : i32
      %cond3A_36 = arith.cmpi ne, %convert_element_type3A_34, %cond3A_35 : i32
      scf.if %cond3A_36 {
        %mul3A = arith.constant 2504 : i32
        %mul3A_43 = arith.muli %arg1, %mul3A : i32
        %mul3A_44 = arith.constant 2504 : i32
        %mul3A_45 = arith.muli %arg1, %mul3A_44 : i32
        "tpu.region"() ({
          %run_scoped3A = tpu.sem_alloc : memref<!tpu.dma_semaphore, #tpu.memory_space<semaphore_mem>>
          %dma_start3A = arith.constant 0 : i32
          %dma_start3A_46 = tpu.memref_slice %arg9[%mul3A_45, %dma_start3A] : memref<40000x32xf32, #tpu.memory_space<hbm>> -> memref<2504x32xf32, #tpu.memory_space<hbm>>
          %dma_start3A_47 = arith.constant 0 : i32
          %dma_start3A_48 = tpu.memref_slice %arg13[%mul3A_43, %dma_start3A_47] : memref<40000x32xf32, #tpu.memory_space<vmem_shared>> -> memref<2504x32xf32, #tpu.memory_space<vmem_shared>>
          tpu.enqueue_dma source(%dma_start3A_48 : memref<2504x32xf32, #tpu.memory_space<vmem_shared>>) target(%dma_start3A_46 : memref<2504x32xf32, #tpu.memory_space<hbm>>) target_semaphore(%run_scoped3A : memref<!tpu.dma_semaphore, #tpu.memory_space<semaphore_mem>>)
          %dma_wait3A = arith.constant 0 : i32
          %dma_wait3A_49 = tpu.memref_slice %arg9[%mul3A_45, %dma_wait3A] : memref<40000x32xf32, #tpu.memory_space<hbm>> -> memref<2504x32xf32, #tpu.memory_space<hbm>>
          %dma_wait3A_50 = arith.constant 0 : i32
          %dma_wait3A_51 = tpu.memref_slice %arg13[%mul3A_43, %dma_wait3A_50] : memref<40000x32xf32, #tpu.memory_space<vmem_shared>> -> memref<2504x32xf32, #tpu.memory_space<vmem_shared>>
          tpu.wait_dma2 semaphore(%run_scoped3A : memref<!tpu.dma_semaphore, #tpu.memory_space<semaphore_mem>>) src(%dma_wait3A_51 : memref<2504x32xf32, #tpu.memory_space<vmem_shared>>) dst(%dma_wait3A_49 : memref<2504x32xf32, #tpu.memory_space<hbm>>)
          tpu.yield
        }) : () -> ()
      } else {
      }
      %eq3A_37 = arith.constant 15 : i32
      %eq3A_38 = arith.cmpi eq, %arg1, %eq3A_37 : i32
      %convert_element_type3A_39 = arith.extui %eq3A_38 : i1 to i32
      %cond3A_40 = arith.constant 0 : i32
      %cond3A_41 = arith.cmpi ne, %convert_element_type3A_39, %cond3A_40 : i32
      scf.if %cond3A_41 {
        %mul3A = arith.constant 2504 : i32
        %mul3A_43 = arith.muli %arg1, %mul3A : i32
        %mul3A_44 = arith.constant 2504 : i32
        %mul3A_45 = arith.muli %arg1, %mul3A_44 : i32
        "tpu.region"() ({
          %run_scoped3A = tpu.sem_alloc : memref<!tpu.dma_semaphore, #tpu.memory_space<semaphore_mem>>
          %dma_start3A = arith.constant 0 : i32
          %dma_start3A_46 = tpu.memref_slice %arg9[%mul3A_45, %dma_start3A] : memref<40000x32xf32, #tpu.memory_space<hbm>> -> memref<2440x32xf32, #tpu.memory_space<hbm>>
          %dma_start3A_47 = arith.constant 0 : i32
          %dma_start3A_48 = tpu.memref_slice %arg13[%mul3A_43, %dma_start3A_47] : memref<40000x32xf32, #tpu.memory_space<vmem_shared>> -> memref<2440x32xf32, #tpu.memory_space<vmem_shared>>
          tpu.enqueue_dma source(%dma_start3A_48 : memref<2440x32xf32, #tpu.memory_space<vmem_shared>>) target(%dma_start3A_46 : memref<2440x32xf32, #tpu.memory_space<hbm>>) target_semaphore(%run_scoped3A : memref<!tpu.dma_semaphore, #tpu.memory_space<semaphore_mem>>)
          %dma_wait3A = arith.constant 0 : i32
          %dma_wait3A_49 = tpu.memref_slice %arg9[%mul3A_45, %dma_wait3A] : memref<40000x32xf32, #tpu.memory_space<hbm>> -> memref<2440x32xf32, #tpu.memory_space<hbm>>
          %dma_wait3A_50 = arith.constant 0 : i32
          %dma_wait3A_51 = tpu.memref_slice %arg13[%mul3A_43, %dma_wait3A_50] : memref<40000x32xf32, #tpu.memory_space<vmem_shared>> -> memref<2440x32xf32, #tpu.memory_space<vmem_shared>>
          tpu.wait_dma2 semaphore(%run_scoped3A : memref<!tpu.dma_semaphore, #tpu.memory_space<semaphore_mem>>) src(%dma_wait3A_51 : memref<2440x32xf32, #tpu.memory_space<vmem_shared>>) dst(%dma_wait3A_49 : memref<2440x32xf32, #tpu.memory_space<hbm>>)
          tpu.yield
        }) : () -> ()
      } else {
      }
      %barrier3A_42 = arith.constant 0 : index
      tpu.barrier barrier_id(%barrier3A_42)
    } else {
    }
    %eq3A_2 = arith.constant 1 : i32
    %eq3A_3 = arith.cmpi eq, %arg0, %eq3A_2 : i32
    %convert_element_type3A_4 = arith.extui %eq3A_3 : i1 to i32
    %cond3A_5 = arith.constant 0 : i32
    %cond3A_6 = arith.cmpi ne, %convert_element_type3A_4, %cond3A_5 : i32
    scf.if %cond3A_6 {
      %lt3A = arith.constant 15 : i32
      %lt3A_17 = arith.cmpi slt, %arg1, %lt3A : i32
      %convert_element_type3A_18 = arith.extui %lt3A_17 : i1 to i32
      %cond3A_19 = arith.constant 0 : i32
      %cond3A_20 = arith.cmpi ne, %convert_element_type3A_18, %cond3A_19 : i32
      scf.if %cond3A_20 {
        %mul3A = arith.constant 2504 : i32
        %mul3A_43 = arith.muli %arg1, %mul3A : i32
        "tpu.region"() ({
          %run_scoped3A = tpu.sem_alloc : memref<!tpu.dma_semaphore, #tpu.memory_space<semaphore_mem>>
          %dma_start3A = arith.constant 0 : i32
          %dma_start3A_44 = tpu.memref_slice %arg13[%mul3A_43, %dma_start3A] : memref<40000x32xf32, #tpu.memory_space<vmem_shared>> -> memref<2504x32xf32, #tpu.memory_space<vmem_shared>>
          tpu.enqueue_dma source(%arg8 : memref<2504x32xf32, #tpu.memory_space<hbm>>) target(%dma_start3A_44 : memref<2504x32xf32, #tpu.memory_space<vmem_shared>>) target_semaphore(%run_scoped3A : memref<!tpu.dma_semaphore, #tpu.memory_space<semaphore_mem>>)
          %dma_wait3A = arith.constant 0 : i32
          %dma_wait3A_45 = tpu.memref_slice %arg13[%mul3A_43, %dma_wait3A] : memref<40000x32xf32, #tpu.memory_space<vmem_shared>> -> memref<2504x32xf32, #tpu.memory_space<vmem_shared>>
          tpu.wait_dma2 semaphore(%run_scoped3A : memref<!tpu.dma_semaphore, #tpu.memory_space<semaphore_mem>>) src(%arg8 : memref<2504x32xf32, #tpu.memory_space<hbm>>) dst(%dma_wait3A_45 : memref<2504x32xf32, #tpu.memory_space<vmem_shared>>)
          tpu.yield
        }) : () -> ()
      } else {
      }
      %eq3A_21 = arith.constant 15 : i32
      %eq3A_22 = arith.cmpi eq, %arg1, %eq3A_21 : i32
      %convert_element_type3A_23 = arith.extui %eq3A_22 : i1 to i32
      %cond3A_24 = arith.constant 0 : i32
      %cond3A_25 = arith.cmpi ne, %convert_element_type3A_23, %cond3A_24 : i32
      scf.if %cond3A_25 {
        %mul3A = arith.constant 2504 : i32
        %mul3A_43 = arith.muli %arg1, %mul3A : i32
        "tpu.region"() ({
          %run_scoped3A = tpu.sem_alloc : memref<!tpu.dma_semaphore, #tpu.memory_space<semaphore_mem>>
          %dma_start3A = arith.constant 0 : i32
          %dma_start3A_44 = tpu.memref_slice %arg13[%mul3A_43, %dma_start3A] : memref<40000x32xf32, #tpu.memory_space<vmem_shared>> -> memref<2440x32xf32, #tpu.memory_space<vmem_shared>>
          %dma_start3A_45 = arith.constant 0 : i32
          %dma_start3A_46 = arith.constant 0 : i32
          %dma_start3A_47 = tpu.memref_slice %arg8[%dma_start3A_45, %dma_start3A_46] : memref<2504x32xf32, #tpu.memory_space<hbm>> -> memref<2440x32xf32, #tpu.memory_space<hbm>>
          tpu.enqueue_dma source(%dma_start3A_47 : memref<2440x32xf32, #tpu.memory_space<hbm>>) target(%dma_start3A_44 : memref<2440x32xf32, #tpu.memory_space<vmem_shared>>) target_semaphore(%run_scoped3A : memref<!tpu.dma_semaphore, #tpu.memory_space<semaphore_mem>>)
          %dma_wait3A = arith.constant 0 : i32
          %dma_wait3A_48 = tpu.memref_slice %arg13[%mul3A_43, %dma_wait3A] : memref<40000x32xf32, #tpu.memory_space<vmem_shared>> -> memref<2440x32xf32, #tpu.memory_space<vmem_shared>>
          %dma_wait3A_49 = arith.constant 0 : i32
          %dma_wait3A_50 = arith.constant 0 : i32
          %dma_wait3A_51 = tpu.memref_slice %arg8[%dma_wait3A_49, %dma_wait3A_50] : memref<2504x32xf32, #tpu.memory_space<hbm>> -> memref<2440x32xf32, #tpu.memory_space<hbm>>
          tpu.wait_dma2 semaphore(%run_scoped3A : memref<!tpu.dma_semaphore, #tpu.memory_space<semaphore_mem>>) src(%dma_wait3A_51 : memref<2440x32xf32, #tpu.memory_space<hbm>>) dst(%dma_wait3A_48 : memref<2440x32xf32, #tpu.memory_space<vmem_shared>>)
          tpu.yield
        }) : () -> ()
      } else {
      }
      %barrier3A = arith.constant 0 : index
      tpu.barrier barrier_id(%barrier3A)
      %scan3A = arith.constant 0 : i32
      %scan3A_26 = arith.constant 0 : i32
      %scan3A_27 = arith.constant 8 : i32
      %scan3A_28 = arith.addi %scan3A_26, %scan3A_27 : i32
      %scan3A_29 = arith.constant 1 : i32
      scf.for %scan3A_43 = %scan3A_26 to %scan3A_28 step %scan3A_29  : i32 {
        %mul3A = arith.constant 20 : i32
        %mul3A_44 = arith.muli %scan3A_43, %mul3A : i32
        "tpu.region"() ({
          %run_scoped3A = tpu.sem_alloc : memref<!tpu.dma_semaphore, #tpu.memory_space<semaphore_mem>>
          %dma_start3A_77 = arith.constant 0 : i32
          %dma_start3A_78 = tpu.memref_slice %arg6[%arg1, %mul3A_44, %dma_start3A_77] : memref<16x160x125xi32, #tpu.memory_space<hbm>> -> memref<1x20x125xi32, #tpu.memory_space<hbm>>
          %dma_start3A_79 = tpu.memref_squeeze %dma_start3A_78 : memref<1x20x125xi32, #tpu.memory_space<hbm>> -> memref<20x125xi32, #tpu.memory_space<hbm>>
          %dma_start3A_80 = arith.constant 0 : i32
          %dma_start3A_81 = tpu.memref_slice %arg6[%arg1, %mul3A_44, %dma_start3A_80] : memref<16x160x125xi32, #tpu.memory_space<hbm>> -> memref<1x20x125xi32, #tpu.memory_space<hbm>>
          %dma_start3A_82 = tpu.memref_squeeze %dma_start3A_81 : memref<1x20x125xi32, #tpu.memory_space<hbm>> -> memref<20x125xi32, #tpu.memory_space<hbm>>
          tpu.enqueue_dma source(%dma_start3A_82 : memref<20x125xi32, #tpu.memory_space<hbm>>) target(%arg14 : memref<20x125xi32, #tpu.memory_space<vmem>>) target_semaphore(%run_scoped3A : memref<!tpu.dma_semaphore, #tpu.memory_space<semaphore_mem>>)
          %dma_wait3A_83 = arith.constant 0 : i32
          %dma_wait3A_84 = tpu.memref_slice %arg6[%arg1, %mul3A_44, %dma_wait3A_83] : memref<16x160x125xi32, #tpu.memory_space<hbm>> -> memref<1x20x125xi32, #tpu.memory_space<hbm>>
          %dma_wait3A_85 = tpu.memref_squeeze %dma_wait3A_84 : memref<1x20x125xi32, #tpu.memory_space<hbm>> -> memref<20x125xi32, #tpu.memory_space<hbm>>
          %dma_wait3A_86 = arith.constant 0 : i32
          %dma_wait3A_87 = tpu.memref_slice %arg6[%arg1, %mul3A_44, %dma_wait3A_86] : memref<16x160x125xi32, #tpu.memory_space<hbm>> -> memref<1x20x125xi32, #tpu.memory_space<hbm>>
          %dma_wait3A_88 = tpu.memref_squeeze %dma_wait3A_87 : memref<1x20x125xi32, #tpu.memory_space<hbm>> -> memref<20x125xi32, #tpu.memory_space<hbm>>
          tpu.wait_dma2 semaphore(%run_scoped3A : memref<!tpu.dma_semaphore, #tpu.memory_space<semaphore_mem>>) src(%dma_wait3A_88 : memref<20x125xi32, #tpu.memory_space<hbm>>) dst(%arg14 : memref<20x125xi32, #tpu.memory_space<vmem>>)
          tpu.yield
        }) : () -> ()
        %mul3A_45 = arith.constant 20 : i32
        %mul3A_46 = arith.muli %scan3A_43, %mul3A_45 : i32
        "tpu.region"() ({
          %run_scoped3A = tpu.sem_alloc : memref<!tpu.dma_semaphore, #tpu.memory_space<semaphore_mem>>
          %dma_start3A_77 = arith.constant 0 : i32
          %dma_start3A_78 = tpu.memref_slice %arg7[%arg1, %mul3A_46, %dma_start3A_77] : memref<16x160x125xi32, #tpu.memory_space<hbm>> -> memref<1x20x125xi32, #tpu.memory_space<hbm>>
          %dma_start3A_79 = tpu.memref_squeeze %dma_start3A_78 : memref<1x20x125xi32, #tpu.memory_space<hbm>> -> memref<20x125xi32, #tpu.memory_space<hbm>>
          %dma_start3A_80 = arith.constant 0 : i32
          %dma_start3A_81 = tpu.memref_slice %arg7[%arg1, %mul3A_46, %dma_start3A_80] : memref<16x160x125xi32, #tpu.memory_space<hbm>> -> memref<1x20x125xi32, #tpu.memory_space<hbm>>
          %dma_start3A_82 = tpu.memref_squeeze %dma_start3A_81 : memref<1x20x125xi32, #tpu.memory_space<hbm>> -> memref<20x125xi32, #tpu.memory_space<hbm>>
          tpu.enqueue_dma source(%dma_start3A_82 : memref<20x125xi32, #tpu.memory_space<hbm>>) target(%arg15 : memref<20x125xi32, #tpu.memory_space<vmem>>) target_semaphore(%run_scoped3A : memref<!tpu.dma_semaphore, #tpu.memory_space<semaphore_mem>>)
          %dma_wait3A_83 = arith.constant 0 : i32
          %dma_wait3A_84 = tpu.memref_slice %arg7[%arg1, %mul3A_46, %dma_wait3A_83] : memref<16x160x125xi32, #tpu.memory_space<hbm>> -> memref<1x20x125xi32, #tpu.memory_space<hbm>>
          %dma_wait3A_85 = tpu.memref_squeeze %dma_wait3A_84 : memref<1x20x125xi32, #tpu.memory_space<hbm>> -> memref<20x125xi32, #tpu.memory_space<hbm>>
          %dma_wait3A_86 = arith.constant 0 : i32
          %dma_wait3A_87 = tpu.memref_slice %arg7[%arg1, %mul3A_46, %dma_wait3A_86] : memref<16x160x125xi32, #tpu.memory_space<hbm>> -> memref<1x20x125xi32, #tpu.memory_space<hbm>>
          %dma_wait3A_88 = tpu.memref_squeeze %dma_wait3A_87 : memref<1x20x125xi32, #tpu.memory_space<hbm>> -> memref<20x125xi32, #tpu.memory_space<hbm>>
          tpu.wait_dma2 semaphore(%run_scoped3A : memref<!tpu.dma_semaphore, #tpu.memory_space<semaphore_mem>>) src(%dma_wait3A_88 : memref<20x125xi32, #tpu.memory_space<hbm>>) dst(%arg15 : memref<20x125xi32, #tpu.memory_space<vmem>>)
          tpu.yield
        }) : () -> ()
        %dma_start3A = arith.constant 0 : i32
        %dma_start3A_47 = arith.constant 0 : i32
        %dma_start3A_48 = arith.constant 0 : i32
        %dma_start3A_49 = arith.constant 0 : i32
        %dma_start3A_50 = tpu.memref_slice %arg16[%dma_start3A_48, %dma_start3A_49] : memref<250x32xf32, #tpu.memory_space<vmem>> -> memref<125x32xf32, #tpu.memory_space<vmem>>
        %dma_start3A_51 = arith.constant 0 : i32
        %dma_start3A_52 = tpu.memref_slice %arg14[%dma_start3A, %dma_start3A_51] : memref<20x125xi32, #tpu.memory_space<vmem>> -> memref<1x125xi32, #tpu.memory_space<vmem>>
        %dma_start3A_53 = tpu.memref_squeeze %dma_start3A_52 : memref<1x125xi32, #tpu.memory_space<vmem>> -> memref<125xi32, #tpu.memory_space<vmem>>
        %dma_start3A_54 = arith.constant 0 : i32
        %dma_start3A_55 = arith.constant 0 : i32
        %dma_start3A_56 = tpu.memref_slice %arg4[%dma_start3A_54, %dma_start3A_55] : memref<40000x32xf32, #tpu.memory_space<hbm>> -> memref<40000x32xf32, #tpu.memory_space<hbm>>
        %dma_start3A_57 = tpu.memref_slice %arg17[%dma_start3A_47] : memref<2x!tpu.dma_semaphore, #tpu.memory_space<semaphore_mem>> -> memref<1x!tpu.dma_semaphore, #tpu.memory_space<semaphore_mem>>
        %dma_start3A_58 = tpu.memref_squeeze %dma_start3A_57 : memref<1x!tpu.dma_semaphore, #tpu.memory_space<semaphore_mem>> -> memref<!tpu.dma_semaphore, #tpu.memory_space<semaphore_mem>>
        tpu.enqueue_indirect_dma source(%dma_start3A_56 : memref<40000x32xf32, #tpu.memory_space<hbm>>) target(%dma_start3A_50 : memref<125x32xf32, #tpu.memory_space<vmem>>) offsets(%dma_start3A_53 : memref<125xi32, #tpu.memory_space<vmem>>) semaphore(%dma_start3A_58 : memref<!tpu.dma_semaphore, #tpu.memory_space<semaphore_mem>>)
        %scan3A_59 = arith.constant 0 : i32
        %scan3A_60 = arith.constant 0 : i32
        %scan3A_61 = arith.constant 20 : i32
        %scan3A_62 = arith.addi %scan3A_60, %scan3A_61 : i32
        %scan3A_63 = arith.constant 1 : i32
        scf.for %scan3A_77 = %scan3A_60 to %scan3A_62 step %scan3A_63  : i32 {
          %rem3A = arith.constant 2 : i32
          %rem3A_78 = arith.remsi %scan3A_77, %rem3A : i32
          %sub3A = arith.constant 1 : i32
          %sub3A_79 = arith.subi %sub3A, %rem3A_78 : i32
          %ge3A = arith.constant 1 : i32
          %ge3A_80 = arith.cmpi sge, %scan3A_77, %ge3A : i32
          %convert_element_type3A_81 = arith.extui %ge3A_80 : i1 to i32
          %cond3A_82 = arith.constant 0 : i32
          %cond3A_83 = arith.cmpi ne, %convert_element_type3A_81, %cond3A_82 : i32
          scf.if %cond3A_83 {
            %sub3A_114 = arith.constant 1 : i32
            %sub3A_115 = arith.subi %scan3A_77, %sub3A_114 : i32
            %mul3A_116 = arith.constant 125 : i32
            %mul3A_117 = arith.muli %sub3A_79, %mul3A_116 : i32
            %dma_wait3A_118 = arith.constant 0 : i32
            %dma_wait3A_119 = tpu.memref_slice %arg16[%mul3A_117, %dma_wait3A_118] : memref<250x32xf32, #tpu.memory_space<vmem>> -> memref<125x32xf32, #tpu.memory_space<vmem>>
            %dma_wait3A_120 = arith.constant 0 : i32
            %dma_wait3A_121 = tpu.memref_slice %arg15[%sub3A_115, %dma_wait3A_120] : memref<20x125xi32, #tpu.memory_space<vmem>> -> memref<1x125xi32, #tpu.memory_space<vmem>>
            %dma_wait3A_122 = tpu.memref_squeeze %dma_wait3A_121 : memref<1x125xi32, #tpu.memory_space<vmem>> -> memref<125xi32, #tpu.memory_space<vmem>>
            %dma_wait3A_123 = arith.constant 0 : i32
            %dma_wait3A_124 = arith.constant 0 : i32
            %dma_wait3A_125 = tpu.memref_slice %arg13[%dma_wait3A_123, %dma_wait3A_124] : memref<40000x32xf32, #tpu.memory_space<vmem_shared>> -> memref<40000x32xf32, #tpu.memory_space<vmem_shared>>
            %dma_wait3A_126 = tpu.memref_slice %arg18[%sub3A_79] : memref<2x!tpu.dma_semaphore, #tpu.memory_space<semaphore_mem>> -> memref<1x!tpu.dma_semaphore, #tpu.memory_space<semaphore_mem>>
            %dma_wait3A_127 = tpu.memref_squeeze %dma_wait3A_126 : memref<1x!tpu.dma_semaphore, #tpu.memory_space<semaphore_mem>> -> memref<!tpu.dma_semaphore, #tpu.memory_space<semaphore_mem>>
            tpu.wait_indirect_dma semaphore(%dma_wait3A_127 : memref<!tpu.dma_semaphore, #tpu.memory_space<semaphore_mem>>) src(%dma_wait3A_119 : memref<125x32xf32, #tpu.memory_space<vmem>>) dst(%dma_wait3A_125 : memref<40000x32xf32, #tpu.memory_space<vmem_shared>>)
          } else {
          }
          %add3A = arith.constant 1 : i32
          %add3A_84 = arith.addi %scan3A_77, %add3A : i32
          %lt3A_85 = arith.constant 20 : i32
          %lt3A_86 = arith.cmpi slt, %add3A_84, %lt3A_85 : i32
          %convert_element_type3A_87 = arith.extui %lt3A_86 : i1 to i32
          %cond3A_88 = arith.constant 0 : i32
          %cond3A_89 = arith.cmpi ne, %convert_element_type3A_87, %cond3A_88 : i32
          scf.if %cond3A_89 {
            %add3A_114 = arith.constant 1 : i32
            %add3A_115 = arith.addi %scan3A_77, %add3A_114 : i32
            %mul3A_116 = arith.constant 125 : i32
            %mul3A_117 = arith.muli %sub3A_79, %mul3A_116 : i32
            %dma_start3A_118 = arith.constant 0 : i32
            %dma_start3A_119 = tpu.memref_slice %arg16[%mul3A_117, %dma_start3A_118] : memref<250x32xf32, #tpu.memory_space<vmem>> -> memref<125x32xf32, #tpu.memory_space<vmem>>
            %dma_start3A_120 = arith.constant 0 : i32
            %dma_start3A_121 = tpu.memref_slice %arg14[%add3A_115, %dma_start3A_120] : memref<20x125xi32, #tpu.memory_space<vmem>> -> memref<1x125xi32, #tpu.memory_space<vmem>>
            %dma_start3A_122 = tpu.memref_squeeze %dma_start3A_121 : memref<1x125xi32, #tpu.memory_space<vmem>> -> memref<125xi32, #tpu.memory_space<vmem>>
            %dma_start3A_123 = arith.constant 0 : i32
            %dma_start3A_124 = arith.constant 0 : i32
            %dma_start3A_125 = tpu.memref_slice %arg4[%dma_start3A_123, %dma_start3A_124] : memref<40000x32xf32, #tpu.memory_space<hbm>> -> memref<40000x32xf32, #tpu.memory_space<hbm>>
            %dma_start3A_126 = tpu.memref_slice %arg17[%sub3A_79] : memref<2x!tpu.dma_semaphore, #tpu.memory_space<semaphore_mem>> -> memref<1x!tpu.dma_semaphore, #tpu.memory_space<semaphore_mem>>
            %dma_start3A_127 = tpu.memref_squeeze %dma_start3A_126 : memref<1x!tpu.dma_semaphore, #tpu.memory_space<semaphore_mem>> -> memref<!tpu.dma_semaphore, #tpu.memory_space<semaphore_mem>>
            tpu.enqueue_indirect_dma source(%dma_start3A_125 : memref<40000x32xf32, #tpu.memory_space<hbm>>) target(%dma_start3A_119 : memref<125x32xf32, #tpu.memory_space<vmem>>) offsets(%dma_start3A_122 : memref<125xi32, #tpu.memory_space<vmem>>) semaphore(%dma_start3A_127 : memref<!tpu.dma_semaphore, #tpu.memory_space<semaphore_mem>>)
          } else {
          }
          %mul3A_90 = arith.constant 125 : i32
          %mul3A_91 = arith.muli %rem3A_78, %mul3A_90 : i32
          %dma_wait3A_92 = arith.constant 0 : i32
          %dma_wait3A_93 = tpu.memref_slice %arg16[%mul3A_91, %dma_wait3A_92] : memref<250x32xf32, #tpu.memory_space<vmem>> -> memref<125x32xf32, #tpu.memory_space<vmem>>
          %dma_wait3A_94 = arith.constant 0 : i32
          %dma_wait3A_95 = tpu.memref_slice %arg14[%scan3A_77, %dma_wait3A_94] : memref<20x125xi32, #tpu.memory_space<vmem>> -> memref<1x125xi32, #tpu.memory_space<vmem>>
          %dma_wait3A_96 = tpu.memref_squeeze %dma_wait3A_95 : memref<1x125xi32, #tpu.memory_space<vmem>> -> memref<125xi32, #tpu.memory_space<vmem>>
          %dma_wait3A_97 = arith.constant 0 : i32
          %dma_wait3A_98 = arith.constant 0 : i32
          %dma_wait3A_99 = tpu.memref_slice %arg4[%dma_wait3A_97, %dma_wait3A_98] : memref<40000x32xf32, #tpu.memory_space<hbm>> -> memref<40000x32xf32, #tpu.memory_space<hbm>>
          %dma_wait3A_100 = tpu.memref_slice %arg17[%rem3A_78] : memref<2x!tpu.dma_semaphore, #tpu.memory_space<semaphore_mem>> -> memref<1x!tpu.dma_semaphore, #tpu.memory_space<semaphore_mem>>
          %dma_wait3A_101 = tpu.memref_squeeze %dma_wait3A_100 : memref<1x!tpu.dma_semaphore, #tpu.memory_space<semaphore_mem>> -> memref<!tpu.dma_semaphore, #tpu.memory_space<semaphore_mem>>
          tpu.wait_indirect_dma semaphore(%dma_wait3A_101 : memref<!tpu.dma_semaphore, #tpu.memory_space<semaphore_mem>>) src(%dma_wait3A_99 : memref<40000x32xf32, #tpu.memory_space<hbm>>) dst(%dma_wait3A_93 : memref<125x32xf32, #tpu.memory_space<vmem>>)
          %mul3A_102 = arith.constant 125 : i32
          %mul3A_103 = arith.muli %rem3A_78, %mul3A_102 : i32
          %dma_start3A_104 = arith.constant 0 : i32
          %dma_start3A_105 = tpu.memref_slice %arg16[%mul3A_103, %dma_start3A_104] : memref<250x32xf32, #tpu.memory_space<vmem>> -> memref<125x32xf32, #tpu.memory_space<vmem>>
          %dma_start3A_106 = arith.constant 0 : i32
          %dma_start3A_107 = tpu.memref_slice %arg15[%scan3A_77, %dma_start3A_106] : memref<20x125xi32, #tpu.memory_space<vmem>> -> memref<1x125xi32, #tpu.memory_space<vmem>>
          %dma_start3A_108 = tpu.memref_squeeze %dma_start3A_107 : memref<1x125xi32, #tpu.memory_space<vmem>> -> memref<125xi32, #tpu.memory_space<vmem>>
          %dma_start3A_109 = arith.constant 0 : i32
          %dma_start3A_110 = arith.constant 0 : i32
          %dma_start3A_111 = tpu.memref_slice %arg13[%dma_start3A_109, %dma_start3A_110] : memref<40000x32xf32, #tpu.memory_space<vmem_shared>> -> memref<40000x32xf32, #tpu.memory_space<vmem_shared>>
          %dma_start3A_112 = tpu.memref_slice %arg18[%rem3A_78] : memref<2x!tpu.dma_semaphore, #tpu.memory_space<semaphore_mem>> -> memref<1x!tpu.dma_semaphore, #tpu.memory_space<semaphore_mem>>
          %dma_start3A_113 = tpu.memref_squeeze %dma_start3A_112 : memref<1x!tpu.dma_semaphore, #tpu.memory_space<semaphore_mem>> -> memref<!tpu.dma_semaphore, #tpu.memory_space<semaphore_mem>>
          tpu.enqueue_indirect_dma source(%dma_start3A_105 : memref<125x32xf32, #tpu.memory_space<vmem>>) target(%dma_start3A_111 : memref<40000x32xf32, #tpu.memory_space<vmem_shared>>) offsets(%dma_start3A_108 : memref<125xi32, #tpu.memory_space<vmem>>) semaphore(%dma_start3A_113 : memref<!tpu.dma_semaphore, #tpu.memory_space<semaphore_mem>>) {add = true}
        }
        %scan3A_64 = arith.constant 20 : i32
        %dma_wait3A = arith.constant 19 : i32
        %dma_wait3A_65 = arith.constant 1 : i32
        %dma_wait3A_66 = arith.constant 125 : i32
        %dma_wait3A_67 = arith.constant 0 : i32
        %dma_wait3A_68 = tpu.memref_slice %arg16[%dma_wait3A_66, %dma_wait3A_67] : memref<250x32xf32, #tpu.memory_space<vmem>> -> memref<125x32xf32, #tpu.memory_space<vmem>>
        %dma_wait3A_69 = arith.constant 0 : i32
        %dma_wait3A_70 = tpu.memref_slice %arg15[%dma_wait3A, %dma_wait3A_69] : memref<20x125xi32, #tpu.memory_space<vmem>> -> memref<1x125xi32, #tpu.memory_space<vmem>>
        %dma_wait3A_71 = tpu.memref_squeeze %dma_wait3A_70 : memref<1x125xi32, #tpu.memory_space<vmem>> -> memref<125xi32, #tpu.memory_space<vmem>>
        %dma_wait3A_72 = arith.constant 0 : i32
        %dma_wait3A_73 = arith.constant 0 : i32
        %dma_wait3A_74 = tpu.memref_slice %arg13[%dma_wait3A_72, %dma_wait3A_73] : memref<40000x32xf32, #tpu.memory_space<vmem_shared>> -> memref<40000x32xf32, #tpu.memory_space<vmem_shared>>
        %dma_wait3A_75 = tpu.memref_slice %arg18[%dma_wait3A_65] : memref<2x!tpu.dma_semaphore, #tpu.memory_space<semaphore_mem>> -> memref<1x!tpu.dma_semaphore, #tpu.memory_space<semaphore_mem>>
        %dma_wait3A_76 = tpu.memref_squeeze %dma_wait3A_75 : memref<1x!tpu.dma_semaphore, #tpu.memory_space<semaphore_mem>> -> memref<!tpu.dma_semaphore, #tpu.memory_space<semaphore_mem>>
        tpu.wait_indirect_dma semaphore(%dma_wait3A_76 : memref<!tpu.dma_semaphore, #tpu.memory_space<semaphore_mem>>) src(%dma_wait3A_68 : memref<125x32xf32, #tpu.memory_space<vmem>>) dst(%dma_wait3A_74 : memref<40000x32xf32, #tpu.memory_space<vmem_shared>>)
      }
      %scan3A_30 = arith.constant 8 : i32
      %barrier3A_31 = arith.constant 0 : index
      tpu.barrier barrier_id(%barrier3A_31)
      %lt3A_32 = arith.constant 15 : i32
      %lt3A_33 = arith.cmpi slt, %arg1, %lt3A_32 : i32
      %convert_element_type3A_34 = arith.extui %lt3A_33 : i1 to i32
      %cond3A_35 = arith.constant 0 : i32
      %cond3A_36 = arith.cmpi ne, %convert_element_type3A_34, %cond3A_35 : i32
      scf.if %cond3A_36 {
        %mul3A = arith.constant 2504 : i32
        %mul3A_43 = arith.muli %arg1, %mul3A : i32
        %mul3A_44 = arith.constant 2504 : i32
        %mul3A_45 = arith.muli %arg1, %mul3A_44 : i32
        "tpu.region"() ({
          %run_scoped3A = tpu.sem_alloc : memref<!tpu.dma_semaphore, #tpu.memory_space<semaphore_mem>>
          %dma_start3A = arith.constant 0 : i32
          %dma_start3A_46 = tpu.memref_slice %arg11[%mul3A_45, %dma_start3A] : memref<40000x32xf32, #tpu.memory_space<hbm>> -> memref<2504x32xf32, #tpu.memory_space<hbm>>
          %dma_start3A_47 = arith.constant 0 : i32
          %dma_start3A_48 = tpu.memref_slice %arg13[%mul3A_43, %dma_start3A_47] : memref<40000x32xf32, #tpu.memory_space<vmem_shared>> -> memref<2504x32xf32, #tpu.memory_space<vmem_shared>>
          tpu.enqueue_dma source(%dma_start3A_48 : memref<2504x32xf32, #tpu.memory_space<vmem_shared>>) target(%dma_start3A_46 : memref<2504x32xf32, #tpu.memory_space<hbm>>) target_semaphore(%run_scoped3A : memref<!tpu.dma_semaphore, #tpu.memory_space<semaphore_mem>>)
          %dma_wait3A = arith.constant 0 : i32
          %dma_wait3A_49 = tpu.memref_slice %arg11[%mul3A_45, %dma_wait3A] : memref<40000x32xf32, #tpu.memory_space<hbm>> -> memref<2504x32xf32, #tpu.memory_space<hbm>>
          %dma_wait3A_50 = arith.constant 0 : i32
          %dma_wait3A_51 = tpu.memref_slice %arg13[%mul3A_43, %dma_wait3A_50] : memref<40000x32xf32, #tpu.memory_space<vmem_shared>> -> memref<2504x32xf32, #tpu.memory_space<vmem_shared>>
          tpu.wait_dma2 semaphore(%run_scoped3A : memref<!tpu.dma_semaphore, #tpu.memory_space<semaphore_mem>>) src(%dma_wait3A_51 : memref<2504x32xf32, #tpu.memory_space<vmem_shared>>) dst(%dma_wait3A_49 : memref<2504x32xf32, #tpu.memory_space<hbm>>)
          tpu.yield
        }) : () -> ()
      } else {
      }
      %eq3A_37 = arith.constant 15 : i32
      %eq3A_38 = arith.cmpi eq, %arg1, %eq3A_37 : i32
      %convert_element_type3A_39 = arith.extui %eq3A_38 : i1 to i32
      %cond3A_40 = arith.constant 0 : i32
      %cond3A_41 = arith.cmpi ne, %convert_element_type3A_39, %cond3A_40 : i32
      scf.if %cond3A_41 {
        %mul3A = arith.constant 2504 : i32
        %mul3A_43 = arith.muli %arg1, %mul3A : i32
        %mul3A_44 = arith.constant 2504 : i32
        %mul3A_45 = arith.muli %arg1, %mul3A_44 : i32
        "tpu.region"() ({
          %run_scoped3A = tpu.sem_alloc : memref<!tpu.dma_semaphore, #tpu.memory_space<semaphore_mem>>
          %dma_start3A = arith.constant 0 : i32
          %dma_start3A_46 = tpu.memref_slice %arg11[%mul3A_45, %dma_start3A] : memref<40000x32xf32, #tpu.memory_space<hbm>> -> memref<2440x32xf32, #tpu.memory_space<hbm>>
          %dma_start3A_47 = arith.constant 0 : i32
          %dma_start3A_48 = tpu.memref_slice %arg13[%mul3A_43, %dma_start3A_47] : memref<40000x32xf32, #tpu.memory_space<vmem_shared>> -> memref<2440x32xf32, #tpu.memory_space<vmem_shared>>
          tpu.enqueue_dma source(%dma_start3A_48 : memref<2440x32xf32, #tpu.memory_space<vmem_shared>>) target(%dma_start3A_46 : memref<2440x32xf32, #tpu.memory_space<hbm>>) target_semaphore(%run_scoped3A : memref<!tpu.dma_semaphore, #tpu.memory_space<semaphore_mem>>)
          %dma_wait3A = arith.constant 0 : i32
          %dma_wait3A_49 = tpu.memref_slice %arg11[%mul3A_45, %dma_wait3A] : memref<40000x32xf32, #tpu.memory_space<hbm>> -> memref<2440x32xf32, #tpu.memory_space<hbm>>
          %dma_wait3A_50 = arith.constant 0 : i32
          %dma_wait3A_51 = tpu.memref_slice %arg13[%mul3A_43, %dma_wait3A_50] : memref<40000x32xf32, #tpu.memory_space<vmem_shared>> -> memref<2440x32xf32, #tpu.memory_space<vmem_shared>>
          tpu.wait_dma2 semaphore(%run_scoped3A : memref<!tpu.dma_semaphore, #tpu.memory_space<semaphore_mem>>) src(%dma_wait3A_51 : memref<2440x32xf32, #tpu.memory_space<vmem_shared>>) dst(%dma_wait3A_49 : memref<2440x32xf32, #tpu.memory_space<hbm>>)
          tpu.yield
        }) : () -> ()
      } else {
      }
      %barrier3A_42 = arith.constant 0 : index
      tpu.barrier barrier_id(%barrier3A_42)
    } else {
    }
    %eq3A_7 = arith.constant 0 : i32
    %eq3A_8 = arith.cmpi eq, %arg0, %eq3A_7 : i32
    %convert_element_type3A_9 = arith.extui %eq3A_8 : i1 to i32
    %cond3A_10 = arith.constant 0 : i32
    %cond3A_11 = arith.cmpi ne, %convert_element_type3A_9, %cond3A_10 : i32
    scf.if %cond3A_11 {
      %lt3A = arith.constant 15 : i32
      %lt3A_17 = arith.cmpi slt, %arg1, %lt3A : i32
      %convert_element_type3A_18 = arith.extui %lt3A_17 : i1 to i32
      %cond3A_19 = arith.constant 0 : i32
      %cond3A_20 = arith.cmpi ne, %convert_element_type3A_18, %cond3A_19 : i32
      scf.if %cond3A_20 {
        %mul3A = arith.constant 2504 : i32
        %mul3A_43 = arith.muli %arg1, %mul3A : i32
        "tpu.region"() ({
          %run_scoped3A = tpu.sem_alloc : memref<!tpu.dma_semaphore, #tpu.memory_space<semaphore_mem>>
          %dma_start3A = arith.constant 0 : i32
          %dma_start3A_44 = tpu.memref_slice %arg13[%mul3A_43, %dma_start3A] : memref<40000x32xf32, #tpu.memory_space<vmem_shared>> -> memref<2504x32xf32, #tpu.memory_space<vmem_shared>>
          tpu.enqueue_dma source(%arg8 : memref<2504x32xf32, #tpu.memory_space<hbm>>) target(%dma_start3A_44 : memref<2504x32xf32, #tpu.memory_space<vmem_shared>>) target_semaphore(%run_scoped3A : memref<!tpu.dma_semaphore, #tpu.memory_space<semaphore_mem>>)
          %dma_wait3A = arith.constant 0 : i32
          %dma_wait3A_45 = tpu.memref_slice %arg13[%mul3A_43, %dma_wait3A] : memref<40000x32xf32, #tpu.memory_space<vmem_shared>> -> memref<2504x32xf32, #tpu.memory_space<vmem_shared>>
          tpu.wait_dma2 semaphore(%run_scoped3A : memref<!tpu.dma_semaphore, #tpu.memory_space<semaphore_mem>>) src(%arg8 : memref<2504x32xf32, #tpu.memory_space<hbm>>) dst(%dma_wait3A_45 : memref<2504x32xf32, #tpu.memory_space<vmem_shared>>)
          tpu.yield
        }) : () -> ()
      } else {
      }
      %eq3A_21 = arith.constant 15 : i32
      %eq3A_22 = arith.cmpi eq, %arg1, %eq3A_21 : i32
      %convert_element_type3A_23 = arith.extui %eq3A_22 : i1 to i32
      %cond3A_24 = arith.constant 0 : i32
      %cond3A_25 = arith.cmpi ne, %convert_element_type3A_23, %cond3A_24 : i32
      scf.if %cond3A_25 {
        %mul3A = arith.constant 2504 : i32
        %mul3A_43 = arith.muli %arg1, %mul3A : i32
        "tpu.region"() ({
          %run_scoped3A = tpu.sem_alloc : memref<!tpu.dma_semaphore, #tpu.memory_space<semaphore_mem>>
          %dma_start3A = arith.constant 0 : i32
          %dma_start3A_44 = tpu.memref_slice %arg13[%mul3A_43, %dma_start3A] : memref<40000x32xf32, #tpu.memory_space<vmem_shared>> -> memref<2440x32xf32, #tpu.memory_space<vmem_shared>>
          %dma_start3A_45 = arith.constant 0 : i32
          %dma_start3A_46 = arith.constant 0 : i32
          %dma_start3A_47 = tpu.memref_slice %arg8[%dma_start3A_45, %dma_start3A_46] : memref<2504x32xf32, #tpu.memory_space<hbm>> -> memref<2440x32xf32, #tpu.memory_space<hbm>>
          tpu.enqueue_dma source(%dma_start3A_47 : memref<2440x32xf32, #tpu.memory_space<hbm>>) target(%dma_start3A_44 : memref<2440x32xf32, #tpu.memory_space<vmem_shared>>) target_semaphore(%run_scoped3A : memref<!tpu.dma_semaphore, #tpu.memory_space<semaphore_mem>>)
          %dma_wait3A = arith.constant 0 : i32
          %dma_wait3A_48 = tpu.memref_slice %arg13[%mul3A_43, %dma_wait3A] : memref<40000x32xf32, #tpu.memory_space<vmem_shared>> -> memref<2440x32xf32, #tpu.memory_space<vmem_shared>>
          %dma_wait3A_49 = arith.constant 0 : i32
          %dma_wait3A_50 = arith.constant 0 : i32
          %dma_wait3A_51 = tpu.memref_slice %arg8[%dma_wait3A_49, %dma_wait3A_50] : memref<2504x32xf32, #tpu.memory_space<hbm>> -> memref<2440x32xf32, #tpu.memory_space<hbm>>
          tpu.wait_dma2 semaphore(%run_scoped3A : memref<!tpu.dma_semaphore, #tpu.memory_space<semaphore_mem>>) src(%dma_wait3A_51 : memref<2440x32xf32, #tpu.memory_space<hbm>>) dst(%dma_wait3A_48 : memref<2440x32xf32, #tpu.memory_space<vmem_shared>>)
          tpu.yield
        }) : () -> ()
      } else {
      }
      %barrier3A = arith.constant 0 : index
      tpu.barrier barrier_id(%barrier3A)
      %scan3A = arith.constant 0 : i32
      %scan3A_26 = arith.constant 0 : i32
      %scan3A_27 = arith.constant 8 : i32
      %scan3A_28 = arith.addi %scan3A_26, %scan3A_27 : i32
      %scan3A_29 = arith.constant 1 : i32
      scf.for %scan3A_43 = %scan3A_26 to %scan3A_28 step %scan3A_29  : i32 {
        %mul3A = arith.constant 20 : i32
        %mul3A_44 = arith.muli %scan3A_43, %mul3A : i32
        "tpu.region"() ({
          %run_scoped3A = tpu.sem_alloc : memref<!tpu.dma_semaphore, #tpu.memory_space<semaphore_mem>>
          %dma_start3A_77 = arith.constant 0 : i32
          %dma_start3A_78 = tpu.memref_slice %arg6[%arg1, %mul3A_44, %dma_start3A_77] : memref<16x160x125xi32, #tpu.memory_space<hbm>> -> memref<1x20x125xi32, #tpu.memory_space<hbm>>
          %dma_start3A_79 = tpu.memref_squeeze %dma_start3A_78 : memref<1x20x125xi32, #tpu.memory_space<hbm>> -> memref<20x125xi32, #tpu.memory_space<hbm>>
          %dma_start3A_80 = arith.constant 0 : i32
          %dma_start3A_81 = tpu.memref_slice %arg6[%arg1, %mul3A_44, %dma_start3A_80] : memref<16x160x125xi32, #tpu.memory_space<hbm>> -> memref<1x20x125xi32, #tpu.memory_space<hbm>>
          %dma_start3A_82 = tpu.memref_squeeze %dma_start3A_81 : memref<1x20x125xi32, #tpu.memory_space<hbm>> -> memref<20x125xi32, #tpu.memory_space<hbm>>
          tpu.enqueue_dma source(%dma_start3A_82 : memref<20x125xi32, #tpu.memory_space<hbm>>) target(%arg14 : memref<20x125xi32, #tpu.memory_space<vmem>>) target_semaphore(%run_scoped3A : memref<!tpu.dma_semaphore, #tpu.memory_space<semaphore_mem>>)
          %dma_wait3A_83 = arith.constant 0 : i32
          %dma_wait3A_84 = tpu.memref_slice %arg6[%arg1, %mul3A_44, %dma_wait3A_83] : memref<16x160x125xi32, #tpu.memory_space<hbm>> -> memref<1x20x125xi32, #tpu.memory_space<hbm>>
          %dma_wait3A_85 = tpu.memref_squeeze %dma_wait3A_84 : memref<1x20x125xi32, #tpu.memory_space<hbm>> -> memref<20x125xi32, #tpu.memory_space<hbm>>
          %dma_wait3A_86 = arith.constant 0 : i32
          %dma_wait3A_87 = tpu.memref_slice %arg6[%arg1, %mul3A_44, %dma_wait3A_86] : memref<16x160x125xi32, #tpu.memory_space<hbm>> -> memref<1x20x125xi32, #tpu.memory_space<hbm>>
          %dma_wait3A_88 = tpu.memref_squeeze %dma_wait3A_87 : memref<1x20x125xi32, #tpu.memory_space<hbm>> -> memref<20x125xi32, #tpu.memory_space<hbm>>
          tpu.wait_dma2 semaphore(%run_scoped3A : memref<!tpu.dma_semaphore, #tpu.memory_space<semaphore_mem>>) src(%dma_wait3A_88 : memref<20x125xi32, #tpu.memory_space<hbm>>) dst(%arg14 : memref<20x125xi32, #tpu.memory_space<vmem>>)
          tpu.yield
        }) : () -> ()
        %mul3A_45 = arith.constant 20 : i32
        %mul3A_46 = arith.muli %scan3A_43, %mul3A_45 : i32
        "tpu.region"() ({
          %run_scoped3A = tpu.sem_alloc : memref<!tpu.dma_semaphore, #tpu.memory_space<semaphore_mem>>
          %dma_start3A_77 = arith.constant 0 : i32
          %dma_start3A_78 = tpu.memref_slice %arg7[%arg1, %mul3A_46, %dma_start3A_77] : memref<16x160x125xi32, #tpu.memory_space<hbm>> -> memref<1x20x125xi32, #tpu.memory_space<hbm>>
          %dma_start3A_79 = tpu.memref_squeeze %dma_start3A_78 : memref<1x20x125xi32, #tpu.memory_space<hbm>> -> memref<20x125xi32, #tpu.memory_space<hbm>>
          %dma_start3A_80 = arith.constant 0 : i32
          %dma_start3A_81 = tpu.memref_slice %arg7[%arg1, %mul3A_46, %dma_start3A_80] : memref<16x160x125xi32, #tpu.memory_space<hbm>> -> memref<1x20x125xi32, #tpu.memory_space<hbm>>
          %dma_start3A_82 = tpu.memref_squeeze %dma_start3A_81 : memref<1x20x125xi32, #tpu.memory_space<hbm>> -> memref<20x125xi32, #tpu.memory_space<hbm>>
          tpu.enqueue_dma source(%dma_start3A_82 : memref<20x125xi32, #tpu.memory_space<hbm>>) target(%arg15 : memref<20x125xi32, #tpu.memory_space<vmem>>) target_semaphore(%run_scoped3A : memref<!tpu.dma_semaphore, #tpu.memory_space<semaphore_mem>>)
          %dma_wait3A_83 = arith.constant 0 : i32
          %dma_wait3A_84 = tpu.memref_slice %arg7[%arg1, %mul3A_46, %dma_wait3A_83] : memref<16x160x125xi32, #tpu.memory_space<hbm>> -> memref<1x20x125xi32, #tpu.memory_space<hbm>>
          %dma_wait3A_85 = tpu.memref_squeeze %dma_wait3A_84 : memref<1x20x125xi32, #tpu.memory_space<hbm>> -> memref<20x125xi32, #tpu.memory_space<hbm>>
          %dma_wait3A_86 = arith.constant 0 : i32
          %dma_wait3A_87 = tpu.memref_slice %arg7[%arg1, %mul3A_46, %dma_wait3A_86] : memref<16x160x125xi32, #tpu.memory_space<hbm>> -> memref<1x20x125xi32, #tpu.memory_space<hbm>>
          %dma_wait3A_88 = tpu.memref_squeeze %dma_wait3A_87 : memref<1x20x125xi32, #tpu.memory_space<hbm>> -> memref<20x125xi32, #tpu.memory_space<hbm>>
          tpu.wait_dma2 semaphore(%run_scoped3A : memref<!tpu.dma_semaphore, #tpu.memory_space<semaphore_mem>>) src(%dma_wait3A_88 : memref<20x125xi32, #tpu.memory_space<hbm>>) dst(%arg15 : memref<20x125xi32, #tpu.memory_space<vmem>>)
          tpu.yield
        }) : () -> ()
        %dma_start3A = arith.constant 0 : i32
        %dma_start3A_47 = arith.constant 0 : i32
        %dma_start3A_48 = arith.constant 0 : i32
        %dma_start3A_49 = arith.constant 0 : i32
        %dma_start3A_50 = tpu.memref_slice %arg16[%dma_start3A_48, %dma_start3A_49] : memref<250x32xf32, #tpu.memory_space<vmem>> -> memref<125x32xf32, #tpu.memory_space<vmem>>
        %dma_start3A_51 = arith.constant 0 : i32
        %dma_start3A_52 = tpu.memref_slice %arg14[%dma_start3A, %dma_start3A_51] : memref<20x125xi32, #tpu.memory_space<vmem>> -> memref<1x125xi32, #tpu.memory_space<vmem>>
        %dma_start3A_53 = tpu.memref_squeeze %dma_start3A_52 : memref<1x125xi32, #tpu.memory_space<vmem>> -> memref<125xi32, #tpu.memory_space<vmem>>
        %dma_start3A_54 = arith.constant 0 : i32
        %dma_start3A_55 = arith.constant 0 : i32
        %dma_start3A_56 = tpu.memref_slice %arg3[%dma_start3A_54, %dma_start3A_55] : memref<40000x32xf32, #tpu.memory_space<hbm>> -> memref<40000x32xf32, #tpu.memory_space<hbm>>
        %dma_start3A_57 = tpu.memref_slice %arg17[%dma_start3A_47] : memref<2x!tpu.dma_semaphore, #tpu.memory_space<semaphore_mem>> -> memref<1x!tpu.dma_semaphore, #tpu.memory_space<semaphore_mem>>
        %dma_start3A_58 = tpu.memref_squeeze %dma_start3A_57 : memref<1x!tpu.dma_semaphore, #tpu.memory_space<semaphore_mem>> -> memref<!tpu.dma_semaphore, #tpu.memory_space<semaphore_mem>>
        tpu.enqueue_indirect_dma source(%dma_start3A_56 : memref<40000x32xf32, #tpu.memory_space<hbm>>) target(%dma_start3A_50 : memref<125x32xf32, #tpu.memory_space<vmem>>) offsets(%dma_start3A_53 : memref<125xi32, #tpu.memory_space<vmem>>) semaphore(%dma_start3A_58 : memref<!tpu.dma_semaphore, #tpu.memory_space<semaphore_mem>>)
        %scan3A_59 = arith.constant 0 : i32
        %scan3A_60 = arith.constant 0 : i32
        %scan3A_61 = arith.constant 20 : i32
        %scan3A_62 = arith.addi %scan3A_60, %scan3A_61 : i32
        %scan3A_63 = arith.constant 1 : i32
        scf.for %scan3A_77 = %scan3A_60 to %scan3A_62 step %scan3A_63  : i32 {
          %rem3A = arith.constant 2 : i32
          %rem3A_78 = arith.remsi %scan3A_77, %rem3A : i32
          %sub3A = arith.constant 1 : i32
          %sub3A_79 = arith.subi %sub3A, %rem3A_78 : i32
          %ge3A = arith.constant 1 : i32
          %ge3A_80 = arith.cmpi sge, %scan3A_77, %ge3A : i32
          %convert_element_type3A_81 = arith.extui %ge3A_80 : i1 to i32
          %cond3A_82 = arith.constant 0 : i32
          %cond3A_83 = arith.cmpi ne, %convert_element_type3A_81, %cond3A_82 : i32
          scf.if %cond3A_83 {
            %sub3A_114 = arith.constant 1 : i32
            %sub3A_115 = arith.subi %scan3A_77, %sub3A_114 : i32
            %mul3A_116 = arith.constant 125 : i32
            %mul3A_117 = arith.muli %sub3A_79, %mul3A_116 : i32
            %dma_wait3A_118 = arith.constant 0 : i32
            %dma_wait3A_119 = tpu.memref_slice %arg16[%mul3A_117, %dma_wait3A_118] : memref<250x32xf32, #tpu.memory_space<vmem>> -> memref<125x32xf32, #tpu.memory_space<vmem>>
            %dma_wait3A_120 = arith.constant 0 : i32
            %dma_wait3A_121 = tpu.memref_slice %arg15[%sub3A_115, %dma_wait3A_120] : memref<20x125xi32, #tpu.memory_space<vmem>> -> memref<1x125xi32, #tpu.memory_space<vmem>>
            %dma_wait3A_122 = tpu.memref_squeeze %dma_wait3A_121 : memref<1x125xi32, #tpu.memory_space<vmem>> -> memref<125xi32, #tpu.memory_space<vmem>>
            %dma_wait3A_123 = arith.constant 0 : i32
            %dma_wait3A_124 = arith.constant 0 : i32
            %dma_wait3A_125 = tpu.memref_slice %arg13[%dma_wait3A_123, %dma_wait3A_124] : memref<40000x32xf32, #tpu.memory_space<vmem_shared>> -> memref<40000x32xf32, #tpu.memory_space<vmem_shared>>
            %dma_wait3A_126 = tpu.memref_slice %arg18[%sub3A_79] : memref<2x!tpu.dma_semaphore, #tpu.memory_space<semaphore_mem>> -> memref<1x!tpu.dma_semaphore, #tpu.memory_space<semaphore_mem>>
            %dma_wait3A_127 = tpu.memref_squeeze %dma_wait3A_126 : memref<1x!tpu.dma_semaphore, #tpu.memory_space<semaphore_mem>> -> memref<!tpu.dma_semaphore, #tpu.memory_space<semaphore_mem>>
            tpu.wait_indirect_dma semaphore(%dma_wait3A_127 : memref<!tpu.dma_semaphore, #tpu.memory_space<semaphore_mem>>) src(%dma_wait3A_119 : memref<125x32xf32, #tpu.memory_space<vmem>>) dst(%dma_wait3A_125 : memref<40000x32xf32, #tpu.memory_space<vmem_shared>>)
          } else {
          }
          %add3A = arith.constant 1 : i32
          %add3A_84 = arith.addi %scan3A_77, %add3A : i32
          %lt3A_85 = arith.constant 20 : i32
          %lt3A_86 = arith.cmpi slt, %add3A_84, %lt3A_85 : i32
          %convert_element_type3A_87 = arith.extui %lt3A_86 : i1 to i32
          %cond3A_88 = arith.constant 0 : i32
          %cond3A_89 = arith.cmpi ne, %convert_element_type3A_87, %cond3A_88 : i32
          scf.if %cond3A_89 {
            %add3A_114 = arith.constant 1 : i32
            %add3A_115 = arith.addi %scan3A_77, %add3A_114 : i32
            %mul3A_116 = arith.constant 125 : i32
            %mul3A_117 = arith.muli %sub3A_79, %mul3A_116 : i32
            %dma_start3A_118 = arith.constant 0 : i32
            %dma_start3A_119 = tpu.memref_slice %arg16[%mul3A_117, %dma_start3A_118] : memref<250x32xf32, #tpu.memory_space<vmem>> -> memref<125x32xf32, #tpu.memory_space<vmem>>
            %dma_start3A_120 = arith.constant 0 : i32
            %dma_start3A_121 = tpu.memref_slice %arg14[%add3A_115, %dma_start3A_120] : memref<20x125xi32, #tpu.memory_space<vmem>> -> memref<1x125xi32, #tpu.memory_space<vmem>>
            %dma_start3A_122 = tpu.memref_squeeze %dma_start3A_121 : memref<1x125xi32, #tpu.memory_space<vmem>> -> memref<125xi32, #tpu.memory_space<vmem>>
            %dma_start3A_123 = arith.constant 0 : i32
            %dma_start3A_124 = arith.constant 0 : i32
            %dma_start3A_125 = tpu.memref_slice %arg3[%dma_start3A_123, %dma_start3A_124] : memref<40000x32xf32, #tpu.memory_space<hbm>> -> memref<40000x32xf32, #tpu.memory_space<hbm>>
            %dma_start3A_126 = tpu.memref_slice %arg17[%sub3A_79] : memref<2x!tpu.dma_semaphore, #tpu.memory_space<semaphore_mem>> -> memref<1x!tpu.dma_semaphore, #tpu.memory_space<semaphore_mem>>
            %dma_start3A_127 = tpu.memref_squeeze %dma_start3A_126 : memref<1x!tpu.dma_semaphore, #tpu.memory_space<semaphore_mem>> -> memref<!tpu.dma_semaphore, #tpu.memory_space<semaphore_mem>>
            tpu.enqueue_indirect_dma source(%dma_start3A_125 : memref<40000x32xf32, #tpu.memory_space<hbm>>) target(%dma_start3A_119 : memref<125x32xf32, #tpu.memory_space<vmem>>) offsets(%dma_start3A_122 : memref<125xi32, #tpu.memory_space<vmem>>) semaphore(%dma_start3A_127 : memref<!tpu.dma_semaphore, #tpu.memory_space<semaphore_mem>>)
          } else {
          }
          %mul3A_90 = arith.constant 125 : i32
          %mul3A_91 = arith.muli %rem3A_78, %mul3A_90 : i32
          %dma_wait3A_92 = arith.constant 0 : i32
          %dma_wait3A_93 = tpu.memref_slice %arg16[%mul3A_91, %dma_wait3A_92] : memref<250x32xf32, #tpu.memory_space<vmem>> -> memref<125x32xf32, #tpu.memory_space<vmem>>
          %dma_wait3A_94 = arith.constant 0 : i32
          %dma_wait3A_95 = tpu.memref_slice %arg14[%scan3A_77, %dma_wait3A_94] : memref<20x125xi32, #tpu.memory_space<vmem>> -> memref<1x125xi32, #tpu.memory_space<vmem>>
          %dma_wait3A_96 = tpu.memref_squeeze %dma_wait3A_95 : memref<1x125xi32, #tpu.memory_space<vmem>> -> memref<125xi32, #tpu.memory_space<vmem>>
          %dma_wait3A_97 = arith.constant 0 : i32
          %dma_wait3A_98 = arith.constant 0 : i32
          %dma_wait3A_99 = tpu.memref_slice %arg3[%dma_wait3A_97, %dma_wait3A_98] : memref<40000x32xf32, #tpu.memory_space<hbm>> -> memref<40000x32xf32, #tpu.memory_space<hbm>>
          %dma_wait3A_100 = tpu.memref_slice %arg17[%rem3A_78] : memref<2x!tpu.dma_semaphore, #tpu.memory_space<semaphore_mem>> -> memref<1x!tpu.dma_semaphore, #tpu.memory_space<semaphore_mem>>
          %dma_wait3A_101 = tpu.memref_squeeze %dma_wait3A_100 : memref<1x!tpu.dma_semaphore, #tpu.memory_space<semaphore_mem>> -> memref<!tpu.dma_semaphore, #tpu.memory_space<semaphore_mem>>
          tpu.wait_indirect_dma semaphore(%dma_wait3A_101 : memref<!tpu.dma_semaphore, #tpu.memory_space<semaphore_mem>>) src(%dma_wait3A_99 : memref<40000x32xf32, #tpu.memory_space<hbm>>) dst(%dma_wait3A_93 : memref<125x32xf32, #tpu.memory_space<vmem>>)
          %mul3A_102 = arith.constant 125 : i32
          %mul3A_103 = arith.muli %rem3A_78, %mul3A_102 : i32
          %dma_start3A_104 = arith.constant 0 : i32
          %dma_start3A_105 = tpu.memref_slice %arg16[%mul3A_103, %dma_start3A_104] : memref<250x32xf32, #tpu.memory_space<vmem>> -> memref<125x32xf32, #tpu.memory_space<vmem>>
          %dma_start3A_106 = arith.constant 0 : i32
          %dma_start3A_107 = tpu.memref_slice %arg15[%scan3A_77, %dma_start3A_106] : memref<20x125xi32, #tpu.memory_space<vmem>> -> memref<1x125xi32, #tpu.memory_space<vmem>>
          %dma_start3A_108 = tpu.memref_squeeze %dma_start3A_107 : memref<1x125xi32, #tpu.memory_space<vmem>> -> memref<125xi32, #tpu.memory_space<vmem>>
          %dma_start3A_109 = arith.constant 0 : i32
          %dma_start3A_110 = arith.constant 0 : i32
          %dma_start3A_111 = tpu.memref_slice %arg13[%dma_start3A_109, %dma_start3A_110] : memref<40000x32xf32, #tpu.memory_space<vmem_shared>> -> memref<40000x32xf32, #tpu.memory_space<vmem_shared>>
          %dma_start3A_112 = tpu.memref_slice %arg18[%rem3A_78] : memref<2x!tpu.dma_semaphore, #tpu.memory_space<semaphore_mem>> -> memref<1x!tpu.dma_semaphore, #tpu.memory_space<semaphore_mem>>
          %dma_start3A_113 = tpu.memref_squeeze %dma_start3A_112 : memref<1x!tpu.dma_semaphore, #tpu.memory_space<semaphore_mem>> -> memref<!tpu.dma_semaphore, #tpu.memory_space<semaphore_mem>>
          tpu.enqueue_indirect_dma source(%dma_start3A_105 : memref<125x32xf32, #tpu.memory_space<vmem>>) target(%dma_start3A_111 : memref<40000x32xf32, #tpu.memory_space<vmem_shared>>) offsets(%dma_start3A_108 : memref<125xi32, #tpu.memory_space<vmem>>) semaphore(%dma_start3A_113 : memref<!tpu.dma_semaphore, #tpu.memory_space<semaphore_mem>>) {add = true}
        }
        %scan3A_64 = arith.constant 20 : i32
        %dma_wait3A = arith.constant 19 : i32
        %dma_wait3A_65 = arith.constant 1 : i32
        %dma_wait3A_66 = arith.constant 125 : i32
        %dma_wait3A_67 = arith.constant 0 : i32
        %dma_wait3A_68 = tpu.memref_slice %arg16[%dma_wait3A_66, %dma_wait3A_67] : memref<250x32xf32, #tpu.memory_space<vmem>> -> memref<125x32xf32, #tpu.memory_space<vmem>>
        %dma_wait3A_69 = arith.constant 0 : i32
        %dma_wait3A_70 = tpu.memref_slice %arg15[%dma_wait3A, %dma_wait3A_69] : memref<20x125xi32, #tpu.memory_space<vmem>> -> memref<1x125xi32, #tpu.memory_space<vmem>>
        %dma_wait3A_71 = tpu.memref_squeeze %dma_wait3A_70 : memref<1x125xi32, #tpu.memory_space<vmem>> -> memref<125xi32, #tpu.memory_space<vmem>>
        %dma_wait3A_72 = arith.constant 0 : i32
        %dma_wait3A_73 = arith.constant 0 : i32
        %dma_wait3A_74 = tpu.memref_slice %arg13[%dma_wait3A_72, %dma_wait3A_73] : memref<40000x32xf32, #tpu.memory_space<vmem_shared>> -> memref<40000x32xf32, #tpu.memory_space<vmem_shared>>
        %dma_wait3A_75 = tpu.memref_slice %arg18[%dma_wait3A_65] : memref<2x!tpu.dma_semaphore, #tpu.memory_space<semaphore_mem>> -> memref<1x!tpu.dma_semaphore, #tpu.memory_space<semaphore_mem>>
        %dma_wait3A_76 = tpu.memref_squeeze %dma_wait3A_75 : memref<1x!tpu.dma_semaphore, #tpu.memory_space<semaphore_mem>> -> memref<!tpu.dma_semaphore, #tpu.memory_space<semaphore_mem>>
        tpu.wait_indirect_dma semaphore(%dma_wait3A_76 : memref<!tpu.dma_semaphore, #tpu.memory_space<semaphore_mem>>) src(%dma_wait3A_68 : memref<125x32xf32, #tpu.memory_space<vmem>>) dst(%dma_wait3A_74 : memref<40000x32xf32, #tpu.memory_space<vmem_shared>>)
      }
      %scan3A_30 = arith.constant 8 : i32
      %barrier3A_31 = arith.constant 0 : index
      tpu.barrier barrier_id(%barrier3A_31)
      %lt3A_32 = arith.constant 15 : i32
      %lt3A_33 = arith.cmpi slt, %arg1, %lt3A_32 : i32
      %convert_element_type3A_34 = arith.extui %lt3A_33 : i1 to i32
      %cond3A_35 = arith.constant 0 : i32
      %cond3A_36 = arith.cmpi ne, %convert_element_type3A_34, %cond3A_35 : i32
      scf.if %cond3A_36 {
        %mul3A = arith.constant 2504 : i32
        %mul3A_43 = arith.muli %arg1, %mul3A : i32
        %mul3A_44 = arith.constant 2504 : i32
        %mul3A_45 = arith.muli %arg1, %mul3A_44 : i32
        "tpu.region"() ({
          %run_scoped3A = tpu.sem_alloc : memref<!tpu.dma_semaphore, #tpu.memory_space<semaphore_mem>>
          %dma_start3A = arith.constant 0 : i32
          %dma_start3A_46 = tpu.memref_slice %arg10[%mul3A_45, %dma_start3A] : memref<40000x32xf32, #tpu.memory_space<hbm>> -> memref<2504x32xf32, #tpu.memory_space<hbm>>
          %dma_start3A_47 = arith.constant 0 : i32
          %dma_start3A_48 = tpu.memref_slice %arg13[%mul3A_43, %dma_start3A_47] : memref<40000x32xf32, #tpu.memory_space<vmem_shared>> -> memref<2504x32xf32, #tpu.memory_space<vmem_shared>>
          tpu.enqueue_dma source(%dma_start3A_48 : memref<2504x32xf32, #tpu.memory_space<vmem_shared>>) target(%dma_start3A_46 : memref<2504x32xf32, #tpu.memory_space<hbm>>) target_semaphore(%run_scoped3A : memref<!tpu.dma_semaphore, #tpu.memory_space<semaphore_mem>>)
          %dma_wait3A = arith.constant 0 : i32
          %dma_wait3A_49 = tpu.memref_slice %arg10[%mul3A_45, %dma_wait3A] : memref<40000x32xf32, #tpu.memory_space<hbm>> -> memref<2504x32xf32, #tpu.memory_space<hbm>>
          %dma_wait3A_50 = arith.constant 0 : i32
          %dma_wait3A_51 = tpu.memref_slice %arg13[%mul3A_43, %dma_wait3A_50] : memref<40000x32xf32, #tpu.memory_space<vmem_shared>> -> memref<2504x32xf32, #tpu.memory_space<vmem_shared>>
          tpu.wait_dma2 semaphore(%run_scoped3A : memref<!tpu.dma_semaphore, #tpu.memory_space<semaphore_mem>>) src(%dma_wait3A_51 : memref<2504x32xf32, #tpu.memory_space<vmem_shared>>) dst(%dma_wait3A_49 : memref<2504x32xf32, #tpu.memory_space<hbm>>)
          tpu.yield
        }) : () -> ()
      } else {
      }
      %eq3A_37 = arith.constant 15 : i32
      %eq3A_38 = arith.cmpi eq, %arg1, %eq3A_37 : i32
      %convert_element_type3A_39 = arith.extui %eq3A_38 : i1 to i32
      %cond3A_40 = arith.constant 0 : i32
      %cond3A_41 = arith.cmpi ne, %convert_element_type3A_39, %cond3A_40 : i32
      scf.if %cond3A_41 {
        %mul3A = arith.constant 2504 : i32
        %mul3A_43 = arith.muli %arg1, %mul3A : i32
        %mul3A_44 = arith.constant 2504 : i32
        %mul3A_45 = arith.muli %arg1, %mul3A_44 : i32
        "tpu.region"() ({
          %run_scoped3A = tpu.sem_alloc : memref<!tpu.dma_semaphore, #tpu.memory_space<semaphore_mem>>
          %dma_start3A = arith.constant 0 : i32
          %dma_start3A_46 = tpu.memref_slice %arg10[%mul3A_45, %dma_start3A] : memref<40000x32xf32, #tpu.memory_space<hbm>> -> memref<2440x32xf32, #tpu.memory_space<hbm>>
          %dma_start3A_47 = arith.constant 0 : i32
          %dma_start3A_48 = tpu.memref_slice %arg13[%mul3A_43, %dma_start3A_47] : memref<40000x32xf32, #tpu.memory_space<vmem_shared>> -> memref<2440x32xf32, #tpu.memory_space<vmem_shared>>
          tpu.enqueue_dma source(%dma_start3A_48 : memref<2440x32xf32, #tpu.memory_space<vmem_shared>>) target(%dma_start3A_46 : memref<2440x32xf32, #tpu.memory_space<hbm>>) target_semaphore(%run_scoped3A : memref<!tpu.dma_semaphore, #tpu.memory_space<semaphore_mem>>)
          %dma_wait3A = arith.constant 0 : i32
          %dma_wait3A_49 = tpu.memref_slice %arg10[%mul3A_45, %dma_wait3A] : memref<40000x32xf32, #tpu.memory_space<hbm>> -> memref<2440x32xf32, #tpu.memory_space<hbm>>
          %dma_wait3A_50 = arith.constant 0 : i32
          %dma_wait3A_51 = tpu.memref_slice %arg13[%mul3A_43, %dma_wait3A_50] : memref<40000x32xf32, #tpu.memory_space<vmem_shared>> -> memref<2440x32xf32, #tpu.memory_space<vmem_shared>>
          tpu.wait_dma2 semaphore(%run_scoped3A : memref<!tpu.dma_semaphore, #tpu.memory_space<semaphore_mem>>) src(%dma_wait3A_51 : memref<2440x32xf32, #tpu.memory_space<vmem_shared>>) dst(%dma_wait3A_49 : memref<2440x32xf32, #tpu.memory_space<hbm>>)
          tpu.yield
        }) : () -> ()
      } else {
      }
      %barrier3A_42 = arith.constant 0 : index
      tpu.barrier barrier_id(%barrier3A_42)
    } else {
    }
    %eq3A_12 = arith.constant 1 : i32
    %eq3A_13 = arith.cmpi eq, %arg0, %eq3A_12 : i32
    %convert_element_type3A_14 = arith.extui %eq3A_13 : i1 to i32
    %cond3A_15 = arith.constant 0 : i32
    %cond3A_16 = arith.cmpi ne, %convert_element_type3A_14, %cond3A_15 : i32
    scf.if %cond3A_16 {
      %lt3A = arith.constant 15 : i32
      %lt3A_17 = arith.cmpi slt, %arg1, %lt3A : i32
      %convert_element_type3A_18 = arith.extui %lt3A_17 : i1 to i32
      %cond3A_19 = arith.constant 0 : i32
      %cond3A_20 = arith.cmpi ne, %convert_element_type3A_18, %cond3A_19 : i32
      scf.if %cond3A_20 {
        %mul3A = arith.constant 2504 : i32
        %mul3A_43 = arith.muli %arg1, %mul3A : i32
        "tpu.region"() ({
          %run_scoped3A = tpu.sem_alloc : memref<!tpu.dma_semaphore, #tpu.memory_space<semaphore_mem>>
          %dma_start3A = arith.constant 0 : i32
          %dma_start3A_44 = tpu.memref_slice %arg13[%mul3A_43, %dma_start3A] : memref<40000x32xf32, #tpu.memory_space<vmem_shared>> -> memref<2504x32xf32, #tpu.memory_space<vmem_shared>>
          tpu.enqueue_dma source(%arg8 : memref<2504x32xf32, #tpu.memory_space<hbm>>) target(%dma_start3A_44 : memref<2504x32xf32, #tpu.memory_space<vmem_shared>>) target_semaphore(%run_scoped3A : memref<!tpu.dma_semaphore, #tpu.memory_space<semaphore_mem>>)
          %dma_wait3A = arith.constant 0 : i32
          %dma_wait3A_45 = tpu.memref_slice %arg13[%mul3A_43, %dma_wait3A] : memref<40000x32xf32, #tpu.memory_space<vmem_shared>> -> memref<2504x32xf32, #tpu.memory_space<vmem_shared>>
          tpu.wait_dma2 semaphore(%run_scoped3A : memref<!tpu.dma_semaphore, #tpu.memory_space<semaphore_mem>>) src(%arg8 : memref<2504x32xf32, #tpu.memory_space<hbm>>) dst(%dma_wait3A_45 : memref<2504x32xf32, #tpu.memory_space<vmem_shared>>)
          tpu.yield
        }) : () -> ()
      } else {
      }
      %eq3A_21 = arith.constant 15 : i32
      %eq3A_22 = arith.cmpi eq, %arg1, %eq3A_21 : i32
      %convert_element_type3A_23 = arith.extui %eq3A_22 : i1 to i32
      %cond3A_24 = arith.constant 0 : i32
      %cond3A_25 = arith.cmpi ne, %convert_element_type3A_23, %cond3A_24 : i32
      scf.if %cond3A_25 {
        %mul3A = arith.constant 2504 : i32
        %mul3A_43 = arith.muli %arg1, %mul3A : i32
        "tpu.region"() ({
          %run_scoped3A = tpu.sem_alloc : memref<!tpu.dma_semaphore, #tpu.memory_space<semaphore_mem>>
          %dma_start3A = arith.constant 0 : i32
          %dma_start3A_44 = tpu.memref_slice %arg13[%mul3A_43, %dma_start3A] : memref<40000x32xf32, #tpu.memory_space<vmem_shared>> -> memref<2440x32xf32, #tpu.memory_space<vmem_shared>>
          %dma_start3A_45 = arith.constant 0 : i32
          %dma_start3A_46 = arith.constant 0 : i32
          %dma_start3A_47 = tpu.memref_slice %arg8[%dma_start3A_45, %dma_start3A_46] : memref<2504x32xf32, #tpu.memory_space<hbm>> -> memref<2440x32xf32, #tpu.memory_space<hbm>>
          tpu.enqueue_dma source(%dma_start3A_47 : memref<2440x32xf32, #tpu.memory_space<hbm>>) target(%dma_start3A_44 : memref<2440x32xf32, #tpu.memory_space<vmem_shared>>) target_semaphore(%run_scoped3A : memref<!tpu.dma_semaphore, #tpu.memory_space<semaphore_mem>>)
          %dma_wait3A = arith.constant 0 : i32
          %dma_wait3A_48 = tpu.memref_slice %arg13[%mul3A_43, %dma_wait3A] : memref<40000x32xf32, #tpu.memory_space<vmem_shared>> -> memref<2440x32xf32, #tpu.memory_space<vmem_shared>>
          %dma_wait3A_49 = arith.constant 0 : i32
          %dma_wait3A_50 = arith.constant 0 : i32
          %dma_wait3A_51 = tpu.memref_slice %arg8[%dma_wait3A_49, %dma_wait3A_50] : memref<2504x32xf32, #tpu.memory_space<hbm>> -> memref<2440x32xf32, #tpu.memory_space<hbm>>
          tpu.wait_dma2 semaphore(%run_scoped3A : memref<!tpu.dma_semaphore, #tpu.memory_space<semaphore_mem>>) src(%dma_wait3A_51 : memref<2440x32xf32, #tpu.memory_space<hbm>>) dst(%dma_wait3A_48 : memref<2440x32xf32, #tpu.memory_space<vmem_shared>>)
          tpu.yield
        }) : () -> ()
      } else {
      }
      %barrier3A = arith.constant 0 : index
      tpu.barrier barrier_id(%barrier3A)
      %scan3A = arith.constant 0 : i32
      %scan3A_26 = arith.constant 0 : i32
      %scan3A_27 = arith.constant 8 : i32
      %scan3A_28 = arith.addi %scan3A_26, %scan3A_27 : i32
      %scan3A_29 = arith.constant 1 : i32
      scf.for %scan3A_43 = %scan3A_26 to %scan3A_28 step %scan3A_29  : i32 {
        %mul3A = arith.constant 20 : i32
        %mul3A_44 = arith.muli %scan3A_43, %mul3A : i32
        "tpu.region"() ({
          %run_scoped3A = tpu.sem_alloc : memref<!tpu.dma_semaphore, #tpu.memory_space<semaphore_mem>>
          %dma_start3A_77 = arith.constant 0 : i32
          %dma_start3A_78 = tpu.memref_slice %arg6[%arg1, %mul3A_44, %dma_start3A_77] : memref<16x160x125xi32, #tpu.memory_space<hbm>> -> memref<1x20x125xi32, #tpu.memory_space<hbm>>
          %dma_start3A_79 = tpu.memref_squeeze %dma_start3A_78 : memref<1x20x125xi32, #tpu.memory_space<hbm>> -> memref<20x125xi32, #tpu.memory_space<hbm>>
          %dma_start3A_80 = arith.constant 0 : i32
          %dma_start3A_81 = tpu.memref_slice %arg6[%arg1, %mul3A_44, %dma_start3A_80] : memref<16x160x125xi32, #tpu.memory_space<hbm>> -> memref<1x20x125xi32, #tpu.memory_space<hbm>>
          %dma_start3A_82 = tpu.memref_squeeze %dma_start3A_81 : memref<1x20x125xi32, #tpu.memory_space<hbm>> -> memref<20x125xi32, #tpu.memory_space<hbm>>
          tpu.enqueue_dma source(%dma_start3A_82 : memref<20x125xi32, #tpu.memory_space<hbm>>) target(%arg14 : memref<20x125xi32, #tpu.memory_space<vmem>>) target_semaphore(%run_scoped3A : memref<!tpu.dma_semaphore, #tpu.memory_space<semaphore_mem>>)
          %dma_wait3A_83 = arith.constant 0 : i32
          %dma_wait3A_84 = tpu.memref_slice %arg6[%arg1, %mul3A_44, %dma_wait3A_83] : memref<16x160x125xi32, #tpu.memory_space<hbm>> -> memref<1x20x125xi32, #tpu.memory_space<hbm>>
          %dma_wait3A_85 = tpu.memref_squeeze %dma_wait3A_84 : memref<1x20x125xi32, #tpu.memory_space<hbm>> -> memref<20x125xi32, #tpu.memory_space<hbm>>
          %dma_wait3A_86 = arith.constant 0 : i32
          %dma_wait3A_87 = tpu.memref_slice %arg6[%arg1, %mul3A_44, %dma_wait3A_86] : memref<16x160x125xi32, #tpu.memory_space<hbm>> -> memref<1x20x125xi32, #tpu.memory_space<hbm>>
          %dma_wait3A_88 = tpu.memref_squeeze %dma_wait3A_87 : memref<1x20x125xi32, #tpu.memory_space<hbm>> -> memref<20x125xi32, #tpu.memory_space<hbm>>
          tpu.wait_dma2 semaphore(%run_scoped3A : memref<!tpu.dma_semaphore, #tpu.memory_space<semaphore_mem>>) src(%dma_wait3A_88 : memref<20x125xi32, #tpu.memory_space<hbm>>) dst(%arg14 : memref<20x125xi32, #tpu.memory_space<vmem>>)
          tpu.yield
        }) : () -> ()
        %mul3A_45 = arith.constant 20 : i32
        %mul3A_46 = arith.muli %scan3A_43, %mul3A_45 : i32
        "tpu.region"() ({
          %run_scoped3A = tpu.sem_alloc : memref<!tpu.dma_semaphore, #tpu.memory_space<semaphore_mem>>
          %dma_start3A_77 = arith.constant 0 : i32
          %dma_start3A_78 = tpu.memref_slice %arg7[%arg1, %mul3A_46, %dma_start3A_77] : memref<16x160x125xi32, #tpu.memory_space<hbm>> -> memref<1x20x125xi32, #tpu.memory_space<hbm>>
          %dma_start3A_79 = tpu.memref_squeeze %dma_start3A_78 : memref<1x20x125xi32, #tpu.memory_space<hbm>> -> memref<20x125xi32, #tpu.memory_space<hbm>>
          %dma_start3A_80 = arith.constant 0 : i32
          %dma_start3A_81 = tpu.memref_slice %arg7[%arg1, %mul3A_46, %dma_start3A_80] : memref<16x160x125xi32, #tpu.memory_space<hbm>> -> memref<1x20x125xi32, #tpu.memory_space<hbm>>
          %dma_start3A_82 = tpu.memref_squeeze %dma_start3A_81 : memref<1x20x125xi32, #tpu.memory_space<hbm>> -> memref<20x125xi32, #tpu.memory_space<hbm>>
          tpu.enqueue_dma source(%dma_start3A_82 : memref<20x125xi32, #tpu.memory_space<hbm>>) target(%arg15 : memref<20x125xi32, #tpu.memory_space<vmem>>) target_semaphore(%run_scoped3A : memref<!tpu.dma_semaphore, #tpu.memory_space<semaphore_mem>>)
          %dma_wait3A_83 = arith.constant 0 : i32
          %dma_wait3A_84 = tpu.memref_slice %arg7[%arg1, %mul3A_46, %dma_wait3A_83] : memref<16x160x125xi32, #tpu.memory_space<hbm>> -> memref<1x20x125xi32, #tpu.memory_space<hbm>>
          %dma_wait3A_85 = tpu.memref_squeeze %dma_wait3A_84 : memref<1x20x125xi32, #tpu.memory_space<hbm>> -> memref<20x125xi32, #tpu.memory_space<hbm>>
          %dma_wait3A_86 = arith.constant 0 : i32
          %dma_wait3A_87 = tpu.memref_slice %arg7[%arg1, %mul3A_46, %dma_wait3A_86] : memref<16x160x125xi32, #tpu.memory_space<hbm>> -> memref<1x20x125xi32, #tpu.memory_space<hbm>>
          %dma_wait3A_88 = tpu.memref_squeeze %dma_wait3A_87 : memref<1x20x125xi32, #tpu.memory_space<hbm>> -> memref<20x125xi32, #tpu.memory_space<hbm>>
          tpu.wait_dma2 semaphore(%run_scoped3A : memref<!tpu.dma_semaphore, #tpu.memory_space<semaphore_mem>>) src(%dma_wait3A_88 : memref<20x125xi32, #tpu.memory_space<hbm>>) dst(%arg15 : memref<20x125xi32, #tpu.memory_space<vmem>>)
          tpu.yield
        }) : () -> ()
        %dma_start3A = arith.constant 0 : i32
        %dma_start3A_47 = arith.constant 0 : i32
        %dma_start3A_48 = arith.constant 0 : i32
        %dma_start3A_49 = arith.constant 0 : i32
        %dma_start3A_50 = tpu.memref_slice %arg16[%dma_start3A_48, %dma_start3A_49] : memref<250x32xf32, #tpu.memory_space<vmem>> -> memref<125x32xf32, #tpu.memory_space<vmem>>
        %dma_start3A_51 = arith.constant 0 : i32
        %dma_start3A_52 = tpu.memref_slice %arg14[%dma_start3A, %dma_start3A_51] : memref<20x125xi32, #tpu.memory_space<vmem>> -> memref<1x125xi32, #tpu.memory_space<vmem>>
        %dma_start3A_53 = tpu.memref_squeeze %dma_start3A_52 : memref<1x125xi32, #tpu.memory_space<vmem>> -> memref<125xi32, #tpu.memory_space<vmem>>
        %dma_start3A_54 = arith.constant 0 : i32
        %dma_start3A_55 = arith.constant 0 : i32
        %dma_start3A_56 = tpu.memref_slice %arg5[%dma_start3A_54, %dma_start3A_55] : memref<40000x32xf32, #tpu.memory_space<hbm>> -> memref<40000x32xf32, #tpu.memory_space<hbm>>
        %dma_start3A_57 = tpu.memref_slice %arg17[%dma_start3A_47] : memref<2x!tpu.dma_semaphore, #tpu.memory_space<semaphore_mem>> -> memref<1x!tpu.dma_semaphore, #tpu.memory_space<semaphore_mem>>
        %dma_start3A_58 = tpu.memref_squeeze %dma_start3A_57 : memref<1x!tpu.dma_semaphore, #tpu.memory_space<semaphore_mem>> -> memref<!tpu.dma_semaphore, #tpu.memory_space<semaphore_mem>>
        tpu.enqueue_indirect_dma source(%dma_start3A_56 : memref<40000x32xf32, #tpu.memory_space<hbm>>) target(%dma_start3A_50 : memref<125x32xf32, #tpu.memory_space<vmem>>) offsets(%dma_start3A_53 : memref<125xi32, #tpu.memory_space<vmem>>) semaphore(%dma_start3A_58 : memref<!tpu.dma_semaphore, #tpu.memory_space<semaphore_mem>>)
        %scan3A_59 = arith.constant 0 : i32
        %scan3A_60 = arith.constant 0 : i32
        %scan3A_61 = arith.constant 20 : i32
        %scan3A_62 = arith.addi %scan3A_60, %scan3A_61 : i32
        %scan3A_63 = arith.constant 1 : i32
        scf.for %scan3A_77 = %scan3A_60 to %scan3A_62 step %scan3A_63  : i32 {
          %rem3A = arith.constant 2 : i32
          %rem3A_78 = arith.remsi %scan3A_77, %rem3A : i32
          %sub3A = arith.constant 1 : i32
          %sub3A_79 = arith.subi %sub3A, %rem3A_78 : i32
          %ge3A = arith.constant 1 : i32
          %ge3A_80 = arith.cmpi sge, %scan3A_77, %ge3A : i32
          %convert_element_type3A_81 = arith.extui %ge3A_80 : i1 to i32
          %cond3A_82 = arith.constant 0 : i32
          %cond3A_83 = arith.cmpi ne, %convert_element_type3A_81, %cond3A_82 : i32
          scf.if %cond3A_83 {
            %sub3A_114 = arith.constant 1 : i32
            %sub3A_115 = arith.subi %scan3A_77, %sub3A_114 : i32
            %mul3A_116 = arith.constant 125 : i32
            %mul3A_117 = arith.muli %sub3A_79, %mul3A_116 : i32
            %dma_wait3A_118 = arith.constant 0 : i32
            %dma_wait3A_119 = tpu.memref_slice %arg16[%mul3A_117, %dma_wait3A_118] : memref<250x32xf32, #tpu.memory_space<vmem>> -> memref<125x32xf32, #tpu.memory_space<vmem>>
            %dma_wait3A_120 = arith.constant 0 : i32
            %dma_wait3A_121 = tpu.memref_slice %arg15[%sub3A_115, %dma_wait3A_120] : memref<20x125xi32, #tpu.memory_space<vmem>> -> memref<1x125xi32, #tpu.memory_space<vmem>>
            %dma_wait3A_122 = tpu.memref_squeeze %dma_wait3A_121 : memref<1x125xi32, #tpu.memory_space<vmem>> -> memref<125xi32, #tpu.memory_space<vmem>>
            %dma_wait3A_123 = arith.constant 0 : i32
            %dma_wait3A_124 = arith.constant 0 : i32
            %dma_wait3A_125 = tpu.memref_slice %arg13[%dma_wait3A_123, %dma_wait3A_124] : memref<40000x32xf32, #tpu.memory_space<vmem_shared>> -> memref<40000x32xf32, #tpu.memory_space<vmem_shared>>
            %dma_wait3A_126 = tpu.memref_slice %arg18[%sub3A_79] : memref<2x!tpu.dma_semaphore, #tpu.memory_space<semaphore_mem>> -> memref<1x!tpu.dma_semaphore, #tpu.memory_space<semaphore_mem>>
            %dma_wait3A_127 = tpu.memref_squeeze %dma_wait3A_126 : memref<1x!tpu.dma_semaphore, #tpu.memory_space<semaphore_mem>> -> memref<!tpu.dma_semaphore, #tpu.memory_space<semaphore_mem>>
            tpu.wait_indirect_dma semaphore(%dma_wait3A_127 : memref<!tpu.dma_semaphore, #tpu.memory_space<semaphore_mem>>) src(%dma_wait3A_119 : memref<125x32xf32, #tpu.memory_space<vmem>>) dst(%dma_wait3A_125 : memref<40000x32xf32, #tpu.memory_space<vmem_shared>>)
          } else {
          }
          %add3A = arith.constant 1 : i32
          %add3A_84 = arith.addi %scan3A_77, %add3A : i32
          %lt3A_85 = arith.constant 20 : i32
          %lt3A_86 = arith.cmpi slt, %add3A_84, %lt3A_85 : i32
          %convert_element_type3A_87 = arith.extui %lt3A_86 : i1 to i32
          %cond3A_88 = arith.constant 0 : i32
          %cond3A_89 = arith.cmpi ne, %convert_element_type3A_87, %cond3A_88 : i32
          scf.if %cond3A_89 {
            %add3A_114 = arith.constant 1 : i32
            %add3A_115 = arith.addi %scan3A_77, %add3A_114 : i32
            %mul3A_116 = arith.constant 125 : i32
            %mul3A_117 = arith.muli %sub3A_79, %mul3A_116 : i32
            %dma_start3A_118 = arith.constant 0 : i32
            %dma_start3A_119 = tpu.memref_slice %arg16[%mul3A_117, %dma_start3A_118] : memref<250x32xf32, #tpu.memory_space<vmem>> -> memref<125x32xf32, #tpu.memory_space<vmem>>
            %dma_start3A_120 = arith.constant 0 : i32
            %dma_start3A_121 = tpu.memref_slice %arg14[%add3A_115, %dma_start3A_120] : memref<20x125xi32, #tpu.memory_space<vmem>> -> memref<1x125xi32, #tpu.memory_space<vmem>>
            %dma_start3A_122 = tpu.memref_squeeze %dma_start3A_121 : memref<1x125xi32, #tpu.memory_space<vmem>> -> memref<125xi32, #tpu.memory_space<vmem>>
            %dma_start3A_123 = arith.constant 0 : i32
            %dma_start3A_124 = arith.constant 0 : i32
            %dma_start3A_125 = tpu.memref_slice %arg5[%dma_start3A_123, %dma_start3A_124] : memref<40000x32xf32, #tpu.memory_space<hbm>> -> memref<40000x32xf32, #tpu.memory_space<hbm>>
            %dma_start3A_126 = tpu.memref_slice %arg17[%sub3A_79] : memref<2x!tpu.dma_semaphore, #tpu.memory_space<semaphore_mem>> -> memref<1x!tpu.dma_semaphore, #tpu.memory_space<semaphore_mem>>
            %dma_start3A_127 = tpu.memref_squeeze %dma_start3A_126 : memref<1x!tpu.dma_semaphore, #tpu.memory_space<semaphore_mem>> -> memref<!tpu.dma_semaphore, #tpu.memory_space<semaphore_mem>>
            tpu.enqueue_indirect_dma source(%dma_start3A_125 : memref<40000x32xf32, #tpu.memory_space<hbm>>) target(%dma_start3A_119 : memref<125x32xf32, #tpu.memory_space<vmem>>) offsets(%dma_start3A_122 : memref<125xi32, #tpu.memory_space<vmem>>) semaphore(%dma_start3A_127 : memref<!tpu.dma_semaphore, #tpu.memory_space<semaphore_mem>>)
          } else {
          }
          %mul3A_90 = arith.constant 125 : i32
          %mul3A_91 = arith.muli %rem3A_78, %mul3A_90 : i32
          %dma_wait3A_92 = arith.constant 0 : i32
          %dma_wait3A_93 = tpu.memref_slice %arg16[%mul3A_91, %dma_wait3A_92] : memref<250x32xf32, #tpu.memory_space<vmem>> -> memref<125x32xf32, #tpu.memory_space<vmem>>
          %dma_wait3A_94 = arith.constant 0 : i32
          %dma_wait3A_95 = tpu.memref_slice %arg14[%scan3A_77, %dma_wait3A_94] : memref<20x125xi32, #tpu.memory_space<vmem>> -> memref<1x125xi32, #tpu.memory_space<vmem>>
          %dma_wait3A_96 = tpu.memref_squeeze %dma_wait3A_95 : memref<1x125xi32, #tpu.memory_space<vmem>> -> memref<125xi32, #tpu.memory_space<vmem>>
          %dma_wait3A_97 = arith.constant 0 : i32
          %dma_wait3A_98 = arith.constant 0 : i32
          %dma_wait3A_99 = tpu.memref_slice %arg5[%dma_wait3A_97, %dma_wait3A_98] : memref<40000x32xf32, #tpu.memory_space<hbm>> -> memref<40000x32xf32, #tpu.memory_space<hbm>>
          %dma_wait3A_100 = tpu.memref_slice %arg17[%rem3A_78] : memref<2x!tpu.dma_semaphore, #tpu.memory_space<semaphore_mem>> -> memref<1x!tpu.dma_semaphore, #tpu.memory_space<semaphore_mem>>
          %dma_wait3A_101 = tpu.memref_squeeze %dma_wait3A_100 : memref<1x!tpu.dma_semaphore, #tpu.memory_space<semaphore_mem>> -> memref<!tpu.dma_semaphore, #tpu.memory_space<semaphore_mem>>
          tpu.wait_indirect_dma semaphore(%dma_wait3A_101 : memref<!tpu.dma_semaphore, #tpu.memory_space<semaphore_mem>>) src(%dma_wait3A_99 : memref<40000x32xf32, #tpu.memory_space<hbm>>) dst(%dma_wait3A_93 : memref<125x32xf32, #tpu.memory_space<vmem>>)
          %mul3A_102 = arith.constant 125 : i32
          %mul3A_103 = arith.muli %rem3A_78, %mul3A_102 : i32
          %dma_start3A_104 = arith.constant 0 : i32
          %dma_start3A_105 = tpu.memref_slice %arg16[%mul3A_103, %dma_start3A_104] : memref<250x32xf32, #tpu.memory_space<vmem>> -> memref<125x32xf32, #tpu.memory_space<vmem>>
          %dma_start3A_106 = arith.constant 0 : i32
          %dma_start3A_107 = tpu.memref_slice %arg15[%scan3A_77, %dma_start3A_106] : memref<20x125xi32, #tpu.memory_space<vmem>> -> memref<1x125xi32, #tpu.memory_space<vmem>>
          %dma_start3A_108 = tpu.memref_squeeze %dma_start3A_107 : memref<1x125xi32, #tpu.memory_space<vmem>> -> memref<125xi32, #tpu.memory_space<vmem>>
          %dma_start3A_109 = arith.constant 0 : i32
          %dma_start3A_110 = arith.constant 0 : i32
          %dma_start3A_111 = tpu.memref_slice %arg13[%dma_start3A_109, %dma_start3A_110] : memref<40000x32xf32, #tpu.memory_space<vmem_shared>> -> memref<40000x32xf32, #tpu.memory_space<vmem_shared>>
          %dma_start3A_112 = tpu.memref_slice %arg18[%rem3A_78] : memref<2x!tpu.dma_semaphore, #tpu.memory_space<semaphore_mem>> -> memref<1x!tpu.dma_semaphore, #tpu.memory_space<semaphore_mem>>
          %dma_start3A_113 = tpu.memref_squeeze %dma_start3A_112 : memref<1x!tpu.dma_semaphore, #tpu.memory_space<semaphore_mem>> -> memref<!tpu.dma_semaphore, #tpu.memory_space<semaphore_mem>>
          tpu.enqueue_indirect_dma source(%dma_start3A_105 : memref<125x32xf32, #tpu.memory_space<vmem>>) target(%dma_start3A_111 : memref<40000x32xf32, #tpu.memory_space<vmem_shared>>) offsets(%dma_start3A_108 : memref<125xi32, #tpu.memory_space<vmem>>) semaphore(%dma_start3A_113 : memref<!tpu.dma_semaphore, #tpu.memory_space<semaphore_mem>>) {add = true}
        }
        %scan3A_64 = arith.constant 20 : i32
        %dma_wait3A = arith.constant 19 : i32
        %dma_wait3A_65 = arith.constant 1 : i32
        %dma_wait3A_66 = arith.constant 125 : i32
        %dma_wait3A_67 = arith.constant 0 : i32
        %dma_wait3A_68 = tpu.memref_slice %arg16[%dma_wait3A_66, %dma_wait3A_67] : memref<250x32xf32, #tpu.memory_space<vmem>> -> memref<125x32xf32, #tpu.memory_space<vmem>>
        %dma_wait3A_69 = arith.constant 0 : i32
        %dma_wait3A_70 = tpu.memref_slice %arg15[%dma_wait3A, %dma_wait3A_69] : memref<20x125xi32, #tpu.memory_space<vmem>> -> memref<1x125xi32, #tpu.memory_space<vmem>>
        %dma_wait3A_71 = tpu.memref_squeeze %dma_wait3A_70 : memref<1x125xi32, #tpu.memory_space<vmem>> -> memref<125xi32, #tpu.memory_space<vmem>>
        %dma_wait3A_72 = arith.constant 0 : i32
        %dma_wait3A_73 = arith.constant 0 : i32
        %dma_wait3A_74 = tpu.memref_slice %arg13[%dma_wait3A_72, %dma_wait3A_73] : memref<40000x32xf32, #tpu.memory_space<vmem_shared>> -> memref<40000x32xf32, #tpu.memory_space<vmem_shared>>
        %dma_wait3A_75 = tpu.memref_slice %arg18[%dma_wait3A_65] : memref<2x!tpu.dma_semaphore, #tpu.memory_space<semaphore_mem>> -> memref<1x!tpu.dma_semaphore, #tpu.memory_space<semaphore_mem>>
        %dma_wait3A_76 = tpu.memref_squeeze %dma_wait3A_75 : memref<1x!tpu.dma_semaphore, #tpu.memory_space<semaphore_mem>> -> memref<!tpu.dma_semaphore, #tpu.memory_space<semaphore_mem>>
        tpu.wait_indirect_dma semaphore(%dma_wait3A_76 : memref<!tpu.dma_semaphore, #tpu.memory_space<semaphore_mem>>) src(%dma_wait3A_68 : memref<125x32xf32, #tpu.memory_space<vmem>>) dst(%dma_wait3A_74 : memref<40000x32xf32, #tpu.memory_space<vmem_shared>>)
      }
      %scan3A_30 = arith.constant 8 : i32
      %barrier3A_31 = arith.constant 0 : index
      tpu.barrier barrier_id(%barrier3A_31)
      %lt3A_32 = arith.constant 15 : i32
      %lt3A_33 = arith.cmpi slt, %arg1, %lt3A_32 : i32
      %convert_element_type3A_34 = arith.extui %lt3A_33 : i1 to i32
      %cond3A_35 = arith.constant 0 : i32
      %cond3A_36 = arith.cmpi ne, %convert_element_type3A_34, %cond3A_35 : i32
      scf.if %cond3A_36 {
        %mul3A = arith.constant 2504 : i32
        %mul3A_43 = arith.muli %arg1, %mul3A : i32
        %mul3A_44 = arith.constant 2504 : i32
        %mul3A_45 = arith.muli %arg1, %mul3A_44 : i32
        "tpu.region"() ({
          %run_scoped3A = tpu.sem_alloc : memref<!tpu.dma_semaphore, #tpu.memory_space<semaphore_mem>>
          %dma_start3A = arith.constant 0 : i32
          %dma_start3A_46 = tpu.memref_slice %arg12[%mul3A_45, %dma_start3A] : memref<40000x32xf32, #tpu.memory_space<hbm>> -> memref<2504x32xf32, #tpu.memory_space<hbm>>
          %dma_start3A_47 = arith.constant 0 : i32
          %dma_start3A_48 = tpu.memref_slice %arg13[%mul3A_43, %dma_start3A_47] : memref<40000x32xf32, #tpu.memory_space<vmem_shared>> -> memref<2504x32xf32, #tpu.memory_space<vmem_shared>>
          tpu.enqueue_dma source(%dma_start3A_48 : memref<2504x32xf32, #tpu.memory_space<vmem_shared>>) target(%dma_start3A_46 : memref<2504x32xf32, #tpu.memory_space<hbm>>) target_semaphore(%run_scoped3A : memref<!tpu.dma_semaphore, #tpu.memory_space<semaphore_mem>>)
          %dma_wait3A = arith.constant 0 : i32
          %dma_wait3A_49 = tpu.memref_slice %arg12[%mul3A_45, %dma_wait3A] : memref<40000x32xf32, #tpu.memory_space<hbm>> -> memref<2504x32xf32, #tpu.memory_space<hbm>>
          %dma_wait3A_50 = arith.constant 0 : i32
          %dma_wait3A_51 = tpu.memref_slice %arg13[%mul3A_43, %dma_wait3A_50] : memref<40000x32xf32, #tpu.memory_space<vmem_shared>> -> memref<2504x32xf32, #tpu.memory_space<vmem_shared>>
          tpu.wait_dma2 semaphore(%run_scoped3A : memref<!tpu.dma_semaphore, #tpu.memory_space<semaphore_mem>>) src(%dma_wait3A_51 : memref<2504x32xf32, #tpu.memory_space<vmem_shared>>) dst(%dma_wait3A_49 : memref<2504x32xf32, #tpu.memory_space<hbm>>)
          tpu.yield
        }) : () -> ()
      } else {
      }
      %eq3A_37 = arith.constant 15 : i32
      %eq3A_38 = arith.cmpi eq, %arg1, %eq3A_37 : i32
      %convert_element_type3A_39 = arith.extui %eq3A_38 : i1 to i32
      %cond3A_40 = arith.constant 0 : i32
      %cond3A_41 = arith.cmpi ne, %convert_element_type3A_39, %cond3A_40 : i32
      scf.if %cond3A_41 {
        %mul3A = arith.constant 2504 : i32
        %mul3A_43 = arith.muli %arg1, %mul3A : i32
        %mul3A_44 = arith.constant 2504 : i32
        %mul3A_45 = arith.muli %arg1, %mul3A_44 : i32
        "tpu.region"() ({
          %run_scoped3A = tpu.sem_alloc : memref<!tpu.dma_semaphore, #tpu.memory_space<semaphore_mem>>
          %dma_start3A = arith.constant 0 : i32
          %dma_start3A_46 = tpu.memref_slice %arg12[%mul3A_45, %dma_start3A] : memref<40000x32xf32, #tpu.memory_space<hbm>> -> memref<2440x32xf32, #tpu.memory_space<hbm>>
          %dma_start3A_47 = arith.constant 0 : i32
          %dma_start3A_48 = tpu.memref_slice %arg13[%mul3A_43, %dma_start3A_47] : memref<40000x32xf32, #tpu.memory_space<vmem_shared>> -> memref<2440x32xf32, #tpu.memory_space<vmem_shared>>
          tpu.enqueue_dma source(%dma_start3A_48 : memref<2440x32xf32, #tpu.memory_space<vmem_shared>>) target(%dma_start3A_46 : memref<2440x32xf32, #tpu.memory_space<hbm>>) target_semaphore(%run_scoped3A : memref<!tpu.dma_semaphore, #tpu.memory_space<semaphore_mem>>)
          %dma_wait3A = arith.constant 0 : i32
          %dma_wait3A_49 = tpu.memref_slice %arg12[%mul3A_45, %dma_wait3A] : memref<40000x32xf32, #tpu.memory_space<hbm>> -> memref<2440x32xf32, #tpu.memory_space<hbm>>
          %dma_wait3A_50 = arith.constant 0 : i32
          %dma_wait3A_51 = tpu.memref_slice %arg13[%mul3A_43, %dma_wait3A_50] : memref<40000x32xf32, #tpu.memory_space<vmem_shared>> -> memref<2440x32xf32, #tpu.memory_space<vmem_shared>>
          tpu.wait_dma2 semaphore(%run_scoped3A : memref<!tpu.dma_semaphore, #tpu.memory_space<semaphore_mem>>) src(%dma_wait3A_51 : memref<2440x32xf32, #tpu.memory_space<vmem_shared>>) dst(%dma_wait3A_49 : memref<2440x32xf32, #tpu.memory_space<hbm>>)
          tpu.yield
        }) : () -> ()
      } else {
      }
      %barrier3A_42 = arith.constant 0 : index
      tpu.barrier barrier_id(%barrier3A_42)
    } else {
    }
    return
  }
}

#map = affine_map<(d0, d1) -> (0, 0)>
module attributes {stable_mosaic.version = 14 : i64} {
  func.func @body(%arg0: i32, %arg1: i32, %arg2: memref<10000x128xf32, #tpu.memory_space<hbm>>, %arg3: memref<100x128xf32, #tpu.memory_space<hbm>>, %arg4: memref<512x80xi32, #tpu.memory_space<hbm>>, %arg5: memref<512x80xi32, #tpu.memory_space<hbm>>, %arg6: memref<40000x128xf32, #tpu.memory_space<hbm>>, %arg7: memref<40000x128xf32, #tpu.memory_space<hbm>>, %arg8: memref<16x80xi32, #tpu.memory_space<vmem>>, %arg9: memref<16x80xi32, #tpu.memory_space<vmem>>, %arg10: memref<160x128xf32, #tpu.memory_space<vmem>>, %arg11: memref<160x128xf32, #tpu.memory_space<vmem>>, %arg12: memref<2x!tpu.dma_semaphore, #tpu.memory_space<semaphore_mem>>, %arg13: memref<2x!tpu.dma_semaphore, #tpu.memory_space<semaphore_mem>>, %arg14: memref<2x!tpu.dma_semaphore, #tpu.memory_space<semaphore_mem>>, %arg15: memref<2x!tpu.dma_semaphore, #tpu.memory_space<semaphore_mem>>) attributes {dimension_semantics = [#tpu.dimension_semantics<core_parallel>, #tpu.dimension_semantics<subcore_parallel>], iteration_bounds = array<i64: 2, 16>, scalar_prefetch = 0 : i64, scratch_operands = 8 : i64, tpu.core_type = #tpu.core_type<sc_vector_subcore>, window_params = [{transform_indices = #map}, {transform_indices = #map}, {transform_indices = #map}, {transform_indices = #map}, {transform_indices = #map}, {transform_indices = #map}]} {
    %mul3A = arith.constant 16 : i32
    %mul3A_0 = arith.muli %arg0, %mul3A : i32
    %add3A = arith.addi %mul3A_0, %arg1 : i32
    %mul3A_1 = arith.constant 16 : i32
    %mul3A_2 = arith.muli %add3A, %mul3A_1 : i32
    "tpu.region"() ({
      %run_scoped3A = tpu.sem_alloc : memref<!tpu.dma_semaphore, #tpu.memory_space<semaphore_mem>>
      %dma_start3A_42 = arith.constant 0 : i32
      %dma_start3A_43 = tpu.memref_slice %arg4[%mul3A_2, %dma_start3A_42] : memref<512x80xi32, #tpu.memory_space<hbm>> -> memref<16x80xi32, #tpu.memory_space<hbm>>
      %dma_start3A_44 = arith.constant 0 : i32
      %dma_start3A_45 = tpu.memref_slice %arg4[%mul3A_2, %dma_start3A_44] : memref<512x80xi32, #tpu.memory_space<hbm>> -> memref<16x80xi32, #tpu.memory_space<hbm>>
      tpu.enqueue_dma source(%dma_start3A_45 : memref<16x80xi32, #tpu.memory_space<hbm>>) target(%arg8 : memref<16x80xi32, #tpu.memory_space<vmem>>) target_semaphore(%run_scoped3A : memref<!tpu.dma_semaphore, #tpu.memory_space<semaphore_mem>>)
      %dma_wait3A = arith.constant 0 : i32
      %dma_wait3A_46 = tpu.memref_slice %arg4[%mul3A_2, %dma_wait3A] : memref<512x80xi32, #tpu.memory_space<hbm>> -> memref<16x80xi32, #tpu.memory_space<hbm>>
      %dma_wait3A_47 = arith.constant 0 : i32
      %dma_wait3A_48 = tpu.memref_slice %arg4[%mul3A_2, %dma_wait3A_47] : memref<512x80xi32, #tpu.memory_space<hbm>> -> memref<16x80xi32, #tpu.memory_space<hbm>>
      tpu.wait_dma2 semaphore(%run_scoped3A : memref<!tpu.dma_semaphore, #tpu.memory_space<semaphore_mem>>) src(%dma_wait3A_48 : memref<16x80xi32, #tpu.memory_space<hbm>>) dst(%arg8 : memref<16x80xi32, #tpu.memory_space<vmem>>)
      tpu.yield
    }) : () -> ()
    %mul3A_3 = arith.constant 16 : i32
    %mul3A_4 = arith.muli %add3A, %mul3A_3 : i32
    "tpu.region"() ({
      %run_scoped3A = tpu.sem_alloc : memref<!tpu.dma_semaphore, #tpu.memory_space<semaphore_mem>>
      %dma_start3A_42 = arith.constant 0 : i32
      %dma_start3A_43 = tpu.memref_slice %arg5[%mul3A_4, %dma_start3A_42] : memref<512x80xi32, #tpu.memory_space<hbm>> -> memref<16x80xi32, #tpu.memory_space<hbm>>
      %dma_start3A_44 = arith.constant 0 : i32
      %dma_start3A_45 = tpu.memref_slice %arg5[%mul3A_4, %dma_start3A_44] : memref<512x80xi32, #tpu.memory_space<hbm>> -> memref<16x80xi32, #tpu.memory_space<hbm>>
      tpu.enqueue_dma source(%dma_start3A_45 : memref<16x80xi32, #tpu.memory_space<hbm>>) target(%arg9 : memref<16x80xi32, #tpu.memory_space<vmem>>) target_semaphore(%run_scoped3A : memref<!tpu.dma_semaphore, #tpu.memory_space<semaphore_mem>>)
      %dma_wait3A = arith.constant 0 : i32
      %dma_wait3A_46 = tpu.memref_slice %arg5[%mul3A_4, %dma_wait3A] : memref<512x80xi32, #tpu.memory_space<hbm>> -> memref<16x80xi32, #tpu.memory_space<hbm>>
      %dma_wait3A_47 = arith.constant 0 : i32
      %dma_wait3A_48 = tpu.memref_slice %arg5[%mul3A_4, %dma_wait3A_47] : memref<512x80xi32, #tpu.memory_space<hbm>> -> memref<16x80xi32, #tpu.memory_space<hbm>>
      tpu.wait_dma2 semaphore(%run_scoped3A : memref<!tpu.dma_semaphore, #tpu.memory_space<semaphore_mem>>) src(%dma_wait3A_48 : memref<16x80xi32, #tpu.memory_space<hbm>>) dst(%arg9 : memref<16x80xi32, #tpu.memory_space<vmem>>)
      tpu.yield
    }) : () -> ()
    %dma_start3A = arith.constant 0 : i32
    %dma_start3A_5 = arith.constant 0 : i32
    %dma_start3A_6 = arith.constant 0 : i32
    %dma_start3A_7 = arith.constant 0 : i32
    %dma_start3A_8 = tpu.memref_slice %arg10[%dma_start3A_6, %dma_start3A_7] : memref<160x128xf32, #tpu.memory_space<vmem>> -> memref<80x128xf32, #tpu.memory_space<vmem>>
    %dma_start3A_9 = arith.constant 0 : i32
    %dma_start3A_10 = tpu.memref_slice %arg8[%dma_start3A, %dma_start3A_9] : memref<16x80xi32, #tpu.memory_space<vmem>> -> memref<1x80xi32, #tpu.memory_space<vmem>>
    %dma_start3A_11 = tpu.memref_squeeze %dma_start3A_10 : memref<1x80xi32, #tpu.memory_space<vmem>> -> memref<80xi32, #tpu.memory_space<vmem>>
    %dma_start3A_12 = arith.constant 0 : i32
    %dma_start3A_13 = arith.constant 0 : i32
    %dma_start3A_14 = tpu.memref_slice %arg2[%dma_start3A_12, %dma_start3A_13] : memref<10000x128xf32, #tpu.memory_space<hbm>> -> memref<10000x128xf32, #tpu.memory_space<hbm>>
    %dma_start3A_15 = tpu.memref_slice %arg12[%dma_start3A_5] : memref<2x!tpu.dma_semaphore, #tpu.memory_space<semaphore_mem>> -> memref<1x!tpu.dma_semaphore, #tpu.memory_space<semaphore_mem>>
    %dma_start3A_16 = tpu.memref_squeeze %dma_start3A_15 : memref<1x!tpu.dma_semaphore, #tpu.memory_space<semaphore_mem>> -> memref<!tpu.dma_semaphore, #tpu.memory_space<semaphore_mem>>
    tpu.enqueue_indirect_dma source(%dma_start3A_14 : memref<10000x128xf32, #tpu.memory_space<hbm>>) target(%dma_start3A_8 : memref<80x128xf32, #tpu.memory_space<vmem>>) offsets(%dma_start3A_11 : memref<80xi32, #tpu.memory_space<vmem>>) semaphore(%dma_start3A_16 : memref<!tpu.dma_semaphore, #tpu.memory_space<semaphore_mem>>)
    %dma_start3A_17 = arith.constant 0 : i32
    %dma_start3A_18 = arith.constant 0 : i32
    %dma_start3A_19 = arith.constant 0 : i32
    %dma_start3A_20 = arith.constant 0 : i32
    %dma_start3A_21 = tpu.memref_slice %arg11[%dma_start3A_19, %dma_start3A_20] : memref<160x128xf32, #tpu.memory_space<vmem>> -> memref<80x128xf32, #tpu.memory_space<vmem>>
    %dma_start3A_22 = arith.constant 0 : i32
    %dma_start3A_23 = tpu.memref_slice %arg9[%dma_start3A_17, %dma_start3A_22] : memref<16x80xi32, #tpu.memory_space<vmem>> -> memref<1x80xi32, #tpu.memory_space<vmem>>
    %dma_start3A_24 = tpu.memref_squeeze %dma_start3A_23 : memref<1x80xi32, #tpu.memory_space<vmem>> -> memref<80xi32, #tpu.memory_space<vmem>>
    %dma_start3A_25 = arith.constant 0 : i32
    %dma_start3A_26 = arith.constant 0 : i32
    %dma_start3A_27 = tpu.memref_slice %arg3[%dma_start3A_25, %dma_start3A_26] : memref<100x128xf32, #tpu.memory_space<hbm>> -> memref<100x128xf32, #tpu.memory_space<hbm>>
    %dma_start3A_28 = tpu.memref_slice %arg13[%dma_start3A_18] : memref<2x!tpu.dma_semaphore, #tpu.memory_space<semaphore_mem>> -> memref<1x!tpu.dma_semaphore, #tpu.memory_space<semaphore_mem>>
    %dma_start3A_29 = tpu.memref_squeeze %dma_start3A_28 : memref<1x!tpu.dma_semaphore, #tpu.memory_space<semaphore_mem>> -> memref<!tpu.dma_semaphore, #tpu.memory_space<semaphore_mem>>
    tpu.enqueue_indirect_dma source(%dma_start3A_27 : memref<100x128xf32, #tpu.memory_space<hbm>>) target(%dma_start3A_21 : memref<80x128xf32, #tpu.memory_space<vmem>>) offsets(%dma_start3A_24 : memref<80xi32, #tpu.memory_space<vmem>>) semaphore(%dma_start3A_29 : memref<!tpu.dma_semaphore, #tpu.memory_space<semaphore_mem>>)
    %scan3A = arith.constant 0 : i32
    %scan3A_30 = arith.constant 0 : i32
    %scan3A_31 = arith.constant 16 : i32
    %scan3A_32 = arith.addi %scan3A_30, %scan3A_31 : i32
    %scan3A_33 = arith.constant 1 : i32
    scf.for %scan3A_42 = %scan3A_30 to %scan3A_32 step %scan3A_33  : i32 {
      %rem3A = arith.constant 2 : i32
      %rem3A_43 = arith.remsi %scan3A_42, %rem3A : i32
      %sub3A_44 = arith.constant 1 : i32
      %sub3A_45 = arith.subi %sub3A_44, %rem3A_43 : i32
      %mul3A_46 = arith.constant 16 : i32
      %mul3A_47 = arith.muli %add3A, %mul3A_46 : i32
      %add3A_48 = arith.addi %mul3A_47, %scan3A_42 : i32
      %ge3A = arith.constant 1 : i32
      %ge3A_49 = arith.cmpi sge, %scan3A_42, %ge3A : i32
      %sub3A_50 = arith.constant 1 : i32
      %sub3A_51 = arith.subi %add3A_48, %sub3A_50 : i32
      %lt3A_52 = arith.constant 500 : i32
      %lt3A_53 = arith.cmpi slt, %sub3A_51, %lt3A_52 : i32
      %and3A = arith.andi %ge3A_49, %lt3A_53 : i1
      %convert_element_type3A_54 = arith.extui %and3A : i1 to i32
      %cond3A_55 = arith.constant 0 : i32
      %cond3A_56 = arith.cmpi ne, %convert_element_type3A_54, %cond3A_55 : i32
      scf.if %cond3A_56 {
        %sub3A_74 = arith.constant 1 : i32
        %sub3A_75 = arith.subi %scan3A_42, %sub3A_74 : i32
        %mul3A_76 = arith.constant 16 : i32
        %mul3A_77 = arith.muli %add3A, %mul3A_76 : i32
        %add3A_78 = arith.addi %mul3A_77, %sub3A_75 : i32
        %mul3A_79 = arith.constant 80 : i32
        %mul3A_80 = arith.muli %add3A_78, %mul3A_79 : i32
        %mul3A_81 = arith.constant 80 : i32
        %mul3A_82 = arith.muli %sub3A_45, %mul3A_81 : i32
        %dma_wait3A = arith.constant 0 : i32
        %dma_wait3A_83 = tpu.memref_slice %arg10[%mul3A_82, %dma_wait3A] : memref<160x128xf32, #tpu.memory_space<vmem>> -> memref<80x128xf32, #tpu.memory_space<vmem>>
        %dma_wait3A_84 = arith.constant 0 : i32
        %dma_wait3A_85 = tpu.memref_slice %arg6[%mul3A_80, %dma_wait3A_84] : memref<40000x128xf32, #tpu.memory_space<hbm>> -> memref<80x128xf32, #tpu.memory_space<hbm>>
        %dma_wait3A_86 = tpu.memref_slice %arg14[%sub3A_45] : memref<2x!tpu.dma_semaphore, #tpu.memory_space<semaphore_mem>> -> memref<1x!tpu.dma_semaphore, #tpu.memory_space<semaphore_mem>>
        %dma_wait3A_87 = tpu.memref_squeeze %dma_wait3A_86 : memref<1x!tpu.dma_semaphore, #tpu.memory_space<semaphore_mem>> -> memref<!tpu.dma_semaphore, #tpu.memory_space<semaphore_mem>>
        %dma_wait3A_88 = arith.constant 0 : i32
        %dma_wait3A_89 = tpu.memref_slice %arg6[%mul3A_80, %dma_wait3A_88] : memref<40000x128xf32, #tpu.memory_space<hbm>> -> memref<80x128xf32, #tpu.memory_space<hbm>>
        %dma_wait3A_90 = arith.constant 0 : i32
        %dma_wait3A_91 = tpu.memref_slice %arg10[%mul3A_82, %dma_wait3A_90] : memref<160x128xf32, #tpu.memory_space<vmem>> -> memref<80x128xf32, #tpu.memory_space<vmem>>
        tpu.wait_dma2 semaphore(%dma_wait3A_87 : memref<!tpu.dma_semaphore, #tpu.memory_space<semaphore_mem>>) src(%dma_wait3A_91 : memref<80x128xf32, #tpu.memory_space<vmem>>) dst(%dma_wait3A_89 : memref<80x128xf32, #tpu.memory_space<hbm>>)
        %mul3A_92 = arith.constant 80 : i32
        %mul3A_93 = arith.muli %sub3A_45, %mul3A_92 : i32
        %dma_wait3A_94 = arith.constant 0 : i32
        %dma_wait3A_95 = tpu.memref_slice %arg11[%mul3A_93, %dma_wait3A_94] : memref<160x128xf32, #tpu.memory_space<vmem>> -> memref<80x128xf32, #tpu.memory_space<vmem>>
        %dma_wait3A_96 = arith.constant 0 : i32
        %dma_wait3A_97 = tpu.memref_slice %arg7[%mul3A_80, %dma_wait3A_96] : memref<40000x128xf32, #tpu.memory_space<hbm>> -> memref<80x128xf32, #tpu.memory_space<hbm>>
        %dma_wait3A_98 = tpu.memref_slice %arg15[%sub3A_45] : memref<2x!tpu.dma_semaphore, #tpu.memory_space<semaphore_mem>> -> memref<1x!tpu.dma_semaphore, #tpu.memory_space<semaphore_mem>>
        %dma_wait3A_99 = tpu.memref_squeeze %dma_wait3A_98 : memref<1x!tpu.dma_semaphore, #tpu.memory_space<semaphore_mem>> -> memref<!tpu.dma_semaphore, #tpu.memory_space<semaphore_mem>>
        %dma_wait3A_100 = arith.constant 0 : i32
        %dma_wait3A_101 = tpu.memref_slice %arg7[%mul3A_80, %dma_wait3A_100] : memref<40000x128xf32, #tpu.memory_space<hbm>> -> memref<80x128xf32, #tpu.memory_space<hbm>>
        %dma_wait3A_102 = arith.constant 0 : i32
        %dma_wait3A_103 = tpu.memref_slice %arg11[%mul3A_93, %dma_wait3A_102] : memref<160x128xf32, #tpu.memory_space<vmem>> -> memref<80x128xf32, #tpu.memory_space<vmem>>
        tpu.wait_dma2 semaphore(%dma_wait3A_99 : memref<!tpu.dma_semaphore, #tpu.memory_space<semaphore_mem>>) src(%dma_wait3A_103 : memref<80x128xf32, #tpu.memory_space<vmem>>) dst(%dma_wait3A_101 : memref<80x128xf32, #tpu.memory_space<hbm>>)
      } else {
      }
      %add3A_57 = arith.constant 1 : i32
      %add3A_58 = arith.addi %scan3A_42, %add3A_57 : i32
      %lt3A_59 = arith.constant 16 : i32
      %lt3A_60 = arith.cmpi slt, %add3A_58, %lt3A_59 : i32
      %add3A_61 = arith.constant 1 : i32
      %add3A_62 = arith.addi %add3A_48, %add3A_61 : i32
      %lt3A_63 = arith.constant 500 : i32
      %lt3A_64 = arith.cmpi slt, %add3A_62, %lt3A_63 : i32
      %and3A_65 = arith.andi %lt3A_60, %lt3A_64 : i1
      %convert_element_type3A_66 = arith.extui %and3A_65 : i1 to i32
      %cond3A_67 = arith.constant 0 : i32
      %cond3A_68 = arith.cmpi ne, %convert_element_type3A_66, %cond3A_67 : i32
      scf.if %cond3A_68 {
        %add3A_74 = arith.constant 1 : i32
        %add3A_75 = arith.addi %scan3A_42, %add3A_74 : i32
        %mul3A_76 = arith.constant 80 : i32
        %mul3A_77 = arith.muli %sub3A_45, %mul3A_76 : i32
        %dma_start3A_78 = arith.constant 0 : i32
        %dma_start3A_79 = tpu.memref_slice %arg10[%mul3A_77, %dma_start3A_78] : memref<160x128xf32, #tpu.memory_space<vmem>> -> memref<80x128xf32, #tpu.memory_space<vmem>>
        %dma_start3A_80 = arith.constant 0 : i32
        %dma_start3A_81 = tpu.memref_slice %arg8[%add3A_75, %dma_start3A_80] : memref<16x80xi32, #tpu.memory_space<vmem>> -> memref<1x80xi32, #tpu.memory_space<vmem>>
        %dma_start3A_82 = tpu.memref_squeeze %dma_start3A_81 : memref<1x80xi32, #tpu.memory_space<vmem>> -> memref<80xi32, #tpu.memory_space<vmem>>
        %dma_start3A_83 = arith.constant 0 : i32
        %dma_start3A_84 = arith.constant 0 : i32
        %dma_start3A_85 = tpu.memref_slice %arg2[%dma_start3A_83, %dma_start3A_84] : memref<10000x128xf32, #tpu.memory_space<hbm>> -> memref<10000x128xf32, #tpu.memory_space<hbm>>
        %dma_start3A_86 = tpu.memref_slice %arg12[%sub3A_45] : memref<2x!tpu.dma_semaphore, #tpu.memory_space<semaphore_mem>> -> memref<1x!tpu.dma_semaphore, #tpu.memory_space<semaphore_mem>>
        %dma_start3A_87 = tpu.memref_squeeze %dma_start3A_86 : memref<1x!tpu.dma_semaphore, #tpu.memory_space<semaphore_mem>> -> memref<!tpu.dma_semaphore, #tpu.memory_space<semaphore_mem>>
        tpu.enqueue_indirect_dma source(%dma_start3A_85 : memref<10000x128xf32, #tpu.memory_space<hbm>>) target(%dma_start3A_79 : memref<80x128xf32, #tpu.memory_space<vmem>>) offsets(%dma_start3A_82 : memref<80xi32, #tpu.memory_space<vmem>>) semaphore(%dma_start3A_87 : memref<!tpu.dma_semaphore, #tpu.memory_space<semaphore_mem>>)
        %mul3A_88 = arith.constant 80 : i32
        %mul3A_89 = arith.muli %sub3A_45, %mul3A_88 : i32
        %dma_start3A_90 = arith.constant 0 : i32
        %dma_start3A_91 = tpu.memref_slice %arg11[%mul3A_89, %dma_start3A_90] : memref<160x128xf32, #tpu.memory_space<vmem>> -> memref<80x128xf32, #tpu.memory_space<vmem>>
        %dma_start3A_92 = arith.constant 0 : i32
        %dma_start3A_93 = tpu.memref_slice %arg9[%add3A_75, %dma_start3A_92] : memref<16x80xi32, #tpu.memory_space<vmem>> -> memref<1x80xi32, #tpu.memory_space<vmem>>
        %dma_start3A_94 = tpu.memref_squeeze %dma_start3A_93 : memref<1x80xi32, #tpu.memory_space<vmem>> -> memref<80xi32, #tpu.memory_space<vmem>>
        %dma_start3A_95 = arith.constant 0 : i32
        %dma_start3A_96 = arith.constant 0 : i32
        %dma_start3A_97 = tpu.memref_slice %arg3[%dma_start3A_95, %dma_start3A_96] : memref<100x128xf32, #tpu.memory_space<hbm>> -> memref<100x128xf32, #tpu.memory_space<hbm>>
        %dma_start3A_98 = tpu.memref_slice %arg13[%sub3A_45] : memref<2x!tpu.dma_semaphore, #tpu.memory_space<semaphore_mem>> -> memref<1x!tpu.dma_semaphore, #tpu.memory_space<semaphore_mem>>
        %dma_start3A_99 = tpu.memref_squeeze %dma_start3A_98 : memref<1x!tpu.dma_semaphore, #tpu.memory_space<semaphore_mem>> -> memref<!tpu.dma_semaphore, #tpu.memory_space<semaphore_mem>>
        tpu.enqueue_indirect_dma source(%dma_start3A_97 : memref<100x128xf32, #tpu.memory_space<hbm>>) target(%dma_start3A_91 : memref<80x128xf32, #tpu.memory_space<vmem>>) offsets(%dma_start3A_94 : memref<80xi32, #tpu.memory_space<vmem>>) semaphore(%dma_start3A_99 : memref<!tpu.dma_semaphore, #tpu.memory_space<semaphore_mem>>)
      } else {
      }
      %lt3A_69 = arith.constant 500 : i32
      %lt3A_70 = arith.cmpi slt, %add3A_48, %lt3A_69 : i32
      %convert_element_type3A_71 = arith.extui %lt3A_70 : i1 to i32
      %cond3A_72 = arith.constant 0 : i32
      %cond3A_73 = arith.cmpi ne, %convert_element_type3A_71, %cond3A_72 : i32
      scf.if %cond3A_73 {
        %mul3A_74 = arith.constant 80 : i32
        %mul3A_75 = arith.muli %rem3A_43, %mul3A_74 : i32
        %dma_wait3A = arith.constant 0 : i32
        %dma_wait3A_76 = tpu.memref_slice %arg10[%mul3A_75, %dma_wait3A] : memref<160x128xf32, #tpu.memory_space<vmem>> -> memref<80x128xf32, #tpu.memory_space<vmem>>
        %dma_wait3A_77 = arith.constant 0 : i32
        %dma_wait3A_78 = tpu.memref_slice %arg8[%scan3A_42, %dma_wait3A_77] : memref<16x80xi32, #tpu.memory_space<vmem>> -> memref<1x80xi32, #tpu.memory_space<vmem>>
        %dma_wait3A_79 = tpu.memref_squeeze %dma_wait3A_78 : memref<1x80xi32, #tpu.memory_space<vmem>> -> memref<80xi32, #tpu.memory_space<vmem>>
        %dma_wait3A_80 = arith.constant 0 : i32
        %dma_wait3A_81 = arith.constant 0 : i32
        %dma_wait3A_82 = tpu.memref_slice %arg2[%dma_wait3A_80, %dma_wait3A_81] : memref<10000x128xf32, #tpu.memory_space<hbm>> -> memref<10000x128xf32, #tpu.memory_space<hbm>>
        %dma_wait3A_83 = tpu.memref_slice %arg12[%rem3A_43] : memref<2x!tpu.dma_semaphore, #tpu.memory_space<semaphore_mem>> -> memref<1x!tpu.dma_semaphore, #tpu.memory_space<semaphore_mem>>
        %dma_wait3A_84 = tpu.memref_squeeze %dma_wait3A_83 : memref<1x!tpu.dma_semaphore, #tpu.memory_space<semaphore_mem>> -> memref<!tpu.dma_semaphore, #tpu.memory_space<semaphore_mem>>
        tpu.wait_indirect_dma semaphore(%dma_wait3A_84 : memref<!tpu.dma_semaphore, #tpu.memory_space<semaphore_mem>>) src(%dma_wait3A_82 : memref<10000x128xf32, #tpu.memory_space<hbm>>) dst(%dma_wait3A_76 : memref<80x128xf32, #tpu.memory_space<vmem>>)
        %mul3A_85 = arith.constant 80 : i32
        %mul3A_86 = arith.muli %rem3A_43, %mul3A_85 : i32
        %dma_wait3A_87 = arith.constant 0 : i32
        %dma_wait3A_88 = tpu.memref_slice %arg11[%mul3A_86, %dma_wait3A_87] : memref<160x128xf32, #tpu.memory_space<vmem>> -> memref<80x128xf32, #tpu.memory_space<vmem>>
        %dma_wait3A_89 = arith.constant 0 : i32
        %dma_wait3A_90 = tpu.memref_slice %arg9[%scan3A_42, %dma_wait3A_89] : memref<16x80xi32, #tpu.memory_space<vmem>> -> memref<1x80xi32, #tpu.memory_space<vmem>>
        %dma_wait3A_91 = tpu.memref_squeeze %dma_wait3A_90 : memref<1x80xi32, #tpu.memory_space<vmem>> -> memref<80xi32, #tpu.memory_space<vmem>>
        %dma_wait3A_92 = arith.constant 0 : i32
        %dma_wait3A_93 = arith.constant 0 : i32
        %dma_wait3A_94 = tpu.memref_slice %arg3[%dma_wait3A_92, %dma_wait3A_93] : memref<100x128xf32, #tpu.memory_space<hbm>> -> memref<100x128xf32, #tpu.memory_space<hbm>>
        %dma_wait3A_95 = tpu.memref_slice %arg13[%rem3A_43] : memref<2x!tpu.dma_semaphore, #tpu.memory_space<semaphore_mem>> -> memref<1x!tpu.dma_semaphore, #tpu.memory_space<semaphore_mem>>
        %dma_wait3A_96 = tpu.memref_squeeze %dma_wait3A_95 : memref<1x!tpu.dma_semaphore, #tpu.memory_space<semaphore_mem>> -> memref<!tpu.dma_semaphore, #tpu.memory_space<semaphore_mem>>
        tpu.wait_indirect_dma semaphore(%dma_wait3A_96 : memref<!tpu.dma_semaphore, #tpu.memory_space<semaphore_mem>>) src(%dma_wait3A_94 : memref<100x128xf32, #tpu.memory_space<hbm>>) dst(%dma_wait3A_88 : memref<80x128xf32, #tpu.memory_space<vmem>>)
        %mul3A_97 = arith.constant 16 : i32
        %mul3A_98 = arith.muli %add3A, %mul3A_97 : i32
        %add3A_99 = arith.addi %mul3A_98, %scan3A_42 : i32
        %mul3A_100 = arith.constant 80 : i32
        %mul3A_101 = arith.muli %add3A_99, %mul3A_100 : i32
        %mul3A_102 = arith.constant 80 : i32
        %mul3A_103 = arith.muli %rem3A_43, %mul3A_102 : i32
        %dma_start3A_104 = arith.constant 0 : i32
        %dma_start3A_105 = tpu.memref_slice %arg10[%mul3A_103, %dma_start3A_104] : memref<160x128xf32, #tpu.memory_space<vmem>> -> memref<80x128xf32, #tpu.memory_space<vmem>>
        %dma_start3A_106 = arith.constant 0 : i32
        %dma_start3A_107 = tpu.memref_slice %arg6[%mul3A_101, %dma_start3A_106] : memref<40000x128xf32, #tpu.memory_space<hbm>> -> memref<80x128xf32, #tpu.memory_space<hbm>>
        %dma_start3A_108 = tpu.memref_slice %arg14[%rem3A_43] : memref<2x!tpu.dma_semaphore, #tpu.memory_space<semaphore_mem>> -> memref<1x!tpu.dma_semaphore, #tpu.memory_space<semaphore_mem>>
        %dma_start3A_109 = tpu.memref_squeeze %dma_start3A_108 : memref<1x!tpu.dma_semaphore, #tpu.memory_space<semaphore_mem>> -> memref<!tpu.dma_semaphore, #tpu.memory_space<semaphore_mem>>
        %dma_start3A_110 = arith.constant 0 : i32
        %dma_start3A_111 = tpu.memref_slice %arg6[%mul3A_101, %dma_start3A_110] : memref<40000x128xf32, #tpu.memory_space<hbm>> -> memref<80x128xf32, #tpu.memory_space<hbm>>
        %dma_start3A_112 = arith.constant 0 : i32
        %dma_start3A_113 = tpu.memref_slice %arg10[%mul3A_103, %dma_start3A_112] : memref<160x128xf32, #tpu.memory_space<vmem>> -> memref<80x128xf32, #tpu.memory_space<vmem>>
        tpu.enqueue_dma source(%dma_start3A_113 : memref<80x128xf32, #tpu.memory_space<vmem>>) target(%dma_start3A_111 : memref<80x128xf32, #tpu.memory_space<hbm>>) target_semaphore(%dma_start3A_109 : memref<!tpu.dma_semaphore, #tpu.memory_space<semaphore_mem>>)
        %mul3A_114 = arith.constant 80 : i32
        %mul3A_115 = arith.muli %rem3A_43, %mul3A_114 : i32
        %dma_start3A_116 = arith.constant 0 : i32
        %dma_start3A_117 = tpu.memref_slice %arg11[%mul3A_115, %dma_start3A_116] : memref<160x128xf32, #tpu.memory_space<vmem>> -> memref<80x128xf32, #tpu.memory_space<vmem>>
        %dma_start3A_118 = arith.constant 0 : i32
        %dma_start3A_119 = tpu.memref_slice %arg7[%mul3A_101, %dma_start3A_118] : memref<40000x128xf32, #tpu.memory_space<hbm>> -> memref<80x128xf32, #tpu.memory_space<hbm>>
        %dma_start3A_120 = tpu.memref_slice %arg15[%rem3A_43] : memref<2x!tpu.dma_semaphore, #tpu.memory_space<semaphore_mem>> -> memref<1x!tpu.dma_semaphore, #tpu.memory_space<semaphore_mem>>
        %dma_start3A_121 = tpu.memref_squeeze %dma_start3A_120 : memref<1x!tpu.dma_semaphore, #tpu.memory_space<semaphore_mem>> -> memref<!tpu.dma_semaphore, #tpu.memory_space<semaphore_mem>>
        %dma_start3A_122 = arith.constant 0 : i32
        %dma_start3A_123 = tpu.memref_slice %arg7[%mul3A_101, %dma_start3A_122] : memref<40000x128xf32, #tpu.memory_space<hbm>> -> memref<80x128xf32, #tpu.memory_space<hbm>>
        %dma_start3A_124 = arith.constant 0 : i32
        %dma_start3A_125 = tpu.memref_slice %arg11[%mul3A_115, %dma_start3A_124] : memref<160x128xf32, #tpu.memory_space<vmem>> -> memref<80x128xf32, #tpu.memory_space<vmem>>
        tpu.enqueue_dma source(%dma_start3A_125 : memref<80x128xf32, #tpu.memory_space<vmem>>) target(%dma_start3A_123 : memref<80x128xf32, #tpu.memory_space<hbm>>) target_semaphore(%dma_start3A_121 : memref<!tpu.dma_semaphore, #tpu.memory_space<semaphore_mem>>)
      } else {
      }
    }
    %scan3A_34 = arith.constant 16 : i32
    %mul3A_35 = arith.constant 16 : i32
    %mul3A_36 = arith.muli %add3A, %mul3A_35 : i32
    %add3A_37 = arith.constant 16 : i32
    %add3A_38 = arith.addi %mul3A_36, %add3A_37 : i32
    %sub3A = arith.constant 1 : i32
    %sub3A_39 = arith.subi %add3A_38, %sub3A : i32
    %lt3A = arith.constant 500 : i32
    %lt3A_40 = arith.cmpi slt, %sub3A_39, %lt3A : i32
    %convert_element_type3A = arith.extui %lt3A_40 : i1 to i32
    %cond3A = arith.constant 0 : i32
    %cond3A_41 = arith.cmpi ne, %convert_element_type3A, %cond3A : i32
    scf.if %cond3A_41 {
      %mul3A_42 = arith.constant 16 : i32
      %mul3A_43 = arith.muli %add3A, %mul3A_42 : i32
      %add3A_44 = arith.constant 15 : i32
      %add3A_45 = arith.addi %mul3A_43, %add3A_44 : i32
      %mul3A_46 = arith.constant 80 : i32
      %mul3A_47 = arith.muli %add3A_45, %mul3A_46 : i32
      %dma_wait3A = arith.constant 1 : i32
      %dma_wait3A_48 = arith.constant 80 : i32
      %dma_wait3A_49 = arith.constant 0 : i32
      %dma_wait3A_50 = tpu.memref_slice %arg10[%dma_wait3A_48, %dma_wait3A_49] : memref<160x128xf32, #tpu.memory_space<vmem>> -> memref<80x128xf32, #tpu.memory_space<vmem>>
      %dma_wait3A_51 = arith.constant 0 : i32
      %dma_wait3A_52 = tpu.memref_slice %arg6[%mul3A_47, %dma_wait3A_51] : memref<40000x128xf32, #tpu.memory_space<hbm>> -> memref<80x128xf32, #tpu.memory_space<hbm>>
      %dma_wait3A_53 = tpu.memref_slice %arg14[%dma_wait3A] : memref<2x!tpu.dma_semaphore, #tpu.memory_space<semaphore_mem>> -> memref<1x!tpu.dma_semaphore, #tpu.memory_space<semaphore_mem>>
      %dma_wait3A_54 = tpu.memref_squeeze %dma_wait3A_53 : memref<1x!tpu.dma_semaphore, #tpu.memory_space<semaphore_mem>> -> memref<!tpu.dma_semaphore, #tpu.memory_space<semaphore_mem>>
      %dma_wait3A_55 = arith.constant 0 : i32
      %dma_wait3A_56 = tpu.memref_slice %arg6[%mul3A_47, %dma_wait3A_55] : memref<40000x128xf32, #tpu.memory_space<hbm>> -> memref<80x128xf32, #tpu.memory_space<hbm>>
      %dma_wait3A_57 = arith.constant 80 : i32
      %dma_wait3A_58 = arith.constant 0 : i32
      %dma_wait3A_59 = tpu.memref_slice %arg10[%dma_wait3A_57, %dma_wait3A_58] : memref<160x128xf32, #tpu.memory_space<vmem>> -> memref<80x128xf32, #tpu.memory_space<vmem>>
      tpu.wait_dma2 semaphore(%dma_wait3A_54 : memref<!tpu.dma_semaphore, #tpu.memory_space<semaphore_mem>>) src(%dma_wait3A_59 : memref<80x128xf32, #tpu.memory_space<vmem>>) dst(%dma_wait3A_56 : memref<80x128xf32, #tpu.memory_space<hbm>>)
      %dma_wait3A_60 = arith.constant 1 : i32
      %dma_wait3A_61 = arith.constant 80 : i32
      %dma_wait3A_62 = arith.constant 0 : i32
      %dma_wait3A_63 = tpu.memref_slice %arg11[%dma_wait3A_61, %dma_wait3A_62] : memref<160x128xf32, #tpu.memory_space<vmem>> -> memref<80x128xf32, #tpu.memory_space<vmem>>
      %dma_wait3A_64 = arith.constant 0 : i32
      %dma_wait3A_65 = tpu.memref_slice %arg7[%mul3A_47, %dma_wait3A_64] : memref<40000x128xf32, #tpu.memory_space<hbm>> -> memref<80x128xf32, #tpu.memory_space<hbm>>
      %dma_wait3A_66 = tpu.memref_slice %arg15[%dma_wait3A_60] : memref<2x!tpu.dma_semaphore, #tpu.memory_space<semaphore_mem>> -> memref<1x!tpu.dma_semaphore, #tpu.memory_space<semaphore_mem>>
      %dma_wait3A_67 = tpu.memref_squeeze %dma_wait3A_66 : memref<1x!tpu.dma_semaphore, #tpu.memory_space<semaphore_mem>> -> memref<!tpu.dma_semaphore, #tpu.memory_space<semaphore_mem>>
      %dma_wait3A_68 = arith.constant 0 : i32
      %dma_wait3A_69 = tpu.memref_slice %arg7[%mul3A_47, %dma_wait3A_68] : memref<40000x128xf32, #tpu.memory_space<hbm>> -> memref<80x128xf32, #tpu.memory_space<hbm>>
      %dma_wait3A_70 = arith.constant 80 : i32
      %dma_wait3A_71 = arith.constant 0 : i32
      %dma_wait3A_72 = tpu.memref_slice %arg11[%dma_wait3A_70, %dma_wait3A_71] : memref<160x128xf32, #tpu.memory_space<vmem>> -> memref<80x128xf32, #tpu.memory_space<vmem>>
      tpu.wait_dma2 semaphore(%dma_wait3A_67 : memref<!tpu.dma_semaphore, #tpu.memory_space<semaphore_mem>>) src(%dma_wait3A_72 : memref<80x128xf32, #tpu.memory_space<vmem>>) dst(%dma_wait3A_69 : memref<80x128xf32, #tpu.memory_space<hbm>>)
    } else {
    }
    return
  }
}

#map = affine_map<(d0, d1) -> (0, 0)>
#map1 = affine_map<(d0, d1) -> (0, 0, 0)>
module attributes {stable_mosaic.version = 14 : i64} {
  func.func @body(%arg0: i32, %arg1: i32, %arg2: memref<40000x128xf32, #tpu.memory_space<hbm>>, %arg3: memref<320x125xi32, #tpu.memory_space<hbm>>, %arg4: memref<632x128xf32, #tpu.memory_space<hbm>>, %arg5: memref<125x128xf32, #tpu.memory_space<hbm>>, %arg6: memref<2x10000x128xf32, #tpu.memory_space<hbm>>, %arg7: memref<2x10000x128xf32, #tpu.memory_space<hbm>>, %arg8: memref<10000x128xf32, #tpu.memory_space<vmem_shared>>, %arg9: memref<10x125xi32, #tpu.memory_space<vmem>>, %arg10: memref<250x128xf32, #tpu.memory_space<vmem>>, %arg11: memref<2x!tpu.dma_semaphore, #tpu.memory_space<semaphore_mem>>, %arg12: memref<2x!tpu.dma_semaphore, #tpu.memory_space<semaphore_mem>>) attributes {dimension_semantics = [#tpu.dimension_semantics<core_parallel>, #tpu.dimension_semantics<subcore_parallel>], iteration_bounds = array<i64: 2, 16>, scalar_prefetch = 0 : i64, scratch_operands = 5 : i64, tpu.core_type = #tpu.core_type<sc_vector_subcore>, window_params = [{transform_indices = #map}, {transform_indices = #map}, {transform_indices = #map}, {transform_indices = #map}, {transform_indices = #map1}, {transform_indices = #map1}]} {
    %mul3A = arith.constant 16 : i32
    %mul3A_0 = arith.muli %arg0, %mul3A : i32
    %add3A = arith.addi %mul3A_0, %arg1 : i32
    %mul3A_1 = arith.constant 10 : i32
    %mul3A_2 = arith.muli %add3A, %mul3A_1 : i32
    "tpu.region"() ({
      %run_scoped3A = tpu.sem_alloc : memref<!tpu.dma_semaphore, #tpu.memory_space<semaphore_mem>>
      %dma_start3A_97 = arith.constant 0 : i32
      %dma_start3A_98 = tpu.memref_slice %arg3[%mul3A_2, %dma_start3A_97] : memref<320x125xi32, #tpu.memory_space<hbm>> -> memref<10x125xi32, #tpu.memory_space<hbm>>
      %dma_start3A_99 = arith.constant 0 : i32
      %dma_start3A_100 = tpu.memref_slice %arg3[%mul3A_2, %dma_start3A_99] : memref<320x125xi32, #tpu.memory_space<hbm>> -> memref<10x125xi32, #tpu.memory_space<hbm>>
      tpu.enqueue_dma source(%dma_start3A_100 : memref<10x125xi32, #tpu.memory_space<hbm>>) target(%arg9 : memref<10x125xi32, #tpu.memory_space<vmem>>) target_semaphore(%run_scoped3A : memref<!tpu.dma_semaphore, #tpu.memory_space<semaphore_mem>>)
      %dma_wait3A_101 = arith.constant 0 : i32
      %dma_wait3A_102 = tpu.memref_slice %arg3[%mul3A_2, %dma_wait3A_101] : memref<320x125xi32, #tpu.memory_space<hbm>> -> memref<10x125xi32, #tpu.memory_space<hbm>>
      %dma_wait3A_103 = arith.constant 0 : i32
      %dma_wait3A_104 = tpu.memref_slice %arg3[%mul3A_2, %dma_wait3A_103] : memref<320x125xi32, #tpu.memory_space<hbm>> -> memref<10x125xi32, #tpu.memory_space<hbm>>
      tpu.wait_dma2 semaphore(%run_scoped3A : memref<!tpu.dma_semaphore, #tpu.memory_space<semaphore_mem>>) src(%dma_wait3A_104 : memref<10x125xi32, #tpu.memory_space<hbm>>) dst(%arg9 : memref<10x125xi32, #tpu.memory_space<vmem>>)
      tpu.yield
    }) : () -> ()
    %lt3A = arith.constant 15 : i32
    %lt3A_3 = arith.cmpi slt, %arg1, %lt3A : i32
    %convert_element_type3A = arith.extui %lt3A_3 : i1 to i32
    %cond3A = arith.constant 0 : i32
    %cond3A_4 = arith.cmpi ne, %convert_element_type3A, %cond3A : i32
    scf.if %cond3A_4 {
      %mul3A_97 = arith.constant 632 : i32
      %mul3A_98 = arith.muli %arg1, %mul3A_97 : i32
      "tpu.region"() ({
        %run_scoped3A = tpu.sem_alloc : memref<!tpu.dma_semaphore, #tpu.memory_space<semaphore_mem>>
        %dma_start3A_99 = arith.constant 0 : i32
        %dma_start3A_100 = tpu.memref_slice %arg8[%mul3A_98, %dma_start3A_99] : memref<10000x128xf32, #tpu.memory_space<vmem_shared>> -> memref<632x128xf32, #tpu.memory_space<vmem_shared>>
        tpu.enqueue_dma source(%arg4 : memref<632x128xf32, #tpu.memory_space<hbm>>) target(%dma_start3A_100 : memref<632x128xf32, #tpu.memory_space<vmem_shared>>) target_semaphore(%run_scoped3A : memref<!tpu.dma_semaphore, #tpu.memory_space<semaphore_mem>>)
        %dma_wait3A_101 = arith.constant 0 : i32
        %dma_wait3A_102 = tpu.memref_slice %arg8[%mul3A_98, %dma_wait3A_101] : memref<10000x128xf32, #tpu.memory_space<vmem_shared>> -> memref<632x128xf32, #tpu.memory_space<vmem_shared>>
        tpu.wait_dma2 semaphore(%run_scoped3A : memref<!tpu.dma_semaphore, #tpu.memory_space<semaphore_mem>>) src(%arg4 : memref<632x128xf32, #tpu.memory_space<hbm>>) dst(%dma_wait3A_102 : memref<632x128xf32, #tpu.memory_space<vmem_shared>>)
        tpu.yield
      }) : () -> ()
    } else {
    }
    %eq3A = arith.constant 15 : i32
    %eq3A_5 = arith.cmpi eq, %arg1, %eq3A : i32
    %convert_element_type3A_6 = arith.extui %eq3A_5 : i1 to i32
    %cond3A_7 = arith.constant 0 : i32
    %cond3A_8 = arith.cmpi ne, %convert_element_type3A_6, %cond3A_7 : i32
    scf.if %cond3A_8 {
      %mul3A_97 = arith.constant 632 : i32
      %mul3A_98 = arith.muli %arg1, %mul3A_97 : i32
      "tpu.region"() ({
        %run_scoped3A = tpu.sem_alloc : memref<!tpu.dma_semaphore, #tpu.memory_space<semaphore_mem>>
        %dma_start3A_99 = arith.constant 0 : i32
        %dma_start3A_100 = tpu.memref_slice %arg8[%mul3A_98, %dma_start3A_99] : memref<10000x128xf32, #tpu.memory_space<vmem_shared>> -> memref<520x128xf32, #tpu.memory_space<vmem_shared>>
        %dma_start3A_101 = arith.constant 0 : i32
        %dma_start3A_102 = arith.constant 0 : i32
        %dma_start3A_103 = tpu.memref_slice %arg4[%dma_start3A_101, %dma_start3A_102] : memref<632x128xf32, #tpu.memory_space<hbm>> -> memref<520x128xf32, #tpu.memory_space<hbm>>
        tpu.enqueue_dma source(%dma_start3A_103 : memref<520x128xf32, #tpu.memory_space<hbm>>) target(%dma_start3A_100 : memref<520x128xf32, #tpu.memory_space<vmem_shared>>) target_semaphore(%run_scoped3A : memref<!tpu.dma_semaphore, #tpu.memory_space<semaphore_mem>>)
        %dma_wait3A_104 = arith.constant 0 : i32
        %dma_wait3A_105 = tpu.memref_slice %arg8[%mul3A_98, %dma_wait3A_104] : memref<10000x128xf32, #tpu.memory_space<vmem_shared>> -> memref<520x128xf32, #tpu.memory_space<vmem_shared>>
        %dma_wait3A_106 = arith.constant 0 : i32
        %dma_wait3A_107 = arith.constant 0 : i32
        %dma_wait3A_108 = tpu.memref_slice %arg4[%dma_wait3A_106, %dma_wait3A_107] : memref<632x128xf32, #tpu.memory_space<hbm>> -> memref<520x128xf32, #tpu.memory_space<hbm>>
        tpu.wait_dma2 semaphore(%run_scoped3A : memref<!tpu.dma_semaphore, #tpu.memory_space<semaphore_mem>>) src(%dma_wait3A_108 : memref<520x128xf32, #tpu.memory_space<hbm>>) dst(%dma_wait3A_105 : memref<520x128xf32, #tpu.memory_space<vmem_shared>>)
        tpu.yield
      }) : () -> ()
    } else {
    }
    %barrier3A = arith.constant 0 : index
    tpu.barrier barrier_id(%barrier3A)
    %mul3A_9 = arith.constant 10 : i32
    %mul3A_10 = arith.muli %add3A, %mul3A_9 : i32
    %add3A_11 = arith.constant 0 : i32
    %add3A_12 = arith.addi %mul3A_10, %add3A_11 : i32
    %mul3A_13 = arith.constant 125 : i32
    %mul3A_14 = arith.muli %add3A_12, %mul3A_13 : i32
    %dma_start3A = arith.constant 0 : i32
    %dma_start3A_15 = arith.constant 0 : i32
    %dma_start3A_16 = arith.constant 0 : i32
    %dma_start3A_17 = tpu.memref_slice %arg10[%dma_start3A_15, %dma_start3A_16] : memref<250x128xf32, #tpu.memory_space<vmem>> -> memref<125x128xf32, #tpu.memory_space<vmem>>
    %dma_start3A_18 = arith.constant 0 : i32
    %dma_start3A_19 = tpu.memref_slice %arg2[%mul3A_14, %dma_start3A_18] : memref<40000x128xf32, #tpu.memory_space<hbm>> -> memref<125x128xf32, #tpu.memory_space<hbm>>
    %dma_start3A_20 = tpu.memref_slice %arg11[%dma_start3A] : memref<2x!tpu.dma_semaphore, #tpu.memory_space<semaphore_mem>> -> memref<1x!tpu.dma_semaphore, #tpu.memory_space<semaphore_mem>>
    %dma_start3A_21 = tpu.memref_squeeze %dma_start3A_20 : memref<1x!tpu.dma_semaphore, #tpu.memory_space<semaphore_mem>> -> memref<!tpu.dma_semaphore, #tpu.memory_space<semaphore_mem>>
    %dma_start3A_22 = arith.constant 0 : i32
    %dma_start3A_23 = arith.constant 0 : i32
    %dma_start3A_24 = tpu.memref_slice %arg10[%dma_start3A_22, %dma_start3A_23] : memref<250x128xf32, #tpu.memory_space<vmem>> -> memref<125x128xf32, #tpu.memory_space<vmem>>
    %dma_start3A_25 = arith.constant 0 : i32
    %dma_start3A_26 = tpu.memref_slice %arg2[%mul3A_14, %dma_start3A_25] : memref<40000x128xf32, #tpu.memory_space<hbm>> -> memref<125x128xf32, #tpu.memory_space<hbm>>
    tpu.enqueue_dma source(%dma_start3A_26 : memref<125x128xf32, #tpu.memory_space<hbm>>) target(%dma_start3A_24 : memref<125x128xf32, #tpu.memory_space<vmem>>) target_semaphore(%dma_start3A_21 : memref<!tpu.dma_semaphore, #tpu.memory_space<semaphore_mem>>)
    %scan3A = arith.constant 0 : i32
    %scan3A_27 = arith.constant 0 : i32
    %scan3A_28 = arith.constant 10 : i32
    %scan3A_29 = arith.addi %scan3A_27, %scan3A_28 : i32
    %scan3A_30 = arith.constant 1 : i32
    scf.for %scan3A_97 = %scan3A_27 to %scan3A_29 step %scan3A_30  : i32 {
      %rem3A = arith.constant 2 : i32
      %rem3A_98 = arith.remsi %scan3A_97, %rem3A : i32
      %sub3A = arith.constant 1 : i32
      %sub3A_99 = arith.subi %sub3A, %rem3A_98 : i32
      %ge3A = arith.constant 1 : i32
      %ge3A_100 = arith.cmpi sge, %scan3A_97, %ge3A : i32
      %convert_element_type3A_101 = arith.extui %ge3A_100 : i1 to i32
      %cond3A_102 = arith.constant 0 : i32
      %cond3A_103 = arith.cmpi ne, %convert_element_type3A_101, %cond3A_102 : i32
      scf.if %cond3A_103 {
        %sub3A_140 = arith.constant 1 : i32
        %sub3A_141 = arith.subi %scan3A_97, %sub3A_140 : i32
        %mul3A_142 = arith.constant 125 : i32
        %mul3A_143 = arith.muli %sub3A_99, %mul3A_142 : i32
        %dma_wait3A_144 = arith.constant 0 : i32
        %dma_wait3A_145 = tpu.memref_slice %arg10[%mul3A_143, %dma_wait3A_144] : memref<250x128xf32, #tpu.memory_space<vmem>> -> memref<125x128xf32, #tpu.memory_space<vmem>>
        %dma_wait3A_146 = arith.constant 0 : i32
        %dma_wait3A_147 = tpu.memref_slice %arg9[%sub3A_141, %dma_wait3A_146] : memref<10x125xi32, #tpu.memory_space<vmem>> -> memref<1x125xi32, #tpu.memory_space<vmem>>
        %dma_wait3A_148 = tpu.memref_squeeze %dma_wait3A_147 : memref<1x125xi32, #tpu.memory_space<vmem>> -> memref<125xi32, #tpu.memory_space<vmem>>
        %dma_wait3A_149 = arith.constant 0 : i32
        %dma_wait3A_150 = arith.constant 0 : i32
        %dma_wait3A_151 = tpu.memref_slice %arg8[%dma_wait3A_149, %dma_wait3A_150] : memref<10000x128xf32, #tpu.memory_space<vmem_shared>> -> memref<10000x128xf32, #tpu.memory_space<vmem_shared>>
        %dma_wait3A_152 = tpu.memref_slice %arg12[%sub3A_99] : memref<2x!tpu.dma_semaphore, #tpu.memory_space<semaphore_mem>> -> memref<1x!tpu.dma_semaphore, #tpu.memory_space<semaphore_mem>>
        %dma_wait3A_153 = tpu.memref_squeeze %dma_wait3A_152 : memref<1x!tpu.dma_semaphore, #tpu.memory_space<semaphore_mem>> -> memref<!tpu.dma_semaphore, #tpu.memory_space<semaphore_mem>>
        tpu.wait_indirect_dma semaphore(%dma_wait3A_153 : memref<!tpu.dma_semaphore, #tpu.memory_space<semaphore_mem>>) src(%dma_wait3A_145 : memref<125x128xf32, #tpu.memory_space<vmem>>) dst(%dma_wait3A_151 : memref<10000x128xf32, #tpu.memory_space<vmem_shared>>)
      } else {
      }
      %add3A_104 = arith.constant 1 : i32
      %add3A_105 = arith.addi %scan3A_97, %add3A_104 : i32
      %lt3A_106 = arith.constant 10 : i32
      %lt3A_107 = arith.cmpi slt, %add3A_105, %lt3A_106 : i32
      %convert_element_type3A_108 = arith.extui %lt3A_107 : i1 to i32
      %cond3A_109 = arith.constant 0 : i32
      %cond3A_110 = arith.cmpi ne, %convert_element_type3A_108, %cond3A_109 : i32
      scf.if %cond3A_110 {
        %add3A_140 = arith.constant 1 : i32
        %add3A_141 = arith.addi %scan3A_97, %add3A_140 : i32
        %mul3A_142 = arith.constant 10 : i32
        %mul3A_143 = arith.muli %add3A, %mul3A_142 : i32
        %add3A_144 = arith.addi %mul3A_143, %add3A_141 : i32
        %mul3A_145 = arith.constant 125 : i32
        %mul3A_146 = arith.muli %add3A_144, %mul3A_145 : i32
        %mul3A_147 = arith.constant 125 : i32
        %mul3A_148 = arith.muli %sub3A_99, %mul3A_147 : i32
        %dma_start3A_149 = arith.constant 0 : i32
        %dma_start3A_150 = tpu.memref_slice %arg10[%mul3A_148, %dma_start3A_149] : memref<250x128xf32, #tpu.memory_space<vmem>> -> memref<125x128xf32, #tpu.memory_space<vmem>>
        %dma_start3A_151 = arith.constant 0 : i32
        %dma_start3A_152 = tpu.memref_slice %arg2[%mul3A_146, %dma_start3A_151] : memref<40000x128xf32, #tpu.memory_space<hbm>> -> memref<125x128xf32, #tpu.memory_space<hbm>>
        %dma_start3A_153 = tpu.memref_slice %arg11[%sub3A_99] : memref<2x!tpu.dma_semaphore, #tpu.memory_space<semaphore_mem>> -> memref<1x!tpu.dma_semaphore, #tpu.memory_space<semaphore_mem>>
        %dma_start3A_154 = tpu.memref_squeeze %dma_start3A_153 : memref<1x!tpu.dma_semaphore, #tpu.memory_space<semaphore_mem>> -> memref<!tpu.dma_semaphore, #tpu.memory_space<semaphore_mem>>
        %dma_start3A_155 = arith.constant 0 : i32
        %dma_start3A_156 = tpu.memref_slice %arg10[%mul3A_148, %dma_start3A_155] : memref<250x128xf32, #tpu.memory_space<vmem>> -> memref<125x128xf32, #tpu.memory_space<vmem>>
        %dma_start3A_157 = arith.constant 0 : i32
        %dma_start3A_158 = tpu.memref_slice %arg2[%mul3A_146, %dma_start3A_157] : memref<40000x128xf32, #tpu.memory_space<hbm>> -> memref<125x128xf32, #tpu.memory_space<hbm>>
        tpu.enqueue_dma source(%dma_start3A_158 : memref<125x128xf32, #tpu.memory_space<hbm>>) target(%dma_start3A_156 : memref<125x128xf32, #tpu.memory_space<vmem>>) target_semaphore(%dma_start3A_154 : memref<!tpu.dma_semaphore, #tpu.memory_space<semaphore_mem>>)
      } else {
      }
      %mul3A_111 = arith.constant 10 : i32
      %mul3A_112 = arith.muli %add3A, %mul3A_111 : i32
      %add3A_113 = arith.addi %mul3A_112, %scan3A_97 : i32
      %mul3A_114 = arith.constant 125 : i32
      %mul3A_115 = arith.muli %add3A_113, %mul3A_114 : i32
      %mul3A_116 = arith.constant 125 : i32
      %mul3A_117 = arith.muli %rem3A_98, %mul3A_116 : i32
      %dma_wait3A_118 = arith.constant 0 : i32
      %dma_wait3A_119 = tpu.memref_slice %arg10[%mul3A_117, %dma_wait3A_118] : memref<250x128xf32, #tpu.memory_space<vmem>> -> memref<125x128xf32, #tpu.memory_space<vmem>>
      %dma_wait3A_120 = arith.constant 0 : i32
      %dma_wait3A_121 = tpu.memref_slice %arg2[%mul3A_115, %dma_wait3A_120] : memref<40000x128xf32, #tpu.memory_space<hbm>> -> memref<125x128xf32, #tpu.memory_space<hbm>>
      %dma_wait3A_122 = tpu.memref_slice %arg11[%rem3A_98] : memref<2x!tpu.dma_semaphore, #tpu.memory_space<semaphore_mem>> -> memref<1x!tpu.dma_semaphore, #tpu.memory_space<semaphore_mem>>
      %dma_wait3A_123 = tpu.memref_squeeze %dma_wait3A_122 : memref<1x!tpu.dma_semaphore, #tpu.memory_space<semaphore_mem>> -> memref<!tpu.dma_semaphore, #tpu.memory_space<semaphore_mem>>
      %dma_wait3A_124 = arith.constant 0 : i32
      %dma_wait3A_125 = tpu.memref_slice %arg10[%mul3A_117, %dma_wait3A_124] : memref<250x128xf32, #tpu.memory_space<vmem>> -> memref<125x128xf32, #tpu.memory_space<vmem>>
      %dma_wait3A_126 = arith.constant 0 : i32
      %dma_wait3A_127 = tpu.memref_slice %arg2[%mul3A_115, %dma_wait3A_126] : memref<40000x128xf32, #tpu.memory_space<hbm>> -> memref<125x128xf32, #tpu.memory_space<hbm>>
      tpu.wait_dma2 semaphore(%dma_wait3A_123 : memref<!tpu.dma_semaphore, #tpu.memory_space<semaphore_mem>>) src(%dma_wait3A_127 : memref<125x128xf32, #tpu.memory_space<hbm>>) dst(%dma_wait3A_125 : memref<125x128xf32, #tpu.memory_space<vmem>>)
      %mul3A_128 = arith.constant 125 : i32
      %mul3A_129 = arith.muli %rem3A_98, %mul3A_128 : i32
      %dma_start3A_130 = arith.constant 0 : i32
      %dma_start3A_131 = tpu.memref_slice %arg10[%mul3A_129, %dma_start3A_130] : memref<250x128xf32, #tpu.memory_space<vmem>> -> memref<125x128xf32, #tpu.memory_space<vmem>>
      %dma_start3A_132 = arith.constant 0 : i32
      %dma_start3A_133 = tpu.memref_slice %arg9[%scan3A_97, %dma_start3A_132] : memref<10x125xi32, #tpu.memory_space<vmem>> -> memref<1x125xi32, #tpu.memory_space<vmem>>
      %dma_start3A_134 = tpu.memref_squeeze %dma_start3A_133 : memref<1x125xi32, #tpu.memory_space<vmem>> -> memref<125xi32, #tpu.memory_space<vmem>>
      %dma_start3A_135 = arith.constant 0 : i32
      %dma_start3A_136 = arith.constant 0 : i32
      %dma_start3A_137 = tpu.memref_slice %arg8[%dma_start3A_135, %dma_start3A_136] : memref<10000x128xf32, #tpu.memory_space<vmem_shared>> -> memref<10000x128xf32, #tpu.memory_space<vmem_shared>>
      %dma_start3A_138 = tpu.memref_slice %arg12[%rem3A_98] : memref<2x!tpu.dma_semaphore, #tpu.memory_space<semaphore_mem>> -> memref<1x!tpu.dma_semaphore, #tpu.memory_space<semaphore_mem>>
      %dma_start3A_139 = tpu.memref_squeeze %dma_start3A_138 : memref<1x!tpu.dma_semaphore, #tpu.memory_space<semaphore_mem>> -> memref<!tpu.dma_semaphore, #tpu.memory_space<semaphore_mem>>
      tpu.enqueue_indirect_dma source(%dma_start3A_131 : memref<125x128xf32, #tpu.memory_space<vmem>>) target(%dma_start3A_137 : memref<10000x128xf32, #tpu.memory_space<vmem_shared>>) offsets(%dma_start3A_134 : memref<125xi32, #tpu.memory_space<vmem>>) semaphore(%dma_start3A_139 : memref<!tpu.dma_semaphore, #tpu.memory_space<semaphore_mem>>) {add = true}
    }
    %scan3A_31 = arith.constant 10 : i32
    %dma_wait3A = arith.constant 9 : i32
    %dma_wait3A_32 = arith.constant 1 : i32
    %dma_wait3A_33 = arith.constant 125 : i32
    %dma_wait3A_34 = arith.constant 0 : i32
    %dma_wait3A_35 = tpu.memref_slice %arg10[%dma_wait3A_33, %dma_wait3A_34] : memref<250x128xf32, #tpu.memory_space<vmem>> -> memref<125x128xf32, #tpu.memory_space<vmem>>
    %dma_wait3A_36 = arith.constant 0 : i32
    %dma_wait3A_37 = tpu.memref_slice %arg9[%dma_wait3A, %dma_wait3A_36] : memref<10x125xi32, #tpu.memory_space<vmem>> -> memref<1x125xi32, #tpu.memory_space<vmem>>
    %dma_wait3A_38 = tpu.memref_squeeze %dma_wait3A_37 : memref<1x125xi32, #tpu.memory_space<vmem>> -> memref<125xi32, #tpu.memory_space<vmem>>
    %dma_wait3A_39 = arith.constant 0 : i32
    %dma_wait3A_40 = arith.constant 0 : i32
    %dma_wait3A_41 = tpu.memref_slice %arg8[%dma_wait3A_39, %dma_wait3A_40] : memref<10000x128xf32, #tpu.memory_space<vmem_shared>> -> memref<10000x128xf32, #tpu.memory_space<vmem_shared>>
    %dma_wait3A_42 = tpu.memref_slice %arg12[%dma_wait3A_32] : memref<2x!tpu.dma_semaphore, #tpu.memory_space<semaphore_mem>> -> memref<1x!tpu.dma_semaphore, #tpu.memory_space<semaphore_mem>>
    %dma_wait3A_43 = tpu.memref_squeeze %dma_wait3A_42 : memref<1x!tpu.dma_semaphore, #tpu.memory_space<semaphore_mem>> -> memref<!tpu.dma_semaphore, #tpu.memory_space<semaphore_mem>>
    tpu.wait_indirect_dma semaphore(%dma_wait3A_43 : memref<!tpu.dma_semaphore, #tpu.memory_space<semaphore_mem>>) src(%dma_wait3A_35 : memref<125x128xf32, #tpu.memory_space<vmem>>) dst(%dma_wait3A_41 : memref<10000x128xf32, #tpu.memory_space<vmem_shared>>)
    %barrier3A_44 = arith.constant 0 : index
    tpu.barrier barrier_id(%barrier3A_44)
    %lt3A_45 = arith.constant 15 : i32
    %lt3A_46 = arith.cmpi slt, %arg1, %lt3A_45 : i32
    %convert_element_type3A_47 = arith.extui %lt3A_46 : i1 to i32
    %cond3A_48 = arith.constant 0 : i32
    %cond3A_49 = arith.cmpi ne, %convert_element_type3A_47, %cond3A_48 : i32
    scf.if %cond3A_49 {
      %mul3A_97 = arith.constant 632 : i32
      %mul3A_98 = arith.muli %arg1, %mul3A_97 : i32
      %mul3A_99 = arith.constant 632 : i32
      %mul3A_100 = arith.muli %arg1, %mul3A_99 : i32
      "tpu.region"() ({
        %run_scoped3A = tpu.sem_alloc : memref<!tpu.dma_semaphore, #tpu.memory_space<semaphore_mem>>
        %dma_start3A_101 = arith.constant 0 : i32
        %dma_start3A_102 = tpu.memref_slice %arg6[%arg0, %mul3A_100, %dma_start3A_101] : memref<2x10000x128xf32, #tpu.memory_space<hbm>> -> memref<1x632x128xf32, #tpu.memory_space<hbm>>
        %dma_start3A_103 = tpu.memref_squeeze %dma_start3A_102 : memref<1x632x128xf32, #tpu.memory_space<hbm>> -> memref<632x128xf32, #tpu.memory_space<hbm>>
        %dma_start3A_104 = arith.constant 0 : i32
        %dma_start3A_105 = tpu.memref_slice %arg8[%mul3A_98, %dma_start3A_104] : memref<10000x128xf32, #tpu.memory_space<vmem_shared>> -> memref<632x128xf32, #tpu.memory_space<vmem_shared>>
        tpu.enqueue_dma source(%dma_start3A_105 : memref<632x128xf32, #tpu.memory_space<vmem_shared>>) target(%dma_start3A_103 : memref<632x128xf32, #tpu.memory_space<hbm>>) target_semaphore(%run_scoped3A : memref<!tpu.dma_semaphore, #tpu.memory_space<semaphore_mem>>)
        %dma_wait3A_106 = arith.constant 0 : i32
        %dma_wait3A_107 = tpu.memref_slice %arg6[%arg0, %mul3A_100, %dma_wait3A_106] : memref<2x10000x128xf32, #tpu.memory_space<hbm>> -> memref<1x632x128xf32, #tpu.memory_space<hbm>>
        %dma_wait3A_108 = tpu.memref_squeeze %dma_wait3A_107 : memref<1x632x128xf32, #tpu.memory_space<hbm>> -> memref<632x128xf32, #tpu.memory_space<hbm>>
        %dma_wait3A_109 = arith.constant 0 : i32
        %dma_wait3A_110 = tpu.memref_slice %arg8[%mul3A_98, %dma_wait3A_109] : memref<10000x128xf32, #tpu.memory_space<vmem_shared>> -> memref<632x128xf32, #tpu.memory_space<vmem_shared>>
        tpu.wait_dma2 semaphore(%run_scoped3A : memref<!tpu.dma_semaphore, #tpu.memory_space<semaphore_mem>>) src(%dma_wait3A_110 : memref<632x128xf32, #tpu.memory_space<vmem_shared>>) dst(%dma_wait3A_108 : memref<632x128xf32, #tpu.memory_space<hbm>>)
        tpu.yield
      }) : () -> ()
    } else {
    }
    %eq3A_50 = arith.constant 15 : i32
    %eq3A_51 = arith.cmpi eq, %arg1, %eq3A_50 : i32
    %convert_element_type3A_52 = arith.extui %eq3A_51 : i1 to i32
    %cond3A_53 = arith.constant 0 : i32
    %cond3A_54 = arith.cmpi ne, %convert_element_type3A_52, %cond3A_53 : i32
    scf.if %cond3A_54 {
      %mul3A_97 = arith.constant 632 : i32
      %mul3A_98 = arith.muli %arg1, %mul3A_97 : i32
      %mul3A_99 = arith.constant 632 : i32
      %mul3A_100 = arith.muli %arg1, %mul3A_99 : i32
      "tpu.region"() ({
        %run_scoped3A = tpu.sem_alloc : memref<!tpu.dma_semaphore, #tpu.memory_space<semaphore_mem>>
        %dma_start3A_101 = arith.constant 0 : i32
        %dma_start3A_102 = tpu.memref_slice %arg6[%arg0, %mul3A_100, %dma_start3A_101] : memref<2x10000x128xf32, #tpu.memory_space<hbm>> -> memref<1x520x128xf32, #tpu.memory_space<hbm>>
        %dma_start3A_103 = tpu.memref_squeeze %dma_start3A_102 : memref<1x520x128xf32, #tpu.memory_space<hbm>> -> memref<520x128xf32, #tpu.memory_space<hbm>>
        %dma_start3A_104 = arith.constant 0 : i32
        %dma_start3A_105 = tpu.memref_slice %arg8[%mul3A_98, %dma_start3A_104] : memref<10000x128xf32, #tpu.memory_space<vmem_shared>> -> memref<520x128xf32, #tpu.memory_space<vmem_shared>>
        tpu.enqueue_dma source(%dma_start3A_105 : memref<520x128xf32, #tpu.memory_space<vmem_shared>>) target(%dma_start3A_103 : memref<520x128xf32, #tpu.memory_space<hbm>>) target_semaphore(%run_scoped3A : memref<!tpu.dma_semaphore, #tpu.memory_space<semaphore_mem>>)
        %dma_wait3A_106 = arith.constant 0 : i32
        %dma_wait3A_107 = tpu.memref_slice %arg6[%arg0, %mul3A_100, %dma_wait3A_106] : memref<2x10000x128xf32, #tpu.memory_space<hbm>> -> memref<1x520x128xf32, #tpu.memory_space<hbm>>
        %dma_wait3A_108 = tpu.memref_squeeze %dma_wait3A_107 : memref<1x520x128xf32, #tpu.memory_space<hbm>> -> memref<520x128xf32, #tpu.memory_space<hbm>>
        %dma_wait3A_109 = arith.constant 0 : i32
        %dma_wait3A_110 = tpu.memref_slice %arg8[%mul3A_98, %dma_wait3A_109] : memref<10000x128xf32, #tpu.memory_space<vmem_shared>> -> memref<520x128xf32, #tpu.memory_space<vmem_shared>>
        tpu.wait_dma2 semaphore(%run_scoped3A : memref<!tpu.dma_semaphore, #tpu.memory_space<semaphore_mem>>) src(%dma_wait3A_110 : memref<520x128xf32, #tpu.memory_space<vmem_shared>>) dst(%dma_wait3A_108 : memref<520x128xf32, #tpu.memory_space<hbm>>)
        tpu.yield
      }) : () -> ()
    } else {
    }
    %barrier3A_55 = arith.constant 0 : index
    tpu.barrier barrier_id(%barrier3A_55)
    %lt3A_56 = arith.constant 15 : i32
    %lt3A_57 = arith.cmpi slt, %arg1, %lt3A_56 : i32
    %convert_element_type3A_58 = arith.extui %lt3A_57 : i1 to i32
    %cond3A_59 = arith.constant 0 : i32
    %cond3A_60 = arith.cmpi ne, %convert_element_type3A_58, %cond3A_59 : i32
    scf.if %cond3A_60 {
      %mul3A_97 = arith.constant 632 : i32
      %mul3A_98 = arith.muli %arg1, %mul3A_97 : i32
      "tpu.region"() ({
        %run_scoped3A = tpu.sem_alloc : memref<!tpu.dma_semaphore, #tpu.memory_space<semaphore_mem>>
        %dma_start3A_99 = arith.constant 0 : i32
        %dma_start3A_100 = tpu.memref_slice %arg8[%mul3A_98, %dma_start3A_99] : memref<10000x128xf32, #tpu.memory_space<vmem_shared>> -> memref<632x128xf32, #tpu.memory_space<vmem_shared>>
        tpu.enqueue_dma source(%arg4 : memref<632x128xf32, #tpu.memory_space<hbm>>) target(%dma_start3A_100 : memref<632x128xf32, #tpu.memory_space<vmem_shared>>) target_semaphore(%run_scoped3A : memref<!tpu.dma_semaphore, #tpu.memory_space<semaphore_mem>>)
        %dma_wait3A_101 = arith.constant 0 : i32
        %dma_wait3A_102 = tpu.memref_slice %arg8[%mul3A_98, %dma_wait3A_101] : memref<10000x128xf32, #tpu.memory_space<vmem_shared>> -> memref<632x128xf32, #tpu.memory_space<vmem_shared>>
        tpu.wait_dma2 semaphore(%run_scoped3A : memref<!tpu.dma_semaphore, #tpu.memory_space<semaphore_mem>>) src(%arg4 : memref<632x128xf32, #tpu.memory_space<hbm>>) dst(%dma_wait3A_102 : memref<632x128xf32, #tpu.memory_space<vmem_shared>>)
        tpu.yield
      }) : () -> ()
    } else {
    }
    %eq3A_61 = arith.constant 15 : i32
    %eq3A_62 = arith.cmpi eq, %arg1, %eq3A_61 : i32
    %convert_element_type3A_63 = arith.extui %eq3A_62 : i1 to i32
    %cond3A_64 = arith.constant 0 : i32
    %cond3A_65 = arith.cmpi ne, %convert_element_type3A_63, %cond3A_64 : i32
    scf.if %cond3A_65 {
      %mul3A_97 = arith.constant 632 : i32
      %mul3A_98 = arith.muli %arg1, %mul3A_97 : i32
      "tpu.region"() ({
        %run_scoped3A = tpu.sem_alloc : memref<!tpu.dma_semaphore, #tpu.memory_space<semaphore_mem>>
        %dma_start3A_99 = arith.constant 0 : i32
        %dma_start3A_100 = tpu.memref_slice %arg8[%mul3A_98, %dma_start3A_99] : memref<10000x128xf32, #tpu.memory_space<vmem_shared>> -> memref<520x128xf32, #tpu.memory_space<vmem_shared>>
        %dma_start3A_101 = arith.constant 0 : i32
        %dma_start3A_102 = arith.constant 0 : i32
        %dma_start3A_103 = tpu.memref_slice %arg4[%dma_start3A_101, %dma_start3A_102] : memref<632x128xf32, #tpu.memory_space<hbm>> -> memref<520x128xf32, #tpu.memory_space<hbm>>
        tpu.enqueue_dma source(%dma_start3A_103 : memref<520x128xf32, #tpu.memory_space<hbm>>) target(%dma_start3A_100 : memref<520x128xf32, #tpu.memory_space<vmem_shared>>) target_semaphore(%run_scoped3A : memref<!tpu.dma_semaphore, #tpu.memory_space<semaphore_mem>>)
        %dma_wait3A_104 = arith.constant 0 : i32
        %dma_wait3A_105 = tpu.memref_slice %arg8[%mul3A_98, %dma_wait3A_104] : memref<10000x128xf32, #tpu.memory_space<vmem_shared>> -> memref<520x128xf32, #tpu.memory_space<vmem_shared>>
        %dma_wait3A_106 = arith.constant 0 : i32
        %dma_wait3A_107 = arith.constant 0 : i32
        %dma_wait3A_108 = tpu.memref_slice %arg4[%dma_wait3A_106, %dma_wait3A_107] : memref<632x128xf32, #tpu.memory_space<hbm>> -> memref<520x128xf32, #tpu.memory_space<hbm>>
        tpu.wait_dma2 semaphore(%run_scoped3A : memref<!tpu.dma_semaphore, #tpu.memory_space<semaphore_mem>>) src(%dma_wait3A_108 : memref<520x128xf32, #tpu.memory_space<hbm>>) dst(%dma_wait3A_105 : memref<520x128xf32, #tpu.memory_space<vmem_shared>>)
        tpu.yield
      }) : () -> ()
    } else {
    }
    "tpu.region"() ({
      %run_scoped3A = tpu.sem_alloc : memref<!tpu.dma_semaphore, #tpu.memory_space<semaphore_mem>>
      %dma_start3A_97 = arith.constant 0 : i32
      %dma_start3A_98 = arith.constant 0 : i32
      %dma_start3A_99 = tpu.memref_slice %arg10[%dma_start3A_97, %dma_start3A_98] : memref<250x128xf32, #tpu.memory_space<vmem>> -> memref<125x128xf32, #tpu.memory_space<vmem>>
      %dma_start3A_100 = arith.constant 0 : i32
      %dma_start3A_101 = arith.constant 0 : i32
      %dma_start3A_102 = tpu.memref_slice %arg10[%dma_start3A_100, %dma_start3A_101] : memref<250x128xf32, #tpu.memory_space<vmem>> -> memref<125x128xf32, #tpu.memory_space<vmem>>
      tpu.enqueue_dma source(%arg5 : memref<125x128xf32, #tpu.memory_space<hbm>>) target(%dma_start3A_102 : memref<125x128xf32, #tpu.memory_space<vmem>>) target_semaphore(%run_scoped3A : memref<!tpu.dma_semaphore, #tpu.memory_space<semaphore_mem>>)
      %dma_wait3A_103 = arith.constant 0 : i32
      %dma_wait3A_104 = arith.constant 0 : i32
      %dma_wait3A_105 = tpu.memref_slice %arg10[%dma_wait3A_103, %dma_wait3A_104] : memref<250x128xf32, #tpu.memory_space<vmem>> -> memref<125x128xf32, #tpu.memory_space<vmem>>
      %dma_wait3A_106 = arith.constant 0 : i32
      %dma_wait3A_107 = arith.constant 0 : i32
      %dma_wait3A_108 = tpu.memref_slice %arg10[%dma_wait3A_106, %dma_wait3A_107] : memref<250x128xf32, #tpu.memory_space<vmem>> -> memref<125x128xf32, #tpu.memory_space<vmem>>
      tpu.wait_dma2 semaphore(%run_scoped3A : memref<!tpu.dma_semaphore, #tpu.memory_space<semaphore_mem>>) src(%arg5 : memref<125x128xf32, #tpu.memory_space<hbm>>) dst(%dma_wait3A_108 : memref<125x128xf32, #tpu.memory_space<vmem>>)
      tpu.yield
    }) : () -> ()
    %barrier3A_66 = arith.constant 0 : index
    tpu.barrier barrier_id(%barrier3A_66)
    %scan3A_67 = arith.constant 0 : i32
    %scan3A_68 = arith.constant 0 : i32
    %scan3A_69 = arith.constant 10 : i32
    %scan3A_70 = arith.addi %scan3A_68, %scan3A_69 : i32
    %scan3A_71 = arith.constant 1 : i32
    scf.for %scan3A_97 = %scan3A_68 to %scan3A_70 step %scan3A_71  : i32 {
      %rem3A = arith.constant 2 : i32
      %rem3A_98 = arith.remsi %scan3A_97, %rem3A : i32
      %ge3A = arith.constant 1 : i32
      %ge3A_99 = arith.cmpi sge, %scan3A_97, %ge3A : i32
      %convert_element_type3A_100 = arith.extui %ge3A_99 : i1 to i32
      %cond3A_101 = arith.constant 0 : i32
      %cond3A_102 = arith.cmpi ne, %convert_element_type3A_100, %cond3A_101 : i32
      scf.if %cond3A_102 {
        %sub3A = arith.constant 1 : i32
        %sub3A_114 = arith.subi %scan3A_97, %sub3A : i32
        %sub3A_115 = arith.constant 1 : i32
        %sub3A_116 = arith.subi %sub3A_115, %rem3A_98 : i32
        %dma_wait3A_117 = arith.constant 0 : i32
        %dma_wait3A_118 = arith.constant 0 : i32
        %dma_wait3A_119 = tpu.memref_slice %arg10[%dma_wait3A_117, %dma_wait3A_118] : memref<250x128xf32, #tpu.memory_space<vmem>> -> memref<125x128xf32, #tpu.memory_space<vmem>>
        %dma_wait3A_120 = arith.constant 0 : i32
        %dma_wait3A_121 = tpu.memref_slice %arg9[%sub3A_114, %dma_wait3A_120] : memref<10x125xi32, #tpu.memory_space<vmem>> -> memref<1x125xi32, #tpu.memory_space<vmem>>
        %dma_wait3A_122 = tpu.memref_squeeze %dma_wait3A_121 : memref<1x125xi32, #tpu.memory_space<vmem>> -> memref<125xi32, #tpu.memory_space<vmem>>
        %dma_wait3A_123 = arith.constant 0 : i32
        %dma_wait3A_124 = arith.constant 0 : i32
        %dma_wait3A_125 = tpu.memref_slice %arg8[%dma_wait3A_123, %dma_wait3A_124] : memref<10000x128xf32, #tpu.memory_space<vmem_shared>> -> memref<10000x128xf32, #tpu.memory_space<vmem_shared>>
        %dma_wait3A_126 = tpu.memref_slice %arg12[%sub3A_116] : memref<2x!tpu.dma_semaphore, #tpu.memory_space<semaphore_mem>> -> memref<1x!tpu.dma_semaphore, #tpu.memory_space<semaphore_mem>>
        %dma_wait3A_127 = tpu.memref_squeeze %dma_wait3A_126 : memref<1x!tpu.dma_semaphore, #tpu.memory_space<semaphore_mem>> -> memref<!tpu.dma_semaphore, #tpu.memory_space<semaphore_mem>>
        tpu.wait_indirect_dma semaphore(%dma_wait3A_127 : memref<!tpu.dma_semaphore, #tpu.memory_space<semaphore_mem>>) src(%dma_wait3A_119 : memref<125x128xf32, #tpu.memory_space<vmem>>) dst(%dma_wait3A_125 : memref<10000x128xf32, #tpu.memory_space<vmem_shared>>)
      } else {
      }
      %dma_start3A_103 = arith.constant 0 : i32
      %dma_start3A_104 = arith.constant 0 : i32
      %dma_start3A_105 = tpu.memref_slice %arg10[%dma_start3A_103, %dma_start3A_104] : memref<250x128xf32, #tpu.memory_space<vmem>> -> memref<125x128xf32, #tpu.memory_space<vmem>>
      %dma_start3A_106 = arith.constant 0 : i32
      %dma_start3A_107 = tpu.memref_slice %arg9[%scan3A_97, %dma_start3A_106] : memref<10x125xi32, #tpu.memory_space<vmem>> -> memref<1x125xi32, #tpu.memory_space<vmem>>
      %dma_start3A_108 = tpu.memref_squeeze %dma_start3A_107 : memref<1x125xi32, #tpu.memory_space<vmem>> -> memref<125xi32, #tpu.memory_space<vmem>>
      %dma_start3A_109 = arith.constant 0 : i32
      %dma_start3A_110 = arith.constant 0 : i32
      %dma_start3A_111 = tpu.memref_slice %arg8[%dma_start3A_109, %dma_start3A_110] : memref<10000x128xf32, #tpu.memory_space<vmem_shared>> -> memref<10000x128xf32, #tpu.memory_space<vmem_shared>>
      %dma_start3A_112 = tpu.memref_slice %arg12[%rem3A_98] : memref<2x!tpu.dma_semaphore, #tpu.memory_space<semaphore_mem>> -> memref<1x!tpu.dma_semaphore, #tpu.memory_space<semaphore_mem>>
      %dma_start3A_113 = tpu.memref_squeeze %dma_start3A_112 : memref<1x!tpu.dma_semaphore, #tpu.memory_space<semaphore_mem>> -> memref<!tpu.dma_semaphore, #tpu.memory_space<semaphore_mem>>
      tpu.enqueue_indirect_dma source(%dma_start3A_105 : memref<125x128xf32, #tpu.memory_space<vmem>>) target(%dma_start3A_111 : memref<10000x128xf32, #tpu.memory_space<vmem_shared>>) offsets(%dma_start3A_108 : memref<125xi32, #tpu.memory_space<vmem>>) semaphore(%dma_start3A_113 : memref<!tpu.dma_semaphore, #tpu.memory_space<semaphore_mem>>) {add = true}
    }
    %scan3A_72 = arith.constant 10 : i32
    %dma_wait3A_73 = arith.constant 9 : i32
    %dma_wait3A_74 = arith.constant 1 : i32
    %dma_wait3A_75 = arith.constant 0 : i32
    %dma_wait3A_76 = arith.constant 0 : i32
    %dma_wait3A_77 = tpu.memref_slice %arg10[%dma_wait3A_75, %dma_wait3A_76] : memref<250x128xf32, #tpu.memory_space<vmem>> -> memref<125x128xf32, #tpu.memory_space<vmem>>
    %dma_wait3A_78 = arith.constant 0 : i32
    %dma_wait3A_79 = tpu.memref_slice %arg9[%dma_wait3A_73, %dma_wait3A_78] : memref<10x125xi32, #tpu.memory_space<vmem>> -> memref<1x125xi32, #tpu.memory_space<vmem>>
    %dma_wait3A_80 = tpu.memref_squeeze %dma_wait3A_79 : memref<1x125xi32, #tpu.memory_space<vmem>> -> memref<125xi32, #tpu.memory_space<vmem>>
    %dma_wait3A_81 = arith.constant 0 : i32
    %dma_wait3A_82 = arith.constant 0 : i32
    %dma_wait3A_83 = tpu.memref_slice %arg8[%dma_wait3A_81, %dma_wait3A_82] : memref<10000x128xf32, #tpu.memory_space<vmem_shared>> -> memref<10000x128xf32, #tpu.memory_space<vmem_shared>>
    %dma_wait3A_84 = tpu.memref_slice %arg12[%dma_wait3A_74] : memref<2x!tpu.dma_semaphore, #tpu.memory_space<semaphore_mem>> -> memref<1x!tpu.dma_semaphore, #tpu.memory_space<semaphore_mem>>
    %dma_wait3A_85 = tpu.memref_squeeze %dma_wait3A_84 : memref<1x!tpu.dma_semaphore, #tpu.memory_space<semaphore_mem>> -> memref<!tpu.dma_semaphore, #tpu.memory_space<semaphore_mem>>
    tpu.wait_indirect_dma semaphore(%dma_wait3A_85 : memref<!tpu.dma_semaphore, #tpu.memory_space<semaphore_mem>>) src(%dma_wait3A_77 : memref<125x128xf32, #tpu.memory_space<vmem>>) dst(%dma_wait3A_83 : memref<10000x128xf32, #tpu.memory_space<vmem_shared>>)
    %barrier3A_86 = arith.constant 0 : index
    tpu.barrier barrier_id(%barrier3A_86)
    %lt3A_87 = arith.constant 15 : i32
    %lt3A_88 = arith.cmpi slt, %arg1, %lt3A_87 : i32
    %convert_element_type3A_89 = arith.extui %lt3A_88 : i1 to i32
    %cond3A_90 = arith.constant 0 : i32
    %cond3A_91 = arith.cmpi ne, %convert_element_type3A_89, %cond3A_90 : i32
    scf.if %cond3A_91 {
      %mul3A_97 = arith.constant 632 : i32
      %mul3A_98 = arith.muli %arg1, %mul3A_97 : i32
      %mul3A_99 = arith.constant 632 : i32
      %mul3A_100 = arith.muli %arg1, %mul3A_99 : i32
      "tpu.region"() ({
        %run_scoped3A = tpu.sem_alloc : memref<!tpu.dma_semaphore, #tpu.memory_space<semaphore_mem>>
        %dma_start3A_101 = arith.constant 0 : i32
        %dma_start3A_102 = tpu.memref_slice %arg7[%arg0, %mul3A_100, %dma_start3A_101] : memref<2x10000x128xf32, #tpu.memory_space<hbm>> -> memref<1x632x128xf32, #tpu.memory_space<hbm>>
        %dma_start3A_103 = tpu.memref_squeeze %dma_start3A_102 : memref<1x632x128xf32, #tpu.memory_space<hbm>> -> memref<632x128xf32, #tpu.memory_space<hbm>>
        %dma_start3A_104 = arith.constant 0 : i32
        %dma_start3A_105 = tpu.memref_slice %arg8[%mul3A_98, %dma_start3A_104] : memref<10000x128xf32, #tpu.memory_space<vmem_shared>> -> memref<632x128xf32, #tpu.memory_space<vmem_shared>>
        tpu.enqueue_dma source(%dma_start3A_105 : memref<632x128xf32, #tpu.memory_space<vmem_shared>>) target(%dma_start3A_103 : memref<632x128xf32, #tpu.memory_space<hbm>>) target_semaphore(%run_scoped3A : memref<!tpu.dma_semaphore, #tpu.memory_space<semaphore_mem>>)
        %dma_wait3A_106 = arith.constant 0 : i32
        %dma_wait3A_107 = tpu.memref_slice %arg7[%arg0, %mul3A_100, %dma_wait3A_106] : memref<2x10000x128xf32, #tpu.memory_space<hbm>> -> memref<1x632x128xf32, #tpu.memory_space<hbm>>
        %dma_wait3A_108 = tpu.memref_squeeze %dma_wait3A_107 : memref<1x632x128xf32, #tpu.memory_space<hbm>> -> memref<632x128xf32, #tpu.memory_space<hbm>>
        %dma_wait3A_109 = arith.constant 0 : i32
        %dma_wait3A_110 = tpu.memref_slice %arg8[%mul3A_98, %dma_wait3A_109] : memref<10000x128xf32, #tpu.memory_space<vmem_shared>> -> memref<632x128xf32, #tpu.memory_space<vmem_shared>>
        tpu.wait_dma2 semaphore(%run_scoped3A : memref<!tpu.dma_semaphore, #tpu.memory_space<semaphore_mem>>) src(%dma_wait3A_110 : memref<632x128xf32, #tpu.memory_space<vmem_shared>>) dst(%dma_wait3A_108 : memref<632x128xf32, #tpu.memory_space<hbm>>)
        tpu.yield
      }) : () -> ()
    } else {
    }
    %eq3A_92 = arith.constant 15 : i32
    %eq3A_93 = arith.cmpi eq, %arg1, %eq3A_92 : i32
    %convert_element_type3A_94 = arith.extui %eq3A_93 : i1 to i32
    %cond3A_95 = arith.constant 0 : i32
    %cond3A_96 = arith.cmpi ne, %convert_element_type3A_94, %cond3A_95 : i32
    scf.if %cond3A_96 {
      %mul3A_97 = arith.constant 632 : i32
      %mul3A_98 = arith.muli %arg1, %mul3A_97 : i32
      %mul3A_99 = arith.constant 632 : i32
      %mul3A_100 = arith.muli %arg1, %mul3A_99 : i32
      "tpu.region"() ({
        %run_scoped3A = tpu.sem_alloc : memref<!tpu.dma_semaphore, #tpu.memory_space<semaphore_mem>>
        %dma_start3A_101 = arith.constant 0 : i32
        %dma_start3A_102 = tpu.memref_slice %arg7[%arg0, %mul3A_100, %dma_start3A_101] : memref<2x10000x128xf32, #tpu.memory_space<hbm>> -> memref<1x520x128xf32, #tpu.memory_space<hbm>>
        %dma_start3A_103 = tpu.memref_squeeze %dma_start3A_102 : memref<1x520x128xf32, #tpu.memory_space<hbm>> -> memref<520x128xf32, #tpu.memory_space<hbm>>
        %dma_start3A_104 = arith.constant 0 : i32
        %dma_start3A_105 = tpu.memref_slice %arg8[%mul3A_98, %dma_start3A_104] : memref<10000x128xf32, #tpu.memory_space<vmem_shared>> -> memref<520x128xf32, #tpu.memory_space<vmem_shared>>
        tpu.enqueue_dma source(%dma_start3A_105 : memref<520x128xf32, #tpu.memory_space<vmem_shared>>) target(%dma_start3A_103 : memref<520x128xf32, #tpu.memory_space<hbm>>) target_semaphore(%run_scoped3A : memref<!tpu.dma_semaphore, #tpu.memory_space<semaphore_mem>>)
        %dma_wait3A_106 = arith.constant 0 : i32
        %dma_wait3A_107 = tpu.memref_slice %arg7[%arg0, %mul3A_100, %dma_wait3A_106] : memref<2x10000x128xf32, #tpu.memory_space<hbm>> -> memref<1x520x128xf32, #tpu.memory_space<hbm>>
        %dma_wait3A_108 = tpu.memref_squeeze %dma_wait3A_107 : memref<1x520x128xf32, #tpu.memory_space<hbm>> -> memref<520x128xf32, #tpu.memory_space<hbm>>
        %dma_wait3A_109 = arith.constant 0 : i32
        %dma_wait3A_110 = tpu.memref_slice %arg8[%mul3A_98, %dma_wait3A_109] : memref<10000x128xf32, #tpu.memory_space<vmem_shared>> -> memref<520x128xf32, #tpu.memory_space<vmem_shared>>
        tpu.wait_dma2 semaphore(%run_scoped3A : memref<!tpu.dma_semaphore, #tpu.memory_space<semaphore_mem>>) src(%dma_wait3A_110 : memref<520x128xf32, #tpu.memory_space<vmem_shared>>) dst(%dma_wait3A_108 : memref<520x128xf32, #tpu.memory_space<hbm>>)
        tpu.yield
      }) : () -> ()
    } else {
    }
    return
  }
}

#map = affine_map<(d0, d1) -> (0, 0)>
#map1 = affine_map<(d0, d1) -> (0, 0, 0)>
module attributes {stable_mosaic.version = 14 : i64} {
  func.func @body(%arg0: i32, %arg1: i32, %arg2: memref<10000x128xf32, #tpu.memory_space<hbm>>, %arg3: memref<32x80x125xi32, #tpu.memory_space<hbm>>, %arg4: memref<32x80x125xi32, #tpu.memory_space<hbm>>, %arg5: memref<632x128xf32, #tpu.memory_space<hbm>>, %arg6: memref<2x10000x128xf32, #tpu.memory_space<hbm>>, %arg7: memref<10000x128xf32, #tpu.memory_space<vmem_shared>>, %arg8: memref<20x125xi32, #tpu.memory_space<vmem>>, %arg9: memref<20x125xi32, #tpu.memory_space<vmem>>, %arg10: memref<250x128xf32, #tpu.memory_space<vmem>>, %arg11: memref<2x!tpu.dma_semaphore, #tpu.memory_space<semaphore_mem>>, %arg12: memref<2x!tpu.dma_semaphore, #tpu.memory_space<semaphore_mem>>) attributes {dimension_semantics = [#tpu.dimension_semantics<core_parallel>, #tpu.dimension_semantics<subcore_parallel>], iteration_bounds = array<i64: 2, 16>, scalar_prefetch = 0 : i64, scratch_operands = 6 : i64, tpu.core_type = #tpu.core_type<sc_vector_subcore>, window_params = [{transform_indices = #map}, {transform_indices = #map1}, {transform_indices = #map1}, {transform_indices = #map}, {transform_indices = #map1}]} {
    %mul3A = arith.constant 16 : i32
    %mul3A_0 = arith.muli %arg0, %mul3A : i32
    %add3A = arith.addi %mul3A_0, %arg1 : i32
    %lt3A = arith.constant 15 : i32
    %lt3A_1 = arith.cmpi slt, %arg1, %lt3A : i32
    %convert_element_type3A = arith.extui %lt3A_1 : i1 to i32
    %cond3A = arith.constant 0 : i32
    %cond3A_2 = arith.cmpi ne, %convert_element_type3A, %cond3A : i32
    scf.if %cond3A_2 {
      %mul3A_23 = arith.constant 632 : i32
      %mul3A_24 = arith.muli %arg1, %mul3A_23 : i32
      "tpu.region"() ({
        %run_scoped3A = tpu.sem_alloc : memref<!tpu.dma_semaphore, #tpu.memory_space<semaphore_mem>>
        %dma_start3A = arith.constant 0 : i32
        %dma_start3A_25 = tpu.memref_slice %arg7[%mul3A_24, %dma_start3A] : memref<10000x128xf32, #tpu.memory_space<vmem_shared>> -> memref<632x128xf32, #tpu.memory_space<vmem_shared>>
        tpu.enqueue_dma source(%arg5 : memref<632x128xf32, #tpu.memory_space<hbm>>) target(%dma_start3A_25 : memref<632x128xf32, #tpu.memory_space<vmem_shared>>) target_semaphore(%run_scoped3A : memref<!tpu.dma_semaphore, #tpu.memory_space<semaphore_mem>>)
        %dma_wait3A = arith.constant 0 : i32
        %dma_wait3A_26 = tpu.memref_slice %arg7[%mul3A_24, %dma_wait3A] : memref<10000x128xf32, #tpu.memory_space<vmem_shared>> -> memref<632x128xf32, #tpu.memory_space<vmem_shared>>
        tpu.wait_dma2 semaphore(%run_scoped3A : memref<!tpu.dma_semaphore, #tpu.memory_space<semaphore_mem>>) src(%arg5 : memref<632x128xf32, #tpu.memory_space<hbm>>) dst(%dma_wait3A_26 : memref<632x128xf32, #tpu.memory_space<vmem_shared>>)
        tpu.yield
      }) : () -> ()
    } else {
    }
    %eq3A = arith.constant 15 : i32
    %eq3A_3 = arith.cmpi eq, %arg1, %eq3A : i32
    %convert_element_type3A_4 = arith.extui %eq3A_3 : i1 to i32
    %cond3A_5 = arith.constant 0 : i32
    %cond3A_6 = arith.cmpi ne, %convert_element_type3A_4, %cond3A_5 : i32
    scf.if %cond3A_6 {
      %mul3A_23 = arith.constant 632 : i32
      %mul3A_24 = arith.muli %arg1, %mul3A_23 : i32
      "tpu.region"() ({
        %run_scoped3A = tpu.sem_alloc : memref<!tpu.dma_semaphore, #tpu.memory_space<semaphore_mem>>
        %dma_start3A = arith.constant 0 : i32
        %dma_start3A_25 = tpu.memref_slice %arg7[%mul3A_24, %dma_start3A] : memref<10000x128xf32, #tpu.memory_space<vmem_shared>> -> memref<520x128xf32, #tpu.memory_space<vmem_shared>>
        %dma_start3A_26 = arith.constant 0 : i32
        %dma_start3A_27 = arith.constant 0 : i32
        %dma_start3A_28 = tpu.memref_slice %arg5[%dma_start3A_26, %dma_start3A_27] : memref<632x128xf32, #tpu.memory_space<hbm>> -> memref<520x128xf32, #tpu.memory_space<hbm>>
        tpu.enqueue_dma source(%dma_start3A_28 : memref<520x128xf32, #tpu.memory_space<hbm>>) target(%dma_start3A_25 : memref<520x128xf32, #tpu.memory_space<vmem_shared>>) target_semaphore(%run_scoped3A : memref<!tpu.dma_semaphore, #tpu.memory_space<semaphore_mem>>)
        %dma_wait3A = arith.constant 0 : i32
        %dma_wait3A_29 = tpu.memref_slice %arg7[%mul3A_24, %dma_wait3A] : memref<10000x128xf32, #tpu.memory_space<vmem_shared>> -> memref<520x128xf32, #tpu.memory_space<vmem_shared>>
        %dma_wait3A_30 = arith.constant 0 : i32
        %dma_wait3A_31 = arith.constant 0 : i32
        %dma_wait3A_32 = tpu.memref_slice %arg5[%dma_wait3A_30, %dma_wait3A_31] : memref<632x128xf32, #tpu.memory_space<hbm>> -> memref<520x128xf32, #tpu.memory_space<hbm>>
        tpu.wait_dma2 semaphore(%run_scoped3A : memref<!tpu.dma_semaphore, #tpu.memory_space<semaphore_mem>>) src(%dma_wait3A_32 : memref<520x128xf32, #tpu.memory_space<hbm>>) dst(%dma_wait3A_29 : memref<520x128xf32, #tpu.memory_space<vmem_shared>>)
        tpu.yield
      }) : () -> ()
    } else {
    }
    %barrier3A = arith.constant 0 : index
    tpu.barrier barrier_id(%barrier3A)
    %scan3A = arith.constant 0 : i32
    %scan3A_7 = arith.constant 0 : i32
    %scan3A_8 = arith.constant 4 : i32
    %scan3A_9 = arith.addi %scan3A_7, %scan3A_8 : i32
    %scan3A_10 = arith.constant 1 : i32
    scf.for %scan3A_23 = %scan3A_7 to %scan3A_9 step %scan3A_10  : i32 {
      %mul3A_24 = arith.constant 20 : i32
      %mul3A_25 = arith.muli %scan3A_23, %mul3A_24 : i32
      "tpu.region"() ({
        %run_scoped3A = tpu.sem_alloc : memref<!tpu.dma_semaphore, #tpu.memory_space<semaphore_mem>>
        %dma_start3A_58 = arith.constant 0 : i32
        %dma_start3A_59 = tpu.memref_slice %arg3[%add3A, %mul3A_25, %dma_start3A_58] : memref<32x80x125xi32, #tpu.memory_space<hbm>> -> memref<1x20x125xi32, #tpu.memory_space<hbm>>
        %dma_start3A_60 = tpu.memref_squeeze %dma_start3A_59 : memref<1x20x125xi32, #tpu.memory_space<hbm>> -> memref<20x125xi32, #tpu.memory_space<hbm>>
        %dma_start3A_61 = arith.constant 0 : i32
        %dma_start3A_62 = tpu.memref_slice %arg3[%add3A, %mul3A_25, %dma_start3A_61] : memref<32x80x125xi32, #tpu.memory_space<hbm>> -> memref<1x20x125xi32, #tpu.memory_space<hbm>>
        %dma_start3A_63 = tpu.memref_squeeze %dma_start3A_62 : memref<1x20x125xi32, #tpu.memory_space<hbm>> -> memref<20x125xi32, #tpu.memory_space<hbm>>
        tpu.enqueue_dma source(%dma_start3A_63 : memref<20x125xi32, #tpu.memory_space<hbm>>) target(%arg8 : memref<20x125xi32, #tpu.memory_space<vmem>>) target_semaphore(%run_scoped3A : memref<!tpu.dma_semaphore, #tpu.memory_space<semaphore_mem>>)
        %dma_wait3A_64 = arith.constant 0 : i32
        %dma_wait3A_65 = tpu.memref_slice %arg3[%add3A, %mul3A_25, %dma_wait3A_64] : memref<32x80x125xi32, #tpu.memory_space<hbm>> -> memref<1x20x125xi32, #tpu.memory_space<hbm>>
        %dma_wait3A_66 = tpu.memref_squeeze %dma_wait3A_65 : memref<1x20x125xi32, #tpu.memory_space<hbm>> -> memref<20x125xi32, #tpu.memory_space<hbm>>
        %dma_wait3A_67 = arith.constant 0 : i32
        %dma_wait3A_68 = tpu.memref_slice %arg3[%add3A, %mul3A_25, %dma_wait3A_67] : memref<32x80x125xi32, #tpu.memory_space<hbm>> -> memref<1x20x125xi32, #tpu.memory_space<hbm>>
        %dma_wait3A_69 = tpu.memref_squeeze %dma_wait3A_68 : memref<1x20x125xi32, #tpu.memory_space<hbm>> -> memref<20x125xi32, #tpu.memory_space<hbm>>
        tpu.wait_dma2 semaphore(%run_scoped3A : memref<!tpu.dma_semaphore, #tpu.memory_space<semaphore_mem>>) src(%dma_wait3A_69 : memref<20x125xi32, #tpu.memory_space<hbm>>) dst(%arg8 : memref<20x125xi32, #tpu.memory_space<vmem>>)
        tpu.yield
      }) : () -> ()
      %mul3A_26 = arith.constant 20 : i32
      %mul3A_27 = arith.muli %scan3A_23, %mul3A_26 : i32
      "tpu.region"() ({
        %run_scoped3A = tpu.sem_alloc : memref<!tpu.dma_semaphore, #tpu.memory_space<semaphore_mem>>
        %dma_start3A_58 = arith.constant 0 : i32
        %dma_start3A_59 = tpu.memref_slice %arg4[%add3A, %mul3A_27, %dma_start3A_58] : memref<32x80x125xi32, #tpu.memory_space<hbm>> -> memref<1x20x125xi32, #tpu.memory_space<hbm>>
        %dma_start3A_60 = tpu.memref_squeeze %dma_start3A_59 : memref<1x20x125xi32, #tpu.memory_space<hbm>> -> memref<20x125xi32, #tpu.memory_space<hbm>>
        %dma_start3A_61 = arith.constant 0 : i32
        %dma_start3A_62 = tpu.memref_slice %arg4[%add3A, %mul3A_27, %dma_start3A_61] : memref<32x80x125xi32, #tpu.memory_space<hbm>> -> memref<1x20x125xi32, #tpu.memory_space<hbm>>
        %dma_start3A_63 = tpu.memref_squeeze %dma_start3A_62 : memref<1x20x125xi32, #tpu.memory_space<hbm>> -> memref<20x125xi32, #tpu.memory_space<hbm>>
        tpu.enqueue_dma source(%dma_start3A_63 : memref<20x125xi32, #tpu.memory_space<hbm>>) target(%arg9 : memref<20x125xi32, #tpu.memory_space<vmem>>) target_semaphore(%run_scoped3A : memref<!tpu.dma_semaphore, #tpu.memory_space<semaphore_mem>>)
        %dma_wait3A_64 = arith.constant 0 : i32
        %dma_wait3A_65 = tpu.memref_slice %arg4[%add3A, %mul3A_27, %dma_wait3A_64] : memref<32x80x125xi32, #tpu.memory_space<hbm>> -> memref<1x20x125xi32, #tpu.memory_space<hbm>>
        %dma_wait3A_66 = tpu.memref_squeeze %dma_wait3A_65 : memref<1x20x125xi32, #tpu.memory_space<hbm>> -> memref<20x125xi32, #tpu.memory_space<hbm>>
        %dma_wait3A_67 = arith.constant 0 : i32
        %dma_wait3A_68 = tpu.memref_slice %arg4[%add3A, %mul3A_27, %dma_wait3A_67] : memref<32x80x125xi32, #tpu.memory_space<hbm>> -> memref<1x20x125xi32, #tpu.memory_space<hbm>>
        %dma_wait3A_69 = tpu.memref_squeeze %dma_wait3A_68 : memref<1x20x125xi32, #tpu.memory_space<hbm>> -> memref<20x125xi32, #tpu.memory_space<hbm>>
        tpu.wait_dma2 semaphore(%run_scoped3A : memref<!tpu.dma_semaphore, #tpu.memory_space<semaphore_mem>>) src(%dma_wait3A_69 : memref<20x125xi32, #tpu.memory_space<hbm>>) dst(%arg9 : memref<20x125xi32, #tpu.memory_space<vmem>>)
        tpu.yield
      }) : () -> ()
      %dma_start3A = arith.constant 0 : i32
      %dma_start3A_28 = arith.constant 0 : i32
      %dma_start3A_29 = arith.constant 0 : i32
      %dma_start3A_30 = arith.constant 0 : i32
      %dma_start3A_31 = tpu.memref_slice %arg10[%dma_start3A_29, %dma_start3A_30] : memref<250x128xf32, #tpu.memory_space<vmem>> -> memref<125x128xf32, #tpu.memory_space<vmem>>
      %dma_start3A_32 = arith.constant 0 : i32
      %dma_start3A_33 = tpu.memref_slice %arg8[%dma_start3A, %dma_start3A_32] : memref<20x125xi32, #tpu.memory_space<vmem>> -> memref<1x125xi32, #tpu.memory_space<vmem>>
      %dma_start3A_34 = tpu.memref_squeeze %dma_start3A_33 : memref<1x125xi32, #tpu.memory_space<vmem>> -> memref<125xi32, #tpu.memory_space<vmem>>
      %dma_start3A_35 = arith.constant 0 : i32
      %dma_start3A_36 = arith.constant 0 : i32
      %dma_start3A_37 = tpu.memref_slice %arg2[%dma_start3A_35, %dma_start3A_36] : memref<10000x128xf32, #tpu.memory_space<hbm>> -> memref<10000x128xf32, #tpu.memory_space<hbm>>
      %dma_start3A_38 = tpu.memref_slice %arg11[%dma_start3A_28] : memref<2x!tpu.dma_semaphore, #tpu.memory_space<semaphore_mem>> -> memref<1x!tpu.dma_semaphore, #tpu.memory_space<semaphore_mem>>
      %dma_start3A_39 = tpu.memref_squeeze %dma_start3A_38 : memref<1x!tpu.dma_semaphore, #tpu.memory_space<semaphore_mem>> -> memref<!tpu.dma_semaphore, #tpu.memory_space<semaphore_mem>>
      tpu.enqueue_indirect_dma source(%dma_start3A_37 : memref<10000x128xf32, #tpu.memory_space<hbm>>) target(%dma_start3A_31 : memref<125x128xf32, #tpu.memory_space<vmem>>) offsets(%dma_start3A_34 : memref<125xi32, #tpu.memory_space<vmem>>) semaphore(%dma_start3A_39 : memref<!tpu.dma_semaphore, #tpu.memory_space<semaphore_mem>>)
      %scan3A_40 = arith.constant 0 : i32
      %scan3A_41 = arith.constant 0 : i32
      %scan3A_42 = arith.constant 20 : i32
      %scan3A_43 = arith.addi %scan3A_41, %scan3A_42 : i32
      %scan3A_44 = arith.constant 1 : i32
      scf.for %scan3A_58 = %scan3A_41 to %scan3A_43 step %scan3A_44  : i32 {
        %rem3A = arith.constant 2 : i32
        %rem3A_59 = arith.remsi %scan3A_58, %rem3A : i32
        %sub3A = arith.constant 1 : i32
        %sub3A_60 = arith.subi %sub3A, %rem3A_59 : i32
        %ge3A = arith.constant 1 : i32
        %ge3A_61 = arith.cmpi sge, %scan3A_58, %ge3A : i32
        %convert_element_type3A_62 = arith.extui %ge3A_61 : i1 to i32
        %cond3A_63 = arith.constant 0 : i32
        %cond3A_64 = arith.cmpi ne, %convert_element_type3A_62, %cond3A_63 : i32
        scf.if %cond3A_64 {
          %sub3A_96 = arith.constant 1 : i32
          %sub3A_97 = arith.subi %scan3A_58, %sub3A_96 : i32
          %mul3A_98 = arith.constant 125 : i32
          %mul3A_99 = arith.muli %sub3A_60, %mul3A_98 : i32
          %dma_wait3A_100 = arith.constant 0 : i32
          %dma_wait3A_101 = tpu.memref_slice %arg10[%mul3A_99, %dma_wait3A_100] : memref<250x128xf32, #tpu.memory_space<vmem>> -> memref<125x128xf32, #tpu.memory_space<vmem>>
          %dma_wait3A_102 = arith.constant 0 : i32
          %dma_wait3A_103 = tpu.memref_slice %arg9[%sub3A_97, %dma_wait3A_102] : memref<20x125xi32, #tpu.memory_space<vmem>> -> memref<1x125xi32, #tpu.memory_space<vmem>>
          %dma_wait3A_104 = tpu.memref_squeeze %dma_wait3A_103 : memref<1x125xi32, #tpu.memory_space<vmem>> -> memref<125xi32, #tpu.memory_space<vmem>>
          %dma_wait3A_105 = arith.constant 0 : i32
          %dma_wait3A_106 = arith.constant 0 : i32
          %dma_wait3A_107 = tpu.memref_slice %arg7[%dma_wait3A_105, %dma_wait3A_106] : memref<10000x128xf32, #tpu.memory_space<vmem_shared>> -> memref<10000x128xf32, #tpu.memory_space<vmem_shared>>
          %dma_wait3A_108 = tpu.memref_slice %arg12[%sub3A_60] : memref<2x!tpu.dma_semaphore, #tpu.memory_space<semaphore_mem>> -> memref<1x!tpu.dma_semaphore, #tpu.memory_space<semaphore_mem>>
          %dma_wait3A_109 = tpu.memref_squeeze %dma_wait3A_108 : memref<1x!tpu.dma_semaphore, #tpu.memory_space<semaphore_mem>> -> memref<!tpu.dma_semaphore, #tpu.memory_space<semaphore_mem>>
          tpu.wait_indirect_dma semaphore(%dma_wait3A_109 : memref<!tpu.dma_semaphore, #tpu.memory_space<semaphore_mem>>) src(%dma_wait3A_101 : memref<125x128xf32, #tpu.memory_space<vmem>>) dst(%dma_wait3A_107 : memref<10000x128xf32, #tpu.memory_space<vmem_shared>>)
        } else {
        }
        %add3A_65 = arith.constant 1 : i32
        %add3A_66 = arith.addi %scan3A_58, %add3A_65 : i32
        %lt3A_67 = arith.constant 20 : i32
        %lt3A_68 = arith.cmpi slt, %add3A_66, %lt3A_67 : i32
        %convert_element_type3A_69 = arith.extui %lt3A_68 : i1 to i32
        %cond3A_70 = arith.constant 0 : i32
        %cond3A_71 = arith.cmpi ne, %convert_element_type3A_69, %cond3A_70 : i32
        scf.if %cond3A_71 {
          %add3A_96 = arith.constant 1 : i32
          %add3A_97 = arith.addi %scan3A_58, %add3A_96 : i32
          %mul3A_98 = arith.constant 125 : i32
          %mul3A_99 = arith.muli %sub3A_60, %mul3A_98 : i32
          %dma_start3A_100 = arith.constant 0 : i32
          %dma_start3A_101 = tpu.memref_slice %arg10[%mul3A_99, %dma_start3A_100] : memref<250x128xf32, #tpu.memory_space<vmem>> -> memref<125x128xf32, #tpu.memory_space<vmem>>
          %dma_start3A_102 = arith.constant 0 : i32
          %dma_start3A_103 = tpu.memref_slice %arg8[%add3A_97, %dma_start3A_102] : memref<20x125xi32, #tpu.memory_space<vmem>> -> memref<1x125xi32, #tpu.memory_space<vmem>>
          %dma_start3A_104 = tpu.memref_squeeze %dma_start3A_103 : memref<1x125xi32, #tpu.memory_space<vmem>> -> memref<125xi32, #tpu.memory_space<vmem>>
          %dma_start3A_105 = arith.constant 0 : i32
          %dma_start3A_106 = arith.constant 0 : i32
          %dma_start3A_107 = tpu.memref_slice %arg2[%dma_start3A_105, %dma_start3A_106] : memref<10000x128xf32, #tpu.memory_space<hbm>> -> memref<10000x128xf32, #tpu.memory_space<hbm>>
          %dma_start3A_108 = tpu.memref_slice %arg11[%sub3A_60] : memref<2x!tpu.dma_semaphore, #tpu.memory_space<semaphore_mem>> -> memref<1x!tpu.dma_semaphore, #tpu.memory_space<semaphore_mem>>
          %dma_start3A_109 = tpu.memref_squeeze %dma_start3A_108 : memref<1x!tpu.dma_semaphore, #tpu.memory_space<semaphore_mem>> -> memref<!tpu.dma_semaphore, #tpu.memory_space<semaphore_mem>>
          tpu.enqueue_indirect_dma source(%dma_start3A_107 : memref<10000x128xf32, #tpu.memory_space<hbm>>) target(%dma_start3A_101 : memref<125x128xf32, #tpu.memory_space<vmem>>) offsets(%dma_start3A_104 : memref<125xi32, #tpu.memory_space<vmem>>) semaphore(%dma_start3A_109 : memref<!tpu.dma_semaphore, #tpu.memory_space<semaphore_mem>>)
        } else {
        }
        %mul3A_72 = arith.constant 125 : i32
        %mul3A_73 = arith.muli %rem3A_59, %mul3A_72 : i32
        %dma_wait3A_74 = arith.constant 0 : i32
        %dma_wait3A_75 = tpu.memref_slice %arg10[%mul3A_73, %dma_wait3A_74] : memref<250x128xf32, #tpu.memory_space<vmem>> -> memref<125x128xf32, #tpu.memory_space<vmem>>
        %dma_wait3A_76 = arith.constant 0 : i32
        %dma_wait3A_77 = tpu.memref_slice %arg8[%scan3A_58, %dma_wait3A_76] : memref<20x125xi32, #tpu.memory_space<vmem>> -> memref<1x125xi32, #tpu.memory_space<vmem>>
        %dma_wait3A_78 = tpu.memref_squeeze %dma_wait3A_77 : memref<1x125xi32, #tpu.memory_space<vmem>> -> memref<125xi32, #tpu.memory_space<vmem>>
        %dma_wait3A_79 = arith.constant 0 : i32
        %dma_wait3A_80 = arith.constant 0 : i32
        %dma_wait3A_81 = tpu.memref_slice %arg2[%dma_wait3A_79, %dma_wait3A_80] : memref<10000x128xf32, #tpu.memory_space<hbm>> -> memref<10000x128xf32, #tpu.memory_space<hbm>>
        %dma_wait3A_82 = tpu.memref_slice %arg11[%rem3A_59] : memref<2x!tpu.dma_semaphore, #tpu.memory_space<semaphore_mem>> -> memref<1x!tpu.dma_semaphore, #tpu.memory_space<semaphore_mem>>
        %dma_wait3A_83 = tpu.memref_squeeze %dma_wait3A_82 : memref<1x!tpu.dma_semaphore, #tpu.memory_space<semaphore_mem>> -> memref<!tpu.dma_semaphore, #tpu.memory_space<semaphore_mem>>
        tpu.wait_indirect_dma semaphore(%dma_wait3A_83 : memref<!tpu.dma_semaphore, #tpu.memory_space<semaphore_mem>>) src(%dma_wait3A_81 : memref<10000x128xf32, #tpu.memory_space<hbm>>) dst(%dma_wait3A_75 : memref<125x128xf32, #tpu.memory_space<vmem>>)
        %mul3A_84 = arith.constant 125 : i32
        %mul3A_85 = arith.muli %rem3A_59, %mul3A_84 : i32
        %dma_start3A_86 = arith.constant 0 : i32
        %dma_start3A_87 = tpu.memref_slice %arg10[%mul3A_85, %dma_start3A_86] : memref<250x128xf32, #tpu.memory_space<vmem>> -> memref<125x128xf32, #tpu.memory_space<vmem>>
        %dma_start3A_88 = arith.constant 0 : i32
        %dma_start3A_89 = tpu.memref_slice %arg9[%scan3A_58, %dma_start3A_88] : memref<20x125xi32, #tpu.memory_space<vmem>> -> memref<1x125xi32, #tpu.memory_space<vmem>>
        %dma_start3A_90 = tpu.memref_squeeze %dma_start3A_89 : memref<1x125xi32, #tpu.memory_space<vmem>> -> memref<125xi32, #tpu.memory_space<vmem>>
        %dma_start3A_91 = arith.constant 0 : i32
        %dma_start3A_92 = arith.constant 0 : i32
        %dma_start3A_93 = tpu.memref_slice %arg7[%dma_start3A_91, %dma_start3A_92] : memref<10000x128xf32, #tpu.memory_space<vmem_shared>> -> memref<10000x128xf32, #tpu.memory_space<vmem_shared>>
        %dma_start3A_94 = tpu.memref_slice %arg12[%rem3A_59] : memref<2x!tpu.dma_semaphore, #tpu.memory_space<semaphore_mem>> -> memref<1x!tpu.dma_semaphore, #tpu.memory_space<semaphore_mem>>
        %dma_start3A_95 = tpu.memref_squeeze %dma_start3A_94 : memref<1x!tpu.dma_semaphore, #tpu.memory_space<semaphore_mem>> -> memref<!tpu.dma_semaphore, #tpu.memory_space<semaphore_mem>>
        tpu.enqueue_indirect_dma source(%dma_start3A_87 : memref<125x128xf32, #tpu.memory_space<vmem>>) target(%dma_start3A_93 : memref<10000x128xf32, #tpu.memory_space<vmem_shared>>) offsets(%dma_start3A_90 : memref<125xi32, #tpu.memory_space<vmem>>) semaphore(%dma_start3A_95 : memref<!tpu.dma_semaphore, #tpu.memory_space<semaphore_mem>>) {add = true}
      }
      %scan3A_45 = arith.constant 20 : i32
      %dma_wait3A = arith.constant 19 : i32
      %dma_wait3A_46 = arith.constant 1 : i32
      %dma_wait3A_47 = arith.constant 125 : i32
      %dma_wait3A_48 = arith.constant 0 : i32
      %dma_wait3A_49 = tpu.memref_slice %arg10[%dma_wait3A_47, %dma_wait3A_48] : memref<250x128xf32, #tpu.memory_space<vmem>> -> memref<125x128xf32, #tpu.memory_space<vmem>>
      %dma_wait3A_50 = arith.constant 0 : i32
      %dma_wait3A_51 = tpu.memref_slice %arg9[%dma_wait3A, %dma_wait3A_50] : memref<20x125xi32, #tpu.memory_space<vmem>> -> memref<1x125xi32, #tpu.memory_space<vmem>>
      %dma_wait3A_52 = tpu.memref_squeeze %dma_wait3A_51 : memref<1x125xi32, #tpu.memory_space<vmem>> -> memref<125xi32, #tpu.memory_space<vmem>>
      %dma_wait3A_53 = arith.constant 0 : i32
      %dma_wait3A_54 = arith.constant 0 : i32
      %dma_wait3A_55 = tpu.memref_slice %arg7[%dma_wait3A_53, %dma_wait3A_54] : memref<10000x128xf32, #tpu.memory_space<vmem_shared>> -> memref<10000x128xf32, #tpu.memory_space<vmem_shared>>
      %dma_wait3A_56 = tpu.memref_slice %arg12[%dma_wait3A_46] : memref<2x!tpu.dma_semaphore, #tpu.memory_space<semaphore_mem>> -> memref<1x!tpu.dma_semaphore, #tpu.memory_space<semaphore_mem>>
      %dma_wait3A_57 = tpu.memref_squeeze %dma_wait3A_56 : memref<1x!tpu.dma_semaphore, #tpu.memory_space<semaphore_mem>> -> memref<!tpu.dma_semaphore, #tpu.memory_space<semaphore_mem>>
      tpu.wait_indirect_dma semaphore(%dma_wait3A_57 : memref<!tpu.dma_semaphore, #tpu.memory_space<semaphore_mem>>) src(%dma_wait3A_49 : memref<125x128xf32, #tpu.memory_space<vmem>>) dst(%dma_wait3A_55 : memref<10000x128xf32, #tpu.memory_space<vmem_shared>>)
    }
    %scan3A_11 = arith.constant 4 : i32
    %barrier3A_12 = arith.constant 0 : index
    tpu.barrier barrier_id(%barrier3A_12)
    %lt3A_13 = arith.constant 15 : i32
    %lt3A_14 = arith.cmpi slt, %arg1, %lt3A_13 : i32
    %convert_element_type3A_15 = arith.extui %lt3A_14 : i1 to i32
    %cond3A_16 = arith.constant 0 : i32
    %cond3A_17 = arith.cmpi ne, %convert_element_type3A_15, %cond3A_16 : i32
    scf.if %cond3A_17 {
      %mul3A_23 = arith.constant 632 : i32
      %mul3A_24 = arith.muli %arg1, %mul3A_23 : i32
      %mul3A_25 = arith.constant 632 : i32
      %mul3A_26 = arith.muli %arg1, %mul3A_25 : i32
      "tpu.region"() ({
        %run_scoped3A = tpu.sem_alloc : memref<!tpu.dma_semaphore, #tpu.memory_space<semaphore_mem>>
        %dma_start3A = arith.constant 0 : i32
        %dma_start3A_27 = tpu.memref_slice %arg6[%arg0, %mul3A_26, %dma_start3A] : memref<2x10000x128xf32, #tpu.memory_space<hbm>> -> memref<1x632x128xf32, #tpu.memory_space<hbm>>
        %dma_start3A_28 = tpu.memref_squeeze %dma_start3A_27 : memref<1x632x128xf32, #tpu.memory_space<hbm>> -> memref<632x128xf32, #tpu.memory_space<hbm>>
        %dma_start3A_29 = arith.constant 0 : i32
        %dma_start3A_30 = tpu.memref_slice %arg7[%mul3A_24, %dma_start3A_29] : memref<10000x128xf32, #tpu.memory_space<vmem_shared>> -> memref<632x128xf32, #tpu.memory_space<vmem_shared>>
        tpu.enqueue_dma source(%dma_start3A_30 : memref<632x128xf32, #tpu.memory_space<vmem_shared>>) target(%dma_start3A_28 : memref<632x128xf32, #tpu.memory_space<hbm>>) target_semaphore(%run_scoped3A : memref<!tpu.dma_semaphore, #tpu.memory_space<semaphore_mem>>)
        %dma_wait3A = arith.constant 0 : i32
        %dma_wait3A_31 = tpu.memref_slice %arg6[%arg0, %mul3A_26, %dma_wait3A] : memref<2x10000x128xf32, #tpu.memory_space<hbm>> -> memref<1x632x128xf32, #tpu.memory_space<hbm>>
        %dma_wait3A_32 = tpu.memref_squeeze %dma_wait3A_31 : memref<1x632x128xf32, #tpu.memory_space<hbm>> -> memref<632x128xf32, #tpu.memory_space<hbm>>
        %dma_wait3A_33 = arith.constant 0 : i32
        %dma_wait3A_34 = tpu.memref_slice %arg7[%mul3A_24, %dma_wait3A_33] : memref<10000x128xf32, #tpu.memory_space<vmem_shared>> -> memref<632x128xf32, #tpu.memory_space<vmem_shared>>
        tpu.wait_dma2 semaphore(%run_scoped3A : memref<!tpu.dma_semaphore, #tpu.memory_space<semaphore_mem>>) src(%dma_wait3A_34 : memref<632x128xf32, #tpu.memory_space<vmem_shared>>) dst(%dma_wait3A_32 : memref<632x128xf32, #tpu.memory_space<hbm>>)
        tpu.yield
      }) : () -> ()
    } else {
    }
    %eq3A_18 = arith.constant 15 : i32
    %eq3A_19 = arith.cmpi eq, %arg1, %eq3A_18 : i32
    %convert_element_type3A_20 = arith.extui %eq3A_19 : i1 to i32
    %cond3A_21 = arith.constant 0 : i32
    %cond3A_22 = arith.cmpi ne, %convert_element_type3A_20, %cond3A_21 : i32
    scf.if %cond3A_22 {
      %mul3A_23 = arith.constant 632 : i32
      %mul3A_24 = arith.muli %arg1, %mul3A_23 : i32
      %mul3A_25 = arith.constant 632 : i32
      %mul3A_26 = arith.muli %arg1, %mul3A_25 : i32
      "tpu.region"() ({
        %run_scoped3A = tpu.sem_alloc : memref<!tpu.dma_semaphore, #tpu.memory_space<semaphore_mem>>
        %dma_start3A = arith.constant 0 : i32
        %dma_start3A_27 = tpu.memref_slice %arg6[%arg0, %mul3A_26, %dma_start3A] : memref<2x10000x128xf32, #tpu.memory_space<hbm>> -> memref<1x520x128xf32, #tpu.memory_space<hbm>>
        %dma_start3A_28 = tpu.memref_squeeze %dma_start3A_27 : memref<1x520x128xf32, #tpu.memory_space<hbm>> -> memref<520x128xf32, #tpu.memory_space<hbm>>
        %dma_start3A_29 = arith.constant 0 : i32
        %dma_start3A_30 = tpu.memref_slice %arg7[%mul3A_24, %dma_start3A_29] : memref<10000x128xf32, #tpu.memory_space<vmem_shared>> -> memref<520x128xf32, #tpu.memory_space<vmem_shared>>
        tpu.enqueue_dma source(%dma_start3A_30 : memref<520x128xf32, #tpu.memory_space<vmem_shared>>) target(%dma_start3A_28 : memref<520x128xf32, #tpu.memory_space<hbm>>) target_semaphore(%run_scoped3A : memref<!tpu.dma_semaphore, #tpu.memory_space<semaphore_mem>>)
        %dma_wait3A = arith.constant 0 : i32
        %dma_wait3A_31 = tpu.memref_slice %arg6[%arg0, %mul3A_26, %dma_wait3A] : memref<2x10000x128xf32, #tpu.memory_space<hbm>> -> memref<1x520x128xf32, #tpu.memory_space<hbm>>
        %dma_wait3A_32 = tpu.memref_squeeze %dma_wait3A_31 : memref<1x520x128xf32, #tpu.memory_space<hbm>> -> memref<520x128xf32, #tpu.memory_space<hbm>>
        %dma_wait3A_33 = arith.constant 0 : i32
        %dma_wait3A_34 = tpu.memref_slice %arg7[%mul3A_24, %dma_wait3A_33] : memref<10000x128xf32, #tpu.memory_space<vmem_shared>> -> memref<520x128xf32, #tpu.memory_space<vmem_shared>>
        tpu.wait_dma2 semaphore(%run_scoped3A : memref<!tpu.dma_semaphore, #tpu.memory_space<semaphore_mem>>) src(%dma_wait3A_34 : memref<520x128xf32, #tpu.memory_space<vmem_shared>>) dst(%dma_wait3A_32 : memref<520x128xf32, #tpu.memory_space<hbm>>)
        tpu.yield
      }) : () -> ()
    } else {
    }
    return
  }
}

module attributes {stable_mosaic.version = 14 : i64} {
  func.func @_mm_relu_body(%arg0: i32, %arg1: memref<2000x128xf32, #tpu.memory_space<vmem>>, %arg2: memref<128x128xf32, #tpu.memory_space<vmem>>, %arg3: memref<128xf32, #tpu.memory_space<vmem>>, %arg4: memref<2000x128xf32, #tpu.memory_space<vmem>>) attributes {dimension_semantics = [#tpu.dimension_semantics<arbitrary>], iteration_bounds = array<i64: 5>, scalar_prefetch = 0 : i64, scratch_operands = 0 : i64, tpu.core_type = #tpu.core_type<tc>, window_params = [{transform_indices = @transform_0, window_bounds = array<i64: 2000, 128>}, {pipeline_mode = #tpu.pipeline_mode<synchronous>, transform_indices = @transform_1, window_bounds = array<i64: 128, 128>}, {pipeline_mode = #tpu.pipeline_mode<synchronous>, transform_indices = @transform_2, window_bounds = array<i64: 128>}, {transform_indices = @transform_3, window_bounds = array<i64: 2000, 128>}]} {
    %get3A = arith.constant 0 : index
    %get3A_0 = arith.constant 0 : index
    %get3A_1 = vector.load %arg1[%get3A, %get3A_0] : memref<2000x128xf32, #tpu.memory_space<vmem>>, vector<2000x128xf32>
    %get3A_2 = arith.constant 0 : index
    %get3A_3 = arith.constant 0 : index
    %get3A_4 = vector.load %arg2[%get3A_2, %get3A_3] : memref<128x128xf32, #tpu.memory_space<vmem>>, vector<128x128xf32>
    %dot_general3A = arith.constant dense<0.000000e+00> : vector<2000x128xf32>
    %dot_general3A_5 = tpu.matmul %get3A_1, %get3A_4, %dot_general3A {dimension_numbers = #tpu.dot_dimension_numbers<[1], [0], [0], [1], [0, 0, 1, 1], [], []>, transpose_lhs_hint = false} : vector<2000x128xf32>, vector<128x128xf32>, vector<2000x128xf32> -> vector<2000x128xf32>
    %get3A_6 = arith.constant 0 : index
    %get3A_7 = vector.load %arg3[%get3A_6] : memref<128xf32, #tpu.memory_space<vmem>>, vector<128xf32>
    %broadcast_in_dim3A = vector.shape_cast %get3A_7 : vector<128xf32> to vector<1x128xf32>
    %add3A = vector.broadcast %broadcast_in_dim3A : vector<1x128xf32> to vector<2000x128xf32>
    %add3A_8 = arith.addf %dot_general3A_5, %add3A : vector<2000x128xf32>
    %max3A = arith.constant 0.000000e+00 : f32
    %max3A_9 = vector.broadcast %max3A : f32 to vector<2000x128xf32>
    %max3A_10 = arith.maximumf %add3A_8, %max3A_9 : vector<2000x128xf32>
    %swap3A = arith.constant 0 : index
    %swap3A_11 = arith.constant 0 : index
    %swap3A_12 = vector.load %arg4[%swap3A, %swap3A_11] : memref<2000x128xf32, #tpu.memory_space<vmem>>, vector<2000x128xf32>
    tpu.vector_store %arg4[%swap3A, %swap3A_11], %max3A_10 {strides = array<i32>} : memref<2000x128xf32, #tpu.memory_space<vmem>>, vector<2000x128xf32>,
    return
  }
  func.func @transform_0(%arg0: i32) -> (i32, i32) {
    %c0_i32 = arith.constant 0 : i32
    %c0_i32_0 = arith.constant 0 : i32
    return %arg0, %c0_i32 : i32, i32
  }
  func.func @transform_1(%arg0: i32) -> (i32, i32) {
    %c0_i32 = arith.constant 0 : i32
    %c0_i32_0 = arith.constant 0 : i32
    %c0_i32_1 = arith.constant 0 : i32
    return %c0_i32, %c0_i32_0 : i32, i32
  }
  func.func @transform_2(%arg0: i32) -> i32 {
    %c0_i32 = arith.constant 0 : i32
    %c0_i32_0 = arith.constant 0 : i32
    return %c0_i32 : i32
  }
  func.func @transform_3(%arg0: i32) -> (i32, i32) {
    %c0_i32 = arith.constant 0 : i32
    %c0_i32_0 = arith.constant 0 : i32
    return %arg0, %c0_i32 : i32, i32
  }
}

module attributes {stable_mosaic.version = 14 : i64} {
  func.func @_add_split_body(%arg0: i32, %arg1: memref<2000x128xf32, #tpu.memory_space<vmem>>, %arg2: memref<2000x128xf32, #tpu.memory_space<vmem>>, %arg3: memref<2000x32xf32, #tpu.memory_space<vmem>>, %arg4: memref<2000x32xf32, #tpu.memory_space<vmem>>, %arg5: memref<2000x32xf32, #tpu.memory_space<vmem>>, %arg6: memref<2000x32xf32, #tpu.memory_space<vmem>>) attributes {dimension_semantics = [#tpu.dimension_semantics<arbitrary>], iteration_bounds = array<i64: 20>, scalar_prefetch = 0 : i64, scratch_operands = 0 : i64, tpu.core_type = #tpu.core_type<tc>, window_params = [{transform_indices = @transform_0, window_bounds = array<i64: 2000, 128>}, {transform_indices = @transform_1, window_bounds = array<i64: 2000, 128>}, {transform_indices = @transform_2, window_bounds = array<i64: 2000, 32>}, {transform_indices = @transform_3, window_bounds = array<i64: 2000, 32>}, {transform_indices = @transform_4, window_bounds = array<i64: 2000, 32>}, {transform_indices = @transform_5, window_bounds = array<i64: 2000, 32>}]} {
    %get3A = arith.constant 0 : index
    %get3A_0 = arith.constant 0 : index
    %get3A_1 = vector.load %arg1[%get3A, %get3A_0] : memref<2000x128xf32, #tpu.memory_space<vmem>>, vector<2000x128xf32>
    %get3A_2 = arith.constant 0 : index
    %get3A_3 = arith.constant 0 : index
    %get3A_4 = vector.load %arg2[%get3A_2, %get3A_3] : memref<2000x128xf32, #tpu.memory_space<vmem>>, vector<2000x128xf32>
    %add3A = arith.addf %get3A_1, %get3A_4 : vector<2000x128xf32>
    %slice3A = vector.extract_strided_slice %add3A {offsets = [0, 0], sizes = [2000, 32], strides = [1, 1]} : vector<2000x128xf32> to vector<2000x32xf32>
    %swap3A = arith.constant 0 : index
    %swap3A_5 = arith.constant 0 : index
    %swap3A_6 = vector.load %arg3[%swap3A, %swap3A_5] : memref<2000x32xf32, #tpu.memory_space<vmem>>, vector<2000x32xf32>
    tpu.vector_store %arg3[%swap3A, %swap3A_5], %slice3A {strides = array<i32>} : memref<2000x32xf32, #tpu.memory_space<vmem>>, vector<2000x32xf32>,
    %slice3A_7 = vector.extract_strided_slice %add3A {offsets = [0, 32], sizes = [2000, 32], strides = [1, 1]} : vector<2000x128xf32> to vector<2000x32xf32>
    %swap3A_8 = arith.constant 0 : index
    %swap3A_9 = arith.constant 0 : index
    %swap3A_10 = vector.load %arg4[%swap3A_8, %swap3A_9] : memref<2000x32xf32, #tpu.memory_space<vmem>>, vector<2000x32xf32>
    tpu.vector_store %arg4[%swap3A_8, %swap3A_9], %slice3A_7 {strides = array<i32>} : memref<2000x32xf32, #tpu.memory_space<vmem>>, vector<2000x32xf32>,
    %slice3A_11 = vector.extract_strided_slice %add3A {offsets = [0, 64], sizes = [2000, 32], strides = [1, 1]} : vector<2000x128xf32> to vector<2000x32xf32>
    %swap3A_12 = arith.constant 0 : index
    %swap3A_13 = arith.constant 0 : index
    %swap3A_14 = vector.load %arg5[%swap3A_12, %swap3A_13] : memref<2000x32xf32, #tpu.memory_space<vmem>>, vector<2000x32xf32>
    tpu.vector_store %arg5[%swap3A_12, %swap3A_13], %slice3A_11 {strides = array<i32>} : memref<2000x32xf32, #tpu.memory_space<vmem>>, vector<2000x32xf32>,
    %slice3A_15 = vector.extract_strided_slice %add3A {offsets = [0, 96], sizes = [2000, 32], strides = [1, 1]} : vector<2000x128xf32> to vector<2000x32xf32>
    %swap3A_16 = arith.constant 0 : index
    %swap3A_17 = arith.constant 0 : index
    %swap3A_18 = vector.load %arg6[%swap3A_16, %swap3A_17] : memref<2000x32xf32, #tpu.memory_space<vmem>>, vector<2000x32xf32>
    tpu.vector_store %arg6[%swap3A_16, %swap3A_17], %slice3A_15 {strides = array<i32>} : memref<2000x32xf32, #tpu.memory_space<vmem>>, vector<2000x32xf32>,
    return
  }
  func.func @transform_0(%arg0: i32) -> (i32, i32) {
    %c0_i32 = arith.constant 0 : i32
    %c0_i32_0 = arith.constant 0 : i32
    return %arg0, %c0_i32 : i32, i32
  }
  func.func @transform_1(%arg0: i32) -> (i32, i32) {
    %c0_i32 = arith.constant 0 : i32
    %c0_i32_0 = arith.constant 0 : i32
    return %arg0, %c0_i32 : i32, i32
  }
  func.func @transform_2(%arg0: i32) -> (i32, i32) {
    %c0_i32 = arith.constant 0 : i32
    %c0_i32_0 = arith.constant 0 : i32
    return %arg0, %c0_i32 : i32, i32
  }
  func.func @transform_3(%arg0: i32) -> (i32, i32) {
    %c0_i32 = arith.constant 0 : i32
    %c0_i32_0 = arith.constant 0 : i32
    return %arg0, %c0_i32 : i32, i32
  }
  func.func @transform_4(%arg0: i32) -> (i32, i32) {
    %c0_i32 = arith.constant 0 : i32
    %c0_i32_0 = arith.constant 0 : i32
    return %arg0, %c0_i32 : i32, i32
  }
  func.func @transform_5(%arg0: i32) -> (i32, i32) {
    %c0_i32 = arith.constant 0 : i32
    %c0_i32_0 = arith.constant 0 : i32
    return %arg0, %c0_i32 : i32, i32
  }
}

module attributes {stable_mosaic.version = 14 : i64} {
  func.func @_mm_relu_slabs_body(%arg0: i32, %arg1: memref<2000x32xf32, #tpu.memory_space<vmem>>, %arg2: memref<2000x32xf32, #tpu.memory_space<vmem>>, %arg3: memref<2000x32xf32, #tpu.memory_space<vmem>>, %arg4: memref<2000x32xf32, #tpu.memory_space<vmem>>, %arg5: memref<32x128xf32, #tpu.memory_space<vmem>>, %arg6: memref<32x128xf32, #tpu.memory_space<vmem>>, %arg7: memref<32x128xf32, #tpu.memory_space<vmem>>, %arg8: memref<32x128xf32, #tpu.memory_space<vmem>>, %arg9: memref<128xf32, #tpu.memory_space<vmem>>, %arg10: memref<2000x128xf32, #tpu.memory_space<vmem>>) attributes {dimension_semantics = [#tpu.dimension_semantics<arbitrary>], iteration_bounds = array<i64: 20>, scalar_prefetch = 0 : i64, scratch_operands = 0 : i64, tpu.core_type = #tpu.core_type<tc>, window_params = [{transform_indices = @transform_0, window_bounds = array<i64: 2000, 32>}, {transform_indices = @transform_1, window_bounds = array<i64: 2000, 32>}, {transform_indices = @transform_2, window_bounds = array<i64: 2000, 32>}, {transform_indices = @transform_3, window_bounds = array<i64: 2000, 32>}, {pipeline_mode = #tpu.pipeline_mode<synchronous>, transform_indices = @transform_4, window_bounds = array<i64: 32, 128>}, {pipeline_mode = #tpu.pipeline_mode<synchronous>, transform_indices = @transform_5, window_bounds = array<i64: 32, 128>}, {pipeline_mode = #tpu.pipeline_mode<synchronous>, transform_indices = @transform_6, window_bounds = array<i64: 32, 128>}, {pipeline_mode = #tpu.pipeline_mode<synchronous>, transform_indices = @transform_7, window_bounds = array<i64: 32, 128>}, {pipeline_mode = #tpu.pipeline_mode<synchronous>, transform_indices = @transform_8, window_bounds = array<i64: 128>}, {transform_indices = @transform_9, window_bounds = array<i64: 2000, 128>}]} {
    %get3A = arith.constant 0 : index
    %get3A_0 = vector.load %arg9[%get3A] : memref<128xf32, #tpu.memory_space<vmem>>, vector<128xf32>
    %get3A_1 = arith.constant 0 : index
    %get3A_2 = arith.constant 0 : index
    %get3A_3 = vector.load %arg1[%get3A_1, %get3A_2] : memref<2000x32xf32, #tpu.memory_space<vmem>>, vector<2000x32xf32>
    %get3A_4 = arith.constant 0 : index
    %get3A_5 = arith.constant 0 : index
    %get3A_6 = vector.load %arg5[%get3A_4, %get3A_5] : memref<32x128xf32, #tpu.memory_space<vmem>>, vector<32x128xf32>
    %dot_general3A = arith.constant dense<0.000000e+00> : vector<2000x128xf32>
    %dot_general3A_7 = tpu.matmul %get3A_3, %get3A_6, %dot_general3A {dimension_numbers = #tpu.dot_dimension_numbers<[1], [0], [0], [1], [0, 0, 1, 1], [], []>, transpose_lhs_hint = false} : vector<2000x32xf32>, vector<32x128xf32>, vector<2000x128xf32> -> vector<2000x128xf32>
    %broadcast_in_dim3A = vector.shape_cast %get3A_0 : vector<128xf32> to vector<1x128xf32>
    %add3A = vector.broadcast %broadcast_in_dim3A : vector<1x128xf32> to vector<2000x128xf32>
    %add3A_8 = arith.addf %add3A, %dot_general3A_7 : vector<2000x128xf32>
    %get3A_9 = arith.constant 0 : index
    %get3A_10 = arith.constant 0 : index
    %get3A_11 = vector.load %arg2[%get3A_9, %get3A_10] : memref<2000x32xf32, #tpu.memory_space<vmem>>, vector<2000x32xf32>
    %get3A_12 = arith.constant 0 : index
    %get3A_13 = arith.constant 0 : index
    %get3A_14 = vector.load %arg6[%get3A_12, %get3A_13] : memref<32x128xf32, #tpu.memory_space<vmem>>, vector<32x128xf32>
    %dot_general3A_15 = arith.constant dense<0.000000e+00> : vector<2000x128xf32>
    %dot_general3A_16 = tpu.matmul %get3A_11, %get3A_14, %dot_general3A_15 {dimension_numbers = #tpu.dot_dimension_numbers<[1], [0], [0], [1], [0, 0, 1, 1], [], []>, transpose_lhs_hint = false} : vector<2000x32xf32>, vector<32x128xf32>, vector<2000x128xf32> -> vector<2000x128xf32>
    %add3A_17 = arith.addf %add3A_8, %dot_general3A_16 : vector<2000x128xf32>
    %get3A_18 = arith.constant 0 : index
    %get3A_19 = arith.constant 0 : index
    %get3A_20 = vector.load %arg3[%get3A_18, %get3A_19] : memref<2000x32xf32, #tpu.memory_space<vmem>>, vector<2000x32xf32>
    %get3A_21 = arith.constant 0 : index
    %get3A_22 = arith.constant 0 : index
    %get3A_23 = vector.load %arg7[%get3A_21, %get3A_22] : memref<32x128xf32, #tpu.memory_space<vmem>>, vector<32x128xf32>
    %dot_general3A_24 = arith.constant dense<0.000000e+00> : vector<2000x128xf32>
    %dot_general3A_25 = tpu.matmul %get3A_20, %get3A_23, %dot_general3A_24 {dimension_numbers = #tpu.dot_dimension_numbers<[1], [0], [0], [1], [0, 0, 1, 1], [], []>, transpose_lhs_hint = false} : vector<2000x32xf32>, vector<32x128xf32>, vector<2000x128xf32> -> vector<2000x128xf32>
    %add3A_26 = arith.addf %add3A_17, %dot_general3A_25 : vector<2000x128xf32>
    %get3A_27 = arith.constant 0 : index
    %get3A_28 = arith.constant 0 : index
    %get3A_29 = vector.load %arg4[%get3A_27, %get3A_28] : memref<2000x32xf32, #tpu.memory_space<vmem>>, vector<2000x32xf32>
    %get3A_30 = arith.constant 0 : index
    %get3A_31 = arith.constant 0 : index
    %get3A_32 = vector.load %arg8[%get3A_30, %get3A_31] : memref<32x128xf32, #tpu.memory_space<vmem>>, vector<32x128xf32>
    %dot_general3A_33 = arith.constant dense<0.000000e+00> : vector<2000x128xf32>
    %dot_general3A_34 = tpu.matmul %get3A_29, %get3A_32, %dot_general3A_33 {dimension_numbers = #tpu.dot_dimension_numbers<[1], [0], [0], [1], [0, 0, 1, 1], [], []>, transpose_lhs_hint = false} : vector<2000x32xf32>, vector<32x128xf32>, vector<2000x128xf32> -> vector<2000x128xf32>
    %add3A_35 = arith.addf %add3A_26, %dot_general3A_34 : vector<2000x128xf32>
    %max3A = arith.constant 0.000000e+00 : f32
    %max3A_36 = vector.broadcast %max3A : f32 to vector<2000x128xf32>
    %max3A_37 = arith.maximumf %add3A_35, %max3A_36 : vector<2000x128xf32>
    %swap3A = arith.constant 0 : index
    %swap3A_38 = arith.constant 0 : index
    %swap3A_39 = vector.load %arg10[%swap3A, %swap3A_38] : memref<2000x128xf32, #tpu.memory_space<vmem>>, vector<2000x128xf32>
    tpu.vector_store %arg10[%swap3A, %swap3A_38], %max3A_37 {strides = array<i32>} : memref<2000x128xf32, #tpu.memory_space<vmem>>, vector<2000x128xf32>,
    return
  }
  func.func @transform_0(%arg0: i32) -> (i32, i32) {
    %c0_i32 = arith.constant 0 : i32
    %c0_i32_0 = arith.constant 0 : i32
    return %arg0, %c0_i32 : i32, i32
  }
  func.func @transform_1(%arg0: i32) -> (i32, i32) {
    %c0_i32 = arith.constant 0 : i32
    %c0_i32_0 = arith.constant 0 : i32
    return %arg0, %c0_i32 : i32, i32
  }
  func.func @transform_2(%arg0: i32) -> (i32, i32) {
    %c0_i32 = arith.constant 0 : i32
    %c0_i32_0 = arith.constant 0 : i32
    return %arg0, %c0_i32 : i32, i32
  }
  func.func @transform_3(%arg0: i32) -> (i32, i32) {
    %c0_i32 = arith.constant 0 : i32
    %c0_i32_0 = arith.constant 0 : i32
    return %arg0, %c0_i32 : i32, i32
  }
  func.func @transform_4(%arg0: i32) -> (i32, i32) {
    %c0_i32 = arith.constant 0 : i32
    %c0_i32_0 = arith.constant 0 : i32
    %c0_i32_1 = arith.constant 0 : i32
    return %c0_i32, %c0_i32_0 : i32, i32
  }
  func.func @transform_5(%arg0: i32) -> (i32, i32) {
    %c0_i32 = arith.constant 0 : i32
    %c0_i32_0 = arith.constant 0 : i32
    %c0_i32_1 = arith.constant 0 : i32
    return %c0_i32, %c0_i32_0 : i32, i32
  }
  func.func @transform_6(%arg0: i32) -> (i32, i32) {
    %c0_i32 = arith.constant 0 : i32
    %c0_i32_0 = arith.constant 0 : i32
    %c0_i32_1 = arith.constant 0 : i32
    return %c0_i32, %c0_i32_0 : i32, i32
  }
  func.func @transform_7(%arg0: i32) -> (i32, i32) {
    %c0_i32 = arith.constant 0 : i32
    %c0_i32_0 = arith.constant 0 : i32
    %c0_i32_1 = arith.constant 0 : i32
    return %c0_i32, %c0_i32_0 : i32, i32
  }
  func.func @transform_8(%arg0: i32) -> i32 {
    %c0_i32 = arith.constant 0 : i32
    %c0_i32_0 = arith.constant 0 : i32
    return %c0_i32 : i32
  }
  func.func @transform_9(%arg0: i32) -> (i32, i32) {
    %c0_i32 = arith.constant 0 : i32
    %c0_i32_0 = arith.constant 0 : i32
    return %arg0, %c0_i32 : i32, i32
  }
}

module attributes {stable_mosaic.version = 14 : i64} {
  func.func @_mean_residual_body(%arg0: i32, %arg1: memref<2000x128xf32, #tpu.memory_space<vmem>>, %arg2: memref<2000x128xf32, #tpu.memory_space<vmem>>, %arg3: memref<2000x128xf32, #tpu.memory_space<vmem>>, %arg4: memref<2000x128xf32, #tpu.memory_space<vmem>>, %arg5: memref<2000x128xf32, #tpu.memory_space<vmem>>, %arg6: memref<2000x128xf32, #tpu.memory_space<vmem>>) attributes {dimension_semantics = [#tpu.dimension_semantics<arbitrary>], iteration_bounds = array<i64: 5>, scalar_prefetch = 0 : i64, scratch_operands = 0 : i64, tpu.core_type = #tpu.core_type<tc>, window_params = [{transform_indices = @transform_0, window_bounds = array<i64: 2000, 128>}, {transform_indices = @transform_1, window_bounds = array<i64: 2000, 128>}, {transform_indices = @transform_2, window_bounds = array<i64: 2000, 128>}, {transform_indices = @transform_3, window_bounds = array<i64: 2000, 128>}, {transform_indices = @transform_4, window_bounds = array<i64: 2000, 128>}, {transform_indices = @transform_5, window_bounds = array<i64: 2000, 128>}]} {
    %get3A = arith.constant 0 : index
    %get3A_0 = arith.constant 0 : index
    %get3A_1 = vector.load %arg4[%get3A, %get3A_0] : memref<2000x128xf32, #tpu.memory_space<vmem>>, vector<2000x128xf32>
    %get3A_2 = arith.constant 0 : index
    %get3A_3 = arith.constant 0 : index
    %get3A_4 = vector.load %arg5[%get3A_2, %get3A_3] : memref<2000x128xf32, #tpu.memory_space<vmem>>, vector<2000x128xf32>
    %add3A = arith.addf %get3A_1, %get3A_4 : vector<2000x128xf32>
    %slice3A = vector.extract_strided_slice %add3A {offsets = [0, 0], sizes = [2000, 1], strides = [1, 1]} : vector<2000x128xf32> to vector<2000x1xf32>
    %max3A = arith.constant 1.000000e+00 : f32
    %max3A_5 = vector.broadcast %max3A : f32 to vector<2000x1xf32>
    %max3A_6 = arith.maximumf %slice3A, %max3A_5 : vector<2000x1xf32>
    %get3A_7 = arith.constant 0 : index
    %get3A_8 = arith.constant 0 : index
    %get3A_9 = vector.load %arg1[%get3A_7, %get3A_8] : memref<2000x128xf32, #tpu.memory_space<vmem>>, vector<2000x128xf32>
    %get3A_10 = arith.constant 0 : index
    %get3A_11 = arith.constant 0 : index
    %get3A_12 = vector.load %arg2[%get3A_10, %get3A_11] : memref<2000x128xf32, #tpu.memory_space<vmem>>, vector<2000x128xf32>
    %get3A_13 = arith.constant 0 : index
    %get3A_14 = arith.constant 0 : index
    %get3A_15 = vector.load %arg3[%get3A_13, %get3A_14] : memref<2000x128xf32, #tpu.memory_space<vmem>>, vector<2000x128xf32>
    %add3A_16 = arith.addf %get3A_12, %get3A_15 : vector<2000x128xf32>
    %div3A = vector.broadcast %max3A_6 : vector<2000x1xf32> to vector<2000x128xf32>
    %div3A_17 = arith.divf %add3A_16, %div3A : vector<2000x128xf32>
    %add3A_18 = arith.addf %get3A_9, %div3A_17 : vector<2000x128xf32>
    %swap3A = arith.constant 0 : index
    %swap3A_19 = arith.constant 0 : index
    %swap3A_20 = vector.load %arg6[%swap3A, %swap3A_19] : memref<2000x128xf32, #tpu.memory_space<vmem>>, vector<2000x128xf32>
    tpu.vector_store %arg6[%swap3A, %swap3A_19], %add3A_18 {strides = array<i32>} : memref<2000x128xf32, #tpu.memory_space<vmem>>, vector<2000x128xf32>,
    return
  }
  func.func @transform_0(%arg0: i32) -> (i32, i32) {
    %c0_i32 = arith.constant 0 : i32
    %c0_i32_0 = arith.constant 0 : i32
    return %arg0, %c0_i32 : i32, i32
  }
  func.func @transform_1(%arg0: i32) -> (i32, i32) {
    %c0_i32 = arith.constant 0 : i32
    %c0_i32_0 = arith.constant 0 : i32
    return %arg0, %c0_i32 : i32, i32
  }
  func.func @transform_2(%arg0: i32) -> (i32, i32) {
    %c0_i32 = arith.constant 0 : i32
    %c0_i32_0 = arith.constant 0 : i32
    return %arg0, %c0_i32 : i32, i32
  }
  func.func @transform_3(%arg0: i32) -> (i32, i32) {
    %c0_i32 = arith.constant 0 : i32
    %c0_i32_0 = arith.constant 0 : i32
    return %arg0, %c0_i32 : i32, i32
  }
  func.func @transform_4(%arg0: i32) -> (i32, i32) {
    %c0_i32 = arith.constant 0 : i32
    %c0_i32_0 = arith.constant 0 : i32
    return %arg0, %c0_i32 : i32, i32
  }
  func.func @transform_5(%arg0: i32) -> (i32, i32) {
    %c0_i32 = arith.constant 0 : i32
    %c0_i32_0 = arith.constant 0 : i32
    return %arg0, %c0_i32 : i32, i32
  }
}

module attributes {stable_mosaic.version = 14 : i64} {
  func.func @_mm_relu_body(%arg0: i32, %arg1: memref<2000x128xf32, #tpu.memory_space<vmem>>, %arg2: memref<2000x128xf32, #tpu.memory_space<vmem>>, %arg3: memref<2000x128xf32, #tpu.memory_space<vmem>>, %arg4: memref<128x128xf32, #tpu.memory_space<vmem>>, %arg5: memref<128xf32, #tpu.memory_space<vmem>>, %arg6: memref<2000x128xf32, #tpu.memory_space<vmem>>) attributes {dimension_semantics = [#tpu.dimension_semantics<arbitrary>], iteration_bounds = array<i64: 5>, scalar_prefetch = 0 : i64, scratch_operands = 0 : i64, tpu.core_type = #tpu.core_type<tc>, window_params = [{transform_indices = @transform_0, window_bounds = array<i64: 2000, 128>}, {transform_indices = @transform_1, window_bounds = array<i64: 2000, 128>}, {transform_indices = @transform_2, window_bounds = array<i64: 2000, 128>}, {pipeline_mode = #tpu.pipeline_mode<synchronous>, transform_indices = @transform_3, window_bounds = array<i64: 128, 128>}, {pipeline_mode = #tpu.pipeline_mode<synchronous>, transform_indices = @transform_4, window_bounds = array<i64: 128>}, {transform_indices = @transform_5, window_bounds = array<i64: 2000, 128>}]} {
    %get3A = arith.constant 0 : index
    %get3A_0 = arith.constant 0 : index
    %get3A_1 = vector.load %arg1[%get3A, %get3A_0] : memref<2000x128xf32, #tpu.memory_space<vmem>>, vector<2000x128xf32>
    %get3A_2 = arith.constant 0 : index
    %get3A_3 = arith.constant 0 : index
    %get3A_4 = vector.load %arg2[%get3A_2, %get3A_3] : memref<2000x128xf32, #tpu.memory_space<vmem>>, vector<2000x128xf32>
    %add3A = arith.addf %get3A_1, %get3A_4 : vector<2000x128xf32>
    %get3A_5 = arith.constant 0 : index
    %get3A_6 = arith.constant 0 : index
    %get3A_7 = vector.load %arg4[%get3A_5, %get3A_6] : memref<128x128xf32, #tpu.memory_space<vmem>>, vector<128x128xf32>
    %dot_general3A = arith.constant dense<0.000000e+00> : vector<2000x128xf32>
    %dot_general3A_8 = tpu.matmul %add3A, %get3A_7, %dot_general3A {dimension_numbers = #tpu.dot_dimension_numbers<[1], [0], [0], [1], [0, 0, 1, 1], [], []>, transpose_lhs_hint = false} : vector<2000x128xf32>, vector<128x128xf32>, vector<2000x128xf32> -> vector<2000x128xf32>
    %get3A_9 = arith.constant 0 : index
    %get3A_10 = vector.load %arg5[%get3A_9] : memref<128xf32, #tpu.memory_space<vmem>>, vector<128xf32>
    %broadcast_in_dim3A = vector.shape_cast %get3A_10 : vector<128xf32> to vector<1x128xf32>
    %add3A_11 = vector.broadcast %broadcast_in_dim3A : vector<1x128xf32> to vector<2000x128xf32>
    %add3A_12 = arith.addf %dot_general3A_8, %add3A_11 : vector<2000x128xf32>
    %max3A = arith.constant 0.000000e+00 : f32
    %max3A_13 = vector.broadcast %max3A : f32 to vector<2000x128xf32>
    %max3A_14 = arith.maximumf %add3A_12, %max3A_13 : vector<2000x128xf32>
    %get3A_15 = arith.constant 0 : index
    %get3A_16 = arith.constant 0 : index
    %get3A_17 = vector.load %arg3[%get3A_15, %get3A_16] : memref<2000x128xf32, #tpu.memory_space<vmem>>, vector<2000x128xf32>
    %add3A_18 = arith.addf %get3A_17, %max3A_14 : vector<2000x128xf32>
    %swap3A = arith.constant 0 : index
    %swap3A_19 = arith.constant 0 : index
    %swap3A_20 = vector.load %arg6[%swap3A, %swap3A_19] : memref<2000x128xf32, #tpu.memory_space<vmem>>, vector<2000x128xf32>
    tpu.vector_store %arg6[%swap3A, %swap3A_19], %add3A_18 {strides = array<i32>} : memref<2000x128xf32, #tpu.memory_space<vmem>>, vector<2000x128xf32>,
    return
  }
  func.func @transform_0(%arg0: i32) -> (i32, i32) {
    %c0_i32 = arith.constant 0 : i32
    %c0_i32_0 = arith.constant 0 : i32
    return %arg0, %c0_i32 : i32, i32
  }
  func.func @transform_1(%arg0: i32) -> (i32, i32) {
    %c0_i32 = arith.constant 0 : i32
    %c0_i32_0 = arith.constant 0 : i32
    return %arg0, %c0_i32 : i32, i32
  }
  func.func @transform_2(%arg0: i32) -> (i32, i32) {
    %c0_i32 = arith.constant 0 : i32
    %c0_i32_0 = arith.constant 0 : i32
    return %arg0, %c0_i32 : i32, i32
  }
  func.func @transform_3(%arg0: i32) -> (i32, i32) {
    %c0_i32 = arith.constant 0 : i32
    %c0_i32_0 = arith.constant 0 : i32
    %c0_i32_1 = arith.constant 0 : i32
    return %c0_i32, %c0_i32_0 : i32, i32
  }
  func.func @transform_4(%arg0: i32) -> i32 {
    %c0_i32 = arith.constant 0 : i32
    %c0_i32_0 = arith.constant 0 : i32
    return %c0_i32 : i32
  }
  func.func @transform_5(%arg0: i32) -> (i32, i32) {
    %c0_i32 = arith.constant 0 : i32
    %c0_i32_0 = arith.constant 0 : i32
    return %arg0, %c0_i32 : i32, i32
  }
}

module attributes {stable_mosaic.version = 14 : i64} {
  func.func @_pool_body(%arg0: i32, %arg1: memref<2000x128xf32, #tpu.memory_space<vmem>>, %arg2: memref<1x1x2000xi32, #tpu.memory_space<vmem>>, %arg3: memref<128x128xf32, #tpu.memory_space<vmem>>, %arg4: memref<128xf32, #tpu.memory_space<vmem>>, %arg5: memref<64x128xf32, #tpu.memory_space<vmem>>, %arg6: memref<64x128xf32, #tpu.memory_space<vmem>>, %arg7: memref<64x1xf32, #tpu.memory_space<vmem>>) attributes {dimension_semantics = [#tpu.dimension_semantics<arbitrary>], iteration_bounds = array<i64: 5>, scalar_prefetch = 0 : i64, scratch_operands = 2 : i64, tpu.core_type = #tpu.core_type<tc>, window_params = [{transform_indices = @transform_0, window_bounds = array<i64: 2000, 128>}, {transform_indices = @transform_1, window_bounds = array<i64: 1, 1, 2000>}, {pipeline_mode = #tpu.pipeline_mode<synchronous>, transform_indices = @transform_2, window_bounds = array<i64: 128, 128>}, {pipeline_mode = #tpu.pipeline_mode<synchronous>, transform_indices = @transform_3, window_bounds = array<i64: 128>}, {pipeline_mode = #tpu.pipeline_mode<synchronous>, transform_indices = @transform_4, window_bounds = array<i64: 64, 128>}]} {
    %eq3A = arith.constant 0 : i32
    %eq3A_0 = arith.cmpi eq, %arg0, %eq3A : i32
    %convert_element_type3A = arith.extui %eq3A_0 : i1 to i32
    %cond3A = arith.constant 0 : i32
    %cond3A_1 = arith.cmpi ne, %convert_element_type3A, %cond3A : i32
    scf.if %cond3A_1 {
      %broadcast_in_dim3A_31 = arith.constant 0.000000e+00 : f32
      %broadcast_in_dim3A_32 = vector.broadcast %broadcast_in_dim3A_31 : f32 to vector<64x128xf32>
      %swap3A_33 = arith.constant 0 : index
      %swap3A_34 = arith.constant 0 : index
      %swap3A_35 = vector.load %arg6[%swap3A_33, %swap3A_34] : memref<64x128xf32, #tpu.memory_space<vmem>>, vector<64x128xf32>
      tpu.vector_store %arg6[%swap3A_33, %swap3A_34], %broadcast_in_dim3A_32 {strides = array<i32>} : memref<64x128xf32, #tpu.memory_space<vmem>>, vector<64x128xf32>,
      %broadcast_in_dim3A_36 = arith.constant 0.000000e+00 : f32
      %broadcast_in_dim3A_37 = vector.broadcast %broadcast_in_dim3A_36 : f32 to vector<64x1xf32>
      %swap3A_38 = arith.constant 0 : index
      %swap3A_39 = arith.constant 0 : index
      %swap3A_40 = vector.load %arg7[%swap3A_38, %swap3A_39] : memref<64x1xf32, #tpu.memory_space<vmem>>, vector<64x1xf32>
      tpu.vector_store %arg7[%swap3A_38, %swap3A_39], %broadcast_in_dim3A_37 {strides = array<i32>} : memref<64x1xf32, #tpu.memory_space<vmem>>, vector<64x1xf32>,
    } else {
    }
    %get3A = arith.constant 0 : index
    %get3A_2 = arith.constant 0 : index
    %get3A_3 = arith.constant 0 : index
    %get3A_4 = vector.load %arg2[%get3A, %get3A_2, %get3A_3] : memref<1x1x2000xi32, #tpu.memory_space<vmem>>, vector<1x1x2000xi32>
    %reshape3A = vector.shape_cast %get3A_4 : vector<1x1x2000xi32> to vector<1x2000xi32>
    %iota3A = tpu.iota {dimensions = array<i32: 0>} : vector<64x2000xi32>
    %eq3A_5 = vector.broadcast %reshape3A : vector<1x2000xi32> to vector<64x2000xi32>
    %eq3A_6 = arith.cmpi eq, %iota3A, %eq3A_5 : vector<64x2000xi32>
    %convert_element_type3A_7 = arith.extui %eq3A_6 : vector<64x2000xi1> to vector<64x2000xi32>
    %convert_element_type3A_8 = arith.sitofp %convert_element_type3A_7 : vector<64x2000xi32> to vector<64x2000xf32>
    %get3A_9 = arith.constant 0 : index
    %get3A_10 = arith.constant 0 : index
    %get3A_11 = vector.load %arg6[%get3A_9, %get3A_10] : memref<64x128xf32, #tpu.memory_space<vmem>>, vector<64x128xf32>
    %get3A_12 = arith.constant 0 : index
    %get3A_13 = arith.constant 0 : index
    %get3A_14 = vector.load %arg1[%get3A_12, %get3A_13] : memref<2000x128xf32, #tpu.memory_space<vmem>>, vector<2000x128xf32>
    %dot_general3A = arith.constant dense<0.000000e+00> : vector<64x128xf32>
    %dot_general3A_15 = tpu.matmul %convert_element_type3A_8, %get3A_14, %dot_general3A {dimension_numbers = #tpu.dot_dimension_numbers<[1], [0], [0], [1], [0, 0, 1, 1], [], []>, transpose_lhs_hint = false} : vector<64x2000xf32>, vector<2000x128xf32>, vector<64x128xf32> -> vector<64x128xf32>
    %add3A = arith.addf %get3A_11, %dot_general3A_15 : vector<64x128xf32>
    %swap3A = arith.constant 0 : index
    %swap3A_16 = arith.constant 0 : index
    %swap3A_17 = vector.load %arg6[%swap3A, %swap3A_16] : memref<64x128xf32, #tpu.memory_space<vmem>>, vector<64x128xf32>
    tpu.vector_store %arg6[%swap3A, %swap3A_16], %add3A {strides = array<i32>} : memref<64x128xf32, #tpu.memory_space<vmem>>, vector<64x128xf32>,
    %get3A_18 = arith.constant 0 : index
    %get3A_19 = arith.constant 0 : index
    %get3A_20 = vector.load %arg7[%get3A_18, %get3A_19] : memref<64x1xf32, #tpu.memory_space<vmem>>, vector<64x1xf32>
    %reduce_sum3A = arith.constant dense<0.000000e+00> : vector<64xf32>
    %reduce_sum3A_21 = vector.multi_reduction <add>, %convert_element_type3A_8, %reduce_sum3A [1] : vector<64x2000xf32> to vector<64xf32>
    %broadcast_in_dim3A = vector.shape_cast %reduce_sum3A_21 : vector<64xf32> to vector<64x1xf32>
    %add3A_22 = arith.addf %get3A_20, %broadcast_in_dim3A : vector<64x1xf32>
    %swap3A_23 = arith.constant 0 : index
    %swap3A_24 = arith.constant 0 : index
    %swap3A_25 = vector.load %arg7[%swap3A_23, %swap3A_24] : memref<64x1xf32, #tpu.memory_space<vmem>>, vector<64x1xf32>
    tpu.vector_store %arg7[%swap3A_23, %swap3A_24], %add3A_22 {strides = array<i32>} : memref<64x1xf32, #tpu.memory_space<vmem>>, vector<64x1xf32>,
    %eq3A_26 = arith.constant 4 : i32
    %eq3A_27 = arith.cmpi eq, %arg0, %eq3A_26 : i32
    %convert_element_type3A_28 = arith.extui %eq3A_27 : i1 to i32
    %cond3A_29 = arith.constant 0 : i32
    %cond3A_30 = arith.cmpi ne, %convert_element_type3A_28, %cond3A_29 : i32
    scf.if %cond3A_30 {
      %get3A_31 = arith.constant 0 : index
      %get3A_32 = arith.constant 0 : index
      %get3A_33 = vector.load %arg6[%get3A_31, %get3A_32] : memref<64x128xf32, #tpu.memory_space<vmem>>, vector<64x128xf32>
      %get3A_34 = arith.constant 0 : index
      %get3A_35 = arith.constant 0 : index
      %get3A_36 = vector.load %arg7[%get3A_34, %get3A_35] : memref<64x1xf32, #tpu.memory_space<vmem>>, vector<64x1xf32>
      %max3A = arith.constant 1.000000e+00 : f32
      %max3A_37 = vector.broadcast %max3A : f32 to vector<64x1xf32>
      %max3A_38 = arith.maximumf %get3A_36, %max3A_37 : vector<64x1xf32>
      %div3A = vector.broadcast %max3A_38 : vector<64x1xf32> to vector<64x128xf32>
      %div3A_39 = arith.divf %get3A_33, %div3A : vector<64x128xf32>
      %get3A_40 = arith.constant 0 : index
      %get3A_41 = arith.constant 0 : index
      %get3A_42 = vector.load %arg3[%get3A_40, %get3A_41] : memref<128x128xf32, #tpu.memory_space<vmem>>, vector<128x128xf32>
      %dot_general3A_43 = arith.constant dense<0.000000e+00> : vector<64x128xf32>
      %dot_general3A_44 = tpu.matmul %div3A_39, %get3A_42, %dot_general3A_43 {dimension_numbers = #tpu.dot_dimension_numbers<[1], [0], [0], [1], [0, 0, 1, 1], [], []>, transpose_lhs_hint = false} : vector<64x128xf32>, vector<128x128xf32>, vector<64x128xf32> -> vector<64x128xf32>
      %get3A_45 = arith.constant 0 : index
      %get3A_46 = vector.load %arg4[%get3A_45] : memref<128xf32, #tpu.memory_space<vmem>>, vector<128xf32>
      %broadcast_in_dim3A_47 = vector.shape_cast %get3A_46 : vector<128xf32> to vector<1x128xf32>
      %add3A_48 = vector.broadcast %broadcast_in_dim3A_47 : vector<1x128xf32> to vector<64x128xf32>
      %add3A_49 = arith.addf %dot_general3A_44, %add3A_48 : vector<64x128xf32>
      %swap3A_50 = arith.constant 0 : index
      %swap3A_51 = arith.constant 0 : index
      %swap3A_52 = vector.load %arg5[%swap3A_50, %swap3A_51] : memref<64x128xf32, #tpu.memory_space<vmem>>, vector<64x128xf32>
      tpu.vector_store %arg5[%swap3A_50, %swap3A_51], %add3A_49 {strides = array<i32>} : memref<64x128xf32, #tpu.memory_space<vmem>>, vector<64x128xf32>,
    } else {
    }
    return
  }
  func.func @transform_0(%arg0: i32) -> (i32, i32) {
    %c0_i32 = arith.constant 0 : i32
    %c0_i32_0 = arith.constant 0 : i32
    return %arg0, %c0_i32 : i32, i32
  }
  func.func @transform_1(%arg0: i32) -> (i32, i32, i32) {
    %c0_i32 = arith.constant 0 : i32
    %c0_i32_0 = arith.constant 0 : i32
    %c0_i32_1 = arith.constant 0 : i32
    return %arg0, %c0_i32, %c0_i32_0 : i32, i32, i32
  }
  func.func @transform_2(%arg0: i32) -> (i32, i32) {
    %c0_i32 = arith.constant 0 : i32
    %c0_i32_0 = arith.constant 0 : i32
    %c0_i32_1 = arith.constant 0 : i32
    return %c0_i32, %c0_i32_0 : i32, i32
  }
  func.func @transform_3(%arg0: i32) -> i32 {
    %c0_i32 = arith.constant 0 : i32
    %c0_i32_0 = arith.constant 0 : i32
    return %c0_i32 : i32
  }
  func.func @transform_4(%arg0: i32) -> (i32, i32) {
    %c0_i32 = arith.constant 0 : i32
    %c0_i32_0 = arith.constant 0 : i32
    %c0_i32_1 = arith.constant 0 : i32
    return %c0_i32, %c0_i32_0 : i32, i32
  }
}

</mosaic_0001>

<sc_bundles>
// kernel: kernel.12.cloned.1.call-start
scs
__scs_entry_jumppad:
0x0: {  	(pc) =	sbr.rel $0x88, $3  }
0x1: {  	(tag) =	ssettag $0x0;
	lr =	simm.s32 $0x1  }
0x2: {  	[smem:$0x3F92] =	sst lr;
	_ =	strace $0xD0000000  }
0x3: {  	_ = 	snop  }
0x4: {  	_ = 	snop  }
0x5: {  	_ = 	snop  }
0x6: {  	_ = 	snop  }
0x7: {  	_ = 	snop  }
__scs_overlays_trampoline_lowered:
0x8: {  	[smem:$0x3FA1] =	sst s0  }
0x9: {  	[smem:$0x3FA2] =	sst s1  }
0xa: {  	[smem:$0x3FA3] =	sst s2  }
0xb: {  	[smem:$0x3FA4] =	sst s3  }
0xc: {  	[smem:$0x3FA5] =	sst s4  }
0xd: {  	[smem:$0x3FA6] =	sst s5  }
0xe: {  	[smem:$0x3FA7] =	sst s6  }
0xf: {  	[smem:$0x3FA8] =	sst s7  }
0x10: {  	[smem:$0x3FA9] =	sst s8  }
0x11: {  	[smem:$0x3FAA] =	sst s9;
	s0 =	simm.s32 @!p0 $0x0  }
0x12: {  	s1 =	sld [smem:$0x3F90];
	s0 =	simm.s32 @p0 $0x1  }
0x13: {  	[smem:$0x3FAB] =	sst s0;
	s0 =	simm.s32 @!p1 $0x0  }
0x14: {  	s2 =	sld [smem:$0x3F8F];
	s0 =	simm.s32 @p1 $0x1  }
0x15: {  	[smem:$0x3FAC] =	sst s0;
	s0 =	simm.s32 @!p2 $0x0  }
0x16: {  	s3 =	sld [smem:$0x3FDB];
	s0 =	simm.s32 @p2 $0x1  }
0x17: {  	s4 =	simm.s32 $0x1BF5;
	[smem:$0x3FAE] =	sst s0  }
0x18: {  	s0 =	sld [smem:$0x3F91];
	_ =	swait.ge [sflag:s4], $0x0  }
0x19: {  	s7 =	sld [smem:$0x3F92]  }
0x1a: {  	s8 =	sadd.s32 $0xFFFFE003, lr  }
0x1b: {  	s9 =	sadd.s32 $0xFFFFFEF7, lr;
	s5 =	simm.s32 $0xFFFFFFFF;
	p2 =	slt.u32 s8, $0xFFFFF086  }
0x1c: {  	p1 =	slt.u32 s9, $0xF7A;
	s5 =	simm.s32 @!p2 $0x0  }
0x1d: {  	s5 =	simm.s32 @p1 $0x1;
	p0 =	seq.s32 s7, s2  }
0x1e: {  	s7 =	smul.u32 @!p0 $0xF7A, s2;
	p2 =	seq.s32 @!p0 s5, $0x0  }
0x1f: {  	s9 =	smul.u32 $0xF7A, s1;
	s8 =	simm.s32 @!p0 $0x1BF5;
	p2 =	por !p2, p0  }
0x20: {  	[sflag:s8] =	ssyncset.s32 @!p0 $0xFFFFF086;
	s6 =	sadd.s32 @!p0 s3, s7;
	s7 =	simm.s32 @!p0 $0x108  }
0x21: {  	s3 =	sadd.s32 s3, s9;
	s6 =	sadd.s32 @!p0 $0x88, s6;
	s7 =	simm.s32 @p2 $0x1082  }
0x22: {  	[simem:s7], [sflag:s8] =	dma.local @!p0 [hbm:s6], $0xF7A  }
0x23: {  	s9 =	sor.u32 $0xD0000000, s2;
	s6 =	simm.s32 $0x108;
	_ =	swait.ge @!p0 [sflag:s8], $0x0  }
0x24: {  	s3 =	sadd.s32 $0x88, s3;
	s6 =	simm.s32 @!p1 $0x1082;
	[sflag:s4] =	ssyncset.s32 $0xFFFFF086  }
0x25: {  	[simem:s6], [sflag:s4] =	dma.local [hbm:s3], $0xF7A  }
0x26: {  	[smem:$0x3F92] =	sst s1;
	(tag) =	ssettag s2;
	_ =	strace s9  }
0x27: {  	s1 =	sld [smem:$0x3FA2]  }
0x28: {  	s2 =	sld [smem:$0x3FA3]  }
0x29: {  	s4 =	sld [smem:$0x3FA5]  }
0x2a: {  	p0 =	seq.s32 s5, $0x0;
	s5 =	sld [smem:$0x3FA6]  }
0x2b: {  	s6 =	sld [smem:$0x3FA7]  }
0x2c: {  	s7 =	sld [smem:$0x3FA8]  }
0x2d: {  	s3 =	simm.s32 $0x108;
	s8 =	sld [smem:$0x3FA9]  }
0x2e: {  	s3 =	simm.s32 @!p0 $0x1082;
	s9 =	sld [smem:$0x3FAA]  }
0x2f: {  	lr =	sadd.s32 s0, s3;
	s0 =	sld [smem:$0x3FA1]  }
0x30: {  	s3 =	sld [smem:$0x3FA4]  }
0x31: {  	[smem:$0x3FAD] =	sst s10  }
0x32: {  	s10 =	sld [smem:$0x3FAB];
	_ =	sdelay $0x3  }
0x33: {  	p0 =	seq.s32 s10, $0x1;
	s10 =	sld [smem:$0x3FAD];
	_ =	sdelay $0x3  }
0x34: {  	[smem:$0x3FAD] =	sst s10  }
0x35: {  	s10 =	sld [smem:$0x3FAC];
	_ =	sdelay $0x3  }
0x36: {  	p1 =	seq.s32 s10, $0x1;
	s10 =	sld [smem:$0x3FAD];
	_ =	sdelay $0x3  }
0x37: {  	[smem:$0x3FAD] =	sst s10  }
0x38: {  	s10 =	sld [smem:$0x3FAE]  }
0x39: {  	_ = 	snop;
	(pc) =	sbr.ind lr, $3  }
0x3a: {  	_ = 	snop  }
0x3b: {  	_ = 	snop  }
0x3c: {  	p2 =	seq.s32 s10, $0x1;
	s10 =	sld [smem:$0x3FAD]  }
0x3d: {  	_ =	shalt  }
0x3e: {  	_ =	shalt  }
0x3f: {  	_ =	shalt  }
0x40: {  	_ =	shalt  }
0x41: {  	_ =	shalt  }
0x42: {  	_ =	shalt  }
0x43: {  	_ =	shalt  }
0x44: {  	_ =	shalt  }
0x45: {  	_ =	shalt  }
0x46: {  	_ =	shalt  }
0x47: {  	_ =	shalt  }
0x48: {  	_ =	shalt  }
0x49: {  	_ =	shalt  }
0x4a: {  	_ =	shalt  }
0x4b: {  	_ =	shalt  }
0x4c: {  	_ =	shalt  }
0x4d: {  	_ =	shalt  }
0x4e: {  	_ =	shalt  }
0x4f: {  	_ =	shalt  }
0x50: {  	_ =	shalt  }
0x51: {  	_ =	shalt  }
0x52: {  	_ =	shalt  }
0x53: {  	_ =	shalt  }
0x54: {  	_ =	shalt  }
0x55: {  	_ =	shalt  }
0x56: {  	_ =	shalt  }
0x57: {  	_ =	shalt  }
0x58: {  	_ =	shalt  }
0x59: {  	_ =	shalt  }
0x5a: {  	_ =	shalt  }
0x5b: {  	_ =	shalt  }
0x5c: {  	_ =	shalt  }
0x5d: {  	_ =	shalt  }
0x5e: {  	_ =	shalt  }
0x5f: {  	_ =	shalt  }
0x60: {  	_ =	shalt  }
0x61: {  	_ =	shalt  }
0x62: {  	_ =	shalt  }
0x63: {  	_ =	shalt  }
0x64: {  	_ =	shalt  }
0x65: {  	_ =	shalt  }
0x66: {  	_ =	shalt  }
0x67: {  	_ =	shalt  }
0x68: {  	_ =	shalt  }
0x69: {  	_ =	shalt  }
0x6a: {  	_ =	shalt  }
0x6b: {  	_ =	shalt  }
0x6c: {  	_ =	shalt  }
0x6d: {  	_ =	shalt  }
0x6e: {  	_ =	shalt  }
0x6f: {  	_ =	shalt  }
0x70: {  	_ =	shalt  }
0x71: {  	_ =	shalt  }
0x72: {  	_ =	shalt  }
0x73: {  	_ =	shalt  }
0x74: {  	_ =	shalt  }
0x75: {  	_ =	shalt  }
0x76: {  	_ =	shalt  }
0x77: {  	_ =	shalt  }
0x78: {  	_ =	shalt  }
0x79: {  	_ =	shalt  }
0x7a: {  	_ =	shalt  }
0x7b: {  	_ =	shalt  }
0x7c: {  	_ =	shalt  }
0x7d: {  	_ =	shalt  }
0x7e: {  	_ =	shalt  }
0x7f: {  	_ =	shalt  }
0x80: {  	_ =	shalt  }
0x81: {  	_ =	shalt  }
0x82: {  	_ =	shalt  }
0x83: {  	_ =	shalt  }
0x84: {  	_ =	shalt  }
0x85: {  	_ =	shalt  }
0x86: {  	_ =	shalt  }
0x87: {  	_ =	shalt  }
.Lfunc_end0:
.L_simem_size_0:
called_computation_lowered:
.L_overlay_start_0:
0x88: {  	s2 =	sld [smem:$0x3FD9]  }
0x89: {  	s3 =	sld [smem:$0x3FFE];
	_ =	sdelay $0x1  }
0x8a: {  	s1 =	srdreg.scid  }
0x8b: {  	s0 =	sand.u32 $0x1, s1  }
0x8c: {  	s17 =	sshll.u32 s0, $0xA;
	s2 =	sadd.s32 s3, s2  }
0x8d: {  	s2 =	sadd.s32 s2, s17  }
0x8e: {  	[smem:$0x3FB9] =	sst s2  }
0x8f: {  	_ = 	snop  }
0x90: {  	s2 =	sld [smem:$0x3FC1];
	(tm) =	ssettm $0x1  }
0x91: {  	s18 =	sld [smem:$0x3FFB];
	_ =	sdelay $0x3  }
0x92: {  	_ =	strace s18  }
0x93: {  	s3 =	sld [smem:$0x3FFC];
	_ =	sdelay $0x3  }
0x94: {  	_ =	strace s3  }
0x95: {  	s3 =	sld [smem:$0x3FFD];
	_ =	sdelay $0x3  }
0x96: {  	_ =	strace s3  }
0x97: {  	_ =	strace $0x8FFFFFFF  }
0x98: {  	s19 =	sld [smem:$0x3FDB];
	_ =	sdelay $0x1  }
0x99: {  	s4 =	simm.s32 $_scs_section_size  }
0x9a: {  	s5 =	simm.s32 $_size__tile_overlayer_lowered;
	s6 =	simm.s32 $_tile_overlayer_lowered  }
0x9b: {  	s22 =	simm.s32 $0x1BFF;
	s21 =	sshll.u32 s6, $0x1;
	s3 =	sadd.s32 s4, s19  }
0x9c: {  	s7 =	simm.s32 $0x0;
	s20 =	sshll.u32 s5, $0x1;
	s5 =	sadd.s32 s21, s3  }
0x9d: {  	[timem:s7], [sflag:s22] =	dma.local [hbm:s5], s20  }
0x9e: {  	_ =	swait.ge [sflag:s22], s20  }
0x9f: {  	s4 =	ssub.s32 $0x0, s20;
	[sflag:s22] =	ssyncset.done $0x0  }
0xa0: {  	[sflag:s22] =	ssyncadd.s32 s4;
	_ =	sdelay $0x1  }
0xa1: {  	s23 =	simm.s32 $0x1B8B  }
0xa2: {  	_ =	swait.ge [sflag:s23], $0x1  }
0xa3: {  	[sflag:s23] =	ssyncset.done $0x0  }
0xa4: {  	s25 =	simm.s32 $0x1B8E;
	s24 =	sld [smem:$0x3FFE];
	[sflag:s23] =	ssyncadd.s32 $0xFFFFFFFF  }
0xa5: {  	s26 =	simm.s32 $execute0_lowered;
	[smem:$0x3FD2] =	sst s25  }
0xa6: {  	s5 =	sshll.u32 s26, $0x1;
	_ =	strace $0x80000046;
	[dreg:$0x1] =	wrdreg $0xFFFFFFFF  }
0xa7: {  	s28 =	simm.s32 $_size_execute0_lowered;
	s3 =	sadd.s32 s3, s5;
	[dreg:$0x0] =	wrdreg $0x0  }
0xa8: {  	s5 =	sshll.u32 s28, $0x1;
	[dreg:$0x2] =	wrdreg s3  }
0xa9: {  	[dreg:$0x3] =	wrdreg s5  }
0xaa: {  	[dreg:$0x4] =	wrdreg $0xC0  }
0xab: {  	_ =	task [dreg:s7], $0x5FFFF  }
0xac: {  	[dreg:$0x1] =	wrdreg $0xFFFFFFFF  }
0xad: {  	[dreg:$0x0] =	wrdreg $0x60  }
0xae: {  	[dreg:$0x2] =	wrdreg s24  }
0xaf: {  	[dreg:$0x3] =	wrdreg s2  }
0xb0: {  	[dreg:$0x4] =	wrdreg $0x9  }
0xb1: {  	_ =	task.clear_ibuf [dreg:s7], $0x5FFFF;
	_ =	strace $0x90000046  }
0xb2: {  	s29 =	simm.s32 $0x9;
	_ =	strace $0x80000048  }
0xb3: {  	_ =	swait.ge [sflag:s29], $0x1  }
0xb4: {  	[sflag:s29] =	ssyncadd.s32 $0xFFFFFFFF  }
0xb5: {  	_ =	strace $0x90000048  }
0xb6: {  	_ =	sfence  }
0xb7: {  	s30 =	sld [smem:$0x0];
	_ =	sdelay $0x2  }
0xb8: {  	s31 =	sshll.u32 s1, $0xD;
	s1 =	sshrl.u32 s1, $0x2  }
0xb9: {  	s3 =	sand.u32 $0x4000, s31;
	s1 =	sadd.s32 s1, s30  }
0xba: {  	s0 =	sor.u32 s3, s0;
	s1 =	sshll.u32 s1, $0x11  }
0xbb: {  	s0 =	sor.u32 s1, s0  }
0xbc: {  	s0 =	sadd.s32 $0x8F2B, s0  }
0xbd: {  	[sflag:s0] =	ssyncadd.remote.s32 $0x1  }
0xbe: {  	_ =	sfence.sel $0xFFFF  }
0xbf: {  	[dreg:$0x0] =	wrdreg $0xFFFFFFFF;
	(pc) =	sbr.abs _section_cstart, $3  }
0xc0: {  	[dreg:$0x1] =	wrdreg $0xFFFFFFFF  }
0xc1: {  	_ =	task.clear_ibuf [dreg:s7], $0x2FFFF;
	_ =	strace $0x9FFFFFFF  }
0xc2: {  	(tm) =	ssettm $0x7FFFFFFF  }
0xc3: {  	_ =	shalt  }
tec
execute0_lowered:
.L_overlay_start_1:
0x0: {  	(tag) =	ssettag $0x1  }
0x1: {  	s0 =	srdreg.scid  }
0x2: {  	s1 =	rddreg [dreg:$0x0];
	s11 =	stileid.u32  }
0x3: {  	s2 =	rddreg [dreg:$0x1];
	s3 =	simm.s32 $0x0;
	s16 =	simm.s32 $0x800  }
0x4: {  	s17 =	simm.s32 $0x50;
	s18 =	simm.s32 $0x1000;
	s19 =	simm.s32 $0x6000  }
0x5: {  	s23 =	simm.s32 $0x8800;
	s24 =	simm.s32 $0x3;
	s25 =	simm.s32 $0x0  }
0x6: {  	s0 =	sand.u32 $0x1, s0;
	s5 =	sshll.u32 s11, $0x4;
	[smem:$0x7FF] =	sst s3  }
0x7: {  	s12 =	sadd.s32 $0x2EE00, s1;
	s14 =	smul.u32 $0x5000, s11;
	s4 =	sshll.u32 s0, $0x8  }
0x8: {  	_ =	strace $0x80000047;
	s30 =	ssub.s32 $0x2, s0;
	s0 =	smul.u32 $0x50000, s0  }
0x9: {  	s4 =	sor.u32 s5, s4;
	s5 =	sadd.s32 $0x7C00, s1;
	s8 =	sshrl.u32 s30, $0x1  }
0xa: {  	s6 =	sshll.u32 s4, $0x4;
	s10 =	smul.u32 $0x500, s4;
	s20 =	sor.u32 $0xF, s4  }
0xb: {  	s8 =	ssub.s32 s30, s8;
	s15 =	sadd.s32 s0, s12;
	p1 =	sgt.u32 s4, $0x1E4  }
0xc: {  	s7 =	sadd.s32 s6, s1;
	s1 =	sadd.s32 $0xCB200, s1;
	s13 =	smul.u32 $0x500, s20  }
.Ltmp0:
0xd: {  	s8 =	smax.u32 s8, $0x1;
	s31 =	sadd.s32 s14, s15;
	(pc) =	sbr.rel .LBB2_1-.Ltmp0, $4  }
0xe: {  	s15 =	simm.s32 $0x9;
	p0 =	sgt.u32 s20, $0x1F4;
	s6 =	sadd.s32 $0x3C00, s7  }
0xf: {  	s7 =	sadd.s32 $0x5C00, s7;
	s9 =	sadd.s32 s12, s10;
	s0 =	sadd.s32 s0, s1  }
0x10: {  	s10 =	sadd.s32 s1, s10;
	s11 =	sadd.s32 s12, s13;
	s0 =	sadd.s32 s14, s0  }
0x11: {  	s12 =	sadd.s32 s1, s13;
	s13 =	sadd.s32 $0x500, s31;
	s14 =	sadd.s32 $0x500, s0  }
.LBB2_8:
0x12: {  	s0 =	simm.s32 @!p0 $0x5  }
0x13: {  	_ =	swait.ge @!p0 [sflag:s0], $0x2800  }
0x14: {  	[sflag:s0] =	ssyncset.done @!p0 $0x0  }
0x15: {  	[sflag:s0] =	ssyncadd.s32 @!p0 $0xFFFFD800;
	s0 =	simm.s32 @!p0 $0x7  }
0x16: {  	_ =	swait.ge @!p0 [sflag:s0], $0x2800  }
0x17: {  	[sflag:s0] =	ssyncset.done @!p0 $0x0  }
0x18: {  	[sflag:s0] =	ssyncadd.s32 @!p0 $0xFFFFD800;
	s0 =	simm.s32 @!p0 $0x2  }
0x19: {  	_ =	swait.ge @!p0 [sflag:s0], $0x2800  }
0x1a: {  	[sflag:s0] =	ssyncset.done @!p0 $0x0  }
0x1b: {  	[sflag:s0] =	ssyncadd.s32 @!p0 $0xFFFFD800;
	s0 =	simm.s32 @!p0 $0x4  }
0x1c: {  	_ =	swait.ge @!p0 [sflag:s0], $0x2800  }
0x1d: {  	[sflag:s0] =	ssyncset.done @!p0 $0x0  }
0x1e: {  	s1 =	simm.s32 @!p0 $0x3800;
	[sflag:s0] =	ssyncadd.s32 @!p0 $0xFFFFD800;
	s0 =	simm.s32 @!p0 $0x0  }
0x1f: {  	[hbm4b:s11+s0] =	stream.linear.scatter @!p0 [tilespmem:s1], [sflag:$0x6], $0x2800, $0x38;
	[tilespmem:$0xB000] =	vst v63  }
0x20: {  	s1 =	simm.s32 @!p0 $0x8800  }
0x21: {  	[hbm4b:s12+s0] =	stream.linear.scatter @!p0 [tilespmem:s1], [sflag:$0x8], $0x2800, $0x38;
	[tilespmem:$0xB000] =	vst v63  }
0x22: {  	s25 =	sadd.s32 $0x1, s25;
	s0 =	simm.s32 @!p1 $0x6  }
0x23: {  	p2 =	sne.s32 s25, s8;
	_ =	swait.ge @!p1 [sflag:s0], $0x2800  }
.Ltmp1:
0x24: {  	[sflag:s0] =	ssyncset.done @!p1 $0x0;
	(pc) =	sbr.rel @!p2 .LBB2_9-.Ltmp1, $4  }
0x25: {  	[sflag:s0] =	ssyncadd.s32 @!p1 $0xFFFFD800;
	s0 =	simm.s32 @!p1 $0x8  }
0x26: {  	_ =	swait.ge @!p1 [sflag:s0], $0x2800  }
0x27: {  	[sflag:s0] =	ssyncset.done @!p1 $0x0  }
0x28: {  	[sflag:s0] =	ssyncadd.s32 @!p1 $0xFFFFD800  }
.LBB2_1:
0x29: {  	[tilespmem:s3], [sflag:$0x9] =	stream.linear.gather [hbm4b:s6+s3], $0x800, $0x38;
	[tilespmem:$0xB000] =	vst v63  }
0x2a: {  	_ =	swait.ge [sflag:s15], $0x800  }
0x2b: {  	[sflag:s15] =	ssyncset.done $0x0  }
0x2c: {  	[sflag:s15] =	ssyncadd.s32 $0xFFFFF800  }
0x2d: {  	[tilespmem:s16], [sflag:$0x9] =	stream.linear.gather [hbm4b:s7+s3], $0x800, $0x38;
	[tilespmem:$0xB000] =	vst v63  }
0x2e: {  	_ =	swait.ge [sflag:s15], $0x800  }
0x2f: {  	[sflag:s15] =	ssyncset.done $0x0  }
0x30: {  	[sflag:s15] =	ssyncadd.s32 $0xFFFFF800  }
0x31: {  	[tilespmem:s18], [sflag:$0x1] =	stream.indirect.gather [hbm4b:s5+s17], $0x80, s3, s17, $0xb8;
	[tilespmem:$0xB000] =	vst v63  }
0x32: {  	_ = 	snop  }
0x33: {  	[tilespmem:s19], [sflag:$0x3] =	stream.indirect.gather [hbm4b:s2+s17], $0x80, s16, s17, $0xb8;
	[tilespmem:$0xB000] =	vst v63  }
0x34: {  	s0 =	simm.s32 $0x80;
	s1 =	simm.s32 $0x3800  }
0x35: {  	[tilespmem:s1], [sflag:$0x2] =	stream.indirect.gather [hbm4b:s5+s17], $0x80, s0, s17, $0xb8;
	[tilespmem:$0xB000] =	vst v63  }
0x36: {  	s26 =	simm.s32 $0x880  }
0x37: {  	[tilespmem:s23], [sflag:$0x4] =	stream.indirect.gather [hbm4b:s2+s17], $0x80, s26, s17, $0xb8;
	[tilespmem:$0xB000] =	vst v63  }
0x38: {  	s26 =	simm.s32 $0x1  }
0x39: {  	_ =	swait.ge [sflag:s26], $0x2800  }
0x3a: {  	[sflag:s26] =	ssyncset.done $0x0  }
0x3b: {  	[sflag:s26] =	ssyncadd.s32 $0xFFFFD800  }
0x3c: {  	_ =	swait.ge [sflag:s24], $0x2800  }
.Ltmp2:
0x3d: {  	[sflag:s24] =	ssyncset.done $0x0;
	(pc) =	sbr.rel .LBB2_2-.Ltmp2, $4  }
0x3e: {  	s28 =	simm.s32 $0x100;
	[sflag:s24] =	ssyncadd.s32 $0xFFFFD800  }
0x3f: {  	[hbm4b:s9+s3] =	stream.linear.scatter [tilespmem:s18], [sflag:$0x5], $0x2800, $0x38;
	[tilespmem:$0xB000] =	vst v63  }
0x40: {  	s29 =	simm.s32 $0x900;
	s30 =	smov.u32 s14;
	s31 =	smov.u32 s13  }
0x41: {  	[hbm4b:s10+s3] =	stream.linear.scatter [tilespmem:s19], [sflag:$0x7], $0x2800, $0x38;
	[tilespmem:$0xB000] =	vst v63  }
.LBB2_4:
0x42: {  	s0 =	smul.u32 $0x2800, s20;
	_ =	sdelay $0x1  }
0x43: {  	s22 =	sadd.s32 $0x1, s20;
	s21 =	sadd.s32 $0x1000, s0  }
0x44: {  	[tilespmem:s21], [sflag:s22] =	stream.indirect.gather [hbm4b:s5+s17], $0x80, s28, s17, $0xb8;
	[tilespmem:$0xB000] =	vst v63  }
0x45: {  	s0 =	sadd.s32 $0x6000, s0;
	s22 =	sadd.s32 $0x3, s20  }
0x46: {  	[tilespmem:s0], [sflag:s22] =	stream.indirect.gather [hbm4b:s2+s17], $0x80, s29, s17, $0xb8;
	[tilespmem:$0xB000] =	vst v63  }
.LBB2_6:
0x47: {  	s0 =	sadd.s32 $0x1, s1  }
0x48: {  	_ =	swait.ge [sflag:s0], $0x2800  }
0x49: {  	[sflag:s0] =	ssyncset.done $0x0  }
0x4a: {  	s21 =	sadd.s32 $0x3, s1;
	[sflag:s0] =	ssyncadd.s32 $0xFFFFD800  }
0x4b: {  	s20 =	smul.u32 $0x2800, s1;
	_ =	swait.ge [sflag:s21], $0x2800  }
0x4c: {  	[sflag:s21] =	ssyncset.done $0x0  }
0x4d: {  	s22 =	sadd.s32 $0x5, s1;
	[sflag:s21] =	ssyncadd.s32 $0xFFFFD800;
	s21 =	sadd.s32 $0x1000, s20  }
0x4e: {  	[hbm4b:s31+s3] =	stream.linear.scatter [tilespmem:s21], [sflag:s22], $0x2800, $0x38;
	[tilespmem:$0xB000] =	vst v63  }
0x4f: {  	s21 =	sadd.s32 $0x6000, s20;
	s22 =	sadd.s32 $0x7, s1  }
0x50: {  	[hbm4b:s30+s3] =	stream.linear.scatter [tilespmem:s21], [sflag:s22], $0x2800, $0x38;
	[tilespmem:$0xB000] =	vst v63  }
.LBB2_7:
0x51: {  	s26 =	sadd.s32 $0x1, s26  }
0x52: {  	p2 =	sne.s32 s26, $0xF  }
.Ltmp3:
0x53: {  	_ = 	snop;
	(pc) =	sbr.rel @!p2 .LBB2_8-.Ltmp3, $3  }
0x54: {  	_ =	sdelay $0x1  }
0x55: {  	s28 =	sadd.s32 $0x80, s28  }
0x56: {  	s29 =	sadd.s32 $0x80, s29;
	s31 =	sadd.s32 $0x500, s31;
	s30 =	sadd.s32 $0x500, s30  }
.LBB2_2:
0x57: {  	s0 =	sadd.s32 s26, s4  }
0x58: {  	p2 =	sgt.u32 s0, $0x1F4  }
.Ltmp4:
0x59: {  	_ = 	snop;
	(pc) =	sbr.rel @p2 .LBB2_7-.Ltmp4, $1  }
0x5a: {  	_ =	sdelay $0x3  }
0x5b: {  	s1 =	sand.u32 $0x1, s26  }
0x5c: {  	p2 =	seq.s32 s26, $0xF;
	s20 =	sxor.u32 $0x1, s1  }
0x5d: {  	p3 =	sgt.u32 @!p2 s0, $0x1F2;
	s21 =	sadd.s32 $0x5, s20  }
0x5e: {  	p2 =	por p2, p3;
	_ =	swait.ge [sflag:s21], $0x2800  }
.Ltmp5:
0x5f: {  	[sflag:s21] =	ssyncset.done $0x0;
	(pc) =	sbr.rel @!p2 .LBB2_4-.Ltmp5, $4  }
0x60: {  	s22 =	sadd.s32 $0x7, s20;
	[sflag:s21] =	ssyncadd.s32 $0xFFFFD800  }
0x61: {  	_ =	swait.ge [sflag:s22], $0x2800  }
0x62: {  	[sflag:s22] =	ssyncset.done $0x0  }
0x63: {  	[sflag:s22] =	ssyncadd.s32 $0xFFFFD800  }
0x64: {  	p2 =	seq.s32 s0, $0x1F4  }
.Ltmp6:
0x65: {  	_ = 	snop;
	(pc) =	sbr.rel @p2 .LBB2_7-.Ltmp6, $4  }
.Ltmp7:
0x66: {  	_ = 	snop;
	(pc) =	sbr.rel @!p2 .LBB2_6-.Ltmp7, $4  }
0x67: {  	_ = 	snop  }
0x68: {  	_ = 	snop  }
0x69: {  	_ = 	snop  }
0x6a: {  	_ = 	snop  }
.LBB2_9:
0x6b: {  	_ =	sfence.sel $0x180000  }
0x6c: {  	[bflag:$0x0] =	sbarrier.arrive $0xFFFF  }
0x6d: {  	_ =	strace $0x90000047  }
0x6e: {  	s0 =	stileid.u32;
	[bflag:$0x2] =	sbarrier.arrive $0xFFFF  }
0x6f: {  	p0 =	sne.s32 s0, $0x0;
	s0 =	rddreg [dreg:$0x2]  }
0x70: {  	s0 =	sadd.s32 @!p0 $0x100000, s0  }
0x71: {  	[sflag:s0] =	ssyncadd.tile.s32 @!p0 $0x1;
	_ =	shalt  }
.Lfunc_end2:
_tile_overlayer_lowered:
.L_overlay_start_2:
0x72: {  	(tag) =	ssettag $0x2  }
0x73: {  	s0 =	rddreg [dreg:$0x0];
	s2 =	stileid.u32  }
0x74: {  	s1 =	rddreg [dreg:$0x1];
	p0 =	sne.s32 s2, $0x0  }
0x75: {  	s3 =	rddreg [dreg:$0x2];
	[bflag:$0x3] =	sbarrier.arrive $0xFFFF;
	s2 =	simm.s32 @!p0 $0x1C09  }
0x76: {  	[timem:s3], [sflag:s2] =	dma.local @!p0 [hbm:s0], s1  }
0x77: {  	s0 =	simm.s32 @!p0 $0x9  }
0x78: {  	_ =	swait.ge @!p0 [sflag:s0], s1  }
0x79: {  	s1 =	ssub.s32 @!p0 $0x0, s1;
	[sflag:s0] =	ssyncset.done @!p0 $0x0  }
0x7a: {  	[sflag:s0] =	ssyncadd.s32 @!p0 s1  }
0x7b: {  	[bflag:$0x3] =	sbarrier.arrive $0xFFFF  }
0x7c: {  	_ =	shalt  }

// kernel: kernel.15.cloned.1.call-start
scs
__scs_entry_jumppad:
0x0: {  	(pc) =	sbr.rel $0x88, $3  }
0x1: {  	(tag) =	ssettag $0x0;
	lr =	simm.s32 $0x1  }
0x2: {  	[smem:$0x3F92] =	sst lr;
	_ =	strace $0xD0000000  }
0x3: {  	_ = 	snop  }
0x4: {  	_ = 	snop  }
0x5: {  	_ = 	snop  }
0x6: {  	_ = 	snop  }
0x7: {  	_ = 	snop  }
__scs_overlays_trampoline_lowered:
0x8: {  	[smem:$0x3FA1] =	sst s0  }
0x9: {  	[smem:$0x3FA2] =	sst s1  }
0xa: {  	[smem:$0x3FA3] =	sst s2  }
0xb: {  	[smem:$0x3FA4] =	sst s3  }
0xc: {  	[smem:$0x3FA5] =	sst s4  }
0xd: {  	[smem:$0x3FA6] =	sst s5  }
0xe: {  	[smem:$0x3FA7] =	sst s6  }
0xf: {  	[smem:$0x3FA8] =	sst s7  }
0x10: {  	[smem:$0x3FA9] =	sst s8  }
0x11: {  	[smem:$0x3FAA] =	sst s9;
	s0 =	simm.s32 @!p0 $0x0  }
0x12: {  	s1 =	sld [smem:$0x3F90];
	s0 =	simm.s32 @p0 $0x1  }
0x13: {  	[smem:$0x3FAB] =	sst s0;
	s0 =	simm.s32 @!p1 $0x0  }
0x14: {  	s2 =	sld [smem:$0x3F8F];
	s0 =	simm.s32 @p1 $0x1  }
0x15: {  	[smem:$0x3FAC] =	sst s0;
	s0 =	simm.s32 @!p2 $0x0  }
0x16: {  	s3 =	sld [smem:$0x3FDB];
	s0 =	simm.s32 @p2 $0x1  }
0x17: {  	s4 =	simm.s32 $0x1BF5;
	[smem:$0x3FAE] =	sst s0  }
0x18: {  	s0 =	sld [smem:$0x3F91];
	_ =	swait.ge [sflag:s4], $0x0  }
0x19: {  	s7 =	sld [smem:$0x3F92]  }
0x1a: {  	s8 =	sadd.s32 $0xFFFFE003, lr  }
0x1b: {  	s9 =	sadd.s32 $0xFFFFFEF7, lr;
	s5 =	simm.s32 $0xFFFFFFFF;
	p2 =	slt.u32 s8, $0xFFFFF086  }
0x1c: {  	p1 =	slt.u32 s9, $0xF7A;
	s5 =	simm.s32 @!p2 $0x0  }
0x1d: {  	s5 =	simm.s32 @p1 $0x1;
	p0 =	seq.s32 s7, s2  }
0x1e: {  	s7 =	smul.u32 @!p0 $0xF7A, s2;
	p2 =	seq.s32 @!p0 s5, $0x0  }
0x1f: {  	s9 =	smul.u32 $0xF7A, s1;
	s8 =	simm.s32 @!p0 $0x1BF5;
	p2 =	por !p2, p0  }
0x20: {  	[sflag:s8] =	ssyncset.s32 @!p0 $0xFFFFF086;
	s6 =	sadd.s32 @!p0 s3, s7;
	s7 =	simm.s32 @!p0 $0x108  }
0x21: {  	s3 =	sadd.s32 s3, s9;
	s6 =	sadd.s32 @!p0 $0x88, s6;
	s7 =	simm.s32 @p2 $0x1082  }
0x22: {  	[simem:s7], [sflag:s8] =	dma.local @!p0 [hbm:s6], $0xF7A  }
0x23: {  	s9 =	sor.u32 $0xD0000000, s2;
	s6 =	simm.s32 $0x108;
	_ =	swait.ge @!p0 [sflag:s8], $0x0  }
0x24: {  	s3 =	sadd.s32 $0x88, s3;
	s6 =	simm.s32 @!p1 $0x1082;
	[sflag:s4] =	ssyncset.s32 $0xFFFFF086  }
0x25: {  	[simem:s6], [sflag:s4] =	dma.local [hbm:s3], $0xF7A  }
0x26: {  	[smem:$0x3F92] =	sst s1;
	(tag) =	ssettag s2;
	_ =	strace s9  }
0x27: {  	s1 =	sld [smem:$0x3FA2]  }
0x28: {  	s2 =	sld [smem:$0x3FA3]  }
0x29: {  	s4 =	sld [smem:$0x3FA5]  }
0x2a: {  	p0 =	seq.s32 s5, $0x0;
	s5 =	sld [smem:$0x3FA6]  }
0x2b: {  	s6 =	sld [smem:$0x3FA7]  }
0x2c: {  	s7 =	sld [smem:$0x3FA8]  }
0x2d: {  	s3 =	simm.s32 $0x108;
	s8 =	sld [smem:$0x3FA9]  }
0x2e: {  	s3 =	simm.s32 @!p0 $0x1082;
	s9 =	sld [smem:$0x3FAA]  }
0x2f: {  	lr =	sadd.s32 s0, s3;
	s0 =	sld [smem:$0x3FA1]  }
0x30: {  	s3 =	sld [smem:$0x3FA4]  }
0x31: {  	[smem:$0x3FAD] =	sst s10  }
0x32: {  	s10 =	sld [smem:$0x3FAB];
	_ =	sdelay $0x3  }
0x33: {  	p0 =	seq.s32 s10, $0x1;
	s10 =	sld [smem:$0x3FAD];
	_ =	sdelay $0x3  }
0x34: {  	[smem:$0x3FAD] =	sst s10  }
0x35: {  	s10 =	sld [smem:$0x3FAC];
	_ =	sdelay $0x3  }
0x36: {  	p1 =	seq.s32 s10, $0x1;
	s10 =	sld [smem:$0x3FAD];
	_ =	sdelay $0x3  }
0x37: {  	[smem:$0x3FAD] =	sst s10  }
0x38: {  	s10 =	sld [smem:$0x3FAE]  }
0x39: {  	_ = 	snop;
	(pc) =	sbr.ind lr, $3  }
0x3a: {  	_ = 	snop  }
0x3b: {  	_ = 	snop  }
0x3c: {  	p2 =	seq.s32 s10, $0x1;
	s10 =	sld [smem:$0x3FAD]  }
0x3d: {  	_ =	shalt  }
0x3e: {  	_ =	shalt  }
0x3f: {  	_ =	shalt  }
0x40: {  	_ =	shalt  }
0x41: {  	_ =	shalt  }
0x42: {  	_ =	shalt  }
0x43: {  	_ =	shalt  }
0x44: {  	_ =	shalt  }
0x45: {  	_ =	shalt  }
0x46: {  	_ =	shalt  }
0x47: {  	_ =	shalt  }
0x48: {  	_ =	shalt  }
0x49: {  	_ =	shalt  }
0x4a: {  	_ =	shalt  }
0x4b: {  	_ =	shalt  }
0x4c: {  	_ =	shalt  }
0x4d: {  	_ =	shalt  }
0x4e: {  	_ =	shalt  }
0x4f: {  	_ =	shalt  }
0x50: {  	_ =	shalt  }
0x51: {  	_ =	shalt  }
0x52: {  	_ =	shalt  }
0x53: {  	_ =	shalt  }
0x54: {  	_ =	shalt  }
0x55: {  	_ =	shalt  }
0x56: {  	_ =	shalt  }
0x57: {  	_ =	shalt  }
0x58: {  	_ =	shalt  }
0x59: {  	_ =	shalt  }
0x5a: {  	_ =	shalt  }
0x5b: {  	_ =	shalt  }
0x5c: {  	_ =	shalt  }
0x5d: {  	_ =	shalt  }
0x5e: {  	_ =	shalt  }
0x5f: {  	_ =	shalt  }
0x60: {  	_ =	shalt  }
0x61: {  	_ =	shalt  }
0x62: {  	_ =	shalt  }
0x63: {  	_ =	shalt  }
0x64: {  	_ =	shalt  }
0x65: {  	_ =	shalt  }
0x66: {  	_ =	shalt  }
0x67: {  	_ =	shalt  }
0x68: {  	_ =	shalt  }
0x69: {  	_ =	shalt  }
0x6a: {  	_ =	shalt  }
0x6b: {  	_ =	shalt  }
0x6c: {  	_ =	shalt  }
0x6d: {  	_ =	shalt  }
0x6e: {  	_ =	shalt  }
0x6f: {  	_ =	shalt  }
0x70: {  	_ =	shalt  }
0x71: {  	_ =	shalt  }
0x72: {  	_ =	shalt  }
0x73: {  	_ =	shalt  }
0x74: {  	_ =	shalt  }
0x75: {  	_ =	shalt  }
0x76: {  	_ =	shalt  }
0x77: {  	_ =	shalt  }
0x78: {  	_ =	shalt  }
0x79: {  	_ =	shalt  }
0x7a: {  	_ =	shalt  }
0x7b: {  	_ =	shalt  }
0x7c: {  	_ =	shalt  }
0x7d: {  	_ =	shalt  }
0x7e: {  	_ =	shalt  }
0x7f: {  	_ =	shalt  }
0x80: {  	_ =	shalt  }
0x81: {  	_ =	shalt  }
0x82: {  	_ =	shalt  }
0x83: {  	_ =	shalt  }
0x84: {  	_ =	shalt  }
0x85: {  	_ =	shalt  }
0x86: {  	_ =	shalt  }
0x87: {  	_ =	shalt  }
.Lfunc_end0:
.L_simem_size_0:
called_computation.1_lowered:
.L_overlay_start_0:
0x88: {  	s2 =	sld [smem:$0x3FD9]  }
0x89: {  	s3 =	sld [smem:$0x3FFE];
	_ =	sdelay $0x1  }
0x8a: {  	s1 =	srdreg.scid  }
0x8b: {  	s0 =	sand.u32 $0x1, s1  }
0x8c: {  	s16 =	sshll.u32 s0, $0xA;
	s2 =	sadd.s32 s3, s2  }
0x8d: {  	s2 =	sadd.s32 s2, s16  }
0x8e: {  	[smem:$0x3FB9] =	sst s2  }
0x8f: {  	_ = 	snop  }
0x90: {  	(tm) =	ssettm $0x1  }
0x91: {  	s17 =	sld [smem:$0x3FFB];
	_ =	sdelay $0x3  }
0x92: {  	_ =	strace s17  }
0x93: {  	s2 =	sld [smem:$0x3FFC];
	_ =	sdelay $0x3  }
0x94: {  	_ =	strace s2  }
0x95: {  	s2 =	sld [smem:$0x3FFD];
	_ =	sdelay $0x3  }
0x96: {  	_ =	strace s2  }
0x97: {  	_ =	strace $0x8FFFFFFF  }
0x98: {  	s18 =	sld [smem:$0x3FDB];
	_ =	sdelay $0x1  }
0x99: {  	s19 =	simm.s32 $_scs_section_size  }
0x9a: {  	s4 =	simm.s32 $_size__tile_overlayer_lowered;
	s5 =	simm.s32 $_tile_overlayer_lowered  }
0x9b: {  	s22 =	simm.s32 $0x1BFF;
	s21 =	sshll.u32 s5, $0x1;
	s2 =	sadd.s32 s19, s18  }
0x9c: {  	s6 =	simm.s32 $0x0;
	s20 =	sshll.u32 s4, $0x1;
	s4 =	sadd.s32 s21, s2  }
0x9d: {  	[timem:s6], [sflag:s22] =	dma.local [hbm:s4], s20  }
0x9e: {  	_ =	swait.ge [sflag:s22], s20  }
0x9f: {  	s3 =	ssub.s32 $0x0, s20;
	[sflag:s22] =	ssyncset.done $0x0  }
0xa0: {  	[sflag:s22] =	ssyncadd.s32 s3;
	_ =	sdelay $0x1  }
0xa1: {  	s23 =	simm.s32 $0x1B8B  }
0xa2: {  	_ =	swait.ge [sflag:s23], $0x1  }
0xa3: {  	[sflag:s23] =	ssyncset.done $0x0  }
0xa4: {  	s25 =	simm.s32 $0x1B8E;
	s24 =	sld [smem:$0x3FFE];
	[sflag:s23] =	ssyncadd.s32 $0xFFFFFFFF  }
0xa5: {  	s26 =	simm.s32 $execute0_lowered;
	[smem:$0x3FD2] =	sst s25  }
0xa6: {  	s4 =	sshll.u32 s26, $0x1;
	_ =	strace $0x80000049;
	[dreg:$0x1] =	wrdreg $0xFFFFFFFF  }
0xa7: {  	s28 =	simm.s32 $_size_execute0_lowered;
	s2 =	sadd.s32 s2, s4;
	[dreg:$0x0] =	wrdreg $0x0  }
0xa8: {  	s4 =	sshll.u32 s28, $0x1;
	[dreg:$0x2] =	wrdreg s2  }
0xa9: {  	[dreg:$0x3] =	wrdreg s4  }
0xaa: {  	[dreg:$0x4] =	wrdreg $0xC0  }
0xab: {  	_ =	task [dreg:s6], $0x5FFFF  }
0xac: {  	[dreg:$0x1] =	wrdreg $0xFFFFFFFF  }
0xad: {  	[dreg:$0x0] =	wrdreg $0x60  }
0xae: {  	[dreg:$0x2] =	wrdreg s24  }
0xaf: {  	[dreg:$0x3] =	wrdreg $0x0  }
0xb0: {  	[dreg:$0x4] =	wrdreg $0x9  }
0xb1: {  	_ =	task.clear_ibuf [dreg:s6], $0x5FFFF;
	_ =	strace $0x90000049  }
0xb2: {  	s29 =	simm.s32 $0x9;
	_ =	strace $0x8000004B  }
0xb3: {  	_ =	swait.ge [sflag:s29], $0x1  }
0xb4: {  	[sflag:s29] =	ssyncadd.s32 $0xFFFFFFFF  }
0xb5: {  	_ =	strace $0x9000004B  }
0xb6: {  	_ =	sfence  }
0xb7: {  	s30 =	sld [smem:$0x0];
	_ =	sdelay $0x2  }
0xb8: {  	s31 =	sshll.u32 s1, $0xD;
	s1 =	sshrl.u32 s1, $0x2  }
0xb9: {  	s3 =	sand.u32 $0x4000, s31;
	s1 =	sadd.s32 s1, s30  }
0xba: {  	s0 =	sor.u32 s3, s0;
	s1 =	sshll.u32 s1, $0x11  }
0xbb: {  	s0 =	sor.u32 s1, s0  }
0xbc: {  	s0 =	sadd.s32 $0x8F2B, s0  }
0xbd: {  	[sflag:s0] =	ssyncadd.remote.s32 $0x1  }
0xbe: {  	_ =	sfence.sel $0xFFFF  }
0xbf: {  	[dreg:$0x0] =	wrdreg $0xFFFFFFFF;
	(pc) =	sbr.abs _section_cstart, $3  }
0xc0: {  	[dreg:$0x1] =	wrdreg $0xFFFFFFFF  }
0xc1: {  	_ =	task.clear_ibuf [dreg:s6], $0x2FFFF;
	_ =	strace $0x9FFFFFFF  }
0xc2: {  	(tm) =	ssettm $0x7FFFFFFF  }
0xc3: {  	_ =	shalt  }
tec
execute0_lowered:
.L_overlay_start_1:
0x0: {  	(tag) =	ssettag $0x1  }
0x1: {  	s0 =	rddreg [dreg:$0x0]  }
0x2: {  	s1 =	rddreg [dreg:$0x1];
	s2 =	simm.s32 $0x0  }
0x3: {  	s3 =	stileid.u32;
	s9 =	srdreg.scid;
	s28 =	simm.s32 $0x7D  }
0x4: {  	s29 =	simm.s32 $0x14C80;
	[smem:$0x7FF] =	sst s2;
	s4 =	sadd.s32 $0x7D200, s0  }
0x5: {  	s5 =	sadd.s32 $0x56000, s0;
	s6 =	sadd.s32 $0x17B600, s0;
	s7 =	sadd.s32 $0x2EE00, s0  }
0x6: {  	s13 =	smul.u32 $0x13900, s3;
	s8 =	sadd.s32 $0x171600, s0;
	s15 =	sand.u32 $0x1, s9  }
0x7: {  	s11 =	smul.u32 $0x4E400, s3;
	s9 =	sadd.s32 $0x167600, s0;
	s10 =	sadd.s32 $0x3C00, s0  }
0x8: {  	s30 =	simm.s32 $0x4;
	s18 =	sadd.s32 $0x125700, s1;
	s23 =	sadd.s32 $0x13E4E0, s0  }
0x9: {  	s24 =	sadd.s32 $0xF00E0, s0;
	_ =	strace $0x8000004A;
	[dreg:$0x5] =	wrdreg s23  }
0xa: {  	s26 =	sadd.s32 $0x1172E0, s0;
	p0 =	seq.s32 s3, $0xF;
	[dreg:$0x6] =	wrdreg s24  }
0xb: {  	s12 =	ssub.s32 $0x2, s15;
	[dreg:$0x8] =	wrdreg s26;
	p1 =	sne.s32 s15, $0x0  }
0xc: {  	s23 =	sshrl.u32 @p0 s18, $0x3;
	s24 =	simm.s32 $0x13880;
	s26 =	simm.s32 $0x14280  }
0xd: {  	s14 =	sshrl.u32 s13, $0x3;
	s16 =	sshrl.u32 s12, $0x1;
	s11 =	sshrl.u32 s11, $0x2  }
0xe: {  	s17 =	sadd.s32 s14, s0;
	s16 =	ssub.s32 s12, s16;
	s0 =	sadd.s32 $0xC8EE0, s0  }
.Ltmp0:
0xf: {  	s14 =	sadd.s32 $0xCB600, s17;
	[dreg:$0xa] =	wrdreg s0;
	(pc) =	sbr.rel .LBB2_1-.Ltmp0, $4  }
0x10: {  	s11 =	sadd.s32 s11, s1;
	s22 =	sadd.s32 $0x119A00, s17;
	[dreg:$0x3] =	wrdreg s14  }
0x11: {  	s12 =	smul.u32 $0x5000, s3;
	s25 =	sadd.s32 $0xF2800, s17;
	[dreg:$0x4] =	wrdreg s22  }
0x12: {  	s31 =	sadd.s32 $0xA4400, s17;
	s14 =	sadd.s32 s13, s1;
	[dreg:$0x7] =	wrdreg s25  }
0x13: {  	[dreg:$0x9] =	wrdreg s31;
	s22 =	smax.u32 s16, $0x1;
	s25 =	simm.s32 $0x5  }
.LBB2_27:
0x14: {  	[bflag:$0x0] =	sbarrier.arrive $0xFFFF  }
0x15: {  	s3 =	simm.s32 @p0 $0x1FC5;
	s13 =	rddreg [dreg:$0xa]  }
0x16: {  	[hbm:s13], [sflag:s3] =	dma.local @p0 [spmem:s23], $0x2620  }
0x17: {  	s3 =	simm.s32 @p0 $0x5  }
0x18: {  	_ =	swait.ge @p0 [sflag:s3], $0x2620  }
0x19: {  	[sflag:s3] =	ssyncset.done @p0 $0x0  }
0x1a: {  	[sflag:s3] =	ssyncadd.s32 @p0 $0xFFFFD9E0;
	s3 =	rddreg [dreg:$0x9]  }
0x1b: {  	[hbm:s3], [sflag:s0] =	dma.local @!p0 [spmem:s31], $0x2720  }
0x1c: {  	s0 =	simm.s32 @!p0 $0x5  }
0x1d: {  	_ =	swait.ge @!p0 [sflag:s0], $0x2720  }
0x1e: {  	[sflag:s0] =	ssyncset.done @!p0 $0x0  }
0x1f: {  	[sflag:s0] =	ssyncadd.s32 @!p0 $0xFFFFD8E0  }
.LBB2_28:
0x20: {  	s2 =	sadd.s32 $0x1, s2  }
0x21: {  	p2 =	sne.s32 s2, s22  }
.Ltmp1:
0x22: {  	_ = 	snop;
	(pc) =	sbr.rel @!p2 .LBB2_29-.Ltmp1, $2  }
0x23: {  	_ =	sdelay $0x1  }
0x24: {  	[bflag:$0x0] =	sbarrier.arrive $0xFFFF;
	_ =	sdelay $0x1  }
.LBB2_1:
.Ltmp2:
0x25: {  	(pc) =	sbr.rel @p1 .LBB2_15-.Ltmp2, $4  }
0x26: {  	_ = 	snop  }
0x27: {  	s0 =	stileid.u32  }
0x28: {  	s0 =	sshll.u32 @!p0 s0, $0x6  }
0x29: {  	s13 =	sshrl.u32 @!p0 s11, $0x3;
	s31 =	sshrl.u32 @!p0 s14, $0x3;
	s0 =	sor.u32 @!p0 $0x1C05, s0  }
0x2a: {  	s15 =	simm.s32 @p0 $0x1FC5  }
0x2b: {  	[spmem:s23], [sflag:s15] =	dma.local @p0 [hbm:s10], $0x2620  }
0x2c: {  	s15 =	simm.s32 @p0 $0x5  }
0x2d: {  	_ =	swait.ge @p0 [sflag:s15], $0x2620  }
0x2e: {  	[sflag:s15] =	ssyncset.done @p0 $0x0  }
0x2f: {  	[sflag:s15] =	ssyncadd.s32 @p0 $0xFFFFD9E0;
	s15 =	simm.s32 @!p0 $0x5  }
0x30: {  	[spmem:s13], [sflag:s0] =	dma.local @!p0 [hbm:s10], $0x2720  }
.Ltmp3:
0x31: {  	_ =	swait.ge @!p0 [sflag:s15], $0x2720;
	(pc) =	sbr.rel .LBB2_3-.Ltmp3, $4  }
0x32: {  	[sflag:s15] =	ssyncset.done @!p0 $0x0  }
0x33: {  	[sflag:s15] =	ssyncadd.s32 @!p0 $0xFFFFD8E0  }
0x34: {  	[bflag:$0x0] =	sbarrier.arrive $0xFFFF  }
0x35: {  	s16 =	simm.s32 $0x0;
	s15 =	simm.s32 $0x0  }
.LBB2_7:
0x36: {  	s16 =	sadd.s32 $0x1, s16  }
0x37: {  	p2 =	sne.s32 s16, $0x8  }
.Ltmp4:
0x38: {  	_ = 	snop;
	(pc) =	sbr.rel @!p2 .LBB2_8-.Ltmp4, $4  }
0x39: {  	_ = 	snop  }
0x3a: {  	_ =	swait.ge [sflag:s30], $0xFA0  }
0x3b: {  	[sflag:s30] =	ssyncset.done $0x0  }
0x3c: {  	[sflag:s30] =	ssyncadd.s32 $0xFFFFF060  }
.LBB2_3:
0x3d: {  	s17 =	smul.u32 $0xA00, s16;
	_ =	sdelay $0x1  }
0x3e: {  	s17 =	sadd.s32 s12, s17  }
0x3f: {  	s17 =	sshrl.u32 s17, $0x3  }
0x40: {  	s18 =	sadd.s32 s8, s17  }
0x41: {  	[tilespmem:s24], [sflag:$0x5] =	stream.linear.gather [hbm4b:s18+s15], $0xA00, $0x38;
	[tilespmem:$0x16BC0] =	vst v63  }
0x42: {  	_ =	swait.ge [sflag:s25], $0xA00  }
0x43: {  	[sflag:s25] =	ssyncset.done $0x0  }
0x44: {  	s17 =	sadd.s32 s9, s17;
	[sflag:s25] =	ssyncadd.s32 $0xFFFFF600  }
0x45: {  	[tilespmem:s26], [sflag:$0x5] =	stream.linear.gather [hbm4b:s17+s15], $0xA00, $0x38;
	[tilespmem:$0x16BC0] =	vst v63  }
.Ltmp5:
0x46: {  	_ = 	snop;
	(pc) =	sbr.rel .LBB2_4-.Ltmp5, $4  }
0x47: {  	_ =	swait.ge [sflag:s25], $0xA00  }
0x48: {  	[sflag:s25] =	ssyncset.done $0x0  }
0x49: {  	s18 =	simm.s32 $0x0;
	[sflag:s25] =	ssyncadd.s32 $0xFFFFF600  }
0x4a: {  	[tilespmem:s29], [sflag:$0x1] =	stream.indirect.gather [hbm4b:s4+s28], $0x20, s24, s28, $0xb8;
	[tilespmem:$0x16BC0] =	vst v63  }
.LBB2_6:
0x4b: {  	s3 =	smul.u32 $0x3E80, s17  }
0x4c: {  	s20 =	sadd.s32 $0x1, s17;
	s18 =	sshll.u32 s18, $0x7;
	p2 =	slt.u32 s19, $0x14  }
.Ltmp6:
0x4d: {  	s21 =	sadd.s32 $0x3, s17;
	_ =	swait.ge [sflag:s20], $0xFA0;
	(pc) =	sbr.rel @!p2 .LBB2_7-.Ltmp6, $4  }
0x4e: {  	s18 =	sand.u32 $0x3FFFFF80, s18;
	s3 =	sshrl.u32 s3, $0x2;
	[sflag:s20] =	ssyncset.done $0x0  }
0x4f: {  	s18 =	sadd.s32 $0x14280, s18;
	s3 =	sadd.s32 $0x14C80, s3;
	[sflag:s20] =	ssyncadd.s32 $0xFFFFF060  }
0x50: {  	[spmem:s1] =	stream.indirect.scatter.add.f32 [tilespmem:s3], [sflag:s21], $0x20, s18, s28, $0xb8;
	[tilespmem:$0x16BC0] =	vst v63  }
0x51: {  	s18 =	smov.u32 s19  }
.LBB2_4:
0x52: {  	p2 =	seq.s32 s18, $0x0  }
0x53: {  	p3 =	seq.s32 @!p2 s18, $0x13  }
0x54: {  	s17 =	sand.u32 $0x1, s18;
	p3 =	por p2, !p3  }
.Ltmp7:
0x55: {  	s20 =	sxor.u32 $0x1, s17;
	(pc) =	sbr.rel @!p3 .LBB2_6-.Ltmp7, $4  }
0x56: {  	s19 =	sadd.s32 @!p2 $0x3, s20  }
0x57: {  	_ =	swait.ge @!p2 [sflag:s19], $0xFA0  }
0x58: {  	[sflag:s19] =	ssyncset.done @!p2 $0x0  }
0x59: {  	[sflag:s19] =	ssyncadd.s32 @!p2 $0xFFFFF060;
	s19 =	simm.s32 @!p2 $0x14  }
0x5a: {  	s19 =	sadd.s32 @!p2 $0x1, s18;
	s21 =	smul.u32 $0x3E80, s20  }
.Ltmp8:
0x5b: {  	s19 =	simm.s32 @p2 $0x1;
	(pc) =	sbr.rel .LBB2_6-.Ltmp8, $4  }
0x5c: {  	s3 =	sshll.u32 s19, $0x7  }
0x5d: {  	s21 =	sshrl.u32 s21, $0x2;
	s3 =	sand.u32 $0x3FFFFF80, s3  }
0x5e: {  	s20 =	sadd.s32 $0x1, s20;
	s21 =	sadd.s32 $0x14C80, s21;
	s3 =	sadd.s32 $0x13880, s3  }
0x5f: {  	[tilespmem:s21], [sflag:s20] =	stream.indirect.gather [hbm4b:s4+s28], $0x20, s3, s28, $0xb8;
	[tilespmem:$0x16BC0] =	vst v63  }
.LBB2_15:
0x60: {  	s3 =	simm.s32 @p0 $0x1FC5  }
0x61: {  	[spmem:s23], [sflag:s3] =	dma.local @p0 [hbm:s10], $0x2620  }
0x62: {  	s3 =	simm.s32 @p0 $0x5  }
0x63: {  	_ =	swait.ge @p0 [sflag:s3], $0x2620  }
0x64: {  	[sflag:s3] =	ssyncset.done @p0 $0x0  }
0x65: {  	[sflag:s3] =	ssyncadd.s32 @p0 $0xFFFFD9E0;
	s3 =	simm.s32 @!p0 $0x5  }
0x66: {  	[spmem:s13], [sflag:s0] =	dma.local @!p0 [hbm:s10], $0x2720  }
.Ltmp9:
0x67: {  	_ =	swait.ge @!p0 [sflag:s3], $0x2720;
	(pc) =	sbr.rel .LBB2_16-.Ltmp9, $4  }
0x68: {  	[sflag:s3] =	ssyncset.done @!p0 $0x0  }
0x69: {  	[sflag:s3] =	ssyncadd.s32 @!p0 $0xFFFFD8E0  }
0x6a: {  	[bflag:$0x0] =	sbarrier.arrive $0xFFFF  }
0x6b: {  	s15 =	simm.s32 $0x0;
	s16 =	simm.s32 $0x0  }
.LBB2_20:
0x6c: {  	s16 =	sadd.s32 $0x1, s16  }
0x6d: {  	p2 =	sne.s32 s16, $0x8  }
.Ltmp10:
0x6e: {  	_ = 	snop;
	(pc) =	sbr.rel @!p2 .LBB2_21-.Ltmp10, $4  }
0x6f: {  	_ = 	snop  }
0x70: {  	_ =	swait.ge [sflag:s30], $0xFA0  }
0x71: {  	[sflag:s30] =	ssyncset.done $0x0  }
0x72: {  	[sflag:s30] =	ssyncadd.s32 $0xFFFFF060  }
.LBB2_16:
0x73: {  	s3 =	smul.u32 $0xA00, s16;
	_ =	sdelay $0x1  }
0x74: {  	s3 =	sadd.s32 s12, s3  }
0x75: {  	s3 =	sshrl.u32 s3, $0x3  }
0x76: {  	s17 =	sadd.s32 s8, s3  }
0x77: {  	[tilespmem:s24], [sflag:$0x5] =	stream.linear.gather [hbm4b:s17+s15], $0xA00, $0x38;
	[tilespmem:$0x16BC0] =	vst v63  }
0x78: {  	_ =	swait.ge [sflag:s25], $0xA00  }
0x79: {  	[sflag:s25] =	ssyncset.done $0x0  }
0x7a: {  	s3 =	sadd.s32 s9, s3;
	[sflag:s25] =	ssyncadd.s32 $0xFFFFF600  }
0x7b: {  	[tilespmem:s26], [sflag:$0x5] =	stream.linear.gather [hbm4b:s3+s15], $0xA00, $0x38;
	[tilespmem:$0x16BC0] =	vst v63  }
.Ltmp11:
0x7c: {  	_ = 	snop;
	(pc) =	sbr.rel .LBB2_17-.Ltmp11, $4  }
0x7d: {  	_ =	swait.ge [sflag:s25], $0xA00  }
0x7e: {  	[sflag:s25] =	ssyncset.done $0x0  }
0x7f: {  	s18 =	simm.s32 $0x0;
	[sflag:s25] =	ssyncadd.s32 $0xFFFFF600  }
0x80: {  	[tilespmem:s29], [sflag:$0x1] =	stream.indirect.gather [hbm4b:s6+s28], $0x20, s24, s28, $0xb8;
	[tilespmem:$0x16BC0] =	vst v63  }
.LBB2_19:
0x81: {  	s3 =	smul.u32 $0x3E80, s17  }
0x82: {  	s20 =	sadd.s32 $0x1, s17;
	s18 =	sshll.u32 s18, $0x7;
	p2 =	slt.u32 s19, $0x14  }
.Ltmp12:
0x83: {  	s21 =	sadd.s32 $0x3, s17;
	_ =	swait.ge [sflag:s20], $0xFA0;
	(pc) =	sbr.rel @!p2 .LBB2_20-.Ltmp12, $4  }
0x84: {  	s18 =	sand.u32 $0x3FFFFF80, s18;
	s3 =	sshrl.u32 s3, $0x2;
	[sflag:s20] =	ssyncset.done $0x0  }
0x85: {  	s18 =	sadd.s32 $0x14280, s18;
	s3 =	sadd.s32 $0x14C80, s3;
	[sflag:s20] =	ssyncadd.s32 $0xFFFFF060  }
0x86: {  	[spmem:s1] =	stream.indirect.scatter.add.f32 [tilespmem:s3], [sflag:s21], $0x20, s18, s28, $0xb8;
	[tilespmem:$0x16BC0] =	vst v63  }
0x87: {  	s18 =	smov.u32 s19  }
.LBB2_17:
0x88: {  	p2 =	seq.s32 s18, $0x0  }
0x89: {  	p3 =	seq.s32 @!p2 s18, $0x13  }
0x8a: {  	s17 =	sand.u32 $0x1, s18;
	p3 =	por p2, !p3  }
.Ltmp13:
0x8b: {  	s20 =	sxor.u32 $0x1, s17;
	(pc) =	sbr.rel @!p3 .LBB2_19-.Ltmp13, $4  }
0x8c: {  	s3 =	sadd.s32 @!p2 $0x3, s20  }
0x8d: {  	_ =	swait.ge @!p2 [sflag:s3], $0xFA0  }
0x8e: {  	[sflag:s3] =	ssyncset.done @!p2 $0x0  }
0x8f: {  	s19 =	simm.s32 @!p2 $0x14;
	[sflag:s3] =	ssyncadd.s32 @!p2 $0xFFFFF060  }
0x90: {  	s19 =	sadd.s32 @!p2 $0x1, s18;
	s3 =	smul.u32 $0x3E80, s20  }
.Ltmp14:
0x91: {  	s19 =	simm.s32 @p2 $0x1;
	(pc) =	sbr.rel .LBB2_19-.Ltmp14, $4  }
0x92: {  	s21 =	sshll.u32 s19, $0x7  }
0x93: {  	s3 =	sshrl.u32 s3, $0x2;
	s21 =	sand.u32 $0x3FFFFF80, s21  }
0x94: {  	s20 =	sadd.s32 $0x1, s20;
	s3 =	sadd.s32 $0x14C80, s3;
	s21 =	sadd.s32 $0x13880, s21  }
0x95: {  	[tilespmem:s3], [sflag:s20] =	stream.indirect.gather [hbm4b:s6+s28], $0x20, s21, s28, $0xb8;
	[tilespmem:$0x16BC0] =	vst v63  }
.LBB2_8:
0x96: {  	[bflag:$0x0] =	sbarrier.arrive $0xFFFF  }
0x97: {  	s3 =	simm.s32 @p0 $0x1FC5;
	s15 =	rddreg [dreg:$0x5]  }
0x98: {  	[hbm:s15], [sflag:s3] =	dma.local @p0 [spmem:s23], $0x2620  }
0x99: {  	s15 =	simm.s32 @p0 $0x5  }
0x9a: {  	_ =	swait.ge @p0 [sflag:s15], $0x2620  }
0x9b: {  	[sflag:s15] =	ssyncset.done @p0 $0x0  }
0x9c: {  	[sflag:s15] =	ssyncadd.s32 @p0 $0xFFFFD9E0  }
0x9d: {  	[bflag:$0x0] =	sbarrier.arrive @p0 $0xFFFF  }
0x9e: {  	[spmem:s23], [sflag:s3] =	dma.local @p0 [hbm:s10], $0x2620  }
0x9f: {  	_ =	swait.ge @p0 [sflag:s15], $0x2620  }
0xa0: {  	[sflag:s15] =	ssyncset.done @p0 $0x0  }
0xa1: {  	s3 =	rddreg [dreg:$0x4];
	[sflag:s15] =	ssyncadd.s32 @p0 $0xFFFFD9E0  }
0xa2: {  	[hbm:s3], [sflag:s0] =	dma.local @!p0 [spmem:s31], $0x2720  }
0xa3: {  	s3 =	simm.s32 @!p0 $0x5  }
0xa4: {  	_ =	swait.ge @!p0 [sflag:s3], $0x2720  }
0xa5: {  	[sflag:s3] =	ssyncset.done @!p0 $0x0  }
0xa6: {  	[sflag:s3] =	ssyncadd.s32 @!p0 $0xFFFFD8E0  }
0xa7: {  	[bflag:$0x0] =	sbarrier.arrive @!p0 $0xFFFF  }
0xa8: {  	[spmem:s13], [sflag:s0] =	dma.local @!p0 [hbm:s10], $0x2720  }
.Ltmp15:
0xa9: {  	_ =	swait.ge @!p0 [sflag:s3], $0x2720;
	(pc) =	sbr.rel .LBB2_9-.Ltmp15, $4  }
0xaa: {  	[sflag:s3] =	ssyncset.done @!p0 $0x0  }
0xab: {  	[sflag:s3] =	ssyncadd.s32 @!p0 $0xFFFFD8E0  }
0xac: {  	[bflag:$0x0] =	sbarrier.arrive $0xFFFF  }
0xad: {  	s15 =	simm.s32 $0x0;
	s13 =	simm.s32 $0x0  }
.LBB2_13:
0xae: {  	s15 =	sadd.s32 $0x1, s15  }
0xaf: {  	p2 =	sne.s32 s15, $0x8  }
.Ltmp16:
0xb0: {  	_ = 	snop;
	(pc) =	sbr.rel @!p2 .LBB2_14-.Ltmp16, $4  }
0xb1: {  	_ = 	snop  }
0xb2: {  	_ =	swait.ge [sflag:s30], $0xFA0  }
0xb3: {  	[sflag:s30] =	ssyncset.done $0x0  }
0xb4: {  	[sflag:s30] =	ssyncadd.s32 $0xFFFFF060  }
.LBB2_9:
0xb5: {  	s3 =	smul.u32 $0xA00, s15;
	_ =	sdelay $0x1  }
0xb6: {  	s3 =	sadd.s32 s12, s3  }
0xb7: {  	s3 =	sshrl.u32 s3, $0x3  }
0xb8: {  	s16 =	sadd.s32 s8, s3  }
0xb9: {  	[tilespmem:s24], [sflag:$0x5] =	stream.linear.gather [hbm4b:s16+s13], $0xA00, $0x38;
	[tilespmem:$0x16BC0] =	vst v63  }
0xba: {  	_ =	swait.ge [sflag:s25], $0xA00  }
0xbb: {  	[sflag:s25] =	ssyncset.done $0x0  }
0xbc: {  	s3 =	sadd.s32 s9, s3;
	[sflag:s25] =	ssyncadd.s32 $0xFFFFF600  }
0xbd: {  	[tilespmem:s26], [sflag:$0x5] =	stream.linear.gather [hbm4b:s3+s13], $0xA00, $0x38;
	[tilespmem:$0x16BC0] =	vst v63  }
.Ltmp17:
0xbe: {  	_ = 	snop;
	(pc) =	sbr.rel .LBB2_10-.Ltmp17, $4  }
0xbf: {  	_ =	swait.ge [sflag:s25], $0xA00  }
0xc0: {  	[sflag:s25] =	ssyncset.done $0x0  }
0xc1: {  	s17 =	simm.s32 $0x0;
	[sflag:s25] =	ssyncadd.s32 $0xFFFFF600  }
0xc2: {  	[tilespmem:s29], [sflag:$0x1] =	stream.indirect.gather [hbm4b:s5+s28], $0x20, s24, s28, $0xb8;
	[tilespmem:$0x16BC0] =	vst v63  }
.LBB2_12:
0xc3: {  	s3 =	smul.u32 $0x3E80, s16  }
0xc4: {  	s19 =	sadd.s32 $0x1, s16;
	s17 =	sshll.u32 s17, $0x7;
	p2 =	slt.u32 s18, $0x14  }
.Ltmp18:
0xc5: {  	s21 =	sadd.s32 $0x3, s16;
	_ =	swait.ge [sflag:s19], $0xFA0;
	(pc) =	sbr.rel @!p2 .LBB2_13-.Ltmp18, $4  }
0xc6: {  	s17 =	sand.u32 $0x3FFFFF80, s17;
	s3 =	sshrl.u32 s3, $0x2;
	[sflag:s19] =	ssyncset.done $0x0  }
0xc7: {  	s17 =	sadd.s32 $0x14280, s17;
	s3 =	sadd.s32 $0x14C80, s3;
	[sflag:s19] =	ssyncadd.s32 $0xFFFFF060  }
0xc8: {  	[spmem:s1] =	stream.indirect.scatter.add.f32 [tilespmem:s3], [sflag:s21], $0x20, s17, s28, $0xb8;
	[tilespmem:$0x16BC0] =	vst v63  }
0xc9: {  	s17 =	smov.u32 s18  }
.LBB2_10:
0xca: {  	p2 =	seq.s32 s17, $0x0  }
0xcb: {  	p3 =	seq.s32 @!p2 s17, $0x13  }
0xcc: {  	s16 =	sand.u32 $0x1, s17;
	p3 =	por p2, !p3  }
.Ltmp19:
0xcd: {  	s19 =	sxor.u32 $0x1, s16;
	(pc) =	sbr.rel @!p3 .LBB2_12-.Ltmp19, $4  }
0xce: {  	s3 =	sadd.s32 @!p2 $0x3, s19  }
0xcf: {  	_ =	swait.ge @!p2 [sflag:s3], $0xFA0  }
0xd0: {  	[sflag:s3] =	ssyncset.done @!p2 $0x0  }
0xd1: {  	s18 =	simm.s32 @!p2 $0x14;
	[sflag:s3] =	ssyncadd.s32 @!p2 $0xFFFFF060  }
0xd2: {  	s18 =	sadd.s32 @!p2 $0x1, s17;
	s3 =	smul.u32 $0x3E80, s19  }
.Ltmp20:
0xd3: {  	s18 =	simm.s32 @p2 $0x1;
	(pc) =	sbr.rel .LBB2_12-.Ltmp20, $4  }
0xd4: {  	s20 =	sshll.u32 s18, $0x7  }
0xd5: {  	s3 =	sshrl.u32 s3, $0x2;
	s20 =	sand.u32 $0x3FFFFF80, s20  }
0xd6: {  	s21 =	sadd.s32 $0x1, s19;
	s3 =	sadd.s32 $0x14C80, s3;
	s20 =	sadd.s32 $0x13880, s20  }
0xd7: {  	[tilespmem:s3], [sflag:s21] =	stream.indirect.gather [hbm4b:s5+s28], $0x20, s20, s28, $0xb8;
	[tilespmem:$0x16BC0] =	vst v63  }
.LBB2_21:
0xd8: {  	[bflag:$0x0] =	sbarrier.arrive $0xFFFF  }
0xd9: {  	s3 =	simm.s32 @p0 $0x1FC5;
	s15 =	rddreg [dreg:$0x6]  }
0xda: {  	[hbm:s15], [sflag:s3] =	dma.local @p0 [spmem:s23], $0x2620  }
0xdb: {  	s15 =	simm.s32 @p0 $0x5  }
0xdc: {  	_ =	swait.ge @p0 [sflag:s15], $0x2620  }
0xdd: {  	[sflag:s15] =	ssyncset.done @p0 $0x0  }
0xde: {  	[sflag:s15] =	ssyncadd.s32 @p0 $0xFFFFD9E0  }
0xdf: {  	[bflag:$0x0] =	sbarrier.arrive @p0 $0xFFFF  }
0xe0: {  	[spmem:s23], [sflag:s3] =	dma.local @p0 [hbm:s10], $0x2620  }
0xe1: {  	_ =	swait.ge @p0 [sflag:s15], $0x2620  }
0xe2: {  	[sflag:s15] =	ssyncset.done @p0 $0x0  }
0xe3: {  	s3 =	rddreg [dreg:$0x3];
	[sflag:s15] =	ssyncadd.s32 @p0 $0xFFFFD9E0  }
0xe4: {  	[hbm:s3], [sflag:s0] =	dma.local @!p0 [spmem:s31], $0x2720  }
0xe5: {  	s3 =	simm.s32 @!p0 $0x5  }
0xe6: {  	_ =	swait.ge @!p0 [sflag:s3], $0x2720  }
0xe7: {  	[sflag:s3] =	ssyncset.done @!p0 $0x0  }
0xe8: {  	[sflag:s3] =	ssyncadd.s32 @!p0 $0xFFFFD8E0  }
0xe9: {  	[bflag:$0x0] =	sbarrier.arrive @!p0 $0xFFFF  }
0xea: {  	[spmem:s13], [sflag:s0] =	dma.local @!p0 [hbm:s10], $0x2720  }
.Ltmp21:
0xeb: {  	_ =	swait.ge @!p0 [sflag:s3], $0x2720;
	(pc) =	sbr.rel .LBB2_22-.Ltmp21, $4  }
0xec: {  	[sflag:s3] =	ssyncset.done @!p0 $0x0  }
0xed: {  	[sflag:s3] =	ssyncadd.s32 @!p0 $0xFFFFD8E0  }
0xee: {  	[bflag:$0x0] =	sbarrier.arrive $0xFFFF  }
0xef: {  	s15 =	simm.s32 $0x0;
	s13 =	simm.s32 $0x0  }
.LBB2_26:
0xf0: {  	s15 =	sadd.s32 $0x1, s15  }
0xf1: {  	p2 =	sne.s32 s15, $0x8  }
.Ltmp22:
0xf2: {  	_ = 	snop;
	(pc) =	sbr.rel @!p2 .LBB2_27-.Ltmp22, $4  }
0xf3: {  	_ = 	snop  }
0xf4: {  	_ =	swait.ge [sflag:s30], $0xFA0  }
0xf5: {  	[sflag:s30] =	ssyncset.done $0x0  }
0xf6: {  	[sflag:s30] =	ssyncadd.s32 $0xFFFFF060  }
.LBB2_22:
0xf7: {  	s3 =	smul.u32 $0xA00, s15;
	_ =	sdelay $0x1  }
0xf8: {  	s3 =	sadd.s32 s12, s3  }
0xf9: {  	s3 =	sshrl.u32 s3, $0x3  }
0xfa: {  	s16 =	sadd.s32 s8, s3  }
0xfb: {  	[tilespmem:s24], [sflag:$0x5] =	stream.linear.gather [hbm4b:s16+s13], $0xA00, $0x38;
	[tilespmem:$0x16BC0] =	vst v63  }
0xfc: {  	_ =	swait.ge [sflag:s25], $0xA00  }
0xfd: {  	[sflag:s25] =	ssyncset.done $0x0  }
0xfe: {  	s3 =	sadd.s32 s9, s3;
	[sflag:s25] =	ssyncadd.s32 $0xFFFFF600  }
0xff: {  	[tilespmem:s26], [sflag:$0x5] =	stream.linear.gather [hbm4b:s3+s13], $0xA00, $0x38;
	[tilespmem:$0x16BC0] =	vst v63  }
.Ltmp23:
0x100: {  	_ = 	snop;
	(pc) =	sbr.rel .LBB2_23-.Ltmp23, $4  }
0x101: {  	_ =	swait.ge [sflag:s25], $0xA00  }
0x102: {  	[sflag:s25] =	ssyncset.done $0x0  }
0x103: {  	s17 =	simm.s32 $0x0;
	[sflag:s25] =	ssyncadd.s32 $0xFFFFF600  }
0x104: {  	[tilespmem:s29], [sflag:$0x1] =	stream.indirect.gather [hbm4b:s7+s28], $0x20, s24, s28, $0xb8;
	[tilespmem:$0x16BC0] =	vst v63  }
.LBB2_25:
0x105: {  	s3 =	smul.u32 $0x3E80, s16  }
0x106: {  	s19 =	sadd.s32 $0x1, s16;
	s17 =	sshll.u32 s17, $0x7;
	p2 =	slt.u32 s18, $0x14  }
.Ltmp24:
0x107: {  	s21 =	sadd.s32 $0x3, s16;
	_ =	swait.ge [sflag:s19], $0xFA0;
	(pc) =	sbr.rel @!p2 .LBB2_26-.Ltmp24, $4  }
0x108: {  	s17 =	sand.u32 $0x3FFFFF80, s17;
	s3 =	sshrl.u32 s3, $0x2;
	[sflag:s19] =	ssyncset.done $0x0  }
0x109: {  	s17 =	sadd.s32 $0x14280, s17;
	s3 =	sadd.s32 $0x14C80, s3;
	[sflag:s19] =	ssyncadd.s32 $0xFFFFF060  }
0x10a: {  	[spmem:s1] =	stream.indirect.scatter.add.f32 [tilespmem:s3], [sflag:s21], $0x20, s17, s28, $0xb8;
	[tilespmem:$0x16BC0] =	vst v63  }
0x10b: {  	s17 =	smov.u32 s18  }
.LBB2_23:
0x10c: {  	p2 =	seq.s32 s17, $0x0  }
0x10d: {  	p3 =	seq.s32 @!p2 s17, $0x13  }
0x10e: {  	s16 =	sand.u32 $0x1, s17;
	p3 =	por p2, !p3  }
.Ltmp25:
0x10f: {  	s19 =	sxor.u32 $0x1, s16;
	(pc) =	sbr.rel @!p3 .LBB2_25-.Ltmp25, $4  }
0x110: {  	s3 =	sadd.s32 @!p2 $0x3, s19  }
0x111: {  	_ =	swait.ge @!p2 [sflag:s3], $0xFA0  }
0x112: {  	[sflag:s3] =	ssyncset.done @!p2 $0x0  }
0x113: {  	s18 =	simm.s32 @!p2 $0x14;
	[sflag:s3] =	ssyncadd.s32 @!p2 $0xFFFFF060  }
0x114: {  	s18 =	sadd.s32 @!p2 $0x1, s17;
	s3 =	smul.u32 $0x3E80, s19  }
.Ltmp26:
0x115: {  	s18 =	simm.s32 @p2 $0x1;
	(pc) =	sbr.rel .LBB2_25-.Ltmp26, $4  }
0x116: {  	s20 =	sshll.u32 s18, $0x7  }
0x117: {  	s3 =	sshrl.u32 s3, $0x2;
	s20 =	sand.u32 $0x3FFFFF80, s20  }
0x118: {  	s21 =	sadd.s32 $0x1, s19;
	s3 =	sadd.s32 $0x14C80, s3;
	s20 =	sadd.s32 $0x13880, s20  }
0x119: {  	[tilespmem:s3], [sflag:s21] =	stream.indirect.gather [hbm4b:s7+s28], $0x20, s20, s28, $0xb8;
	[tilespmem:$0x16BC0] =	vst v63  }
.LBB2_14:
0x11a: {  	[bflag:$0x0] =	sbarrier.arrive $0xFFFF  }
0x11b: {  	s3 =	simm.s32 @p0 $0x1FC5;
	s13 =	rddreg [dreg:$0x8]  }
0x11c: {  	[hbm:s13], [sflag:s3] =	dma.local @p0 [spmem:s23], $0x2620  }
0x11d: {  	s3 =	simm.s32 @p0 $0x5  }
0x11e: {  	_ =	swait.ge @p0 [sflag:s3], $0x2620  }
0x11f: {  	[sflag:s3] =	ssyncset.done @p0 $0x0  }
0x120: {  	[sflag:s3] =	ssyncadd.s32 @p0 $0xFFFFD9E0;
	s3 =	rddreg [dreg:$0x7]  }
0x121: {  	[hbm:s3], [sflag:s0] =	dma.local @!p0 [spmem:s31], $0x2720  }
.Ltmp27:
0x122: {  	_ = 	snop;
	(pc) =	sbr.rel .LBB2_28-.Ltmp27, $4  }
0x123: {  	s0 =	simm.s32 @!p0 $0x5  }
0x124: {  	_ =	swait.ge @!p0 [sflag:s0], $0x2720  }
0x125: {  	[sflag:s0] =	ssyncset.done @!p0 $0x0  }
0x126: {  	[sflag:s0] =	ssyncadd.s32 @!p0 $0xFFFFD8E0  }
.LBB2_29:
0x127: {  	_ =	sfence.sel $0x180000  }
0x128: {  	[bflag:$0x0] =	sbarrier.arrive $0xFFFF  }
0x129: {  	_ =	strace $0x9000004A  }
0x12a: {  	s0 =	stileid.u32;
	[bflag:$0x2] =	sbarrier.arrive $0xFFFF  }
0x12b: {  	p0 =	sne.s32 s0, $0x0;
	s0 =	rddreg [dreg:$0x2]  }
0x12c: {  	s0 =	sadd.s32 @!p0 $0x100000, s0  }
0x12d: {  	[sflag:s0] =	ssyncadd.tile.s32 @!p0 $0x1;
	_ =	shalt  }
.Lfunc_end2:
_tile_overlayer_lowered:
.L_overlay_start_2:
0x12e: {  	(tag) =	ssettag $0x2  }
0x12f: {  	s0 =	rddreg [dreg:$0x0];
	s2 =	stileid.u32  }
0x130: {  	s1 =	rddreg [dreg:$0x1];
	p0 =	sne.s32 s2, $0x0  }
0x131: {  	s3 =	rddreg [dreg:$0x2];
	[bflag:$0x3] =	sbarrier.arrive $0xFFFF;
	s2 =	simm.s32 @!p0 $0x1C05  }
0x132: {  	[timem:s3], [sflag:s2] =	dma.local @!p0 [hbm:s0], s1  }
0x133: {  	s0 =	simm.s32 @!p0 $0x5  }
0x134: {  	_ =	swait.ge @!p0 [sflag:s0], s1  }
0x135: {  	s1 =	ssub.s32 @!p0 $0x0, s1;
	[sflag:s0] =	ssyncset.done @!p0 $0x0  }
0x136: {  	[sflag:s0] =	ssyncadd.s32 @!p0 s1  }
0x137: {  	[bflag:$0x3] =	sbarrier.arrive $0xFFFF  }
0x138: {  	_ =	shalt  }

// kernel: kernel.18.cloned.1.call-start
scs
__scs_entry_jumppad:
0x0: {  	(pc) =	sbr.rel $0x88, $3  }
0x1: {  	(tag) =	ssettag $0x0;
	lr =	simm.s32 $0x1  }
0x2: {  	[smem:$0x3F92] =	sst lr;
	_ =	strace $0xD0000000  }
0x3: {  	_ = 	snop  }
0x4: {  	_ = 	snop  }
0x5: {  	_ = 	snop  }
0x6: {  	_ = 	snop  }
0x7: {  	_ = 	snop  }
__scs_overlays_trampoline_lowered:
0x8: {  	[smem:$0x3FA1] =	sst s0  }
0x9: {  	[smem:$0x3FA2] =	sst s1  }
0xa: {  	[smem:$0x3FA3] =	sst s2  }
0xb: {  	[smem:$0x3FA4] =	sst s3  }
0xc: {  	[smem:$0x3FA5] =	sst s4  }
0xd: {  	[smem:$0x3FA6] =	sst s5  }
0xe: {  	[smem:$0x3FA7] =	sst s6  }
0xf: {  	[smem:$0x3FA8] =	sst s7  }
0x10: {  	[smem:$0x3FA9] =	sst s8  }
0x11: {  	[smem:$0x3FAA] =	sst s9;
	s0 =	simm.s32 @!p0 $0x0  }
0x12: {  	s1 =	sld [smem:$0x3F90];
	s0 =	simm.s32 @p0 $0x1  }
0x13: {  	[smem:$0x3FAB] =	sst s0;
	s0 =	simm.s32 @!p1 $0x0  }
0x14: {  	s2 =	sld [smem:$0x3F8F];
	s0 =	simm.s32 @p1 $0x1  }
0x15: {  	[smem:$0x3FAC] =	sst s0;
	s0 =	simm.s32 @!p2 $0x0  }
0x16: {  	s3 =	sld [smem:$0x3FDB];
	s0 =	simm.s32 @p2 $0x1  }
0x17: {  	s4 =	simm.s32 $0x1BF5;
	[smem:$0x3FAE] =	sst s0  }
0x18: {  	s0 =	sld [smem:$0x3F91];
	_ =	swait.ge [sflag:s4], $0x0  }
0x19: {  	s7 =	sld [smem:$0x3F92]  }
0x1a: {  	s8 =	sadd.s32 $0xFFFFE003, lr  }
0x1b: {  	s9 =	sadd.s32 $0xFFFFFEF7, lr;
	s5 =	simm.s32 $0xFFFFFFFF;
	p2 =	slt.u32 s8, $0xFFFFF086  }
0x1c: {  	p1 =	slt.u32 s9, $0xF7A;
	s5 =	simm.s32 @!p2 $0x0  }
0x1d: {  	s5 =	simm.s32 @p1 $0x1;
	p0 =	seq.s32 s7, s2  }
0x1e: {  	s7 =	smul.u32 @!p0 $0xF7A, s2;
	p2 =	seq.s32 @!p0 s5, $0x0  }
0x1f: {  	s9 =	smul.u32 $0xF7A, s1;
	s8 =	simm.s32 @!p0 $0x1BF5;
	p2 =	por !p2, p0  }
0x20: {  	[sflag:s8] =	ssyncset.s32 @!p0 $0xFFFFF086;
	s6 =	sadd.s32 @!p0 s3, s7;
	s7 =	simm.s32 @!p0 $0x108  }
0x21: {  	s3 =	sadd.s32 s3, s9;
	s6 =	sadd.s32 @!p0 $0x88, s6;
	s7 =	simm.s32 @p2 $0x1082  }
0x22: {  	[simem:s7], [sflag:s8] =	dma.local @!p0 [hbm:s6], $0xF7A  }
0x23: {  	s9 =	sor.u32 $0xD0000000, s2;
	s6 =	simm.s32 $0x108;
	_ =	swait.ge @!p0 [sflag:s8], $0x0  }
0x24: {  	s3 =	sadd.s32 $0x88, s3;
	s6 =	simm.s32 @!p1 $0x1082;
	[sflag:s4] =	ssyncset.s32 $0xFFFFF086  }
0x25: {  	[simem:s6], [sflag:s4] =	dma.local [hbm:s3], $0xF7A  }
0x26: {  	[smem:$0x3F92] =	sst s1;
	(tag) =	ssettag s2;
	_ =	strace s9  }
0x27: {  	s1 =	sld [smem:$0x3FA2]  }
0x28: {  	s2 =	sld [smem:$0x3FA3]  }
0x29: {  	s4 =	sld [smem:$0x3FA5]  }
0x2a: {  	p0 =	seq.s32 s5, $0x0;
	s5 =	sld [smem:$0x3FA6]  }
0x2b: {  	s6 =	sld [smem:$0x3FA7]  }
0x2c: {  	s7 =	sld [smem:$0x3FA8]  }
0x2d: {  	s3 =	simm.s32 $0x108;
	s8 =	sld [smem:$0x3FA9]  }
0x2e: {  	s3 =	simm.s32 @!p0 $0x1082;
	s9 =	sld [smem:$0x3FAA]  }
0x2f: {  	lr =	sadd.s32 s0, s3;
	s0 =	sld [smem:$0x3FA1]  }
0x30: {  	s3 =	sld [smem:$0x3FA4]  }
0x31: {  	[smem:$0x3FAD] =	sst s10  }
0x32: {  	s10 =	sld [smem:$0x3FAB];
	_ =	sdelay $0x3  }
0x33: {  	p0 =	seq.s32 s10, $0x1;
	s10 =	sld [smem:$0x3FAD];
	_ =	sdelay $0x3  }
0x34: {  	[smem:$0x3FAD] =	sst s10  }
0x35: {  	s10 =	sld [smem:$0x3FAC];
	_ =	sdelay $0x3  }
0x36: {  	p1 =	seq.s32 s10, $0x1;
	s10 =	sld [smem:$0x3FAD];
	_ =	sdelay $0x3  }
0x37: {  	[smem:$0x3FAD] =	sst s10  }
0x38: {  	s10 =	sld [smem:$0x3FAE]  }
0x39: {  	_ = 	snop;
	(pc) =	sbr.ind lr, $3  }
0x3a: {  	_ = 	snop  }
0x3b: {  	_ = 	snop  }
0x3c: {  	p2 =	seq.s32 s10, $0x1;
	s10 =	sld [smem:$0x3FAD]  }
0x3d: {  	_ =	shalt  }
0x3e: {  	_ =	shalt  }
0x3f: {  	_ =	shalt  }
0x40: {  	_ =	shalt  }
0x41: {  	_ =	shalt  }
0x42: {  	_ =	shalt  }
0x43: {  	_ =	shalt  }
0x44: {  	_ =	shalt  }
0x45: {  	_ =	shalt  }
0x46: {  	_ =	shalt  }
0x47: {  	_ =	shalt  }
0x48: {  	_ =	shalt  }
0x49: {  	_ =	shalt  }
0x4a: {  	_ =	shalt  }
0x4b: {  	_ =	shalt  }
0x4c: {  	_ =	shalt  }
0x4d: {  	_ =	shalt  }
0x4e: {  	_ =	shalt  }
0x4f: {  	_ =	shalt  }
0x50: {  	_ =	shalt  }
0x51: {  	_ =	shalt  }
0x52: {  	_ =	shalt  }
0x53: {  	_ =	shalt  }
0x54: {  	_ =	shalt  }
0x55: {  	_ =	shalt  }
0x56: {  	_ =	shalt  }
0x57: {  	_ =	shalt  }
0x58: {  	_ =	shalt  }
0x59: {  	_ =	shalt  }
0x5a: {  	_ =	shalt  }
0x5b: {  	_ =	shalt  }
0x5c: {  	_ =	shalt  }
0x5d: {  	_ =	shalt  }
0x5e: {  	_ =	shalt  }
0x5f: {  	_ =	shalt  }
0x60: {  	_ =	shalt  }
0x61: {  	_ =	shalt  }
0x62: {  	_ =	shalt  }
0x63: {  	_ =	shalt  }
0x64: {  	_ =	shalt  }
0x65: {  	_ =	shalt  }
0x66: {  	_ =	shalt  }
0x67: {  	_ =	shalt  }
0x68: {  	_ =	shalt  }
0x69: {  	_ =	shalt  }
0x6a: {  	_ =	shalt  }
0x6b: {  	_ =	shalt  }
0x6c: {  	_ =	shalt  }
0x6d: {  	_ =	shalt  }
0x6e: {  	_ =	shalt  }
0x6f: {  	_ =	shalt  }
0x70: {  	_ =	shalt  }
0x71: {  	_ =	shalt  }
0x72: {  	_ =	shalt  }
0x73: {  	_ =	shalt  }
0x74: {  	_ =	shalt  }
0x75: {  	_ =	shalt  }
0x76: {  	_ =	shalt  }
0x77: {  	_ =	shalt  }
0x78: {  	_ =	shalt  }
0x79: {  	_ =	shalt  }
0x7a: {  	_ =	shalt  }
0x7b: {  	_ =	shalt  }
0x7c: {  	_ =	shalt  }
0x7d: {  	_ =	shalt  }
0x7e: {  	_ =	shalt  }
0x7f: {  	_ =	shalt  }
0x80: {  	_ =	shalt  }
0x81: {  	_ =	shalt  }
0x82: {  	_ =	shalt  }
0x83: {  	_ =	shalt  }
0x84: {  	_ =	shalt  }
0x85: {  	_ =	shalt  }
0x86: {  	_ =	shalt  }
0x87: {  	_ =	shalt  }
.Lfunc_end0:
.L_simem_size_0:
called_computation.2_lowered:
.L_overlay_start_0:
0x88: {  	s2 =	sld [smem:$0x3FD9]  }
0x89: {  	s3 =	sld [smem:$0x3FFE];
	_ =	sdelay $0x1  }
0x8a: {  	s1 =	srdreg.scid  }
0x8b: {  	s0 =	sand.u32 $0x1, s1  }
0x8c: {  	s16 =	sshll.u32 s0, $0xA;
	s2 =	sadd.s32 s3, s2  }
0x8d: {  	s2 =	sadd.s32 s2, s16  }
0x8e: {  	[smem:$0x3FB9] =	sst s2  }
0x8f: {  	_ = 	snop  }
0x90: {  	(tm) =	ssettm $0x1  }
0x91: {  	s17 =	sld [smem:$0x3FFB];
	_ =	sdelay $0x3  }
0x92: {  	_ =	strace s17  }
0x93: {  	s2 =	sld [smem:$0x3FFC];
	_ =	sdelay $0x3  }
0x94: {  	_ =	strace s2  }
0x95: {  	s2 =	sld [smem:$0x3FFD];
	_ =	sdelay $0x3  }
0x96: {  	_ =	strace s2  }
0x97: {  	_ =	strace $0x8FFFFFFF  }
0x98: {  	s18 =	sld [smem:$0x3FDB];
	_ =	sdelay $0x1  }
0x99: {  	s19 =	simm.s32 $_scs_section_size  }
0x9a: {  	s4 =	simm.s32 $_size__tile_overlayer_lowered;
	s5 =	simm.s32 $_tile_overlayer_lowered  }
0x9b: {  	s22 =	simm.s32 $0x1BFF;
	s21 =	sshll.u32 s5, $0x1;
	s2 =	sadd.s32 s19, s18  }
0x9c: {  	s6 =	simm.s32 $0x0;
	s20 =	sshll.u32 s4, $0x1;
	s4 =	sadd.s32 s21, s2  }
0x9d: {  	[timem:s6], [sflag:s22] =	dma.local [hbm:s4], s20  }
0x9e: {  	_ =	swait.ge [sflag:s22], s20  }
0x9f: {  	s3 =	ssub.s32 $0x0, s20;
	[sflag:s22] =	ssyncset.done $0x0  }
0xa0: {  	[sflag:s22] =	ssyncadd.s32 s3;
	_ =	sdelay $0x1  }
0xa1: {  	s23 =	simm.s32 $0x1B8B  }
0xa2: {  	_ =	swait.ge [sflag:s23], $0x1  }
0xa3: {  	[sflag:s23] =	ssyncset.done $0x0  }
0xa4: {  	s25 =	simm.s32 $0x1B8E;
	s24 =	sld [smem:$0x3FFE];
	[sflag:s23] =	ssyncadd.s32 $0xFFFFFFFF  }
0xa5: {  	s26 =	simm.s32 $execute0_lowered;
	[smem:$0x3FD2] =	sst s25  }
0xa6: {  	s4 =	sshll.u32 s26, $0x1;
	_ =	strace $0x8000004C;
	[dreg:$0x1] =	wrdreg $0xFFFFFFFF  }
0xa7: {  	s28 =	simm.s32 $_size_execute0_lowered;
	s2 =	sadd.s32 s2, s4;
	[dreg:$0x0] =	wrdreg $0x0  }
0xa8: {  	s4 =	sshll.u32 s28, $0x1;
	[dreg:$0x2] =	wrdreg s2  }
0xa9: {  	[dreg:$0x3] =	wrdreg s4  }
0xaa: {  	[dreg:$0x4] =	wrdreg $0xC0  }
0xab: {  	_ =	task [dreg:s6], $0x5FFFF  }
0xac: {  	[dreg:$0x1] =	wrdreg $0xFFFFFFFF  }
0xad: {  	[dreg:$0x0] =	wrdreg $0x60  }
0xae: {  	[dreg:$0x2] =	wrdreg s24  }
0xaf: {  	[dreg:$0x3] =	wrdreg $0x0  }
0xb0: {  	[dreg:$0x4] =	wrdreg $0x9  }
0xb1: {  	_ =	task.clear_ibuf [dreg:s6], $0x5FFFF;
	_ =	strace $0x9000004C  }
0xb2: {  	s29 =	simm.s32 $0x9;
	_ =	strace $0x8000004E  }
0xb3: {  	_ =	swait.ge [sflag:s29], $0x1  }
0xb4: {  	[sflag:s29] =	ssyncadd.s32 $0xFFFFFFFF  }
0xb5: {  	_ =	strace $0x9000004E  }
0xb6: {  	_ =	sfence  }
0xb7: {  	s30 =	sld [smem:$0x0];
	_ =	sdelay $0x2  }
0xb8: {  	s31 =	sshll.u32 s1, $0xD;
	s1 =	sshrl.u32 s1, $0x2  }
0xb9: {  	s3 =	sand.u32 $0x4000, s31;
	s1 =	sadd.s32 s1, s30  }
0xba: {  	s0 =	sor.u32 s3, s0;
	s1 =	sshll.u32 s1, $0x11  }
0xbb: {  	s0 =	sor.u32 s1, s0  }
0xbc: {  	s0 =	sadd.s32 $0x8F2B, s0  }
0xbd: {  	[sflag:s0] =	ssyncadd.remote.s32 $0x1  }
0xbe: {  	_ =	sfence.sel $0xFFFF  }
0xbf: {  	[dreg:$0x0] =	wrdreg $0xFFFFFFFF;
	(pc) =	sbr.abs _section_cstart, $3  }
0xc0: {  	[dreg:$0x1] =	wrdreg $0xFFFFFFFF  }
0xc1: {  	_ =	task.clear_ibuf [dreg:s6], $0x2FFFF;
	_ =	strace $0x9FFFFFFF  }
0xc2: {  	(tm) =	ssettm $0x7FFFFFFF  }
0xc3: {  	_ =	shalt  }
tec
execute0_lowered:
.L_overlay_start_1:
0x0: {  	(tag) =	ssettag $0x1  }
0x1: {  	s0 =	srdreg.scid;
	s1 =	rddreg [dreg:$0x0]  }
0x2: {  	s17 =	stileid.u32;
	s2 =	rddreg [dreg:$0x1];
	s18 =	simm.s32 $0x5  }
0x3: {  	s20 =	simm.s32 $0x13D80;
	s21 =	simm.s32 $0x7D;
	s22 =	simm.s32 $0x4  }
0x4: {  	s23 =	simm.s32 $0x3;
	s24 =	simm.s32 $0x0;
	s0 =	sand.u32 $0x1, s0  }
0x5: {  	s4 =	sadd.s32 $0x2EE00, s1;
	s6 =	sadd.s32 $0xCB200, s1;
	s11 =	smul.u32 $0x4F000, s17  }
0x6: {  	s13 =	sadd.s32 $0xCBA00, s1;
	s30 =	smul.u32 $0x13C00, s17;
	s19 =	sadd.s32 $0x128400, s2  }
0x7: {  	p0 =	seq.s32 s17, $0xF;
	s3 =	sshll.u32 s0, $0x4;
	s9 =	ssub.s32 $0x2, s0  }
0x8: {  	s0 =	smul.u32 $0x138800, s0;
	s19 =	sshrl.u32 @p0 s19, $0x3;
	s10 =	sor.u32 s17, s3  }
0x9: {  	s3 =	simm.s32 $0x0;
	s12 =	sshrl.u32 s9, $0x1;
	s29 =	sshrl.u32 s11, $0x2  }
0xa: {  	s17 =	simm.s32 $0x13880;
	s5 =	smul.u32 $0xA0, s10;
	[smem:$0x7FF] =	sst s3  }
0xb: {  	s7 =	smul.u32 $0xA, s10;
	s16 =	ssub.s32 s9, s12;
	s9 =	sadd.s32 s29, s2  }
0xc: {  	s10 =	smul.u32 $0x4E20, s10;
	s31 =	sadd.s32 s30, s0;
	s0 =	sshrl.u32 s0, $0x3  }
.Ltmp0:
0xd: {  	s12 =	sadd.s32 s30, s2;
	_ =	strace $0x8000004D;
	(pc) =	sbr.rel .LBB2_1-.Ltmp0, $4  }
0xe: {  	s14 =	sshrl.u32 s31, $0x3;
	s0 =	sadd.s32 $0x25080, s0;
	s16 =	smax.u32 s16, $0x1  }
0xf: {  	s8 =	sadd.s32 s5, s1;
	s5 =	sadd.s32 $0x3C00, s1;
	s1 =	sadd.s32 $0x119C00, s1  }
0x10: {  	s10 =	sadd.s32 s4, s10;
	s11 =	sadd.s32 s13, s14;
	s13 =	sadd.s32 s13, s0  }
0x11: {  	s8 =	sadd.s32 $0x6400, s8;
	s14 =	sadd.s32 s1, s14;
	s15 =	sadd.s32 s1, s0  }
.LBB2_5:
0x12: {  	_ =	swait.ge [sflag:s22], $0x3E80  }
0x13: {  	[sflag:s22] =	ssyncset.done $0x0  }
0x14: {  	[sflag:s22] =	ssyncadd.s32 $0xFFFFC180  }
0x15: {  	s29 =	simm.s32 @p0 $0x1FC5;
	s28 =	simm.s32 @p0 $0x5;
	[bflag:$0x0] =	sbarrier.arrive $0xFFFF  }
0x16: {  	[hbm:s13], [sflag:s29] =	dma.local @p0 [spmem:s19], $0x2080  }
0x17: {  	_ =	swait.ge @p0 [sflag:s28], $0x2080  }
0x18: {  	[sflag:s28] =	ssyncset.done @p0 $0x0  }
0x19: {  	[sflag:s28] =	ssyncadd.s32 @p0 $0xFFFFDF80  }
0x1a: {  	[bflag:$0x0] =	sbarrier.arrive @p0 $0xFFFF  }
0x1b: {  	[spmem:s19], [sflag:s29] =	dma.local @p0 [hbm:s5], $0x2080  }
0x1c: {  	_ =	swait.ge @p0 [sflag:s28], $0x2080  }
0x1d: {  	[sflag:s28] =	ssyncset.done @p0 $0x0  }
0x1e: {  	s0 =	sshrl.u32 @!p0 s12, $0x3;
	s30 =	simm.s32 @!p0 $0x5;
	[sflag:s28] =	ssyncadd.s32 @p0 $0xFFFFDF80  }
0x1f: {  	[hbm:s11], [sflag:s25] =	dma.local @!p0 [spmem:s0], $0x2780  }
0x20: {  	_ =	swait.ge @!p0 [sflag:s30], $0x2780  }
0x21: {  	[sflag:s30] =	ssyncset.done @!p0 $0x0  }
0x22: {  	[sflag:s30] =	ssyncadd.s32 @!p0 $0xFFFFD880  }
0x23: {  	[bflag:$0x0] =	sbarrier.arrive @!p0 $0xFFFF  }
0x24: {  	[spmem:s26], [sflag:s25] =	dma.local @!p0 [hbm:s5], $0x2780  }
0x25: {  	_ =	swait.ge @!p0 [sflag:s30], $0x2780  }
0x26: {  	[sflag:s30] =	ssyncset.done @!p0 $0x0  }
0x27: {  	[sflag:s30] =	ssyncadd.s32 @!p0 $0xFFFFD880  }
0x28: {  	[tilespmem:s20], [sflag:$0x5] =	stream.linear.gather [hbm4b:s6+s3], $0x3E80, $0x38;
	[tilespmem:$0x1BA80] =	vst v63  }
0x29: {  	_ =	swait.ge [sflag:s18], $0x3E80  }
0x2a: {  	[sflag:s18] =	ssyncset.done $0x0  }
0x2b: {  	[sflag:s18] =	ssyncadd.s32 $0xFFFFC180  }
0x2c: {  	[bflag:$0x0] =	sbarrier.arrive $0xFFFF  }
0x2d: {  	[spmem:s2] =	stream.indirect.scatter.add.f32 [tilespmem:s20], [sflag:$0x3], $0x80, s17, s21, $0xb8;
	[tilespmem:$0x1BA80] =	vst v63  }
0x2e: {  	_ =	swait.ge [sflag:s23], $0x3E80  }
0x2f: {  	[sflag:s23] =	ssyncset.done $0x0  }
0x30: {  	s1 =	simm.s32 $0x13900;
	[sflag:s23] =	ssyncadd.s32 $0xFFFFC180  }
0x31: {  	[spmem:s2] =	stream.indirect.scatter.add.f32 [tilespmem:s20], [sflag:$0x4], $0x80, s1, s21, $0xb8;
	[tilespmem:$0x1BA80] =	vst v63  }
0x32: {  	_ =	swait.ge [sflag:s22], $0x3E80  }
0x33: {  	[sflag:s22] =	ssyncset.done $0x0  }
0x34: {  	s26 =	simm.s32 $0x13980;
	[sflag:s22] =	ssyncadd.s32 $0xFFFFC180  }
0x35: {  	[spmem:s2] =	stream.indirect.scatter.add.f32 [tilespmem:s20], [sflag:$0x3], $0x80, s26, s21, $0xb8;
	[tilespmem:$0x1BA80] =	vst v63  }
0x36: {  	_ =	swait.ge [sflag:s23], $0x3E80  }
0x37: {  	[sflag:s23] =	ssyncset.done $0x0  }
0x38: {  	s31 =	simm.s32 $0x13A00;
	[sflag:s23] =	ssyncadd.s32 $0xFFFFC180  }
0x39: {  	[spmem:s2] =	stream.indirect.scatter.add.f32 [tilespmem:s20], [sflag:$0x4], $0x80, s31, s21, $0xb8;
	[tilespmem:$0x1BA80] =	vst v63  }
0x3a: {  	_ =	swait.ge [sflag:s22], $0x3E80  }
0x3b: {  	[sflag:s22] =	ssyncset.done $0x0  }
0x3c: {  	s26 =	simm.s32 $0x13A80;
	[sflag:s22] =	ssyncadd.s32 $0xFFFFC180  }
0x3d: {  	[spmem:s2] =	stream.indirect.scatter.add.f32 [tilespmem:s20], [sflag:$0x3], $0x80, s26, s21, $0xb8;
	[tilespmem:$0x1BA80] =	vst v63  }
0x3e: {  	_ =	swait.ge [sflag:s23], $0x3E80  }
0x3f: {  	[sflag:s23] =	ssyncset.done $0x0  }
0x40: {  	s31 =	simm.s32 $0x13B00;
	[sflag:s23] =	ssyncadd.s32 $0xFFFFC180  }
0x41: {  	[spmem:s2] =	stream.indirect.scatter.add.f32 [tilespmem:s20], [sflag:$0x4], $0x80, s31, s21, $0xb8;
	[tilespmem:$0x1BA80] =	vst v63  }
0x42: {  	_ =	swait.ge [sflag:s22], $0x3E80  }
0x43: {  	[sflag:s22] =	ssyncset.done $0x0  }
0x44: {  	s26 =	simm.s32 $0x13B80;
	[sflag:s22] =	ssyncadd.s32 $0xFFFFC180  }
0x45: {  	[spmem:s2] =	stream.indirect.scatter.add.f32 [tilespmem:s20], [sflag:$0x3], $0x80, s26, s21, $0xb8;
	[tilespmem:$0x1BA80] =	vst v63  }
0x46: {  	_ =	swait.ge [sflag:s23], $0x3E80  }
0x47: {  	[sflag:s23] =	ssyncset.done $0x0  }
0x48: {  	s31 =	simm.s32 $0x13C00;
	[sflag:s23] =	ssyncadd.s32 $0xFFFFC180  }
0x49: {  	[spmem:s2] =	stream.indirect.scatter.add.f32 [tilespmem:s20], [sflag:$0x4], $0x80, s31, s21, $0xb8;
	[tilespmem:$0x1BA80] =	vst v63  }
0x4a: {  	_ =	swait.ge [sflag:s22], $0x3E80  }
0x4b: {  	[sflag:s22] =	ssyncset.done $0x0  }
0x4c: {  	s26 =	simm.s32 $0x13C80;
	[sflag:s22] =	ssyncadd.s32 $0xFFFFC180  }
0x4d: {  	[spmem:s2] =	stream.indirect.scatter.add.f32 [tilespmem:s20], [sflag:$0x3], $0x80, s26, s21, $0xb8;
	[tilespmem:$0x1BA80] =	vst v63  }
0x4e: {  	_ =	swait.ge [sflag:s23], $0x3E80  }
0x4f: {  	[sflag:s23] =	ssyncset.done $0x0  }
0x50: {  	s31 =	simm.s32 $0x13D00;
	[sflag:s23] =	ssyncadd.s32 $0xFFFFC180  }
0x51: {  	[spmem:s2] =	stream.indirect.scatter.add.f32 [tilespmem:s20], [sflag:$0x4], $0x80, s31, s21, $0xb8;
	[tilespmem:$0x1BA80] =	vst v63  }
0x52: {  	_ =	swait.ge [sflag:s22], $0x3E80  }
0x53: {  	[sflag:s22] =	ssyncset.done $0x0  }
0x54: {  	[sflag:s22] =	ssyncadd.s32 $0xFFFFC180  }
0x55: {  	[bflag:$0x0] =	sbarrier.arrive $0xFFFF  }
0x56: {  	[hbm:s15], [sflag:s29] =	dma.local @p0 [spmem:s19], $0x2080  }
0x57: {  	s24 =	sadd.s32 $0x1, s24;
	_ =	swait.ge @p0 [sflag:s28], $0x2080  }
0x58: {  	p1 =	sne.s32 s24, s16;
	[sflag:s28] =	ssyncset.done @p0 $0x0  }
.Ltmp1:
0x59: {  	[sflag:s28] =	ssyncadd.s32 @p0 $0xFFFFDF80;
	(pc) =	sbr.rel @!p1 .LBB2_6-.Ltmp1, $4  }
0x5a: {  	[hbm:s14], [sflag:s25] =	dma.local @!p0 [spmem:s0], $0x2780  }
0x5b: {  	_ =	swait.ge @!p0 [sflag:s30], $0x2780  }
0x5c: {  	[sflag:s30] =	ssyncset.done @!p0 $0x0  }
0x5d: {  	[sflag:s30] =	ssyncadd.s32 @!p0 $0xFFFFD880  }
.LBB2_1:
0x5e: {  	[tilespmem:s17], [sflag:$0x5] =	stream.linear.gather [hbm4b:s8+s3], $0x500, $0x38;
	[tilespmem:$0x1BA80] =	vst v63  }
0x5f: {  	_ =	swait.ge [sflag:s18], $0x500  }
0x60: {  	[sflag:s18] =	ssyncset.done $0x0  }
0x61: {  	s25 =	simm.s32 @p0 $0x1FC5;
	[sflag:s18] =	ssyncadd.s32 $0xFFFFFB00  }
0x62: {  	[spmem:s19], [sflag:s25] =	dma.local @p0 [hbm:s5], $0x2080  }
0x63: {  	s25 =	simm.s32 @p0 $0x5  }
0x64: {  	s0 =	stileid.u32;
	_ =	swait.ge @p0 [sflag:s25], $0x2080  }
0x65: {  	s28 =	simm.s32 @!p0 $0x5;
	s26 =	sshll.u32 @!p0 s0, $0x6;
	[sflag:s25] =	ssyncset.done @p0 $0x0  }
0x66: {  	[sflag:s25] =	ssyncadd.s32 @p0 $0xFFFFDF80;
	s25 =	sor.u32 @!p0 $0x1C05, s26;
	s26 =	sshrl.u32 @!p0 s9, $0x3  }
0x67: {  	[spmem:s26], [sflag:s25] =	dma.local @!p0 [hbm:s5], $0x2780  }
.Ltmp2:
0x68: {  	_ =	swait.ge @!p0 [sflag:s28], $0x2780;
	(pc) =	sbr.rel .LBB2_2-.Ltmp2, $4  }
0x69: {  	[sflag:s28] =	ssyncset.done @!p0 $0x0  }
0x6a: {  	[sflag:s28] =	ssyncadd.s32 @!p0 $0xFFFFD880  }
0x6b: {  	s29 =	simm.s32 $0x0;
	[bflag:$0x0] =	sbarrier.arrive $0xFFFF  }
0x6c: {  	[tilespmem:s20], [sflag:$0x1] =	stream.linear.gather [hbm4b:s10+s3], $0x3E80, $0x38;
	[tilespmem:$0x1BA80] =	vst v63  }
.LBB2_4:
0x6d: {  	s0 =	smul.u32 $0xFA00, s28;
	p1 =	slt.u32 s30, $0xA  }
.Ltmp3:
0x6e: {  	s1 =	sadd.s32 $0x1, s28;
	s29 =	sshll.u32 s29, $0x7;
	(pc) =	sbr.rel @!p1 .LBB2_5-.Ltmp3, $4  }
0x6f: {  	s31 =	sadd.s32 $0x3, s28;
	_ =	swait.ge [sflag:s1], $0x3E80;
	s0 =	sshrl.u32 s0, $0x2  }
0x70: {  	s29 =	sand.u32 $0x3FFFFF80, s29;
	[sflag:s1] =	ssyncset.done $0x0;
	s0 =	sadd.s32 $0x13D80, s0  }
0x71: {  	[sflag:s1] =	ssyncadd.s32 $0xFFFFC180;
	s1 =	sadd.s32 $0x13880, s29;
	s29 =	smov.u32 s30  }
0x72: {  	[spmem:s2] =	stream.indirect.scatter.add.f32 [tilespmem:s0], [sflag:s31], $0x80, s1, s21, $0xb8;
	[tilespmem:$0x1BA80] =	vst v63  }
.LBB2_2:
0x73: {  	p1 =	seq.s32 s29, $0x0  }
0x74: {  	p2 =	seq.s32 @!p1 s29, $0x9  }
0x75: {  	s28 =	sand.u32 $0x1, s29;
	p2 =	por p1, !p2  }
.Ltmp4:
0x76: {  	s31 =	sxor.u32 $0x1, s28;
	(pc) =	sbr.rel @!p2 .LBB2_4-.Ltmp4, $4  }
0x77: {  	s30 =	sadd.s32 @!p1 $0x3, s31  }
0x78: {  	_ =	swait.ge @!p1 [sflag:s30], $0x3E80  }
0x79: {  	[sflag:s30] =	ssyncset.done @!p1 $0x0  }
0x7a: {  	[sflag:s30] =	ssyncadd.s32 @!p1 $0xFFFFC180;
	s30 =	simm.s32 @!p1 $0xA  }
0x7b: {  	s30 =	sadd.s32 @!p1 $0x1, s29  }
0x7c: {  	s0 =	smul.u32 $0xFA00, s31;
	s30 =	simm.s32 @p1 $0x1  }
.Ltmp5:
0x7d: {  	s1 =	sadd.s32 s7, s30;
	(pc) =	sbr.rel .LBB2_4-.Ltmp5, $4  }
0x7e: {  	s1 =	smul.u32 $0x7D0, s1  }
0x7f: {  	s0 =	sshrl.u32 s0, $0x2  }
0x80: {  	s31 =	sadd.s32 $0x1, s31;
	s0 =	sadd.s32 $0x13D80, s0;
	s1 =	sadd.s32 s4, s1  }
0x81: {  	[tilespmem:s0], [sflag:s31] =	stream.linear.gather [hbm4b:s1+s3], $0x3E80, $0x38;
	[tilespmem:$0x1BA80] =	vst v63  }
.LBB2_6:
0x82: {  	_ =	sfence.sel $0x180000  }
0x83: {  	[bflag:$0x0] =	sbarrier.arrive $0xFFFF  }
0x84: {  	_ =	strace $0x9000004D  }
0x85: {  	s0 =	stileid.u32;
	[bflag:$0x2] =	sbarrier.arrive $0xFFFF  }
0x86: {  	p0 =	sne.s32 s0, $0x0;
	s0 =	rddreg [dreg:$0x2]  }
0x87: {  	s0 =	sadd.s32 @!p0 $0x100000, s0  }
0x88: {  	[sflag:s0] =	ssyncadd.tile.s32 @!p0 $0x1;
	_ =	shalt  }
.Lfunc_end2:
_tile_overlayer_lowered:
.L_overlay_start_2:
0x89: {  	(tag) =	ssettag $0x2  }
0x8a: {  	s0 =	rddreg [dreg:$0x0];
	s2 =	stileid.u32  }
0x8b: {  	s1 =	rddreg [dreg:$0x1];
	p0 =	sne.s32 s2, $0x0  }
0x8c: {  	s3 =	rddreg [dreg:$0x2];
	[bflag:$0x3] =	sbarrier.arrive $0xFFFF;
	s2 =	simm.s32 @!p0 $0x1C05  }
0x8d: {  	[timem:s3], [sflag:s2] =	dma.local @!p0 [hbm:s0], s1  }
0x8e: {  	s0 =	simm.s32 @!p0 $0x5  }
0x8f: {  	_ =	swait.ge @!p0 [sflag:s0], s1  }
0x90: {  	s1 =	ssub.s32 @!p0 $0x0, s1;
	[sflag:s0] =	ssyncset.done @!p0 $0x0  }
0x91: {  	[sflag:s0] =	ssyncadd.s32 @!p0 s1  }
0x92: {  	[bflag:$0x3] =	sbarrier.arrive $0xFFFF  }
0x93: {  	_ =	shalt  }

// kernel: kernel.21.cloned.1.call-start
scs
__scs_entry_jumppad:
0x0: {  	(pc) =	sbr.rel $0x88, $3  }
0x1: {  	(tag) =	ssettag $0x0;
	lr =	simm.s32 $0x1  }
0x2: {  	[smem:$0x3F92] =	sst lr;
	_ =	strace $0xD0000000  }
0x3: {  	_ = 	snop  }
0x4: {  	_ = 	snop  }
0x5: {  	_ = 	snop  }
0x6: {  	_ = 	snop  }
0x7: {  	_ = 	snop  }
__scs_overlays_trampoline_lowered:
0x8: {  	[smem:$0x3FA1] =	sst s0  }
0x9: {  	[smem:$0x3FA2] =	sst s1  }
0xa: {  	[smem:$0x3FA3] =	sst s2  }
0xb: {  	[smem:$0x3FA4] =	sst s3  }
0xc: {  	[smem:$0x3FA5] =	sst s4  }
0xd: {  	[smem:$0x3FA6] =	sst s5  }
0xe: {  	[smem:$0x3FA7] =	sst s6  }
0xf: {  	[smem:$0x3FA8] =	sst s7  }
0x10: {  	[smem:$0x3FA9] =	sst s8  }
0x11: {  	[smem:$0x3FAA] =	sst s9;
	s0 =	simm.s32 @!p0 $0x0  }
0x12: {  	s1 =	sld [smem:$0x3F90];
	s0 =	simm.s32 @p0 $0x1  }
0x13: {  	[smem:$0x3FAB] =	sst s0;
	s0 =	simm.s32 @!p1 $0x0  }
0x14: {  	s2 =	sld [smem:$0x3F8F];
	s0 =	simm.s32 @p1 $0x1  }
0x15: {  	[smem:$0x3FAC] =	sst s0;
	s0 =	simm.s32 @!p2 $0x0  }
0x16: {  	s3 =	sld [smem:$0x3FDB];
	s0 =	simm.s32 @p2 $0x1  }
0x17: {  	s4 =	simm.s32 $0x1BF5;
	[smem:$0x3FAE] =	sst s0  }
0x18: {  	s0 =	sld [smem:$0x3F91];
	_ =	swait.ge [sflag:s4], $0x0  }
0x19: {  	s7 =	sld [smem:$0x3F92]  }
0x1a: {  	s8 =	sadd.s32 $0xFFFFE003, lr  }
0x1b: {  	s9 =	sadd.s32 $0xFFFFFEF7, lr;
	s5 =	simm.s32 $0xFFFFFFFF;
	p2 =	slt.u32 s8, $0xFFFFF086  }
0x1c: {  	p1 =	slt.u32 s9, $0xF7A;
	s5 =	simm.s32 @!p2 $0x0  }
0x1d: {  	s5 =	simm.s32 @p1 $0x1;
	p0 =	seq.s32 s7, s2  }
0x1e: {  	s7 =	smul.u32 @!p0 $0xF7A, s2;
	p2 =	seq.s32 @!p0 s5, $0x0  }
0x1f: {  	s9 =	smul.u32 $0xF7A, s1;
	s8 =	simm.s32 @!p0 $0x1BF5;
	p2 =	por !p2, p0  }
0x20: {  	[sflag:s8] =	ssyncset.s32 @!p0 $0xFFFFF086;
	s6 =	sadd.s32 @!p0 s3, s7;
	s7 =	simm.s32 @!p0 $0x108  }
0x21: {  	s3 =	sadd.s32 s3, s9;
	s6 =	sadd.s32 @!p0 $0x88, s6;
	s7 =	simm.s32 @p2 $0x1082  }
0x22: {  	[simem:s7], [sflag:s8] =	dma.local @!p0 [hbm:s6], $0xF7A  }
0x23: {  	s9 =	sor.u32 $0xD0000000, s2;
	s6 =	simm.s32 $0x108;
	_ =	swait.ge @!p0 [sflag:s8], $0x0  }
0x24: {  	s3 =	sadd.s32 $0x88, s3;
	s6 =	simm.s32 @!p1 $0x1082;
	[sflag:s4] =	ssyncset.s32 $0xFFFFF086  }
0x25: {  	[simem:s6], [sflag:s4] =	dma.local [hbm:s3], $0xF7A  }
0x26: {  	[smem:$0x3F92] =	sst s1;
	(tag) =	ssettag s2;
	_ =	strace s9  }
0x27: {  	s1 =	sld [smem:$0x3FA2]  }
0x28: {  	s2 =	sld [smem:$0x3FA3]  }
0x29: {  	s4 =	sld [smem:$0x3FA5]  }
0x2a: {  	p0 =	seq.s32 s5, $0x0;
	s5 =	sld [smem:$0x3FA6]  }
0x2b: {  	s6 =	sld [smem:$0x3FA7]  }
0x2c: {  	s7 =	sld [smem:$0x3FA8]  }
0x2d: {  	s3 =	simm.s32 $0x108;
	s8 =	sld [smem:$0x3FA9]  }
0x2e: {  	s3 =	simm.s32 @!p0 $0x1082;
	s9 =	sld [smem:$0x3FAA]  }
0x2f: {  	lr =	sadd.s32 s0, s3;
	s0 =	sld [smem:$0x3FA1]  }
0x30: {  	s3 =	sld [smem:$0x3FA4]  }
0x31: {  	[smem:$0x3FAD] =	sst s10  }
0x32: {  	s10 =	sld [smem:$0x3FAB];
	_ =	sdelay $0x3  }
0x33: {  	p0 =	seq.s32 s10, $0x1;
	s10 =	sld [smem:$0x3FAD];
	_ =	sdelay $0x3  }
0x34: {  	[smem:$0x3FAD] =	sst s10  }
0x35: {  	s10 =	sld [smem:$0x3FAC];
	_ =	sdelay $0x3  }
0x36: {  	p1 =	seq.s32 s10, $0x1;
	s10 =	sld [smem:$0x3FAD];
	_ =	sdelay $0x3  }
0x37: {  	[smem:$0x3FAD] =	sst s10  }
0x38: {  	s10 =	sld [smem:$0x3FAE]  }
0x39: {  	_ = 	snop;
	(pc) =	sbr.ind lr, $3  }
0x3a: {  	_ = 	snop  }
0x3b: {  	_ = 	snop  }
0x3c: {  	p2 =	seq.s32 s10, $0x1;
	s10 =	sld [smem:$0x3FAD]  }
0x3d: {  	_ =	shalt  }
0x3e: {  	_ =	shalt  }
0x3f: {  	_ =	shalt  }
0x40: {  	_ =	shalt  }
0x41: {  	_ =	shalt  }
0x42: {  	_ =	shalt  }
0x43: {  	_ =	shalt  }
0x44: {  	_ =	shalt  }
0x45: {  	_ =	shalt  }
0x46: {  	_ =	shalt  }
0x47: {  	_ =	shalt  }
0x48: {  	_ =	shalt  }
0x49: {  	_ =	shalt  }
0x4a: {  	_ =	shalt  }
0x4b: {  	_ =	shalt  }
0x4c: {  	_ =	shalt  }
0x4d: {  	_ =	shalt  }
0x4e: {  	_ =	shalt  }
0x4f: {  	_ =	shalt  }
0x50: {  	_ =	shalt  }
0x51: {  	_ =	shalt  }
0x52: {  	_ =	shalt  }
0x53: {  	_ =	shalt  }
0x54: {  	_ =	shalt  }
0x55: {  	_ =	shalt  }
0x56: {  	_ =	shalt  }
0x57: {  	_ =	shalt  }
0x58: {  	_ =	shalt  }
0x59: {  	_ =	shalt  }
0x5a: {  	_ =	shalt  }
0x5b: {  	_ =	shalt  }
0x5c: {  	_ =	shalt  }
0x5d: {  	_ =	shalt  }
0x5e: {  	_ =	shalt  }
0x5f: {  	_ =	shalt  }
0x60: {  	_ =	shalt  }
0x61: {  	_ =	shalt  }
0x62: {  	_ =	shalt  }
0x63: {  	_ =	shalt  }
0x64: {  	_ =	shalt  }
0x65: {  	_ =	shalt  }
0x66: {  	_ =	shalt  }
0x67: {  	_ =	shalt  }
0x68: {  	_ =	shalt  }
0x69: {  	_ =	shalt  }
0x6a: {  	_ =	shalt  }
0x6b: {  	_ =	shalt  }
0x6c: {  	_ =	shalt  }
0x6d: {  	_ =	shalt  }
0x6e: {  	_ =	shalt  }
0x6f: {  	_ =	shalt  }
0x70: {  	_ =	shalt  }
0x71: {  	_ =	shalt  }
0x72: {  	_ =	shalt  }
0x73: {  	_ =	shalt  }
0x74: {  	_ =	shalt  }
0x75: {  	_ =	shalt  }
0x76: {  	_ =	shalt  }
0x77: {  	_ =	shalt  }
0x78: {  	_ =	shalt  }
0x79: {  	_ =	shalt  }
0x7a: {  	_ =	shalt  }
0x7b: {  	_ =	shalt  }
0x7c: {  	_ =	shalt  }
0x7d: {  	_ =	shalt  }
0x7e: {  	_ =	shalt  }
0x7f: {  	_ =	shalt  }
0x80: {  	_ =	shalt  }
0x81: {  	_ =	shalt  }
0x82: {  	_ =	shalt  }
0x83: {  	_ =	shalt  }
0x84: {  	_ =	shalt  }
0x85: {  	_ =	shalt  }
0x86: {  	_ =	shalt  }
0x87: {  	_ =	shalt  }
.Lfunc_end0:
.L_simem_size_0:
called_computation.3_lowered:
.L_overlay_start_0:
0x88: {  	s2 =	sld [smem:$0x3FD9]  }
0x89: {  	s3 =	sld [smem:$0x3FFE];
	_ =	sdelay $0x1  }
0x8a: {  	s1 =	srdreg.scid  }
0x8b: {  	s0 =	sand.u32 $0x1, s1  }
0x8c: {  	s16 =	sshll.u32 s0, $0xA;
	s2 =	sadd.s32 s3, s2  }
0x8d: {  	s2 =	sadd.s32 s2, s16  }
0x8e: {  	[smem:$0x3FB9] =	sst s2  }
0x8f: {  	_ = 	snop  }
0x90: {  	(tm) =	ssettm $0x1  }
0x91: {  	s17 =	sld [smem:$0x3FFB];
	_ =	sdelay $0x3  }
0x92: {  	_ =	strace s17  }
0x93: {  	s2 =	sld [smem:$0x3FFC];
	_ =	sdelay $0x3  }
0x94: {  	_ =	strace s2  }
0x95: {  	s2 =	sld [smem:$0x3FFD];
	_ =	sdelay $0x3  }
0x96: {  	_ =	strace s2  }
0x97: {  	_ =	strace $0x8FFFFFFF  }
0x98: {  	s18 =	sld [smem:$0x3FDB];
	_ =	sdelay $0x1  }
0x99: {  	s19 =	simm.s32 $_scs_section_size  }
0x9a: {  	s4 =	simm.s32 $_size__tile_overlayer_lowered;
	s5 =	simm.s32 $_tile_overlayer_lowered  }
0x9b: {  	s22 =	simm.s32 $0x1BFF;
	s21 =	sshll.u32 s5, $0x1;
	s2 =	sadd.s32 s19, s18  }
0x9c: {  	s6 =	simm.s32 $0x0;
	s20 =	sshll.u32 s4, $0x1;
	s4 =	sadd.s32 s21, s2  }
0x9d: {  	[timem:s6], [sflag:s22] =	dma.local [hbm:s4], s20  }
0x9e: {  	_ =	swait.ge [sflag:s22], s20  }
0x9f: {  	s3 =	ssub.s32 $0x0, s20;
	[sflag:s22] =	ssyncset.done $0x0  }
0xa0: {  	[sflag:s22] =	ssyncadd.s32 s3;
	_ =	sdelay $0x1  }
0xa1: {  	s23 =	simm.s32 $0x1B8B  }
0xa2: {  	_ =	swait.ge [sflag:s23], $0x1  }
0xa3: {  	[sflag:s23] =	ssyncset.done $0x0  }
0xa4: {  	s25 =	simm.s32 $0x1B8E;
	s24 =	sld [smem:$0x3FFE];
	[sflag:s23] =	ssyncadd.s32 $0xFFFFFFFF  }
0xa5: {  	s26 =	simm.s32 $execute0_lowered;
	[smem:$0x3FD2] =	sst s25  }
0xa6: {  	s4 =	sshll.u32 s26, $0x1;
	_ =	strace $0x8000004F;
	[dreg:$0x1] =	wrdreg $0xFFFFFFFF  }
0xa7: {  	s28 =	simm.s32 $_size_execute0_lowered;
	s2 =	sadd.s32 s2, s4;
	[dreg:$0x0] =	wrdreg $0x0  }
0xa8: {  	s4 =	sshll.u32 s28, $0x1;
	[dreg:$0x2] =	wrdreg s2  }
0xa9: {  	[dreg:$0x3] =	wrdreg s4  }
0xaa: {  	[dreg:$0x4] =	wrdreg $0xC0  }
0xab: {  	_ =	task [dreg:s6], $0x5FFFF  }
0xac: {  	[dreg:$0x1] =	wrdreg $0xFFFFFFFF  }
0xad: {  	[dreg:$0x0] =	wrdreg $0x60  }
0xae: {  	[dreg:$0x2] =	wrdreg s24  }
0xaf: {  	[dreg:$0x3] =	wrdreg $0x0  }
0xb0: {  	[dreg:$0x4] =	wrdreg $0x9  }
0xb1: {  	_ =	task.clear_ibuf [dreg:s6], $0x5FFFF;
	_ =	strace $0x9000004F  }
0xb2: {  	s29 =	simm.s32 $0x9;
	_ =	strace $0x80000051  }
0xb3: {  	_ =	swait.ge [sflag:s29], $0x1  }
0xb4: {  	[sflag:s29] =	ssyncadd.s32 $0xFFFFFFFF  }
0xb5: {  	_ =	strace $0x90000051  }
0xb6: {  	_ =	sfence  }
0xb7: {  	s30 =	sld [smem:$0x0];
	_ =	sdelay $0x2  }
0xb8: {  	s31 =	sshll.u32 s1, $0xD;
	s1 =	sshrl.u32 s1, $0x2  }
0xb9: {  	s3 =	sand.u32 $0x4000, s31;
	s1 =	sadd.s32 s1, s30  }
0xba: {  	s0 =	sor.u32 s3, s0;
	s1 =	sshll.u32 s1, $0x11  }
0xbb: {  	s0 =	sor.u32 s1, s0  }
0xbc: {  	s0 =	sadd.s32 $0x8F2B, s0  }
0xbd: {  	[sflag:s0] =	ssyncadd.remote.s32 $0x1  }
0xbe: {  	_ =	sfence.sel $0xFFFF  }
0xbf: {  	[dreg:$0x0] =	wrdreg $0xFFFFFFFF;
	(pc) =	sbr.abs _section_cstart, $3  }
0xc0: {  	[dreg:$0x1] =	wrdreg $0xFFFFFFFF  }
0xc1: {  	_ =	task.clear_ibuf [dreg:s6], $0x2FFFF;
	_ =	strace $0x9FFFFFFF  }
0xc2: {  	(tm) =	ssettm $0x7FFFFFFF  }
0xc3: {  	_ =	shalt  }
tec
execute0_lowered:
.L_overlay_start_1:
0x0: {  	(tag) =	ssettag $0x1  }
0x1: {  	s8 =	rddreg [dreg:$0x0]  }
0x2: {  	s1 =	rddreg [dreg:$0x1]  }
0x3: {  	s0 =	rddreg [dreg:$0x2];
	s2 =	simm.s32 $0x0;
	s7 =	srdreg.scid  }
0x4: {  	s3 =	stileid.u32;
	s17 =	simm.s32 $0x14280;
	s18 =	simm.s32 $0x7D  }
0x5: {  	s19 =	simm.s32 $0x14C80;
	[smem:$0x7FF] =	sst s2;
	s4 =	sadd.s32 $0x6400, s8  }
0x6: {  	s20 =	simm.s32 $0x4;
	s5 =	sadd.s32 $0x171E00, s8;
	s6 =	sadd.s32 $0x167E00, s8  }
0x7: {  	s9 =	sand.u32 $0x1, s7;
	s10 =	smul.u32 $0x4F000, s3;
	s7 =	sadd.s32 $0x3C00, s8  }
0x8: {  	s13 =	sadd.s32 $0x2D600, s8;
	s14 =	smul.u32 $0x13C00, s3;
	s16 =	sadd.s32 $0x128400, s1  }
0x9: {  	p0 =	seq.s32 s3, $0xF;
	_ =	strace $0x80000050;
	s11 =	ssub.s32 $0x2, s9  }
0xa: {  	s12 =	smul.u32 $0x138800, s9;
	s28 =	sshll.u32 s9, $0x4;
	s26 =	sshrl.u32 s11, $0x1  }
0xb: {  	s29 =	sshrl.u32 s10, $0x2;
	s8 =	sor.u32 s3, s28;
	s21 =	sadd.s32 s14, s1  }
0xc: {  	s11 =	ssub.s32 s11, s26;
	s15 =	sadd.s32 s29, s1;
	s8 =	smul.u32 $0x2800, s8  }
.Ltmp0:
0xd: {  	s30 =	sadd.s32 s14, s12;
	s31 =	sshrl.u32 s12, $0x3;
	(pc) =	sbr.rel .LBB2_1-.Ltmp0, $4  }
0xe: {  	s12 =	sshrl.u32 @p0 s16, $0x3;
	s16 =	simm.s32 $0x5;
	s21 =	sshrl.u32 @!p0 s21, $0x3  }
0xf: {  	s9 =	sshrl.u32 s30, $0x3;
	s10 =	sadd.s32 s13, s31;
	s11 =	smax.u32 s11, $0x1  }
0x10: {  	s14 =	sshrl.u32 @!p0 s15, $0x3;
	s9 =	sadd.s32 s13, s9;
	s13 =	sshll.u32 @!p0 s3, $0x6  }
0x11: {  	s15 =	simm.s32 $0x13880;
	s10 =	sadd.s32 $0x25080, s10;
	s13 =	sor.u32 @!p0 $0x1C05, s13  }
.LBB2_7:
0x12: {  	[bflag:$0x0] =	sbarrier.arrive $0xFFFF;
	s22 =	simm.s32 @p0 $0x1FC5  }
0x13: {  	[hbm:s10], [sflag:s22] =	dma.local @p0 [spmem:s12], $0x2080  }
0x14: {  	s22 =	simm.s32 @p0 $0x5  }
0x15: {  	s2 =	sadd.s32 $0x1, s2;
	_ =	swait.ge @p0 [sflag:s22], $0x2080  }
0x16: {  	p1 =	sne.s32 s2, s11;
	[sflag:s22] =	ssyncset.done @p0 $0x0  }
.Ltmp1:
0x17: {  	[sflag:s22] =	ssyncadd.s32 @p0 $0xFFFFDF80;
	s22 =	simm.s32 @!p0 $0x5;
	(pc) =	sbr.rel @!p1 .LBB2_8-.Ltmp1, $4  }
0x18: {  	[hbm:s9], [sflag:s13] =	dma.local @!p0 [spmem:s21], $0x2780  }
0x19: {  	_ =	swait.ge @!p0 [sflag:s22], $0x2780  }
0x1a: {  	[sflag:s22] =	ssyncset.done @!p0 $0x0  }
0x1b: {  	[sflag:s22] =	ssyncadd.s32 @!p0 $0xFFFFD880  }
.LBB2_1:
0x1c: {  	s22 =	simm.s32 @p0 $0x1FC5  }
0x1d: {  	[spmem:s12], [sflag:s22] =	dma.local @p0 [hbm:s7], $0x2080  }
0x1e: {  	s22 =	simm.s32 @p0 $0x5  }
0x1f: {  	_ =	swait.ge @p0 [sflag:s22], $0x2080  }
0x20: {  	[sflag:s22] =	ssyncset.done @p0 $0x0  }
0x21: {  	[sflag:s22] =	ssyncadd.s32 @p0 $0xFFFFDF80;
	s22 =	simm.s32 @!p0 $0x5  }
0x22: {  	[spmem:s14], [sflag:s13] =	dma.local @!p0 [hbm:s7], $0x2780  }
.Ltmp2:
0x23: {  	_ =	swait.ge @!p0 [sflag:s22], $0x2780;
	(pc) =	sbr.rel .LBB2_2-.Ltmp2, $4  }
0x24: {  	[sflag:s22] =	ssyncset.done @!p0 $0x0  }
0x25: {  	[sflag:s22] =	ssyncadd.s32 @!p0 $0xFFFFD880  }
0x26: {  	[bflag:$0x0] =	sbarrier.arrive $0xFFFF  }
0x27: {  	s22 =	simm.s32 $0x0  }
.LBB2_6:
0x28: {  	s22 =	sadd.s32 $0x1, s22  }
0x29: {  	p1 =	sne.s32 s22, $0x4  }
.Ltmp3:
0x2a: {  	_ = 	snop;
	(pc) =	sbr.rel @!p1 .LBB2_7-.Ltmp3, $4  }
0x2b: {  	_ = 	snop  }
0x2c: {  	_ =	swait.ge [sflag:s20], $0x3E80  }
0x2d: {  	[sflag:s20] =	ssyncset.done $0x0  }
0x2e: {  	[sflag:s20] =	ssyncadd.s32 $0xFFFFC180  }
.LBB2_2:
0x2f: {  	s23 =	smul.u32 $0xA00, s22;
	_ =	sdelay $0x1  }
0x30: {  	s23 =	sadd.s32 s8, s23  }
0x31: {  	s24 =	sshrl.u32 s23, $0x3  }
0x32: {  	s23 =	simm.s32 $0x0;
	s25 =	sadd.s32 s5, s24  }
0x33: {  	[tilespmem:s15], [sflag:$0x5] =	stream.linear.gather [hbm4b:s25+s23], $0xA00, $0x38;
	[tilespmem:$0x1C980] =	vst v63  }
0x34: {  	_ =	swait.ge [sflag:s16], $0xA00  }
0x35: {  	[sflag:s16] =	ssyncset.done $0x0  }
0x36: {  	s24 =	sadd.s32 s6, s24;
	[sflag:s16] =	ssyncadd.s32 $0xFFFFF600  }
0x37: {  	[tilespmem:s17], [sflag:$0x5] =	stream.linear.gather [hbm4b:s24+s23], $0xA00, $0x38;
	[tilespmem:$0x1C980] =	vst v63  }
.Ltmp4:
0x38: {  	_ = 	snop;
	(pc) =	sbr.rel .LBB2_3-.Ltmp4, $4  }
0x39: {  	_ =	swait.ge [sflag:s16], $0xA00  }
0x3a: {  	[sflag:s16] =	ssyncset.done $0x0  }
0x3b: {  	[sflag:s16] =	ssyncadd.s32 $0xFFFFF600  }
0x3c: {  	[tilespmem:s19], [sflag:$0x1] =	stream.indirect.gather [hbm4b:s4+s18], $0x80, s15, s18, $0xb8;
	[tilespmem:$0x1C980] =	vst v63  }
.LBB2_5:
0x3d: {  	s26 =	smul.u32 $0xFA00, s24  }
0x3e: {  	s28 =	sadd.s32 $0x1, s24;
	s23 =	sshll.u32 s23, $0x7;
	p1 =	slt.u32 s25, $0x14  }
.Ltmp5:
0x3f: {  	s31 =	sadd.s32 $0x3, s24;
	_ =	swait.ge [sflag:s28], $0x3E80;
	(pc) =	sbr.rel @!p1 .LBB2_6-.Ltmp5, $4  }
0x40: {  	s23 =	sand.u32 $0x3FFFFF80, s23;
	s26 =	sshrl.u32 s26, $0x2;
	[sflag:s28] =	ssyncset.done $0x0  }
0x41: {  	s23 =	sadd.s32 $0x14280, s23;
	s26 =	sadd.s32 $0x14C80, s26;
	[sflag:s28] =	ssyncadd.s32 $0xFFFFC180  }
0x42: {  	[spmem:s1] =	stream.indirect.scatter.add.f32 [tilespmem:s26], [sflag:s31], $0x80, s23, s18, $0xb8;
	[tilespmem:$0x1C980] =	vst v63  }
0x43: {  	s23 =	smov.u32 s25  }
.LBB2_3:
0x44: {  	p1 =	seq.s32 s23, $0x0  }
0x45: {  	p2 =	seq.s32 @!p1 s23, $0x13  }
0x46: {  	s24 =	sand.u32 $0x1, s23;
	p2 =	por p1, !p2  }
.Ltmp6:
0x47: {  	s26 =	sxor.u32 $0x1, s24;
	(pc) =	sbr.rel @!p2 .LBB2_5-.Ltmp6, $4  }
0x48: {  	s25 =	sadd.s32 @!p1 $0x3, s26  }
0x49: {  	_ =	swait.ge @!p1 [sflag:s25], $0x3E80  }
0x4a: {  	[sflag:s25] =	ssyncset.done @!p1 $0x0  }
0x4b: {  	[sflag:s25] =	ssyncadd.s32 @!p1 $0xFFFFC180;
	s25 =	simm.s32 @!p1 $0x14  }
0x4c: {  	s25 =	sadd.s32 @!p1 $0x1, s23;
	s28 =	smul.u32 $0xFA00, s26  }
.Ltmp7:
0x4d: {  	s25 =	simm.s32 @p1 $0x1;
	(pc) =	sbr.rel .LBB2_5-.Ltmp7, $4  }
0x4e: {  	s29 =	sshll.u32 s25, $0x7  }
0x4f: {  	s28 =	sshrl.u32 s28, $0x2;
	s29 =	sand.u32 $0x3FFFFF80, s29  }
0x50: {  	s31 =	sadd.s32 $0x1, s26;
	s28 =	sadd.s32 $0x14C80, s28;
	s29 =	sadd.s32 $0x13880, s29  }
0x51: {  	[tilespmem:s28], [sflag:s31] =	stream.indirect.gather [hbm4b:s4+s18], $0x80, s29, s18, $0xb8;
	[tilespmem:$0x1C980] =	vst v63  }
.LBB2_8:
0x52: {  	_ =	sfence.sel $0x180000  }
0x53: {  	[bflag:$0x0] =	sbarrier.arrive $0xFFFF  }
0x54: {  	p0 =	sne.s32 s3, $0x0;
	_ =	strace $0x90000050  }
0x55: {  	s0 =	sadd.s32 @!p0 $0x100000, s0;
	[bflag:$0x2] =	sbarrier.arrive $0xFFFF  }
0x56: {  	[sflag:s0] =	ssyncadd.tile.s32 @!p0 $0x1;
	_ =	shalt  }
.Lfunc_end2:
_tile_overlayer_lowered:
.L_overlay_start_2:
0x57: {  	(tag) =	ssettag $0x2  }
0x58: {  	s0 =	rddreg [dreg:$0x0];
	s2 =	stileid.u32  }
0x59: {  	s1 =	rddreg [dreg:$0x1];
	p0 =	sne.s32 s2, $0x0  }
0x5a: {  	s3 =	rddreg [dreg:$0x2];
	[bflag:$0x3] =	sbarrier.arrive $0xFFFF;
	s2 =	simm.s32 @!p0 $0x1C05  }
0x5b: {  	[timem:s3], [sflag:s2] =	dma.local @!p0 [hbm:s0], s1  }
0x5c: {  	s0 =	simm.s32 @!p0 $0x5  }
0x5d: {  	_ =	swait.ge @!p0 [sflag:s0], s1  }
0x5e: {  	s1 =	ssub.s32 @!p0 $0x0, s1;
	[sflag:s0] =	ssyncset.done @!p0 $0x0  }
0x5f: {  	[sflag:s0] =	ssyncadd.s32 @!p0 s1  }
0x60: {  	[bflag:$0x3] =	sbarrier.arrive $0xFFFF  }
0x61: {  	_ =	shalt  }

</sc_bundles>
